<compile_context>
chip_gen: v7x
topology: tpu7x:2x2x1
jax: 0.10.2.dev20260603
libtpu: 0.0.44.dev20260713+nightly
codegen_flags: <defaults>
</compile_context>

<pallas_src>
import functools
import jax
import jax.numpy as jnp
from jax import lax
from jax.experimental import pallas as pl
from jax.experimental.pallas import tpu as pltpu
from jax.experimental.pallas import tpu_sc as plsc

TH = 0.5
L = 16
NWORK = 32
CH = 64
RB = 16


def _treemax(vs):
    t = list(vs)
    while len(t) > 1:
        nxt = [jnp.maximum(t[2 * i], t[2 * i + 1]) for i in range(len(t) // 2)]
        if len(t) % 2:
            nxt.append(t[-1])
        t = nxt
    return t[0]


def _sc_bbox(N, n_sc, H, W):
    spw = n_sc // NWORK
    nch = H // CH
    gch = n_sc * nch
    cpw = spw * nch
    niter = cpw // 2

    def body(m_hbm, out_hbm, buf0, buf1, colm, obuf, sem0, sem1):
        wid = lax.axis_index("s") * 2 + lax.axis_index("c")
        base = wid * cpw
        lanes = lax.iota(jnp.int32, L)
        neg = jnp.full((L,), -jnp.inf, jnp.float32)
        bufs = (buf0, buf1)
        sems = (sem0, sem1)

        def start(gi, b):
            pltpu.async_copy(m_hbm.at[gi], bufs[b], sems[b])

        def wait(b):
            pltpu.make_async_copy(m_hbm.at[0], bufs[b], sems[b]).wait()

        def init_colm():
            def ib(g, _):
                colm[pl.ds(g * L, L)] = neg
                return 0
            lax.fori_loop(0, W // L, ib, 0)

        def chunk_reduce(b, lc, ymin, ymax):
            buf = bufs[b]

            def rowblock(rb, carry):
                ymin, ymax = carry

                def gloop(g, rowps):
                    vs = [buf[rb * RB + i, pl.ds(g * L, L)] for i in range(RB)]
                    rowps = tuple(jnp.maximum(rowps[i], vs[i]) for i in range(RB))
                    colm[pl.ds(g * L, L)] = jnp.maximum(colm[pl.ds(g * L, L)], _treemax(vs))
                    return rowps

                rowps = lax.fori_loop(
                    0, W // L, gloop,
                    tuple(jnp.full((L,), -jnp.inf, jnp.float32) for _ in range(RB)))
                hbase = lc * CH + rb * RB
                for i in range(RB):
                    occ = plsc.all_reduce_population_count(rowps[i] >= TH) > 0
                    h = jnp.full((L,), hbase + i, jnp.int32)
                    ymin = jnp.where(occ, jnp.minimum(ymin, h), ymin)
                    ymax = jnp.where(occ, jnp.maximum(ymax, h), ymax)
                return ymin, ymax

            return lax.fori_loop(0, CH // RB, rowblock, (ymin, ymax))

        def extract_x():
            def xloop(g, carry):
                xminv, xmaxv = carry
                v = colm[pl.ds(g * L, L)]
                occ = v >= TH
                has = plsc.all_reduce_population_count(occ) > 0
                first = plsc.all_reduce_ffs(occ)
                last = (L - 1) - plsc.all_reduce_ffs(lax.rev(v, (0,)) >= TH)
                xminv = jnp.where(has, jnp.minimum(xminv, g * L + first), xminv)
                xmaxv = jnp.where(has, jnp.maximum(xmaxv, g * L + last), xmaxv)
                return xminv, xmaxv

            return lax.fori_loop(
                0, W // L, xloop,
                (jnp.full((L,), W, jnp.int32), jnp.full((L,), -1, jnp.int32)))

        init_colm()
        start(base, 0)

        def ring_iter(i, carry):
            ymin, ymax, outv0, outv1 = carry
            g0 = base + 2 * i
            g1 = g0 + 1
            lc0 = lax.rem(2 * i, nch)
            lc1 = lax.rem(2 * i + 1, nch)

            start(g1, 1)
            wait(0)
            ymin, ymax = chunk_reduce(0, lc0, ymin, ymax)
            start(jnp.minimum(g0 + 2, gch - 1), 0)
            wait(1)
            ymin, ymax = chunk_reduce(1, lc1, ymin, ymax)

            done = lc1 == (nch - 1)
            xmin, xmax = extract_x()
            any_w = xmax >= 0
            any_h = ymax >= 0
            vals = (
                jnp.where(any_h, ymin, 0),
                jnp.where(any_w, xmin, 0),
                jnp.where(any_h, ymax + 1, H),
                jnp.where(any_w, xmax + 1, W),
            )
            smp = (2 * i + 1) // nch
            vi = smp // 4
            lane0 = lax.rem(smp, 4) * 4
            for j, val in enumerate(vals):
                hit = done & (lanes == (lane0 + j))
                outv0 = jnp.where(hit & (vi == 0), val, outv0)
                outv1 = jnp.where(hit & (vi == 1), val, outv1)

            @pl.when(done)
            def _():
                init_colm()

            ymin = jnp.where(done, jnp.full((L,), H, jnp.int32), ymin)
            ymax = jnp.where(done, jnp.full((L,), -1, jnp.int32), ymax)
            return ymin, ymax, outv0, outv1

        z = jnp.zeros((L,), jnp.int32)
        _, _, outv0, outv1 = lax.fori_loop(
            0, niter, ring_iter,
            (jnp.full((L,), H, jnp.int32), jnp.full((L,), -1, jnp.int32), z, z))
        wait(0)

        bpw = (N - n_sc) // NWORK
        nch_full = H // CH

        def band_chunk(k):
            return (n_sc + wid * bpw + k) * nch_full + (nch_full - 1)

        outv2 = z
        outv3 = z
        start(band_chunk(0), 0)
        for k in range(bpw):
            b = k % 2
            if k + 1 < bpw:
                start(band_chunk(k + 1), (k + 1) % 2)
            wait(b)
            bymin, bymax = chunk_reduce(
                b, nch_full - 1,
                jnp.full((L,), H, jnp.int32), jnp.full((L,), -1, jnp.int32))
            bxmin, bxmax = extract_x()
            init_colm()
            for j, val in enumerate((bymin, bxmin, bymax, bxmax)):
                slot = k * 4 + j
                hit = lanes == (slot % L)
                if slot < L:
                    outv2 = jnp.where(hit, val, outv2)
                else:
                    outv3 = jnp.where(hit, val, outv3)

        obuf[pl.ds(0, L)] = outv0
        obuf[pl.ds(L, L)] = outv1
        obuf[pl.ds(2 * L, L)] = outv2
        obuf[pl.ds(3 * L, L)] = outv3
        pltpu.sync_copy(obuf, out_hbm.at[pl.ds(wid * 4 * L, 4 * L)])

    mesh = plsc.VectorSubcoreMesh(core_axis_name="c", subcore_axis_name="s")
    return pl.kernel(
        body,
        out_type=jax.ShapeDtypeStruct((NWORK * 4 * L,), jnp.int32),
        mesh=mesh,
        compiler_params=pltpu.CompilerParams(needs_layout_passes=False),
        scratch_types=[
            pltpu.VMEM((CH, W), jnp.float32),
            pltpu.VMEM((CH, W), jnp.float32),
            pltpu.VMEM((W,), jnp.float32),
            pltpu.VMEM((4 * L,), jnp.int32),
            pltpu.SemaphoreType.DMA,
            pltpu.SemaphoreType.DMA,
        ],
    )


BLK_N = 8


def _tc_body(m_ref, out_ref):
    m = m_ref[...]
    _, Hb, W = m.shape
    colmax = jnp.max(m, axis=1)
    rowmax = jnp.max(m, axis=2)
    wocc = colmax >= TH
    hocc = rowmax >= TH
    iw = lax.broadcasted_iota(jnp.int32, wocc.shape, 1)
    ih = lax.broadcasted_iota(jnp.int32, hocc.shape, 1)
    xmin = jnp.min(jnp.where(wocc, iw, W), axis=1)
    xmax = jnp.max(jnp.where(wocc, iw, -1), axis=1)
    ymin = jnp.min(jnp.where(hocc, ih, 512), axis=1)
    ymax = jnp.max(jnp.where(hocc, ih, -1), axis=1)
    out_ref[...] = jnp.stack((ymin, xmin, ymax, xmax), axis=-1)


def _tc_bbox(m, n_skip):
    N, H, W = m.shape
    n_tc = N - n_skip
    blk0 = n_skip // BLK_N
    return pl.pallas_call(
        _tc_body,
        grid=(n_tc // BLK_N,),
        in_specs=[pl.BlockSpec((BLK_N, H - CH, W), lambda i: (i + blk0, 0, 0))],
        out_specs=pl.BlockSpec((BLK_N, 4), lambda i: (i, 0)),
        out_shape=jax.ShapeDtypeStruct((n_tc, 4), jnp.int32),
    )(m)


N_SC = 96


def kernel(mask):
    N, _, H, W = mask.shape
    m = mask.reshape(N, H, W)
    m_chunks = mask.reshape(N * (H // CH), CH, W)
    spw = N_SC // NWORK
    bpw = (N - N_SC) // NWORK
    rs = _sc_bbox(N, N_SC, H, W)(m_chunks).reshape(NWORK, 4 * L)
    boxes_sc = rs[:, : spw * 4].reshape(N_SC, 4)
    band = rs[:, 2 * L : 2 * L + bpw * 4].reshape(N - N_SC, 4)
    tc = _tc_bbox(m, N_SC)
    ymin = jnp.minimum(band[:, 0], tc[:, 0])
    xmin = jnp.minimum(band[:, 1], tc[:, 1])
    ymax = jnp.maximum(band[:, 2], tc[:, 2])
    xmax = jnp.maximum(band[:, 3], tc[:, 3])
    any_h = ymax >= 0
    any_w = xmax >= 0
    ymin = jnp.where(any_h, ymin, 0)
    ymax = jnp.where(any_h, ymax + 1, H)
    xmin = jnp.where(any_w, xmin, 0)
    xmax = jnp.where(any_w, xmax + 1, W)
    boxes_tc = jnp.stack((ymin, xmin, ymax, xmax), axis=-1)
    return jnp.concatenate((boxes_sc, boxes_tc), axis=0)

# --- scband reference (transcript-rebuilt; emitter-appended) ---
"""Pipeline reference for scband-bounding-box-2834678415682 (READ-ONLY COPY).

The authoritative reference and input builder live on the scoring server;
editing this copy changes nothing except your own understanding.
"""

import jax, jax.numpy as jnp
import numpy as np

THRESH = 0.5

def setup_inputs(seed: int = 0) -> dict:
    key = jax.random.key(seed)
    mask = jax.random.uniform(key, (256, 1, 512, 512), dtype=jnp.float32)
    return {"mask": mask}

def reference(mask):
    # mask: [N, 1, H, W] -> boxes [N, 4] = (y_min, x_min, y_max, x_max)
    m = mask.squeeze(1)
    N, H, W = m.shape
    # column occupancy (max over H) and row occupancy (max over W)
    wmat = jnp.max(m, axis=1) >= THRESH  # [N, W]
    hmat = jnp.max(m, axis=2) >= THRESH  # [N, H]
    idxW = jnp.arange(W)
    idxH = jnp.arange(H)
    any_w = jnp.any(wmat, axis=1)
    any_h = jnp.any(hmat, axis=1)
    # min/max index of True entries; empty rows -> (0, W) / (0, H) like the torch code
    xmin = jnp.where(any_w, jnp.min(jnp.where(wmat, idxW[None, :], W), axis=1), 0)
    xmax = jnp.where(any_w, jnp.max(jnp.where(wmat, idxW[None, :], -1), axis=1) + 1, W)
    ymin = jnp.where(any_h, jnp.min(jnp.where(hmat, idxH[None, :], H), axis=1), 0)
    ymax = jnp.where(any_h, jnp.max(jnp.where(hmat, idxH[None, :], -1), axis=1) + 1, H)
    yxmin = jnp.stack((ymin, xmin), axis=-1)
    yxmax = jnp.stack((ymax, xmax), axis=-1)
    return jnp.concatenate((yxmin, yxmax), axis=-1)

if __name__ == "__main__":
    import jax
    _d = setup_inputs()
    print(jax.jit(kernel)(*tuple(_d.values())))

</pallas_src>

<mosaic_0001>
#map = affine_map<(d0, d1) -> (0, 0, 0)>
#map1 = affine_map<(d0, d1) -> (0)>
module attributes {stable_mosaic.version = 14 : i64} {
  func.func @body(%arg0: i32, %arg1: i32, %arg2: memref<2048x64x512xf32, #tpu.memory_space<hbm>>, %arg3: memref<2048xi32, #tpu.memory_space<hbm>>, %arg4: memref<64x512xf32, #tpu.memory_space<vmem>>, %arg5: memref<64x512xf32, #tpu.memory_space<vmem>>, %arg6: memref<512xf32, #tpu.memory_space<vmem>>, %arg7: memref<64xi32, #tpu.memory_space<vmem>>, %arg8: memref<!tpu.dma_semaphore, #tpu.memory_space<semaphore_mem>>, %arg9: memref<!tpu.dma_semaphore, #tpu.memory_space<semaphore_mem>>) attributes {dimension_semantics = [#tpu.dimension_semantics<core_parallel>, #tpu.dimension_semantics<subcore_parallel>], iteration_bounds = array<i64: 2, 16>, scalar_prefetch = 0 : i64, scratch_operands = 6 : i64, tpu.core_type = #tpu.core_type<sc_vector_subcore>, window_params = [{transform_indices = #map}, {transform_indices = #map1}]} {
    %mul3A = arith.constant 2 : i32
    %mul3A_0 = arith.muli %arg1, %mul3A : i32
    %add3A = arith.addi %mul3A_0, %arg0 : i32
    %mul3A_1 = arith.constant 24 : i32
    %mul3A_2 = arith.muli %add3A, %mul3A_1 : i32
    %iota3A = tpu.iota {dimensions = array<i32: 0>} : vector<16xi32>
    %broadcast_in_dim3A = arith.constant 0xFF800000 : f32
    %broadcast_in_dim3A_3 = vector.broadcast %broadcast_in_dim3A : f32 to vector<16xf32>
    %scan3A = arith.constant 0 : i32
    %scan3A_4 = arith.constant 0 : i32
    %scan3A_5 = arith.constant 32 : i32
    %scan3A_6 = arith.addi %scan3A_4, %scan3A_5 : i32
    %scan3A_7 = arith.constant 1 : i32
    %scan3A_8 = scf.for %scan3A_396 = %scan3A_4 to %scan3A_6 step %scan3A_7 iter_args(%scan3A_397 = %scan3A) -> (i32)  : i32 {
      %mul3A_398 = arith.constant 16 : i32
      %mul3A_399 = arith.muli %scan3A_396, %mul3A_398 : i32
      %swap3A_400 = arith.index_cast %mul3A_399 : i32 to index
      %swap3A_401 = tpu.vector_load %arg6[%swap3A_400] {strides = array<i32>} : memref<512xf32, #tpu.memory_space<vmem>>, vector<16xf32>,
      tpu.vector_store %arg6[%swap3A_400], %broadcast_in_dim3A_3 {strides = array<i32>} : memref<512xf32, #tpu.memory_space<vmem>>, vector<16xf32>,
      %scan3A_402 = arith.constant 0 : i32
      scf.yield %scan3A_402 : i32
    }
    %scan3A_9 = arith.constant 32 : i32
    %dma_start3A = arith.constant 0 : i32
    %dma_start3A_10 = arith.constant 0 : i32
    %dma_start3A_11 = tpu.memref_slice %arg2[%mul3A_2, %dma_start3A, %dma_start3A_10] : memref<2048x64x512xf32, #tpu.memory_space<hbm>> -> memref<1x64x512xf32, #tpu.memory_space<hbm>>
    %dma_start3A_12 = tpu.memref_squeeze %dma_start3A_11 : memref<1x64x512xf32, #tpu.memory_space<hbm>> -> memref<64x512xf32, #tpu.memory_space<hbm>>
    %dma_start3A_13 = arith.constant 0 : i32
    %dma_start3A_14 = arith.constant 0 : i32
    %dma_start3A_15 = tpu.memref_slice %arg2[%mul3A_2, %dma_start3A_13, %dma_start3A_14] : memref<2048x64x512xf32, #tpu.memory_space<hbm>> -> memref<1x64x512xf32, #tpu.memory_space<hbm>>
    %dma_start3A_16 = tpu.memref_squeeze %dma_start3A_15 : memref<1x64x512xf32, #tpu.memory_space<hbm>> -> memref<64x512xf32, #tpu.memory_space<hbm>>
    tpu.enqueue_dma source(%dma_start3A_16 : memref<64x512xf32, #tpu.memory_space<hbm>>) target(%arg4 : memref<64x512xf32, #tpu.memory_space<vmem>>) target_semaphore(%arg8 : memref<!tpu.dma_semaphore, #tpu.memory_space<semaphore_mem>>)
    %broadcast_in_dim3A_17 = arith.constant 0 : i32
    %broadcast_in_dim3A_18 = vector.broadcast %broadcast_in_dim3A_17 : i32 to vector<16xi32>
    %broadcast_in_dim3A_19 = arith.constant 512 : i32
    %broadcast_in_dim3A_20 = vector.broadcast %broadcast_in_dim3A_19 : i32 to vector<16xi32>
    %broadcast_in_dim3A_21 = arith.constant -1 : i32
    %broadcast_in_dim3A_22 = vector.broadcast %broadcast_in_dim3A_21 : i32 to vector<16xi32>
    %scan3A_23 = arith.constant 0 : i32
    %scan3A_24 = arith.constant 12 : i32
    %scan3A_25 = arith.addi %scan3A_23, %scan3A_24 : i32
    %scan3A_26 = arith.constant 1 : i32
    %scan3A_27:4 = scf.for %scan3A_396 = %scan3A_23 to %scan3A_25 step %scan3A_26 iter_args(%scan3A_397 = %broadcast_in_dim3A_20, %scan3A_398 = %broadcast_in_dim3A_22, %scan3A_399 = %broadcast_in_dim3A_18, %scan3A_400 = %broadcast_in_dim3A_18) -> (vector<16xi32>, vector<16xi32>, vector<16xi32>, vector<16xi32>)  : i32 {
      %mul3A_401 = arith.constant 2 : i32
      %mul3A_402 = arith.muli %mul3A_401, %scan3A_396 : i32
      %add3A_403 = arith.addi %mul3A_2, %mul3A_402 : i32
      %add3A_404 = arith.constant 1 : i32
      %add3A_405 = arith.addi %add3A_403, %add3A_404 : i32
      %mul3A_406 = arith.constant 2 : i32
      %mul3A_407 = arith.muli %mul3A_406, %scan3A_396 : i32
      %rem3A = arith.constant 8 : i32
      %rem3A_408 = arith.remsi %mul3A_407, %rem3A : i32
      %mul3A_409 = arith.constant 2 : i32
      %mul3A_410 = arith.muli %mul3A_409, %scan3A_396 : i32
      %add3A_411 = arith.constant 1 : i32
      %add3A_412 = arith.addi %mul3A_410, %add3A_411 : i32
      %rem3A_413 = arith.constant 8 : i32
      %rem3A_414 = arith.remsi %add3A_412, %rem3A_413 : i32
      %dma_start3A_415 = arith.constant 0 : i32
      %dma_start3A_416 = arith.constant 0 : i32
      %dma_start3A_417 = tpu.memref_slice %arg2[%add3A_405, %dma_start3A_415, %dma_start3A_416] : memref<2048x64x512xf32, #tpu.memory_space<hbm>> -> memref<1x64x512xf32, #tpu.memory_space<hbm>>
      %dma_start3A_418 = tpu.memref_squeeze %dma_start3A_417 : memref<1x64x512xf32, #tpu.memory_space<hbm>> -> memref<64x512xf32, #tpu.memory_space<hbm>>
      %dma_start3A_419 = arith.constant 0 : i32
      %dma_start3A_420 = arith.constant 0 : i32
      %dma_start3A_421 = tpu.memref_slice %arg2[%add3A_405, %dma_start3A_419, %dma_start3A_420] : memref<2048x64x512xf32, #tpu.memory_space<hbm>> -> memref<1x64x512xf32, #tpu.memory_space<hbm>>
      %dma_start3A_422 = tpu.memref_squeeze %dma_start3A_421 : memref<1x64x512xf32, #tpu.memory_space<hbm>> -> memref<64x512xf32, #tpu.memory_space<hbm>>
      tpu.enqueue_dma source(%dma_start3A_422 : memref<64x512xf32, #tpu.memory_space<hbm>>) target(%arg5 : memref<64x512xf32, #tpu.memory_space<vmem>>) target_semaphore(%arg9 : memref<!tpu.dma_semaphore, #tpu.memory_space<semaphore_mem>>)
      %dma_wait3A_423 = arith.constant 0 : i32
      %dma_wait3A_424 = arith.constant 0 : i32
      %dma_wait3A_425 = arith.constant 0 : i32
      %dma_wait3A_426 = tpu.memref_slice %arg2[%dma_wait3A_423, %dma_wait3A_424, %dma_wait3A_425] : memref<2048x64x512xf32, #tpu.memory_space<hbm>> -> memref<1x64x512xf32, #tpu.memory_space<hbm>>
      %dma_wait3A_427 = tpu.memref_squeeze %dma_wait3A_426 : memref<1x64x512xf32, #tpu.memory_space<hbm>> -> memref<64x512xf32, #tpu.memory_space<hbm>>
      %dma_wait3A_428 = arith.constant 0 : i32
      %dma_wait3A_429 = arith.constant 0 : i32
      %dma_wait3A_430 = tpu.memref_slice %arg2[%dma_wait3A_423, %dma_wait3A_428, %dma_wait3A_429] : memref<2048x64x512xf32, #tpu.memory_space<hbm>> -> memref<1x64x512xf32, #tpu.memory_space<hbm>>
      %dma_wait3A_431 = tpu.memref_squeeze %dma_wait3A_430 : memref<1x64x512xf32, #tpu.memory_space<hbm>> -> memref<64x512xf32, #tpu.memory_space<hbm>>
      tpu.wait_dma2 semaphore(%arg8 : memref<!tpu.dma_semaphore, #tpu.memory_space<semaphore_mem>>) src(%dma_wait3A_431 : memref<64x512xf32, #tpu.memory_space<hbm>>) dst(%arg4 : memref<64x512xf32, #tpu.memory_space<vmem>>)
      %scan3A_432 = arith.constant 0 : i32
      %scan3A_433 = arith.constant 4 : i32
      %scan3A_434 = arith.addi %scan3A_432, %scan3A_433 : i32
      %scan3A_435 = arith.constant 1 : i32
      %scan3A_436:2 = scf.for %scan3A_620 = %scan3A_432 to %scan3A_434 step %scan3A_435 iter_args(%scan3A_621 = %scan3A_397, %scan3A_622 = %scan3A_398) -> (vector<16xi32>, vector<16xi32>)  : i32 {
        %broadcast_in_dim3A_623 = arith.constant 0xFF800000 : f32
        %broadcast_in_dim3A_624 = vector.broadcast %broadcast_in_dim3A_623 : f32 to vector<16xf32>
        %broadcast_in_dim3A_625 = arith.constant 0xFF800000 : f32
        %broadcast_in_dim3A_626 = vector.broadcast %broadcast_in_dim3A_625 : f32 to vector<16xf32>
        %broadcast_in_dim3A_627 = arith.constant 0xFF800000 : f32
        %broadcast_in_dim3A_628 = vector.broadcast %broadcast_in_dim3A_627 : f32 to vector<16xf32>
        %broadcast_in_dim3A_629 = arith.constant 0xFF800000 : f32
        %broadcast_in_dim3A_630 = vector.broadcast %broadcast_in_dim3A_629 : f32 to vector<16xf32>
        %broadcast_in_dim3A_631 = arith.constant 0xFF800000 : f32
        %broadcast_in_dim3A_632 = vector.broadcast %broadcast_in_dim3A_631 : f32 to vector<16xf32>
        %broadcast_in_dim3A_633 = arith.constant 0xFF800000 : f32
        %broadcast_in_dim3A_634 = vector.broadcast %broadcast_in_dim3A_633 : f32 to vector<16xf32>
        %broadcast_in_dim3A_635 = arith.constant 0xFF800000 : f32
        %broadcast_in_dim3A_636 = vector.broadcast %broadcast_in_dim3A_635 : f32 to vector<16xf32>
        %broadcast_in_dim3A_637 = arith.constant 0xFF800000 : f32
        %broadcast_in_dim3A_638 = vector.broadcast %broadcast_in_dim3A_637 : f32 to vector<16xf32>
        %broadcast_in_dim3A_639 = arith.constant 0xFF800000 : f32
        %broadcast_in_dim3A_640 = vector.broadcast %broadcast_in_dim3A_639 : f32 to vector<16xf32>
        %broadcast_in_dim3A_641 = arith.constant 0xFF800000 : f32
        %broadcast_in_dim3A_642 = vector.broadcast %broadcast_in_dim3A_641 : f32 to vector<16xf32>
        %broadcast_in_dim3A_643 = arith.constant 0xFF800000 : f32
        %broadcast_in_dim3A_644 = vector.broadcast %broadcast_in_dim3A_643 : f32 to vector<16xf32>
        %broadcast_in_dim3A_645 = arith.constant 0xFF800000 : f32
        %broadcast_in_dim3A_646 = vector.broadcast %broadcast_in_dim3A_645 : f32 to vector<16xf32>
        %broadcast_in_dim3A_647 = arith.constant 0xFF800000 : f32
        %broadcast_in_dim3A_648 = vector.broadcast %broadcast_in_dim3A_647 : f32 to vector<16xf32>
        %broadcast_in_dim3A_649 = arith.constant 0xFF800000 : f32
        %broadcast_in_dim3A_650 = vector.broadcast %broadcast_in_dim3A_649 : f32 to vector<16xf32>
        %broadcast_in_dim3A_651 = arith.constant 0xFF800000 : f32
        %broadcast_in_dim3A_652 = vector.broadcast %broadcast_in_dim3A_651 : f32 to vector<16xf32>
        %broadcast_in_dim3A_653 = arith.constant 0xFF800000 : f32
        %broadcast_in_dim3A_654 = vector.broadcast %broadcast_in_dim3A_653 : f32 to vector<16xf32>
        %scan3A_655 = arith.constant 0 : i32
        %scan3A_656 = arith.constant 32 : i32
        %scan3A_657 = arith.addi %scan3A_655, %scan3A_656 : i32
        %scan3A_658 = arith.constant 1 : i32
        %scan3A_659:16 = scf.for %scan3A_887 = %scan3A_655 to %scan3A_657 step %scan3A_658 iter_args(%scan3A_888 = %broadcast_in_dim3A_624, %scan3A_889 = %broadcast_in_dim3A_626, %scan3A_890 = %broadcast_in_dim3A_628, %scan3A_891 = %broadcast_in_dim3A_630, %scan3A_892 = %broadcast_in_dim3A_632, %scan3A_893 = %broadcast_in_dim3A_634, %scan3A_894 = %broadcast_in_dim3A_636, %scan3A_895 = %broadcast_in_dim3A_638, %scan3A_896 = %broadcast_in_dim3A_640, %scan3A_897 = %broadcast_in_dim3A_642, %scan3A_898 = %broadcast_in_dim3A_644, %scan3A_899 = %broadcast_in_dim3A_646, %scan3A_900 = %broadcast_in_dim3A_648, %scan3A_901 = %broadcast_in_dim3A_650, %scan3A_902 = %broadcast_in_dim3A_652, %scan3A_903 = %broadcast_in_dim3A_654) -> (vector<16xf32>, vector<16xf32>, vector<16xf32>, vector<16xf32>, vector<16xf32>, vector<16xf32>, vector<16xf32>, vector<16xf32>, vector<16xf32>, vector<16xf32>, vector<16xf32>, vector<16xf32>, vector<16xf32>, vector<16xf32>, vector<16xf32>, vector<16xf32>)  : i32 {
          %mul3A_904 = arith.constant 16 : i32
          %mul3A_905 = arith.muli %scan3A_620, %mul3A_904 : i32
          %add3A_906 = arith.constant 0 : i32
          %add3A_907 = arith.addi %mul3A_905, %add3A_906 : i32
          %mul3A_908 = arith.constant 16 : i32
          %mul3A_909 = arith.muli %scan3A_887, %mul3A_908 : i32
          %get3A = arith.index_cast %add3A_907 : i32 to index
          %get3A_910 = arith.index_cast %mul3A_909 : i32 to index
          %get3A_911 = tpu.vector_load %arg4[%get3A, %get3A_910] {strides = array<i32>} : memref<64x512xf32, #tpu.memory_space<vmem>>, vector<16xf32>,
          %mul3A_912 = arith.constant 16 : i32
          %mul3A_913 = arith.muli %scan3A_620, %mul3A_912 : i32
          %add3A_914 = arith.constant 1 : i32
          %add3A_915 = arith.addi %mul3A_913, %add3A_914 : i32
          %mul3A_916 = arith.constant 16 : i32
          %mul3A_917 = arith.muli %scan3A_887, %mul3A_916 : i32
          %get3A_918 = arith.index_cast %add3A_915 : i32 to index
          %get3A_919 = arith.index_cast %mul3A_917 : i32 to index
          %get3A_920 = tpu.vector_load %arg4[%get3A_918, %get3A_919] {strides = array<i32>} : memref<64x512xf32, #tpu.memory_space<vmem>>, vector<16xf32>,
          %mul3A_921 = arith.constant 16 : i32
          %mul3A_922 = arith.muli %scan3A_620, %mul3A_921 : i32
          %add3A_923 = arith.constant 2 : i32
          %add3A_924 = arith.addi %mul3A_922, %add3A_923 : i32
          %mul3A_925 = arith.constant 16 : i32
          %mul3A_926 = arith.muli %scan3A_887, %mul3A_925 : i32
          %get3A_927 = arith.index_cast %add3A_924 : i32 to index
          %get3A_928 = arith.index_cast %mul3A_926 : i32 to index
          %get3A_929 = tpu.vector_load %arg4[%get3A_927, %get3A_928] {strides = array<i32>} : memref<64x512xf32, #tpu.memory_space<vmem>>, vector<16xf32>,
          %mul3A_930 = arith.constant 16 : i32
          %mul3A_931 = arith.muli %scan3A_620, %mul3A_930 : i32
          %add3A_932 = arith.constant 3 : i32
          %add3A_933 = arith.addi %mul3A_931, %add3A_932 : i32
          %mul3A_934 = arith.constant 16 : i32
          %mul3A_935 = arith.muli %scan3A_887, %mul3A_934 : i32
          %get3A_936 = arith.index_cast %add3A_933 : i32 to index
          %get3A_937 = arith.index_cast %mul3A_935 : i32 to index
          %get3A_938 = tpu.vector_load %arg4[%get3A_936, %get3A_937] {strides = array<i32>} : memref<64x512xf32, #tpu.memory_space<vmem>>, vector<16xf32>,
          %mul3A_939 = arith.constant 16 : i32
          %mul3A_940 = arith.muli %scan3A_620, %mul3A_939 : i32
          %add3A_941 = arith.constant 4 : i32
          %add3A_942 = arith.addi %mul3A_940, %add3A_941 : i32
          %mul3A_943 = arith.constant 16 : i32
          %mul3A_944 = arith.muli %scan3A_887, %mul3A_943 : i32
          %get3A_945 = arith.index_cast %add3A_942 : i32 to index
          %get3A_946 = arith.index_cast %mul3A_944 : i32 to index
          %get3A_947 = tpu.vector_load %arg4[%get3A_945, %get3A_946] {strides = array<i32>} : memref<64x512xf32, #tpu.memory_space<vmem>>, vector<16xf32>,
          %mul3A_948 = arith.constant 16 : i32
          %mul3A_949 = arith.muli %scan3A_620, %mul3A_948 : i32
          %add3A_950 = arith.constant 5 : i32
          %add3A_951 = arith.addi %mul3A_949, %add3A_950 : i32
          %mul3A_952 = arith.constant 16 : i32
          %mul3A_953 = arith.muli %scan3A_887, %mul3A_952 : i32
          %get3A_954 = arith.index_cast %add3A_951 : i32 to index
          %get3A_955 = arith.index_cast %mul3A_953 : i32 to index
          %get3A_956 = tpu.vector_load %arg4[%get3A_954, %get3A_955] {strides = array<i32>} : memref<64x512xf32, #tpu.memory_space<vmem>>, vector<16xf32>,
          %mul3A_957 = arith.constant 16 : i32
          %mul3A_958 = arith.muli %scan3A_620, %mul3A_957 : i32
          %add3A_959 = arith.constant 6 : i32
          %add3A_960 = arith.addi %mul3A_958, %add3A_959 : i32
          %mul3A_961 = arith.constant 16 : i32
          %mul3A_962 = arith.muli %scan3A_887, %mul3A_961 : i32
          %get3A_963 = arith.index_cast %add3A_960 : i32 to index
          %get3A_964 = arith.index_cast %mul3A_962 : i32 to index
          %get3A_965 = tpu.vector_load %arg4[%get3A_963, %get3A_964] {strides = array<i32>} : memref<64x512xf32, #tpu.memory_space<vmem>>, vector<16xf32>,
          %mul3A_966 = arith.constant 16 : i32
          %mul3A_967 = arith.muli %scan3A_620, %mul3A_966 : i32
          %add3A_968 = arith.constant 7 : i32
          %add3A_969 = arith.addi %mul3A_967, %add3A_968 : i32
          %mul3A_970 = arith.constant 16 : i32
          %mul3A_971 = arith.muli %scan3A_887, %mul3A_970 : i32
          %get3A_972 = arith.index_cast %add3A_969 : i32 to index
          %get3A_973 = arith.index_cast %mul3A_971 : i32 to index
          %get3A_974 = tpu.vector_load %arg4[%get3A_972, %get3A_973] {strides = array<i32>} : memref<64x512xf32, #tpu.memory_space<vmem>>, vector<16xf32>,
          %mul3A_975 = arith.constant 16 : i32
          %mul3A_976 = arith.muli %scan3A_620, %mul3A_975 : i32
          %add3A_977 = arith.constant 8 : i32
          %add3A_978 = arith.addi %mul3A_976, %add3A_977 : i32
          %mul3A_979 = arith.constant 16 : i32
          %mul3A_980 = arith.muli %scan3A_887, %mul3A_979 : i32
          %get3A_981 = arith.index_cast %add3A_978 : i32 to index
          %get3A_982 = arith.index_cast %mul3A_980 : i32 to index
          %get3A_983 = tpu.vector_load %arg4[%get3A_981, %get3A_982] {strides = array<i32>} : memref<64x512xf32, #tpu.memory_space<vmem>>, vector<16xf32>,
          %mul3A_984 = arith.constant 16 : i32
          %mul3A_985 = arith.muli %scan3A_620, %mul3A_984 : i32
          %add3A_986 = arith.constant 9 : i32
          %add3A_987 = arith.addi %mul3A_985, %add3A_986 : i32
          %mul3A_988 = arith.constant 16 : i32
          %mul3A_989 = arith.muli %scan3A_887, %mul3A_988 : i32
          %get3A_990 = arith.index_cast %add3A_987 : i32 to index
          %get3A_991 = arith.index_cast %mul3A_989 : i32 to index
          %get3A_992 = tpu.vector_load %arg4[%get3A_990, %get3A_991] {strides = array<i32>} : memref<64x512xf32, #tpu.memory_space<vmem>>, vector<16xf32>,
          %mul3A_993 = arith.constant 16 : i32
          %mul3A_994 = arith.muli %scan3A_620, %mul3A_993 : i32
          %add3A_995 = arith.constant 10 : i32
          %add3A_996 = arith.addi %mul3A_994, %add3A_995 : i32
          %mul3A_997 = arith.constant 16 : i32
          %mul3A_998 = arith.muli %scan3A_887, %mul3A_997 : i32
          %get3A_999 = arith.index_cast %add3A_996 : i32 to index
          %get3A_1000 = arith.index_cast %mul3A_998 : i32 to index
          %get3A_1001 = tpu.vector_load %arg4[%get3A_999, %get3A_1000] {strides = array<i32>} : memref<64x512xf32, #tpu.memory_space<vmem>>, vector<16xf32>,
          %mul3A_1002 = arith.constant 16 : i32
          %mul3A_1003 = arith.muli %scan3A_620, %mul3A_1002 : i32
          %add3A_1004 = arith.constant 11 : i32
          %add3A_1005 = arith.addi %mul3A_1003, %add3A_1004 : i32
          %mul3A_1006 = arith.constant 16 : i32
          %mul3A_1007 = arith.muli %scan3A_887, %mul3A_1006 : i32
          %get3A_1008 = arith.index_cast %add3A_1005 : i32 to index
          %get3A_1009 = arith.index_cast %mul3A_1007 : i32 to index
          %get3A_1010 = tpu.vector_load %arg4[%get3A_1008, %get3A_1009] {strides = array<i32>} : memref<64x512xf32, #tpu.memory_space<vmem>>, vector<16xf32>,
          %mul3A_1011 = arith.constant 16 : i32
          %mul3A_1012 = arith.muli %scan3A_620, %mul3A_1011 : i32
          %add3A_1013 = arith.constant 12 : i32
          %add3A_1014 = arith.addi %mul3A_1012, %add3A_1013 : i32
          %mul3A_1015 = arith.constant 16 : i32
          %mul3A_1016 = arith.muli %scan3A_887, %mul3A_1015 : i32
          %get3A_1017 = arith.index_cast %add3A_1014 : i32 to index
          %get3A_1018 = arith.index_cast %mul3A_1016 : i32 to index
          %get3A_1019 = tpu.vector_load %arg4[%get3A_1017, %get3A_1018] {strides = array<i32>} : memref<64x512xf32, #tpu.memory_space<vmem>>, vector<16xf32>,
          %mul3A_1020 = arith.constant 16 : i32
          %mul3A_1021 = arith.muli %scan3A_620, %mul3A_1020 : i32
          %add3A_1022 = arith.constant 13 : i32
          %add3A_1023 = arith.addi %mul3A_1021, %add3A_1022 : i32
          %mul3A_1024 = arith.constant 16 : i32
          %mul3A_1025 = arith.muli %scan3A_887, %mul3A_1024 : i32
          %get3A_1026 = arith.index_cast %add3A_1023 : i32 to index
          %get3A_1027 = arith.index_cast %mul3A_1025 : i32 to index
          %get3A_1028 = tpu.vector_load %arg4[%get3A_1026, %get3A_1027] {strides = array<i32>} : memref<64x512xf32, #tpu.memory_space<vmem>>, vector<16xf32>,
          %mul3A_1029 = arith.constant 16 : i32
          %mul3A_1030 = arith.muli %scan3A_620, %mul3A_1029 : i32
          %add3A_1031 = arith.constant 14 : i32
          %add3A_1032 = arith.addi %mul3A_1030, %add3A_1031 : i32
          %mul3A_1033 = arith.constant 16 : i32
          %mul3A_1034 = arith.muli %scan3A_887, %mul3A_1033 : i32
          %get3A_1035 = arith.index_cast %add3A_1032 : i32 to index
          %get3A_1036 = arith.index_cast %mul3A_1034 : i32 to index
          %get3A_1037 = tpu.vector_load %arg4[%get3A_1035, %get3A_1036] {strides = array<i32>} : memref<64x512xf32, #tpu.memory_space<vmem>>, vector<16xf32>,
          %mul3A_1038 = arith.constant 16 : i32
          %mul3A_1039 = arith.muli %scan3A_620, %mul3A_1038 : i32
          %add3A_1040 = arith.constant 15 : i32
          %add3A_1041 = arith.addi %mul3A_1039, %add3A_1040 : i32
          %mul3A_1042 = arith.constant 16 : i32
          %mul3A_1043 = arith.muli %scan3A_887, %mul3A_1042 : i32
          %get3A_1044 = arith.index_cast %add3A_1041 : i32 to index
          %get3A_1045 = arith.index_cast %mul3A_1043 : i32 to index
          %get3A_1046 = tpu.vector_load %arg4[%get3A_1044, %get3A_1045] {strides = array<i32>} : memref<64x512xf32, #tpu.memory_space<vmem>>, vector<16xf32>,
          %max3A_1047 = arith.maximumf %scan3A_888, %get3A_911 : vector<16xf32>
          %max3A_1048 = arith.maximumf %scan3A_889, %get3A_920 : vector<16xf32>
          %max3A_1049 = arith.maximumf %scan3A_890, %get3A_929 : vector<16xf32>
          %max3A_1050 = arith.maximumf %scan3A_891, %get3A_938 : vector<16xf32>
          %max3A_1051 = arith.maximumf %scan3A_892, %get3A_947 : vector<16xf32>
          %max3A_1052 = arith.maximumf %scan3A_893, %get3A_956 : vector<16xf32>
          %max3A_1053 = arith.maximumf %scan3A_894, %get3A_965 : vector<16xf32>
          %max3A_1054 = arith.maximumf %scan3A_895, %get3A_974 : vector<16xf32>
          %max3A_1055 = arith.maximumf %scan3A_896, %get3A_983 : vector<16xf32>
          %max3A_1056 = arith.maximumf %scan3A_897, %get3A_992 : vector<16xf32>
          %max3A_1057 = arith.maximumf %scan3A_898, %get3A_1001 : vector<16xf32>
          %max3A_1058 = arith.maximumf %scan3A_899, %get3A_1010 : vector<16xf32>
          %max3A_1059 = arith.maximumf %scan3A_900, %get3A_1019 : vector<16xf32>
          %max3A_1060 = arith.maximumf %scan3A_901, %get3A_1028 : vector<16xf32>
          %max3A_1061 = arith.maximumf %scan3A_902, %get3A_1037 : vector<16xf32>
          %max3A_1062 = arith.maximumf %scan3A_903, %get3A_1046 : vector<16xf32>
          %mul3A_1063 = arith.constant 16 : i32
          %mul3A_1064 = arith.muli %scan3A_887, %mul3A_1063 : i32
          %get3A_1065 = arith.index_cast %mul3A_1064 : i32 to index
          %get3A_1066 = tpu.vector_load %arg6[%get3A_1065] {strides = array<i32>} : memref<512xf32, #tpu.memory_space<vmem>>, vector<16xf32>,
          %max3A_1067 = arith.maximumf %get3A_911, %get3A_920 : vector<16xf32>
          %max3A_1068 = arith.maximumf %get3A_929, %get3A_938 : vector<16xf32>
          %max3A_1069 = arith.maximumf %get3A_947, %get3A_956 : vector<16xf32>
          %max3A_1070 = arith.maximumf %get3A_965, %get3A_974 : vector<16xf32>
          %max3A_1071 = arith.maximumf %get3A_983, %get3A_992 : vector<16xf32>
          %max3A_1072 = arith.maximumf %get3A_1001, %get3A_1010 : vector<16xf32>
          %max3A_1073 = arith.maximumf %get3A_1019, %get3A_1028 : vector<16xf32>
          %max3A_1074 = arith.maximumf %get3A_1037, %get3A_1046 : vector<16xf32>
          %max3A_1075 = arith.maximumf %max3A_1067, %max3A_1068 : vector<16xf32>
          %max3A_1076 = arith.maximumf %max3A_1069, %max3A_1070 : vector<16xf32>
          %max3A_1077 = arith.maximumf %max3A_1071, %max3A_1072 : vector<16xf32>
          %max3A_1078 = arith.maximumf %max3A_1073, %max3A_1074 : vector<16xf32>
          %max3A_1079 = arith.maximumf %max3A_1075, %max3A_1076 : vector<16xf32>
          %max3A_1080 = arith.maximumf %max3A_1077, %max3A_1078 : vector<16xf32>
          %max3A_1081 = arith.maximumf %max3A_1079, %max3A_1080 : vector<16xf32>
          %max3A_1082 = arith.maximumf %get3A_1066, %max3A_1081 : vector<16xf32>
          %mul3A_1083 = arith.constant 16 : i32
          %mul3A_1084 = arith.muli %scan3A_887, %mul3A_1083 : i32
          %swap3A_1085 = arith.index_cast %mul3A_1084 : i32 to index
          %swap3A_1086 = tpu.vector_load %arg6[%swap3A_1085] {strides = array<i32>} : memref<512xf32, #tpu.memory_space<vmem>>, vector<16xf32>,
          tpu.vector_store %arg6[%swap3A_1085], %max3A_1082 {strides = array<i32>} : memref<512xf32, #tpu.memory_space<vmem>>, vector<16xf32>,
          scf.yield %max3A_1047, %max3A_1048, %max3A_1049, %max3A_1050, %max3A_1051, %max3A_1052, %max3A_1053, %max3A_1054, %max3A_1055, %max3A_1056, %max3A_1057, %max3A_1058, %max3A_1059, %max3A_1060, %max3A_1061, %max3A_1062 : vector<16xf32>, vector<16xf32>, vector<16xf32>, vector<16xf32>, vector<16xf32>, vector<16xf32>, vector<16xf32>, vector<16xf32>, vector<16xf32>, vector<16xf32>, vector<16xf32>, vector<16xf32>, vector<16xf32>, vector<16xf32>, vector<16xf32>, vector<16xf32>
        }
        %scan3A_660 = arith.constant 32 : i32
        %mul3A_661 = arith.constant 64 : i32
        %mul3A_662 = arith.muli %rem3A_408, %mul3A_661 : i32
        %mul3A_663 = arith.constant 16 : i32
        %mul3A_664 = arith.muli %scan3A_620, %mul3A_663 : i32
        %add3A_665 = arith.addi %mul3A_662, %mul3A_664 : i32
        %ge3A_666 = arith.constant 5.000000e-01 : f32
        %ge3A_667 = vector.broadcast %ge3A_666 : f32 to vector<16xf32>
        %ge3A_668 = arith.cmpf oge, %scan3A_659#0, %ge3A_667 : vector<16xf32>
        %all_reduce_population_count3A = tpu.all_reduce %ge3A_668 {dim = 0 : i64, kind = #tpu.reduction_kind<sum>} : vector<16xi1> -> vector<16xi32>
        %gt3A = arith.constant 0 : i32
        %gt3A_669 = vector.broadcast %gt3A : i32 to vector<16xi32>
        %gt3A_670 = arith.cmpi sgt, %all_reduce_population_count3A, %gt3A_669 : vector<16xi32>
        %add3A_671 = arith.constant 0 : i32
        %add3A_672 = arith.addi %add3A_665, %add3A_671 : i32
        %broadcast_in_dim3A_673 = vector.broadcast %add3A_672 : i32 to vector<16xi32>
        %min3A_674 = arith.minsi %scan3A_621, %broadcast_in_dim3A_673 : vector<16xi32>
        %select_n3A_675 = arith.select %gt3A_670, %min3A_674, %scan3A_621 : vector<16xi1>, vector<16xi32>
        %max3A = arith.maxsi %scan3A_622, %broadcast_in_dim3A_673 : vector<16xi32>
        %select_n3A_676 = arith.select %gt3A_670, %max3A, %scan3A_622 : vector<16xi1>, vector<16xi32>
        %ge3A_677 = arith.constant 5.000000e-01 : f32
        %ge3A_678 = vector.broadcast %ge3A_677 : f32 to vector<16xf32>
        %ge3A_679 = arith.cmpf oge, %scan3A_659#1, %ge3A_678 : vector<16xf32>
        %all_reduce_population_count3A_680 = tpu.all_reduce %ge3A_679 {dim = 0 : i64, kind = #tpu.reduction_kind<sum>} : vector<16xi1> -> vector<16xi32>
        %gt3A_681 = arith.constant 0 : i32
        %gt3A_682 = vector.broadcast %gt3A_681 : i32 to vector<16xi32>
        %gt3A_683 = arith.cmpi sgt, %all_reduce_population_count3A_680, %gt3A_682 : vector<16xi32>
        %add3A_684 = arith.constant 1 : i32
        %add3A_685 = arith.addi %add3A_665, %add3A_684 : i32
        %broadcast_in_dim3A_686 = vector.broadcast %add3A_685 : i32 to vector<16xi32>
        %min3A_687 = arith.minsi %select_n3A_675, %broadcast_in_dim3A_686 : vector<16xi32>
        %select_n3A_688 = arith.select %gt3A_683, %min3A_687, %select_n3A_675 : vector<16xi1>, vector<16xi32>
        %max3A_689 = arith.maxsi %select_n3A_676, %broadcast_in_dim3A_686 : vector<16xi32>
        %select_n3A_690 = arith.select %gt3A_683, %max3A_689, %select_n3A_676 : vector<16xi1>, vector<16xi32>
        %ge3A_691 = arith.constant 5.000000e-01 : f32
        %ge3A_692 = vector.broadcast %ge3A_691 : f32 to vector<16xf32>
        %ge3A_693 = arith.cmpf oge, %scan3A_659#2, %ge3A_692 : vector<16xf32>
        %all_reduce_population_count3A_694 = tpu.all_reduce %ge3A_693 {dim = 0 : i64, kind = #tpu.reduction_kind<sum>} : vector<16xi1> -> vector<16xi32>
        %gt3A_695 = arith.constant 0 : i32
        %gt3A_696 = vector.broadcast %gt3A_695 : i32 to vector<16xi32>
        %gt3A_697 = arith.cmpi sgt, %all_reduce_population_count3A_694, %gt3A_696 : vector<16xi32>
        %add3A_698 = arith.constant 2 : i32
        %add3A_699 = arith.addi %add3A_665, %add3A_698 : i32
        %broadcast_in_dim3A_700 = vector.broadcast %add3A_699 : i32 to vector<16xi32>
        %min3A_701 = arith.minsi %select_n3A_688, %broadcast_in_dim3A_700 : vector<16xi32>
        %select_n3A_702 = arith.select %gt3A_697, %min3A_701, %select_n3A_688 : vector<16xi1>, vector<16xi32>
        %max3A_703 = arith.maxsi %select_n3A_690, %broadcast_in_dim3A_700 : vector<16xi32>
        %select_n3A_704 = arith.select %gt3A_697, %max3A_703, %select_n3A_690 : vector<16xi1>, vector<16xi32>
        %ge3A_705 = arith.constant 5.000000e-01 : f32
        %ge3A_706 = vector.broadcast %ge3A_705 : f32 to vector<16xf32>
        %ge3A_707 = arith.cmpf oge, %scan3A_659#3, %ge3A_706 : vector<16xf32>
        %all_reduce_population_count3A_708 = tpu.all_reduce %ge3A_707 {dim = 0 : i64, kind = #tpu.reduction_kind<sum>} : vector<16xi1> -> vector<16xi32>
        %gt3A_709 = arith.constant 0 : i32
        %gt3A_710 = vector.broadcast %gt3A_709 : i32 to vector<16xi32>
        %gt3A_711 = arith.cmpi sgt, %all_reduce_population_count3A_708, %gt3A_710 : vector<16xi32>
        %add3A_712 = arith.constant 3 : i32
        %add3A_713 = arith.addi %add3A_665, %add3A_712 : i32
        %broadcast_in_dim3A_714 = vector.broadcast %add3A_713 : i32 to vector<16xi32>
        %min3A_715 = arith.minsi %select_n3A_702, %broadcast_in_dim3A_714 : vector<16xi32>
        %select_n3A_716 = arith.select %gt3A_711, %min3A_715, %select_n3A_702 : vector<16xi1>, vector<16xi32>
        %max3A_717 = arith.maxsi %select_n3A_704, %broadcast_in_dim3A_714 : vector<16xi32>
        %select_n3A_718 = arith.select %gt3A_711, %max3A_717, %select_n3A_704 : vector<16xi1>, vector<16xi32>
        %ge3A_719 = arith.constant 5.000000e-01 : f32
        %ge3A_720 = vector.broadcast %ge3A_719 : f32 to vector<16xf32>
        %ge3A_721 = arith.cmpf oge, %scan3A_659#4, %ge3A_720 : vector<16xf32>
        %all_reduce_population_count3A_722 = tpu.all_reduce %ge3A_721 {dim = 0 : i64, kind = #tpu.reduction_kind<sum>} : vector<16xi1> -> vector<16xi32>
        %gt3A_723 = arith.constant 0 : i32
        %gt3A_724 = vector.broadcast %gt3A_723 : i32 to vector<16xi32>
        %gt3A_725 = arith.cmpi sgt, %all_reduce_population_count3A_722, %gt3A_724 : vector<16xi32>
        %add3A_726 = arith.constant 4 : i32
        %add3A_727 = arith.addi %add3A_665, %add3A_726 : i32
        %broadcast_in_dim3A_728 = vector.broadcast %add3A_727 : i32 to vector<16xi32>
        %min3A_729 = arith.minsi %select_n3A_716, %broadcast_in_dim3A_728 : vector<16xi32>
        %select_n3A_730 = arith.select %gt3A_725, %min3A_729, %select_n3A_716 : vector<16xi1>, vector<16xi32>
        %max3A_731 = arith.maxsi %select_n3A_718, %broadcast_in_dim3A_728 : vector<16xi32>
        %select_n3A_732 = arith.select %gt3A_725, %max3A_731, %select_n3A_718 : vector<16xi1>, vector<16xi32>
        %ge3A_733 = arith.constant 5.000000e-01 : f32
        %ge3A_734 = vector.broadcast %ge3A_733 : f32 to vector<16xf32>
        %ge3A_735 = arith.cmpf oge, %scan3A_659#5, %ge3A_734 : vector<16xf32>
        %all_reduce_population_count3A_736 = tpu.all_reduce %ge3A_735 {dim = 0 : i64, kind = #tpu.reduction_kind<sum>} : vector<16xi1> -> vector<16xi32>
        %gt3A_737 = arith.constant 0 : i32
        %gt3A_738 = vector.broadcast %gt3A_737 : i32 to vector<16xi32>
        %gt3A_739 = arith.cmpi sgt, %all_reduce_population_count3A_736, %gt3A_738 : vector<16xi32>
        %add3A_740 = arith.constant 5 : i32
        %add3A_741 = arith.addi %add3A_665, %add3A_740 : i32
        %broadcast_in_dim3A_742 = vector.broadcast %add3A_741 : i32 to vector<16xi32>
        %min3A_743 = arith.minsi %select_n3A_730, %broadcast_in_dim3A_742 : vector<16xi32>
        %select_n3A_744 = arith.select %gt3A_739, %min3A_743, %select_n3A_730 : vector<16xi1>, vector<16xi32>
        %max3A_745 = arith.maxsi %select_n3A_732, %broadcast_in_dim3A_742 : vector<16xi32>
        %select_n3A_746 = arith.select %gt3A_739, %max3A_745, %select_n3A_732 : vector<16xi1>, vector<16xi32>
        %ge3A_747 = arith.constant 5.000000e-01 : f32
        %ge3A_748 = vector.broadcast %ge3A_747 : f32 to vector<16xf32>
        %ge3A_749 = arith.cmpf oge, %scan3A_659#6, %ge3A_748 : vector<16xf32>
        %all_reduce_population_count3A_750 = tpu.all_reduce %ge3A_749 {dim = 0 : i64, kind = #tpu.reduction_kind<sum>} : vector<16xi1> -> vector<16xi32>
        %gt3A_751 = arith.constant 0 : i32
        %gt3A_752 = vector.broadcast %gt3A_751 : i32 to vector<16xi32>
        %gt3A_753 = arith.cmpi sgt, %all_reduce_population_count3A_750, %gt3A_752 : vector<16xi32>
        %add3A_754 = arith.constant 6 : i32
        %add3A_755 = arith.addi %add3A_665, %add3A_754 : i32
        %broadcast_in_dim3A_756 = vector.broadcast %add3A_755 : i32 to vector<16xi32>
        %min3A_757 = arith.minsi %select_n3A_744, %broadcast_in_dim3A_756 : vector<16xi32>
        %select_n3A_758 = arith.select %gt3A_753, %min3A_757, %select_n3A_744 : vector<16xi1>, vector<16xi32>
        %max3A_759 = arith.maxsi %select_n3A_746, %broadcast_in_dim3A_756 : vector<16xi32>
        %select_n3A_760 = arith.select %gt3A_753, %max3A_759, %select_n3A_746 : vector<16xi1>, vector<16xi32>
        %ge3A_761 = arith.constant 5.000000e-01 : f32
        %ge3A_762 = vector.broadcast %ge3A_761 : f32 to vector<16xf32>
        %ge3A_763 = arith.cmpf oge, %scan3A_659#7, %ge3A_762 : vector<16xf32>
        %all_reduce_population_count3A_764 = tpu.all_reduce %ge3A_763 {dim = 0 : i64, kind = #tpu.reduction_kind<sum>} : vector<16xi1> -> vector<16xi32>
        %gt3A_765 = arith.constant 0 : i32
        %gt3A_766 = vector.broadcast %gt3A_765 : i32 to vector<16xi32>
        %gt3A_767 = arith.cmpi sgt, %all_reduce_population_count3A_764, %gt3A_766 : vector<16xi32>
        %add3A_768 = arith.constant 7 : i32
        %add3A_769 = arith.addi %add3A_665, %add3A_768 : i32
        %broadcast_in_dim3A_770 = vector.broadcast %add3A_769 : i32 to vector<16xi32>
        %min3A_771 = arith.minsi %select_n3A_758, %broadcast_in_dim3A_770 : vector<16xi32>
        %select_n3A_772 = arith.select %gt3A_767, %min3A_771, %select_n3A_758 : vector<16xi1>, vector<16xi32>
        %max3A_773 = arith.maxsi %select_n3A_760, %broadcast_in_dim3A_770 : vector<16xi32>
        %select_n3A_774 = arith.select %gt3A_767, %max3A_773, %select_n3A_760 : vector<16xi1>, vector<16xi32>
        %ge3A_775 = arith.constant 5.000000e-01 : f32
        %ge3A_776 = vector.broadcast %ge3A_775 : f32 to vector<16xf32>
        %ge3A_777 = arith.cmpf oge, %scan3A_659#8, %ge3A_776 : vector<16xf32>
        %all_reduce_population_count3A_778 = tpu.all_reduce %ge3A_777 {dim = 0 : i64, kind = #tpu.reduction_kind<sum>} : vector<16xi1> -> vector<16xi32>
        %gt3A_779 = arith.constant 0 : i32
        %gt3A_780 = vector.broadcast %gt3A_779 : i32 to vector<16xi32>
        %gt3A_781 = arith.cmpi sgt, %all_reduce_population_count3A_778, %gt3A_780 : vector<16xi32>
        %add3A_782 = arith.constant 8 : i32
        %add3A_783 = arith.addi %add3A_665, %add3A_782 : i32
        %broadcast_in_dim3A_784 = vector.broadcast %add3A_783 : i32 to vector<16xi32>
        %min3A_785 = arith.minsi %select_n3A_772, %broadcast_in_dim3A_784 : vector<16xi32>
        %select_n3A_786 = arith.select %gt3A_781, %min3A_785, %select_n3A_772 : vector<16xi1>, vector<16xi32>
        %max3A_787 = arith.maxsi %select_n3A_774, %broadcast_in_dim3A_784 : vector<16xi32>
        %select_n3A_788 = arith.select %gt3A_781, %max3A_787, %select_n3A_774 : vector<16xi1>, vector<16xi32>
        %ge3A_789 = arith.constant 5.000000e-01 : f32
        %ge3A_790 = vector.broadcast %ge3A_789 : f32 to vector<16xf32>
        %ge3A_791 = arith.cmpf oge, %scan3A_659#9, %ge3A_790 : vector<16xf32>
        %all_reduce_population_count3A_792 = tpu.all_reduce %ge3A_791 {dim = 0 : i64, kind = #tpu.reduction_kind<sum>} : vector<16xi1> -> vector<16xi32>
        %gt3A_793 = arith.constant 0 : i32
        %gt3A_794 = vector.broadcast %gt3A_793 : i32 to vector<16xi32>
        %gt3A_795 = arith.cmpi sgt, %all_reduce_population_count3A_792, %gt3A_794 : vector<16xi32>
        %add3A_796 = arith.constant 9 : i32
        %add3A_797 = arith.addi %add3A_665, %add3A_796 : i32
        %broadcast_in_dim3A_798 = vector.broadcast %add3A_797 : i32 to vector<16xi32>
        %min3A_799 = arith.minsi %select_n3A_786, %broadcast_in_dim3A_798 : vector<16xi32>
        %select_n3A_800 = arith.select %gt3A_795, %min3A_799, %select_n3A_786 : vector<16xi1>, vector<16xi32>
        %max3A_801 = arith.maxsi %select_n3A_788, %broadcast_in_dim3A_798 : vector<16xi32>
        %select_n3A_802 = arith.select %gt3A_795, %max3A_801, %select_n3A_788 : vector<16xi1>, vector<16xi32>
        %ge3A_803 = arith.constant 5.000000e-01 : f32
        %ge3A_804 = vector.broadcast %ge3A_803 : f32 to vector<16xf32>
        %ge3A_805 = arith.cmpf oge, %scan3A_659#10, %ge3A_804 : vector<16xf32>
        %all_reduce_population_count3A_806 = tpu.all_reduce %ge3A_805 {dim = 0 : i64, kind = #tpu.reduction_kind<sum>} : vector<16xi1> -> vector<16xi32>
        %gt3A_807 = arith.constant 0 : i32
        %gt3A_808 = vector.broadcast %gt3A_807 : i32 to vector<16xi32>
        %gt3A_809 = arith.cmpi sgt, %all_reduce_population_count3A_806, %gt3A_808 : vector<16xi32>
        %add3A_810 = arith.constant 10 : i32
        %add3A_811 = arith.addi %add3A_665, %add3A_810 : i32
        %broadcast_in_dim3A_812 = vector.broadcast %add3A_811 : i32 to vector<16xi32>
        %min3A_813 = arith.minsi %select_n3A_800, %broadcast_in_dim3A_812 : vector<16xi32>
        %select_n3A_814 = arith.select %gt3A_809, %min3A_813, %select_n3A_800 : vector<16xi1>, vector<16xi32>
        %max3A_815 = arith.maxsi %select_n3A_802, %broadcast_in_dim3A_812 : vector<16xi32>
        %select_n3A_816 = arith.select %gt3A_809, %max3A_815, %select_n3A_802 : vector<16xi1>, vector<16xi32>
        %ge3A_817 = arith.constant 5.000000e-01 : f32
        %ge3A_818 = vector.broadcast %ge3A_817 : f32 to vector<16xf32>
        %ge3A_819 = arith.cmpf oge, %scan3A_659#11, %ge3A_818 : vector<16xf32>
        %all_reduce_population_count3A_820 = tpu.all_reduce %ge3A_819 {dim = 0 : i64, kind = #tpu.reduction_kind<sum>} : vector<16xi1> -> vector<16xi32>
        %gt3A_821 = arith.constant 0 : i32
        %gt3A_822 = vector.broadcast %gt3A_821 : i32 to vector<16xi32>
        %gt3A_823 = arith.cmpi sgt, %all_reduce_population_count3A_820, %gt3A_822 : vector<16xi32>
        %add3A_824 = arith.constant 11 : i32
        %add3A_825 = arith.addi %add3A_665, %add3A_824 : i32
        %broadcast_in_dim3A_826 = vector.broadcast %add3A_825 : i32 to vector<16xi32>
        %min3A_827 = arith.minsi %select_n3A_814, %broadcast_in_dim3A_826 : vector<16xi32>
        %select_n3A_828 = arith.select %gt3A_823, %min3A_827, %select_n3A_814 : vector<16xi1>, vector<16xi32>
        %max3A_829 = arith.maxsi %select_n3A_816, %broadcast_in_dim3A_826 : vector<16xi32>
        %select_n3A_830 = arith.select %gt3A_823, %max3A_829, %select_n3A_816 : vector<16xi1>, vector<16xi32>
        %ge3A_831 = arith.constant 5.000000e-01 : f32
        %ge3A_832 = vector.broadcast %ge3A_831 : f32 to vector<16xf32>
        %ge3A_833 = arith.cmpf oge, %scan3A_659#12, %ge3A_832 : vector<16xf32>
        %all_reduce_population_count3A_834 = tpu.all_reduce %ge3A_833 {dim = 0 : i64, kind = #tpu.reduction_kind<sum>} : vector<16xi1> -> vector<16xi32>
        %gt3A_835 = arith.constant 0 : i32
        %gt3A_836 = vector.broadcast %gt3A_835 : i32 to vector<16xi32>
        %gt3A_837 = arith.cmpi sgt, %all_reduce_population_count3A_834, %gt3A_836 : vector<16xi32>
        %add3A_838 = arith.constant 12 : i32
        %add3A_839 = arith.addi %add3A_665, %add3A_838 : i32
        %broadcast_in_dim3A_840 = vector.broadcast %add3A_839 : i32 to vector<16xi32>
        %min3A_841 = arith.minsi %select_n3A_828, %broadcast_in_dim3A_840 : vector<16xi32>
        %select_n3A_842 = arith.select %gt3A_837, %min3A_841, %select_n3A_828 : vector<16xi1>, vector<16xi32>
        %max3A_843 = arith.maxsi %select_n3A_830, %broadcast_in_dim3A_840 : vector<16xi32>
        %select_n3A_844 = arith.select %gt3A_837, %max3A_843, %select_n3A_830 : vector<16xi1>, vector<16xi32>
        %ge3A_845 = arith.constant 5.000000e-01 : f32
        %ge3A_846 = vector.broadcast %ge3A_845 : f32 to vector<16xf32>
        %ge3A_847 = arith.cmpf oge, %scan3A_659#13, %ge3A_846 : vector<16xf32>
        %all_reduce_population_count3A_848 = tpu.all_reduce %ge3A_847 {dim = 0 : i64, kind = #tpu.reduction_kind<sum>} : vector<16xi1> -> vector<16xi32>
        %gt3A_849 = arith.constant 0 : i32
        %gt3A_850 = vector.broadcast %gt3A_849 : i32 to vector<16xi32>
        %gt3A_851 = arith.cmpi sgt, %all_reduce_population_count3A_848, %gt3A_850 : vector<16xi32>
        %add3A_852 = arith.constant 13 : i32
        %add3A_853 = arith.addi %add3A_665, %add3A_852 : i32
        %broadcast_in_dim3A_854 = vector.broadcast %add3A_853 : i32 to vector<16xi32>
        %min3A_855 = arith.minsi %select_n3A_842, %broadcast_in_dim3A_854 : vector<16xi32>
        %select_n3A_856 = arith.select %gt3A_851, %min3A_855, %select_n3A_842 : vector<16xi1>, vector<16xi32>
        %max3A_857 = arith.maxsi %select_n3A_844, %broadcast_in_dim3A_854 : vector<16xi32>
        %select_n3A_858 = arith.select %gt3A_851, %max3A_857, %select_n3A_844 : vector<16xi1>, vector<16xi32>
        %ge3A_859 = arith.constant 5.000000e-01 : f32
        %ge3A_860 = vector.broadcast %ge3A_859 : f32 to vector<16xf32>
        %ge3A_861 = arith.cmpf oge, %scan3A_659#14, %ge3A_860 : vector<16xf32>
        %all_reduce_population_count3A_862 = tpu.all_reduce %ge3A_861 {dim = 0 : i64, kind = #tpu.reduction_kind<sum>} : vector<16xi1> -> vector<16xi32>
        %gt3A_863 = arith.constant 0 : i32
        %gt3A_864 = vector.broadcast %gt3A_863 : i32 to vector<16xi32>
        %gt3A_865 = arith.cmpi sgt, %all_reduce_population_count3A_862, %gt3A_864 : vector<16xi32>
        %add3A_866 = arith.constant 14 : i32
        %add3A_867 = arith.addi %add3A_665, %add3A_866 : i32
        %broadcast_in_dim3A_868 = vector.broadcast %add3A_867 : i32 to vector<16xi32>
        %min3A_869 = arith.minsi %select_n3A_856, %broadcast_in_dim3A_868 : vector<16xi32>
        %select_n3A_870 = arith.select %gt3A_865, %min3A_869, %select_n3A_856 : vector<16xi1>, vector<16xi32>
        %max3A_871 = arith.maxsi %select_n3A_858, %broadcast_in_dim3A_868 : vector<16xi32>
        %select_n3A_872 = arith.select %gt3A_865, %max3A_871, %select_n3A_858 : vector<16xi1>, vector<16xi32>
        %ge3A_873 = arith.constant 5.000000e-01 : f32
        %ge3A_874 = vector.broadcast %ge3A_873 : f32 to vector<16xf32>
        %ge3A_875 = arith.cmpf oge, %scan3A_659#15, %ge3A_874 : vector<16xf32>
        %all_reduce_population_count3A_876 = tpu.all_reduce %ge3A_875 {dim = 0 : i64, kind = #tpu.reduction_kind<sum>} : vector<16xi1> -> vector<16xi32>
        %gt3A_877 = arith.constant 0 : i32
        %gt3A_878 = vector.broadcast %gt3A_877 : i32 to vector<16xi32>
        %gt3A_879 = arith.cmpi sgt, %all_reduce_population_count3A_876, %gt3A_878 : vector<16xi32>
        %add3A_880 = arith.constant 15 : i32
        %add3A_881 = arith.addi %add3A_665, %add3A_880 : i32
        %broadcast_in_dim3A_882 = vector.broadcast %add3A_881 : i32 to vector<16xi32>
        %min3A_883 = arith.minsi %select_n3A_870, %broadcast_in_dim3A_882 : vector<16xi32>
        %select_n3A_884 = arith.select %gt3A_879, %min3A_883, %select_n3A_870 : vector<16xi1>, vector<16xi32>
        %max3A_885 = arith.maxsi %select_n3A_872, %broadcast_in_dim3A_882 : vector<16xi32>
        %select_n3A_886 = arith.select %gt3A_879, %max3A_885, %select_n3A_872 : vector<16xi1>, vector<16xi32>
        scf.yield %select_n3A_884, %select_n3A_886 : vector<16xi32>, vector<16xi32>
      }
      %scan3A_437 = arith.constant 4 : i32
      %add3A_438 = arith.constant 2 : i32
      %add3A_439 = arith.addi %add3A_403, %add3A_438 : i32
      %min3A = arith.constant 767 : i32
      %min3A_440 = arith.minsi %add3A_439, %min3A : i32
      %dma_start3A_441 = arith.constant 0 : i32
      %dma_start3A_442 = arith.constant 0 : i32
      %dma_start3A_443 = tpu.memref_slice %arg2[%min3A_440, %dma_start3A_441, %dma_start3A_442] : memref<2048x64x512xf32, #tpu.memory_space<hbm>> -> memref<1x64x512xf32, #tpu.memory_space<hbm>>
      %dma_start3A_444 = tpu.memref_squeeze %dma_start3A_443 : memref<1x64x512xf32, #tpu.memory_space<hbm>> -> memref<64x512xf32, #tpu.memory_space<hbm>>
      %dma_start3A_445 = arith.constant 0 : i32
      %dma_start3A_446 = arith.constant 0 : i32
      %dma_start3A_447 = tpu.memref_slice %arg2[%min3A_440, %dma_start3A_445, %dma_start3A_446] : memref<2048x64x512xf32, #tpu.memory_space<hbm>> -> memref<1x64x512xf32, #tpu.memory_space<hbm>>
      %dma_start3A_448 = tpu.memref_squeeze %dma_start3A_447 : memref<1x64x512xf32, #tpu.memory_space<hbm>> -> memref<64x512xf32, #tpu.memory_space<hbm>>
      tpu.enqueue_dma source(%dma_start3A_448 : memref<64x512xf32, #tpu.memory_space<hbm>>) target(%arg4 : memref<64x512xf32, #tpu.memory_space<vmem>>) target_semaphore(%arg8 : memref<!tpu.dma_semaphore, #tpu.memory_space<semaphore_mem>>)
      %dma_wait3A_449 = arith.constant 0 : i32
      %dma_wait3A_450 = arith.constant 0 : i32
      %dma_wait3A_451 = arith.constant 0 : i32
      %dma_wait3A_452 = tpu.memref_slice %arg2[%dma_wait3A_449, %dma_wait3A_450, %dma_wait3A_451] : memref<2048x64x512xf32, #tpu.memory_space<hbm>> -> memref<1x64x512xf32, #tpu.memory_space<hbm>>
      %dma_wait3A_453 = tpu.memref_squeeze %dma_wait3A_452 : memref<1x64x512xf32, #tpu.memory_space<hbm>> -> memref<64x512xf32, #tpu.memory_space<hbm>>
      %dma_wait3A_454 = arith.constant 0 : i32
      %dma_wait3A_455 = arith.constant 0 : i32
      %dma_wait3A_456 = tpu.memref_slice %arg2[%dma_wait3A_449, %dma_wait3A_454, %dma_wait3A_455] : memref<2048x64x512xf32, #tpu.memory_space<hbm>> -> memref<1x64x512xf32, #tpu.memory_space<hbm>>
      %dma_wait3A_457 = tpu.memref_squeeze %dma_wait3A_456 : memref<1x64x512xf32, #tpu.memory_space<hbm>> -> memref<64x512xf32, #tpu.memory_space<hbm>>
      tpu.wait_dma2 semaphore(%arg9 : memref<!tpu.dma_semaphore, #tpu.memory_space<semaphore_mem>>) src(%dma_wait3A_457 : memref<64x512xf32, #tpu.memory_space<hbm>>) dst(%arg5 : memref<64x512xf32, #tpu.memory_space<vmem>>)
      %scan3A_458 = arith.constant 0 : i32
      %scan3A_459 = arith.constant 4 : i32
      %scan3A_460 = arith.addi %scan3A_458, %scan3A_459 : i32
      %scan3A_461 = arith.constant 1 : i32
      %scan3A_462:2 = scf.for %scan3A_620 = %scan3A_458 to %scan3A_460 step %scan3A_461 iter_args(%scan3A_621 = %scan3A_436#0, %scan3A_622 = %scan3A_436#1) -> (vector<16xi32>, vector<16xi32>)  : i32 {
        %broadcast_in_dim3A_623 = arith.constant 0xFF800000 : f32
        %broadcast_in_dim3A_624 = vector.broadcast %broadcast_in_dim3A_623 : f32 to vector<16xf32>
        %broadcast_in_dim3A_625 = arith.constant 0xFF800000 : f32
        %broadcast_in_dim3A_626 = vector.broadcast %broadcast_in_dim3A_625 : f32 to vector<16xf32>
        %broadcast_in_dim3A_627 = arith.constant 0xFF800000 : f32
        %broadcast_in_dim3A_628 = vector.broadcast %broadcast_in_dim3A_627 : f32 to vector<16xf32>
        %broadcast_in_dim3A_629 = arith.constant 0xFF800000 : f32
        %broadcast_in_dim3A_630 = vector.broadcast %broadcast_in_dim3A_629 : f32 to vector<16xf32>
        %broadcast_in_dim3A_631 = arith.constant 0xFF800000 : f32
        %broadcast_in_dim3A_632 = vector.broadcast %broadcast_in_dim3A_631 : f32 to vector<16xf32>
        %broadcast_in_dim3A_633 = arith.constant 0xFF800000 : f32
        %broadcast_in_dim3A_634 = vector.broadcast %broadcast_in_dim3A_633 : f32 to vector<16xf32>
        %broadcast_in_dim3A_635 = arith.constant 0xFF800000 : f32
        %broadcast_in_dim3A_636 = vector.broadcast %broadcast_in_dim3A_635 : f32 to vector<16xf32>
        %broadcast_in_dim3A_637 = arith.constant 0xFF800000 : f32
        %broadcast_in_dim3A_638 = vector.broadcast %broadcast_in_dim3A_637 : f32 to vector<16xf32>
        %broadcast_in_dim3A_639 = arith.constant 0xFF800000 : f32
        %broadcast_in_dim3A_640 = vector.broadcast %broadcast_in_dim3A_639 : f32 to vector<16xf32>
        %broadcast_in_dim3A_641 = arith.constant 0xFF800000 : f32
        %broadcast_in_dim3A_642 = vector.broadcast %broadcast_in_dim3A_641 : f32 to vector<16xf32>
        %broadcast_in_dim3A_643 = arith.constant 0xFF800000 : f32
        %broadcast_in_dim3A_644 = vector.broadcast %broadcast_in_dim3A_643 : f32 to vector<16xf32>
        %broadcast_in_dim3A_645 = arith.constant 0xFF800000 : f32
        %broadcast_in_dim3A_646 = vector.broadcast %broadcast_in_dim3A_645 : f32 to vector<16xf32>
        %broadcast_in_dim3A_647 = arith.constant 0xFF800000 : f32
        %broadcast_in_dim3A_648 = vector.broadcast %broadcast_in_dim3A_647 : f32 to vector<16xf32>
        %broadcast_in_dim3A_649 = arith.constant 0xFF800000 : f32
        %broadcast_in_dim3A_650 = vector.broadcast %broadcast_in_dim3A_649 : f32 to vector<16xf32>
        %broadcast_in_dim3A_651 = arith.constant 0xFF800000 : f32
        %broadcast_in_dim3A_652 = vector.broadcast %broadcast_in_dim3A_651 : f32 to vector<16xf32>
        %broadcast_in_dim3A_653 = arith.constant 0xFF800000 : f32
        %broadcast_in_dim3A_654 = vector.broadcast %broadcast_in_dim3A_653 : f32 to vector<16xf32>
        %scan3A_655 = arith.constant 0 : i32
        %scan3A_656 = arith.constant 32 : i32
        %scan3A_657 = arith.addi %scan3A_655, %scan3A_656 : i32
        %scan3A_658 = arith.constant 1 : i32
        %scan3A_659:16 = scf.for %scan3A_887 = %scan3A_655 to %scan3A_657 step %scan3A_658 iter_args(%scan3A_888 = %broadcast_in_dim3A_624, %scan3A_889 = %broadcast_in_dim3A_626, %scan3A_890 = %broadcast_in_dim3A_628, %scan3A_891 = %broadcast_in_dim3A_630, %scan3A_892 = %broadcast_in_dim3A_632, %scan3A_893 = %broadcast_in_dim3A_634, %scan3A_894 = %broadcast_in_dim3A_636, %scan3A_895 = %broadcast_in_dim3A_638, %scan3A_896 = %broadcast_in_dim3A_640, %scan3A_897 = %broadcast_in_dim3A_642, %scan3A_898 = %broadcast_in_dim3A_644, %scan3A_899 = %broadcast_in_dim3A_646, %scan3A_900 = %broadcast_in_dim3A_648, %scan3A_901 = %broadcast_in_dim3A_650, %scan3A_902 = %broadcast_in_dim3A_652, %scan3A_903 = %broadcast_in_dim3A_654) -> (vector<16xf32>, vector<16xf32>, vector<16xf32>, vector<16xf32>, vector<16xf32>, vector<16xf32>, vector<16xf32>, vector<16xf32>, vector<16xf32>, vector<16xf32>, vector<16xf32>, vector<16xf32>, vector<16xf32>, vector<16xf32>, vector<16xf32>, vector<16xf32>)  : i32 {
          %mul3A_904 = arith.constant 16 : i32
          %mul3A_905 = arith.muli %scan3A_620, %mul3A_904 : i32
          %add3A_906 = arith.constant 0 : i32
          %add3A_907 = arith.addi %mul3A_905, %add3A_906 : i32
          %mul3A_908 = arith.constant 16 : i32
          %mul3A_909 = arith.muli %scan3A_887, %mul3A_908 : i32
          %get3A = arith.index_cast %add3A_907 : i32 to index
          %get3A_910 = arith.index_cast %mul3A_909 : i32 to index
          %get3A_911 = tpu.vector_load %arg5[%get3A, %get3A_910] {strides = array<i32>} : memref<64x512xf32, #tpu.memory_space<vmem>>, vector<16xf32>,
          %mul3A_912 = arith.constant 16 : i32
          %mul3A_913 = arith.muli %scan3A_620, %mul3A_912 : i32
          %add3A_914 = arith.constant 1 : i32
          %add3A_915 = arith.addi %mul3A_913, %add3A_914 : i32
          %mul3A_916 = arith.constant 16 : i32
          %mul3A_917 = arith.muli %scan3A_887, %mul3A_916 : i32
          %get3A_918 = arith.index_cast %add3A_915 : i32 to index
          %get3A_919 = arith.index_cast %mul3A_917 : i32 to index
          %get3A_920 = tpu.vector_load %arg5[%get3A_918, %get3A_919] {strides = array<i32>} : memref<64x512xf32, #tpu.memory_space<vmem>>, vector<16xf32>,
          %mul3A_921 = arith.constant 16 : i32
          %mul3A_922 = arith.muli %scan3A_620, %mul3A_921 : i32
          %add3A_923 = arith.constant 2 : i32
          %add3A_924 = arith.addi %mul3A_922, %add3A_923 : i32
          %mul3A_925 = arith.constant 16 : i32
          %mul3A_926 = arith.muli %scan3A_887, %mul3A_925 : i32
          %get3A_927 = arith.index_cast %add3A_924 : i32 to index
          %get3A_928 = arith.index_cast %mul3A_926 : i32 to index
          %get3A_929 = tpu.vector_load %arg5[%get3A_927, %get3A_928] {strides = array<i32>} : memref<64x512xf32, #tpu.memory_space<vmem>>, vector<16xf32>,
          %mul3A_930 = arith.constant 16 : i32
          %mul3A_931 = arith.muli %scan3A_620, %mul3A_930 : i32
          %add3A_932 = arith.constant 3 : i32
          %add3A_933 = arith.addi %mul3A_931, %add3A_932 : i32
          %mul3A_934 = arith.constant 16 : i32
          %mul3A_935 = arith.muli %scan3A_887, %mul3A_934 : i32
          %get3A_936 = arith.index_cast %add3A_933 : i32 to index
          %get3A_937 = arith.index_cast %mul3A_935 : i32 to index
          %get3A_938 = tpu.vector_load %arg5[%get3A_936, %get3A_937] {strides = array<i32>} : memref<64x512xf32, #tpu.memory_space<vmem>>, vector<16xf32>,
          %mul3A_939 = arith.constant 16 : i32
          %mul3A_940 = arith.muli %scan3A_620, %mul3A_939 : i32
          %add3A_941 = arith.constant 4 : i32
          %add3A_942 = arith.addi %mul3A_940, %add3A_941 : i32
          %mul3A_943 = arith.constant 16 : i32
          %mul3A_944 = arith.muli %scan3A_887, %mul3A_943 : i32
          %get3A_945 = arith.index_cast %add3A_942 : i32 to index
          %get3A_946 = arith.index_cast %mul3A_944 : i32 to index
          %get3A_947 = tpu.vector_load %arg5[%get3A_945, %get3A_946] {strides = array<i32>} : memref<64x512xf32, #tpu.memory_space<vmem>>, vector<16xf32>,
          %mul3A_948 = arith.constant 16 : i32
          %mul3A_949 = arith.muli %scan3A_620, %mul3A_948 : i32
          %add3A_950 = arith.constant 5 : i32
          %add3A_951 = arith.addi %mul3A_949, %add3A_950 : i32
          %mul3A_952 = arith.constant 16 : i32
          %mul3A_953 = arith.muli %scan3A_887, %mul3A_952 : i32
          %get3A_954 = arith.index_cast %add3A_951 : i32 to index
          %get3A_955 = arith.index_cast %mul3A_953 : i32 to index
          %get3A_956 = tpu.vector_load %arg5[%get3A_954, %get3A_955] {strides = array<i32>} : memref<64x512xf32, #tpu.memory_space<vmem>>, vector<16xf32>,
          %mul3A_957 = arith.constant 16 : i32
          %mul3A_958 = arith.muli %scan3A_620, %mul3A_957 : i32
          %add3A_959 = arith.constant 6 : i32
          %add3A_960 = arith.addi %mul3A_958, %add3A_959 : i32
          %mul3A_961 = arith.constant 16 : i32
          %mul3A_962 = arith.muli %scan3A_887, %mul3A_961 : i32
          %get3A_963 = arith.index_cast %add3A_960 : i32 to index
          %get3A_964 = arith.index_cast %mul3A_962 : i32 to index
          %get3A_965 = tpu.vector_load %arg5[%get3A_963, %get3A_964] {strides = array<i32>} : memref<64x512xf32, #tpu.memory_space<vmem>>, vector<16xf32>,
          %mul3A_966 = arith.constant 16 : i32
          %mul3A_967 = arith.muli %scan3A_620, %mul3A_966 : i32
          %add3A_968 = arith.constant 7 : i32
          %add3A_969 = arith.addi %mul3A_967, %add3A_968 : i32
          %mul3A_970 = arith.constant 16 : i32
          %mul3A_971 = arith.muli %scan3A_887, %mul3A_970 : i32
          %get3A_972 = arith.index_cast %add3A_969 : i32 to index
          %get3A_973 = arith.index_cast %mul3A_971 : i32 to index
          %get3A_974 = tpu.vector_load %arg5[%get3A_972, %get3A_973] {strides = array<i32>} : memref<64x512xf32, #tpu.memory_space<vmem>>, vector<16xf32>,
          %mul3A_975 = arith.constant 16 : i32
          %mul3A_976 = arith.muli %scan3A_620, %mul3A_975 : i32
          %add3A_977 = arith.constant 8 : i32
          %add3A_978 = arith.addi %mul3A_976, %add3A_977 : i32
          %mul3A_979 = arith.constant 16 : i32
          %mul3A_980 = arith.muli %scan3A_887, %mul3A_979 : i32
          %get3A_981 = arith.index_cast %add3A_978 : i32 to index
          %get3A_982 = arith.index_cast %mul3A_980 : i32 to index
          %get3A_983 = tpu.vector_load %arg5[%get3A_981, %get3A_982] {strides = array<i32>} : memref<64x512xf32, #tpu.memory_space<vmem>>, vector<16xf32>,
          %mul3A_984 = arith.constant 16 : i32
          %mul3A_985 = arith.muli %scan3A_620, %mul3A_984 : i32
          %add3A_986 = arith.constant 9 : i32
          %add3A_987 = arith.addi %mul3A_985, %add3A_986 : i32
          %mul3A_988 = arith.constant 16 : i32
          %mul3A_989 = arith.muli %scan3A_887, %mul3A_988 : i32
          %get3A_990 = arith.index_cast %add3A_987 : i32 to index
          %get3A_991 = arith.index_cast %mul3A_989 : i32 to index
          %get3A_992 = tpu.vector_load %arg5[%get3A_990, %get3A_991] {strides = array<i32>} : memref<64x512xf32, #tpu.memory_space<vmem>>, vector<16xf32>,
          %mul3A_993 = arith.constant 16 : i32
          %mul3A_994 = arith.muli %scan3A_620, %mul3A_993 : i32
          %add3A_995 = arith.constant 10 : i32
          %add3A_996 = arith.addi %mul3A_994, %add3A_995 : i32
          %mul3A_997 = arith.constant 16 : i32
          %mul3A_998 = arith.muli %scan3A_887, %mul3A_997 : i32
          %get3A_999 = arith.index_cast %add3A_996 : i32 to index
          %get3A_1000 = arith.index_cast %mul3A_998 : i32 to index
          %get3A_1001 = tpu.vector_load %arg5[%get3A_999, %get3A_1000] {strides = array<i32>} : memref<64x512xf32, #tpu.memory_space<vmem>>, vector<16xf32>,
          %mul3A_1002 = arith.constant 16 : i32
          %mul3A_1003 = arith.muli %scan3A_620, %mul3A_1002 : i32
          %add3A_1004 = arith.constant 11 : i32
          %add3A_1005 = arith.addi %mul3A_1003, %add3A_1004 : i32
          %mul3A_1006 = arith.constant 16 : i32
          %mul3A_1007 = arith.muli %scan3A_887, %mul3A_1006 : i32
          %get3A_1008 = arith.index_cast %add3A_1005 : i32 to index
          %get3A_1009 = arith.index_cast %mul3A_1007 : i32 to index
          %get3A_1010 = tpu.vector_load %arg5[%get3A_1008, %get3A_1009] {strides = array<i32>} : memref<64x512xf32, #tpu.memory_space<vmem>>, vector<16xf32>,
          %mul3A_1011 = arith.constant 16 : i32
          %mul3A_1012 = arith.muli %scan3A_620, %mul3A_1011 : i32
          %add3A_1013 = arith.constant 12 : i32
          %add3A_1014 = arith.addi %mul3A_1012, %add3A_1013 : i32
          %mul3A_1015 = arith.constant 16 : i32
          %mul3A_1016 = arith.muli %scan3A_887, %mul3A_1015 : i32
          %get3A_1017 = arith.index_cast %add3A_1014 : i32 to index
          %get3A_1018 = arith.index_cast %mul3A_1016 : i32 to index
          %get3A_1019 = tpu.vector_load %arg5[%get3A_1017, %get3A_1018] {strides = array<i32>} : memref<64x512xf32, #tpu.memory_space<vmem>>, vector<16xf32>,
          %mul3A_1020 = arith.constant 16 : i32
          %mul3A_1021 = arith.muli %scan3A_620, %mul3A_1020 : i32
          %add3A_1022 = arith.constant 13 : i32
          %add3A_1023 = arith.addi %mul3A_1021, %add3A_1022 : i32
          %mul3A_1024 = arith.constant 16 : i32
          %mul3A_1025 = arith.muli %scan3A_887, %mul3A_1024 : i32
          %get3A_1026 = arith.index_cast %add3A_1023 : i32 to index
          %get3A_1027 = arith.index_cast %mul3A_1025 : i32 to index
          %get3A_1028 = tpu.vector_load %arg5[%get3A_1026, %get3A_1027] {strides = array<i32>} : memref<64x512xf32, #tpu.memory_space<vmem>>, vector<16xf32>,
          %mul3A_1029 = arith.constant 16 : i32
          %mul3A_1030 = arith.muli %scan3A_620, %mul3A_1029 : i32
          %add3A_1031 = arith.constant 14 : i32
          %add3A_1032 = arith.addi %mul3A_1030, %add3A_1031 : i32
          %mul3A_1033 = arith.constant 16 : i32
          %mul3A_1034 = arith.muli %scan3A_887, %mul3A_1033 : i32
          %get3A_1035 = arith.index_cast %add3A_1032 : i32 to index
          %get3A_1036 = arith.index_cast %mul3A_1034 : i32 to index
          %get3A_1037 = tpu.vector_load %arg5[%get3A_1035, %get3A_1036] {strides = array<i32>} : memref<64x512xf32, #tpu.memory_space<vmem>>, vector<16xf32>,
          %mul3A_1038 = arith.constant 16 : i32
          %mul3A_1039 = arith.muli %scan3A_620, %mul3A_1038 : i32
          %add3A_1040 = arith.constant 15 : i32
          %add3A_1041 = arith.addi %mul3A_1039, %add3A_1040 : i32
          %mul3A_1042 = arith.constant 16 : i32
          %mul3A_1043 = arith.muli %scan3A_887, %mul3A_1042 : i32
          %get3A_1044 = arith.index_cast %add3A_1041 : i32 to index
          %get3A_1045 = arith.index_cast %mul3A_1043 : i32 to index
          %get3A_1046 = tpu.vector_load %arg5[%get3A_1044, %get3A_1045] {strides = array<i32>} : memref<64x512xf32, #tpu.memory_space<vmem>>, vector<16xf32>,
          %max3A_1047 = arith.maximumf %scan3A_888, %get3A_911 : vector<16xf32>
          %max3A_1048 = arith.maximumf %scan3A_889, %get3A_920 : vector<16xf32>
          %max3A_1049 = arith.maximumf %scan3A_890, %get3A_929 : vector<16xf32>
          %max3A_1050 = arith.maximumf %scan3A_891, %get3A_938 : vector<16xf32>
          %max3A_1051 = arith.maximumf %scan3A_892, %get3A_947 : vector<16xf32>
          %max3A_1052 = arith.maximumf %scan3A_893, %get3A_956 : vector<16xf32>
          %max3A_1053 = arith.maximumf %scan3A_894, %get3A_965 : vector<16xf32>
          %max3A_1054 = arith.maximumf %scan3A_895, %get3A_974 : vector<16xf32>
          %max3A_1055 = arith.maximumf %scan3A_896, %get3A_983 : vector<16xf32>
          %max3A_1056 = arith.maximumf %scan3A_897, %get3A_992 : vector<16xf32>
          %max3A_1057 = arith.maximumf %scan3A_898, %get3A_1001 : vector<16xf32>
          %max3A_1058 = arith.maximumf %scan3A_899, %get3A_1010 : vector<16xf32>
          %max3A_1059 = arith.maximumf %scan3A_900, %get3A_1019 : vector<16xf32>
          %max3A_1060 = arith.maximumf %scan3A_901, %get3A_1028 : vector<16xf32>
          %max3A_1061 = arith.maximumf %scan3A_902, %get3A_1037 : vector<16xf32>
          %max3A_1062 = arith.maximumf %scan3A_903, %get3A_1046 : vector<16xf32>
          %mul3A_1063 = arith.constant 16 : i32
          %mul3A_1064 = arith.muli %scan3A_887, %mul3A_1063 : i32
          %get3A_1065 = arith.index_cast %mul3A_1064 : i32 to index
          %get3A_1066 = tpu.vector_load %arg6[%get3A_1065] {strides = array<i32>} : memref<512xf32, #tpu.memory_space<vmem>>, vector<16xf32>,
          %max3A_1067 = arith.maximumf %get3A_911, %get3A_920 : vector<16xf32>
          %max3A_1068 = arith.maximumf %get3A_929, %get3A_938 : vector<16xf32>
          %max3A_1069 = arith.maximumf %get3A_947, %get3A_956 : vector<16xf32>
          %max3A_1070 = arith.maximumf %get3A_965, %get3A_974 : vector<16xf32>
          %max3A_1071 = arith.maximumf %get3A_983, %get3A_992 : vector<16xf32>
          %max3A_1072 = arith.maximumf %get3A_1001, %get3A_1010 : vector<16xf32>
          %max3A_1073 = arith.maximumf %get3A_1019, %get3A_1028 : vector<16xf32>
          %max3A_1074 = arith.maximumf %get3A_1037, %get3A_1046 : vector<16xf32>
          %max3A_1075 = arith.maximumf %max3A_1067, %max3A_1068 : vector<16xf32>
          %max3A_1076 = arith.maximumf %max3A_1069, %max3A_1070 : vector<16xf32>
          %max3A_1077 = arith.maximumf %max3A_1071, %max3A_1072 : vector<16xf32>
          %max3A_1078 = arith.maximumf %max3A_1073, %max3A_1074 : vector<16xf32>
          %max3A_1079 = arith.maximumf %max3A_1075, %max3A_1076 : vector<16xf32>
          %max3A_1080 = arith.maximumf %max3A_1077, %max3A_1078 : vector<16xf32>
          %max3A_1081 = arith.maximumf %max3A_1079, %max3A_1080 : vector<16xf32>
          %max3A_1082 = arith.maximumf %get3A_1066, %max3A_1081 : vector<16xf32>
          %mul3A_1083 = arith.constant 16 : i32
          %mul3A_1084 = arith.muli %scan3A_887, %mul3A_1083 : i32
          %swap3A_1085 = arith.index_cast %mul3A_1084 : i32 to index
          %swap3A_1086 = tpu.vector_load %arg6[%swap3A_1085] {strides = array<i32>} : memref<512xf32, #tpu.memory_space<vmem>>, vector<16xf32>,
          tpu.vector_store %arg6[%swap3A_1085], %max3A_1082 {strides = array<i32>} : memref<512xf32, #tpu.memory_space<vmem>>, vector<16xf32>,
          scf.yield %max3A_1047, %max3A_1048, %max3A_1049, %max3A_1050, %max3A_1051, %max3A_1052, %max3A_1053, %max3A_1054, %max3A_1055, %max3A_1056, %max3A_1057, %max3A_1058, %max3A_1059, %max3A_1060, %max3A_1061, %max3A_1062 : vector<16xf32>, vector<16xf32>, vector<16xf32>, vector<16xf32>, vector<16xf32>, vector<16xf32>, vector<16xf32>, vector<16xf32>, vector<16xf32>, vector<16xf32>, vector<16xf32>, vector<16xf32>, vector<16xf32>, vector<16xf32>, vector<16xf32>, vector<16xf32>
        }
        %scan3A_660 = arith.constant 32 : i32
        %mul3A_661 = arith.constant 64 : i32
        %mul3A_662 = arith.muli %rem3A_414, %mul3A_661 : i32
        %mul3A_663 = arith.constant 16 : i32
        %mul3A_664 = arith.muli %scan3A_620, %mul3A_663 : i32
        %add3A_665 = arith.addi %mul3A_662, %mul3A_664 : i32
        %ge3A_666 = arith.constant 5.000000e-01 : f32
        %ge3A_667 = vector.broadcast %ge3A_666 : f32 to vector<16xf32>
        %ge3A_668 = arith.cmpf oge, %scan3A_659#0, %ge3A_667 : vector<16xf32>
        %all_reduce_population_count3A = tpu.all_reduce %ge3A_668 {dim = 0 : i64, kind = #tpu.reduction_kind<sum>} : vector<16xi1> -> vector<16xi32>
        %gt3A = arith.constant 0 : i32
        %gt3A_669 = vector.broadcast %gt3A : i32 to vector<16xi32>
        %gt3A_670 = arith.cmpi sgt, %all_reduce_population_count3A, %gt3A_669 : vector<16xi32>
        %add3A_671 = arith.constant 0 : i32
        %add3A_672 = arith.addi %add3A_665, %add3A_671 : i32
        %broadcast_in_dim3A_673 = vector.broadcast %add3A_672 : i32 to vector<16xi32>
        %min3A_674 = arith.minsi %scan3A_621, %broadcast_in_dim3A_673 : vector<16xi32>
        %select_n3A_675 = arith.select %gt3A_670, %min3A_674, %scan3A_621 : vector<16xi1>, vector<16xi32>
        %max3A = arith.maxsi %scan3A_622, %broadcast_in_dim3A_673 : vector<16xi32>
        %select_n3A_676 = arith.select %gt3A_670, %max3A, %scan3A_622 : vector<16xi1>, vector<16xi32>
        %ge3A_677 = arith.constant 5.000000e-01 : f32
        %ge3A_678 = vector.broadcast %ge3A_677 : f32 to vector<16xf32>
        %ge3A_679 = arith.cmpf oge, %scan3A_659#1, %ge3A_678 : vector<16xf32>
        %all_reduce_population_count3A_680 = tpu.all_reduce %ge3A_679 {dim = 0 : i64, kind = #tpu.reduction_kind<sum>} : vector<16xi1> -> vector<16xi32>
        %gt3A_681 = arith.constant 0 : i32
        %gt3A_682 = vector.broadcast %gt3A_681 : i32 to vector<16xi32>
        %gt3A_683 = arith.cmpi sgt, %all_reduce_population_count3A_680, %gt3A_682 : vector<16xi32>
        %add3A_684 = arith.constant 1 : i32
        %add3A_685 = arith.addi %add3A_665, %add3A_684 : i32
        %broadcast_in_dim3A_686 = vector.broadcast %add3A_685 : i32 to vector<16xi32>
        %min3A_687 = arith.minsi %select_n3A_675, %broadcast_in_dim3A_686 : vector<16xi32>
        %select_n3A_688 = arith.select %gt3A_683, %min3A_687, %select_n3A_675 : vector<16xi1>, vector<16xi32>
        %max3A_689 = arith.maxsi %select_n3A_676, %broadcast_in_dim3A_686 : vector<16xi32>
        %select_n3A_690 = arith.select %gt3A_683, %max3A_689, %select_n3A_676 : vector<16xi1>, vector<16xi32>
        %ge3A_691 = arith.constant 5.000000e-01 : f32
        %ge3A_692 = vector.broadcast %ge3A_691 : f32 to vector<16xf32>
        %ge3A_693 = arith.cmpf oge, %scan3A_659#2, %ge3A_692 : vector<16xf32>
        %all_reduce_population_count3A_694 = tpu.all_reduce %ge3A_693 {dim = 0 : i64, kind = #tpu.reduction_kind<sum>} : vector<16xi1> -> vector<16xi32>
        %gt3A_695 = arith.constant 0 : i32
        %gt3A_696 = vector.broadcast %gt3A_695 : i32 to vector<16xi32>
        %gt3A_697 = arith.cmpi sgt, %all_reduce_population_count3A_694, %gt3A_696 : vector<16xi32>
        %add3A_698 = arith.constant 2 : i32
        %add3A_699 = arith.addi %add3A_665, %add3A_698 : i32
        %broadcast_in_dim3A_700 = vector.broadcast %add3A_699 : i32 to vector<16xi32>
        %min3A_701 = arith.minsi %select_n3A_688, %broadcast_in_dim3A_700 : vector<16xi32>
        %select_n3A_702 = arith.select %gt3A_697, %min3A_701, %select_n3A_688 : vector<16xi1>, vector<16xi32>
        %max3A_703 = arith.maxsi %select_n3A_690, %broadcast_in_dim3A_700 : vector<16xi32>
        %select_n3A_704 = arith.select %gt3A_697, %max3A_703, %select_n3A_690 : vector<16xi1>, vector<16xi32>
        %ge3A_705 = arith.constant 5.000000e-01 : f32
        %ge3A_706 = vector.broadcast %ge3A_705 : f32 to vector<16xf32>
        %ge3A_707 = arith.cmpf oge, %scan3A_659#3, %ge3A_706 : vector<16xf32>
        %all_reduce_population_count3A_708 = tpu.all_reduce %ge3A_707 {dim = 0 : i64, kind = #tpu.reduction_kind<sum>} : vector<16xi1> -> vector<16xi32>
        %gt3A_709 = arith.constant 0 : i32
        %gt3A_710 = vector.broadcast %gt3A_709 : i32 to vector<16xi32>
        %gt3A_711 = arith.cmpi sgt, %all_reduce_population_count3A_708, %gt3A_710 : vector<16xi32>
        %add3A_712 = arith.constant 3 : i32
        %add3A_713 = arith.addi %add3A_665, %add3A_712 : i32
        %broadcast_in_dim3A_714 = vector.broadcast %add3A_713 : i32 to vector<16xi32>
        %min3A_715 = arith.minsi %select_n3A_702, %broadcast_in_dim3A_714 : vector<16xi32>
        %select_n3A_716 = arith.select %gt3A_711, %min3A_715, %select_n3A_702 : vector<16xi1>, vector<16xi32>
        %max3A_717 = arith.maxsi %select_n3A_704, %broadcast_in_dim3A_714 : vector<16xi32>
        %select_n3A_718 = arith.select %gt3A_711, %max3A_717, %select_n3A_704 : vector<16xi1>, vector<16xi32>
        %ge3A_719 = arith.constant 5.000000e-01 : f32
        %ge3A_720 = vector.broadcast %ge3A_719 : f32 to vector<16xf32>
        %ge3A_721 = arith.cmpf oge, %scan3A_659#4, %ge3A_720 : vector<16xf32>
        %all_reduce_population_count3A_722 = tpu.all_reduce %ge3A_721 {dim = 0 : i64, kind = #tpu.reduction_kind<sum>} : vector<16xi1> -> vector<16xi32>
        %gt3A_723 = arith.constant 0 : i32
        %gt3A_724 = vector.broadcast %gt3A_723 : i32 to vector<16xi32>
        %gt3A_725 = arith.cmpi sgt, %all_reduce_population_count3A_722, %gt3A_724 : vector<16xi32>
        %add3A_726 = arith.constant 4 : i32
        %add3A_727 = arith.addi %add3A_665, %add3A_726 : i32
        %broadcast_in_dim3A_728 = vector.broadcast %add3A_727 : i32 to vector<16xi32>
        %min3A_729 = arith.minsi %select_n3A_716, %broadcast_in_dim3A_728 : vector<16xi32>
        %select_n3A_730 = arith.select %gt3A_725, %min3A_729, %select_n3A_716 : vector<16xi1>, vector<16xi32>
        %max3A_731 = arith.maxsi %select_n3A_718, %broadcast_in_dim3A_728 : vector<16xi32>
        %select_n3A_732 = arith.select %gt3A_725, %max3A_731, %select_n3A_718 : vector<16xi1>, vector<16xi32>
        %ge3A_733 = arith.constant 5.000000e-01 : f32
        %ge3A_734 = vector.broadcast %ge3A_733 : f32 to vector<16xf32>
        %ge3A_735 = arith.cmpf oge, %scan3A_659#5, %ge3A_734 : vector<16xf32>
        %all_reduce_population_count3A_736 = tpu.all_reduce %ge3A_735 {dim = 0 : i64, kind = #tpu.reduction_kind<sum>} : vector<16xi1> -> vector<16xi32>
        %gt3A_737 = arith.constant 0 : i32
        %gt3A_738 = vector.broadcast %gt3A_737 : i32 to vector<16xi32>
        %gt3A_739 = arith.cmpi sgt, %all_reduce_population_count3A_736, %gt3A_738 : vector<16xi32>
        %add3A_740 = arith.constant 5 : i32
        %add3A_741 = arith.addi %add3A_665, %add3A_740 : i32
        %broadcast_in_dim3A_742 = vector.broadcast %add3A_741 : i32 to vector<16xi32>
        %min3A_743 = arith.minsi %select_n3A_730, %broadcast_in_dim3A_742 : vector<16xi32>
        %select_n3A_744 = arith.select %gt3A_739, %min3A_743, %select_n3A_730 : vector<16xi1>, vector<16xi32>
        %max3A_745 = arith.maxsi %select_n3A_732, %broadcast_in_dim3A_742 : vector<16xi32>
        %select_n3A_746 = arith.select %gt3A_739, %max3A_745, %select_n3A_732 : vector<16xi1>, vector<16xi32>
        %ge3A_747 = arith.constant 5.000000e-01 : f32
        %ge3A_748 = vector.broadcast %ge3A_747 : f32 to vector<16xf32>
        %ge3A_749 = arith.cmpf oge, %scan3A_659#6, %ge3A_748 : vector<16xf32>
        %all_reduce_population_count3A_750 = tpu.all_reduce %ge3A_749 {dim = 0 : i64, kind = #tpu.reduction_kind<sum>} : vector<16xi1> -> vector<16xi32>
        %gt3A_751 = arith.constant 0 : i32
        %gt3A_752 = vector.broadcast %gt3A_751 : i32 to vector<16xi32>
        %gt3A_753 = arith.cmpi sgt, %all_reduce_population_count3A_750, %gt3A_752 : vector<16xi32>
        %add3A_754 = arith.constant 6 : i32
        %add3A_755 = arith.addi %add3A_665, %add3A_754 : i32
        %broadcast_in_dim3A_756 = vector.broadcast %add3A_755 : i32 to vector<16xi32>
        %min3A_757 = arith.minsi %select_n3A_744, %broadcast_in_dim3A_756 : vector<16xi32>
        %select_n3A_758 = arith.select %gt3A_753, %min3A_757, %select_n3A_744 : vector<16xi1>, vector<16xi32>
        %max3A_759 = arith.maxsi %select_n3A_746, %broadcast_in_dim3A_756 : vector<16xi32>
        %select_n3A_760 = arith.select %gt3A_753, %max3A_759, %select_n3A_746 : vector<16xi1>, vector<16xi32>
        %ge3A_761 = arith.constant 5.000000e-01 : f32
        %ge3A_762 = vector.broadcast %ge3A_761 : f32 to vector<16xf32>
        %ge3A_763 = arith.cmpf oge, %scan3A_659#7, %ge3A_762 : vector<16xf32>
        %all_reduce_population_count3A_764 = tpu.all_reduce %ge3A_763 {dim = 0 : i64, kind = #tpu.reduction_kind<sum>} : vector<16xi1> -> vector<16xi32>
        %gt3A_765 = arith.constant 0 : i32
        %gt3A_766 = vector.broadcast %gt3A_765 : i32 to vector<16xi32>
        %gt3A_767 = arith.cmpi sgt, %all_reduce_population_count3A_764, %gt3A_766 : vector<16xi32>
        %add3A_768 = arith.constant 7 : i32
        %add3A_769 = arith.addi %add3A_665, %add3A_768 : i32
        %broadcast_in_dim3A_770 = vector.broadcast %add3A_769 : i32 to vector<16xi32>
        %min3A_771 = arith.minsi %select_n3A_758, %broadcast_in_dim3A_770 : vector<16xi32>
        %select_n3A_772 = arith.select %gt3A_767, %min3A_771, %select_n3A_758 : vector<16xi1>, vector<16xi32>
        %max3A_773 = arith.maxsi %select_n3A_760, %broadcast_in_dim3A_770 : vector<16xi32>
        %select_n3A_774 = arith.select %gt3A_767, %max3A_773, %select_n3A_760 : vector<16xi1>, vector<16xi32>
        %ge3A_775 = arith.constant 5.000000e-01 : f32
        %ge3A_776 = vector.broadcast %ge3A_775 : f32 to vector<16xf32>
        %ge3A_777 = arith.cmpf oge, %scan3A_659#8, %ge3A_776 : vector<16xf32>
        %all_reduce_population_count3A_778 = tpu.all_reduce %ge3A_777 {dim = 0 : i64, kind = #tpu.reduction_kind<sum>} : vector<16xi1> -> vector<16xi32>
        %gt3A_779 = arith.constant 0 : i32
        %gt3A_780 = vector.broadcast %gt3A_779 : i32 to vector<16xi32>
        %gt3A_781 = arith.cmpi sgt, %all_reduce_population_count3A_778, %gt3A_780 : vector<16xi32>
        %add3A_782 = arith.constant 8 : i32
        %add3A_783 = arith.addi %add3A_665, %add3A_782 : i32
        %broadcast_in_dim3A_784 = vector.broadcast %add3A_783 : i32 to vector<16xi32>
        %min3A_785 = arith.minsi %select_n3A_772, %broadcast_in_dim3A_784 : vector<16xi32>
        %select_n3A_786 = arith.select %gt3A_781, %min3A_785, %select_n3A_772 : vector<16xi1>, vector<16xi32>
        %max3A_787 = arith.maxsi %select_n3A_774, %broadcast_in_dim3A_784 : vector<16xi32>
        %select_n3A_788 = arith.select %gt3A_781, %max3A_787, %select_n3A_774 : vector<16xi1>, vector<16xi32>
        %ge3A_789 = arith.constant 5.000000e-01 : f32
        %ge3A_790 = vector.broadcast %ge3A_789 : f32 to vector<16xf32>
        %ge3A_791 = arith.cmpf oge, %scan3A_659#9, %ge3A_790 : vector<16xf32>
        %all_reduce_population_count3A_792 = tpu.all_reduce %ge3A_791 {dim = 0 : i64, kind = #tpu.reduction_kind<sum>} : vector<16xi1> -> vector<16xi32>
        %gt3A_793 = arith.constant 0 : i32
        %gt3A_794 = vector.broadcast %gt3A_793 : i32 to vector<16xi32>
        %gt3A_795 = arith.cmpi sgt, %all_reduce_population_count3A_792, %gt3A_794 : vector<16xi32>
        %add3A_796 = arith.constant 9 : i32
        %add3A_797 = arith.addi %add3A_665, %add3A_796 : i32
        %broadcast_in_dim3A_798 = vector.broadcast %add3A_797 : i32 to vector<16xi32>
        %min3A_799 = arith.minsi %select_n3A_786, %broadcast_in_dim3A_798 : vector<16xi32>
        %select_n3A_800 = arith.select %gt3A_795, %min3A_799, %select_n3A_786 : vector<16xi1>, vector<16xi32>
        %max3A_801 = arith.maxsi %select_n3A_788, %broadcast_in_dim3A_798 : vector<16xi32>
        %select_n3A_802 = arith.select %gt3A_795, %max3A_801, %select_n3A_788 : vector<16xi1>, vector<16xi32>
        %ge3A_803 = arith.constant 5.000000e-01 : f32
        %ge3A_804 = vector.broadcast %ge3A_803 : f32 to vector<16xf32>
        %ge3A_805 = arith.cmpf oge, %scan3A_659#10, %ge3A_804 : vector<16xf32>
        %all_reduce_population_count3A_806 = tpu.all_reduce %ge3A_805 {dim = 0 : i64, kind = #tpu.reduction_kind<sum>} : vector<16xi1> -> vector<16xi32>
        %gt3A_807 = arith.constant 0 : i32
        %gt3A_808 = vector.broadcast %gt3A_807 : i32 to vector<16xi32>
        %gt3A_809 = arith.cmpi sgt, %all_reduce_population_count3A_806, %gt3A_808 : vector<16xi32>
        %add3A_810 = arith.constant 10 : i32
        %add3A_811 = arith.addi %add3A_665, %add3A_810 : i32
        %broadcast_in_dim3A_812 = vector.broadcast %add3A_811 : i32 to vector<16xi32>
        %min3A_813 = arith.minsi %select_n3A_800, %broadcast_in_dim3A_812 : vector<16xi32>
        %select_n3A_814 = arith.select %gt3A_809, %min3A_813, %select_n3A_800 : vector<16xi1>, vector<16xi32>
        %max3A_815 = arith.maxsi %select_n3A_802, %broadcast_in_dim3A_812 : vector<16xi32>
        %select_n3A_816 = arith.select %gt3A_809, %max3A_815, %select_n3A_802 : vector<16xi1>, vector<16xi32>
        %ge3A_817 = arith.constant 5.000000e-01 : f32
        %ge3A_818 = vector.broadcast %ge3A_817 : f32 to vector<16xf32>
        %ge3A_819 = arith.cmpf oge, %scan3A_659#11, %ge3A_818 : vector<16xf32>
        %all_reduce_population_count3A_820 = tpu.all_reduce %ge3A_819 {dim = 0 : i64, kind = #tpu.reduction_kind<sum>} : vector<16xi1> -> vector<16xi32>
        %gt3A_821 = arith.constant 0 : i32
        %gt3A_822 = vector.broadcast %gt3A_821 : i32 to vector<16xi32>
        %gt3A_823 = arith.cmpi sgt, %all_reduce_population_count3A_820, %gt3A_822 : vector<16xi32>
        %add3A_824 = arith.constant 11 : i32
        %add3A_825 = arith.addi %add3A_665, %add3A_824 : i32
        %broadcast_in_dim3A_826 = vector.broadcast %add3A_825 : i32 to vector<16xi32>
        %min3A_827 = arith.minsi %select_n3A_814, %broadcast_in_dim3A_826 : vector<16xi32>
        %select_n3A_828 = arith.select %gt3A_823, %min3A_827, %select_n3A_814 : vector<16xi1>, vector<16xi32>
        %max3A_829 = arith.maxsi %select_n3A_816, %broadcast_in_dim3A_826 : vector<16xi32>
        %select_n3A_830 = arith.select %gt3A_823, %max3A_829, %select_n3A_816 : vector<16xi1>, vector<16xi32>
        %ge3A_831 = arith.constant 5.000000e-01 : f32
        %ge3A_832 = vector.broadcast %ge3A_831 : f32 to vector<16xf32>
        %ge3A_833 = arith.cmpf oge, %scan3A_659#12, %ge3A_832 : vector<16xf32>
        %all_reduce_population_count3A_834 = tpu.all_reduce %ge3A_833 {dim = 0 : i64, kind = #tpu.reduction_kind<sum>} : vector<16xi1> -> vector<16xi32>
        %gt3A_835 = arith.constant 0 : i32
        %gt3A_836 = vector.broadcast %gt3A_835 : i32 to vector<16xi32>
        %gt3A_837 = arith.cmpi sgt, %all_reduce_population_count3A_834, %gt3A_836 : vector<16xi32>
        %add3A_838 = arith.constant 12 : i32
        %add3A_839 = arith.addi %add3A_665, %add3A_838 : i32
        %broadcast_in_dim3A_840 = vector.broadcast %add3A_839 : i32 to vector<16xi32>
        %min3A_841 = arith.minsi %select_n3A_828, %broadcast_in_dim3A_840 : vector<16xi32>
        %select_n3A_842 = arith.select %gt3A_837, %min3A_841, %select_n3A_828 : vector<16xi1>, vector<16xi32>
        %max3A_843 = arith.maxsi %select_n3A_830, %broadcast_in_dim3A_840 : vector<16xi32>
        %select_n3A_844 = arith.select %gt3A_837, %max3A_843, %select_n3A_830 : vector<16xi1>, vector<16xi32>
        %ge3A_845 = arith.constant 5.000000e-01 : f32
        %ge3A_846 = vector.broadcast %ge3A_845 : f32 to vector<16xf32>
        %ge3A_847 = arith.cmpf oge, %scan3A_659#13, %ge3A_846 : vector<16xf32>
        %all_reduce_population_count3A_848 = tpu.all_reduce %ge3A_847 {dim = 0 : i64, kind = #tpu.reduction_kind<sum>} : vector<16xi1> -> vector<16xi32>
        %gt3A_849 = arith.constant 0 : i32
        %gt3A_850 = vector.broadcast %gt3A_849 : i32 to vector<16xi32>
        %gt3A_851 = arith.cmpi sgt, %all_reduce_population_count3A_848, %gt3A_850 : vector<16xi32>
        %add3A_852 = arith.constant 13 : i32
        %add3A_853 = arith.addi %add3A_665, %add3A_852 : i32
        %broadcast_in_dim3A_854 = vector.broadcast %add3A_853 : i32 to vector<16xi32>
        %min3A_855 = arith.minsi %select_n3A_842, %broadcast_in_dim3A_854 : vector<16xi32>
        %select_n3A_856 = arith.select %gt3A_851, %min3A_855, %select_n3A_842 : vector<16xi1>, vector<16xi32>
        %max3A_857 = arith.maxsi %select_n3A_844, %broadcast_in_dim3A_854 : vector<16xi32>
        %select_n3A_858 = arith.select %gt3A_851, %max3A_857, %select_n3A_844 : vector<16xi1>, vector<16xi32>
        %ge3A_859 = arith.constant 5.000000e-01 : f32
        %ge3A_860 = vector.broadcast %ge3A_859 : f32 to vector<16xf32>
        %ge3A_861 = arith.cmpf oge, %scan3A_659#14, %ge3A_860 : vector<16xf32>
        %all_reduce_population_count3A_862 = tpu.all_reduce %ge3A_861 {dim = 0 : i64, kind = #tpu.reduction_kind<sum>} : vector<16xi1> -> vector<16xi32>
        %gt3A_863 = arith.constant 0 : i32
        %gt3A_864 = vector.broadcast %gt3A_863 : i32 to vector<16xi32>
        %gt3A_865 = arith.cmpi sgt, %all_reduce_population_count3A_862, %gt3A_864 : vector<16xi32>
        %add3A_866 = arith.constant 14 : i32
        %add3A_867 = arith.addi %add3A_665, %add3A_866 : i32
        %broadcast_in_dim3A_868 = vector.broadcast %add3A_867 : i32 to vector<16xi32>
        %min3A_869 = arith.minsi %select_n3A_856, %broadcast_in_dim3A_868 : vector<16xi32>
        %select_n3A_870 = arith.select %gt3A_865, %min3A_869, %select_n3A_856 : vector<16xi1>, vector<16xi32>
        %max3A_871 = arith.maxsi %select_n3A_858, %broadcast_in_dim3A_868 : vector<16xi32>
        %select_n3A_872 = arith.select %gt3A_865, %max3A_871, %select_n3A_858 : vector<16xi1>, vector<16xi32>
        %ge3A_873 = arith.constant 5.000000e-01 : f32
        %ge3A_874 = vector.broadcast %ge3A_873 : f32 to vector<16xf32>
        %ge3A_875 = arith.cmpf oge, %scan3A_659#15, %ge3A_874 : vector<16xf32>
        %all_reduce_population_count3A_876 = tpu.all_reduce %ge3A_875 {dim = 0 : i64, kind = #tpu.reduction_kind<sum>} : vector<16xi1> -> vector<16xi32>
        %gt3A_877 = arith.constant 0 : i32
        %gt3A_878 = vector.broadcast %gt3A_877 : i32 to vector<16xi32>
        %gt3A_879 = arith.cmpi sgt, %all_reduce_population_count3A_876, %gt3A_878 : vector<16xi32>
        %add3A_880 = arith.constant 15 : i32
        %add3A_881 = arith.addi %add3A_665, %add3A_880 : i32
        %broadcast_in_dim3A_882 = vector.broadcast %add3A_881 : i32 to vector<16xi32>
        %min3A_883 = arith.minsi %select_n3A_870, %broadcast_in_dim3A_882 : vector<16xi32>
        %select_n3A_884 = arith.select %gt3A_879, %min3A_883, %select_n3A_870 : vector<16xi1>, vector<16xi32>
        %max3A_885 = arith.maxsi %select_n3A_872, %broadcast_in_dim3A_882 : vector<16xi32>
        %select_n3A_886 = arith.select %gt3A_879, %max3A_885, %select_n3A_872 : vector<16xi1>, vector<16xi32>
        scf.yield %select_n3A_884, %select_n3A_886 : vector<16xi32>, vector<16xi32>
      }
      %scan3A_463 = arith.constant 4 : i32
      %eq3A_464 = arith.constant 7 : i32
      %eq3A_465 = arith.cmpi eq, %rem3A_414, %eq3A_464 : i32
      %broadcast_in_dim3A_466 = arith.constant 512 : i32
      %broadcast_in_dim3A_467 = vector.broadcast %broadcast_in_dim3A_466 : i32 to vector<16xi32>
      %broadcast_in_dim3A_468 = arith.constant -1 : i32
      %broadcast_in_dim3A_469 = vector.broadcast %broadcast_in_dim3A_468 : i32 to vector<16xi32>
      %scan3A_470 = arith.constant 0 : i32
      %scan3A_471 = arith.constant 32 : i32
      %scan3A_472 = arith.addi %scan3A_470, %scan3A_471 : i32
      %scan3A_473 = arith.constant 1 : i32
      %scan3A_474:2 = scf.for %scan3A_620 = %scan3A_470 to %scan3A_472 step %scan3A_473 iter_args(%scan3A_621 = %broadcast_in_dim3A_467, %scan3A_622 = %broadcast_in_dim3A_469) -> (vector<16xi32>, vector<16xi32>)  : i32 {
        %mul3A_623 = arith.constant 16 : i32
        %mul3A_624 = arith.muli %scan3A_620, %mul3A_623 : i32
        %get3A = arith.index_cast %mul3A_624 : i32 to index
        %get3A_625 = tpu.vector_load %arg6[%get3A] {strides = array<i32>} : memref<512xf32, #tpu.memory_space<vmem>>, vector<16xf32>,
        %ge3A_626 = arith.constant 5.000000e-01 : f32
        %ge3A_627 = vector.broadcast %ge3A_626 : f32 to vector<16xf32>
        %ge3A_628 = arith.cmpf oge, %get3A_625, %ge3A_627 : vector<16xf32>
        %all_reduce_population_count3A = tpu.all_reduce %ge3A_628 {dim = 0 : i64, kind = #tpu.reduction_kind<sum>} : vector<16xi1> -> vector<16xi32>
        %gt3A = arith.constant 0 : i32
        %gt3A_629 = vector.broadcast %gt3A : i32 to vector<16xi32>
        %gt3A_630 = arith.cmpi sgt, %all_reduce_population_count3A, %gt3A_629 : vector<16xi32>
        %all_reduce_ffs3A = tpu.all_reduce %ge3A_628 {dim = 0 : i64, kind = #tpu.reduction_kind<find_first_set>} : vector<16xi1> -> vector<16xi32>
        %rev3A = arith.constant 15 : i32
        %rev3A_631 = vector.broadcast %rev3A : i32 to vector<16xi32>
        %rev3A_632 = tpu.iota {dimensions = array<i32: 0>} : vector<16xi32>
        %rev3A_633 = arith.subi %rev3A_631, %rev3A_632 : vector<16xi32>
        %rev3A_634 = tpu.dynamic_gather %get3A_625[%rev3A_633] in [0] : vector<16xf32>, vector<16xi32> -> vector<16xf32>
        %ge3A_635 = arith.constant 5.000000e-01 : f32
        %ge3A_636 = vector.broadcast %ge3A_635 : f32 to vector<16xf32>
        %ge3A_637 = arith.cmpf oge, %rev3A_634, %ge3A_636 : vector<16xf32>
        %all_reduce_ffs3A_638 = tpu.all_reduce %ge3A_637 {dim = 0 : i64, kind = #tpu.reduction_kind<find_first_set>} : vector<16xi1> -> vector<16xi32>
        %sub3A_639 = arith.constant 15 : i32
        %sub3A_640 = vector.broadcast %sub3A_639 : i32 to vector<16xi32>
        %sub3A_641 = arith.subi %sub3A_640, %all_reduce_ffs3A_638 : vector<16xi32>
        %mul3A_642 = arith.constant 16 : i32
        %mul3A_643 = arith.muli %scan3A_620, %mul3A_642 : i32
        %add3A_644 = vector.broadcast %mul3A_643 : i32 to vector<16xi32>
        %add3A_645 = arith.addi %add3A_644, %all_reduce_ffs3A : vector<16xi32>
        %min3A_646 = arith.minsi %scan3A_621, %add3A_645 : vector<16xi32>
        %select_n3A_647 = arith.select %gt3A_630, %min3A_646, %scan3A_621 : vector<16xi1>, vector<16xi32>
        %mul3A_648 = arith.constant 16 : i32
        %mul3A_649 = arith.muli %scan3A_620, %mul3A_648 : i32
        %add3A_650 = vector.broadcast %mul3A_649 : i32 to vector<16xi32>
        %add3A_651 = arith.addi %add3A_650, %sub3A_641 : vector<16xi32>
        %max3A = arith.maxsi %scan3A_622, %add3A_651 : vector<16xi32>
        %select_n3A_652 = arith.select %gt3A_630, %max3A, %scan3A_622 : vector<16xi1>, vector<16xi32>
        scf.yield %select_n3A_647, %select_n3A_652 : vector<16xi32>, vector<16xi32>
      }
      %scan3A_475 = arith.constant 32 : i32
      %ge3A = arith.constant 0 : i32
      %ge3A_476 = vector.broadcast %ge3A : i32 to vector<16xi32>
      %ge3A_477 = arith.cmpi sge, %scan3A_474#1, %ge3A_476 : vector<16xi32>
      %ge3A_478 = arith.constant 0 : i32
      %ge3A_479 = vector.broadcast %ge3A_478 : i32 to vector<16xi32>
      %ge3A_480 = arith.cmpi sge, %scan3A_462#1, %ge3A_479 : vector<16xi32>
      %jit3A = arith.constant 0 : i32
      %broadcast_in_dim3A_481 = vector.broadcast %jit3A : i32 to vector<16xi32>
      %select_n3A_482 = arith.select %ge3A_480, %scan3A_462#0, %broadcast_in_dim3A_481 : vector<16xi1>, vector<16xi32>
      %jit3A_483 = arith.constant 0 : i32
      %broadcast_in_dim3A_484 = vector.broadcast %jit3A_483 : i32 to vector<16xi32>
      %select_n3A_485 = arith.select %ge3A_477, %scan3A_474#0, %broadcast_in_dim3A_484 : vector<16xi1>, vector<16xi32>
      %add3A_486 = arith.constant 1 : i32
      %add3A_487 = vector.broadcast %add3A_486 : i32 to vector<16xi32>
      %add3A_488 = arith.addi %scan3A_462#1, %add3A_487 : vector<16xi32>
      %jit3A_489 = arith.constant 512 : i32
      %broadcast_in_dim3A_490 = vector.broadcast %jit3A_489 : i32 to vector<16xi32>
      %select_n3A_491 = arith.select %ge3A_480, %add3A_488, %broadcast_in_dim3A_490 : vector<16xi1>, vector<16xi32>
      %add3A_492 = arith.constant 1 : i32
      %add3A_493 = vector.broadcast %add3A_492 : i32 to vector<16xi32>
      %add3A_494 = arith.addi %scan3A_474#1, %add3A_493 : vector<16xi32>
      %jit3A_495 = arith.constant 512 : i32
      %broadcast_in_dim3A_496 = vector.broadcast %jit3A_495 : i32 to vector<16xi32>
      %select_n3A_497 = arith.select %ge3A_477, %add3A_494, %broadcast_in_dim3A_496 : vector<16xi1>, vector<16xi32>
      %mul3A_498 = arith.constant 2 : i32
      %mul3A_499 = arith.muli %mul3A_498, %scan3A_396 : i32
      %add3A_500 = arith.constant 1 : i32
      %add3A_501 = arith.addi %mul3A_499, %add3A_500 : i32
      %jit3A_502 = arith.constant 8 : i32
      %div3A = arith.divsi %add3A_501, %jit3A_502 : i32
      %sign3A = arith.constant 0 : i32
      %sign3A_503 = arith.cmpi sgt, %add3A_501, %sign3A : i32
      %sign3A_504 = arith.extui %sign3A_503 : i1 to i32
      %sign3A_505 = arith.constant 0 : i32
      %sign3A_506 = arith.cmpi slt, %add3A_501, %sign3A_505 : i32
      %sign3A_507 = arith.extui %sign3A_506 : i1 to i32
      %sign3A_508 = arith.subi %sign3A_504, %sign3A_507 : i32
      %sign3A_509 = arith.constant 0 : i32
      %sign3A_510 = arith.cmpi sgt, %jit3A_502, %sign3A_509 : i32
      %sign3A_511 = arith.extui %sign3A_510 : i1 to i32
      %sign3A_512 = arith.constant 0 : i32
      %sign3A_513 = arith.cmpi slt, %jit3A_502, %sign3A_512 : i32
      %sign3A_514 = arith.extui %sign3A_513 : i1 to i32
      %sign3A_515 = arith.subi %sign3A_511, %sign3A_514 : i32
      %ne3A = arith.cmpi ne, %sign3A_508, %sign3A_515 : i32
      %rem3A_516 = arith.remsi %add3A_501, %jit3A_502 : i32
      %ne3A_517 = arith.constant 0 : i32
      %ne3A_518 = arith.cmpi ne, %rem3A_516, %ne3A_517 : i32
      %and3A = arith.andi %ne3A, %ne3A_518 : i1
      %sub3A = arith.constant 1 : i32
      %sub3A_519 = arith.subi %div3A, %sub3A : i32
      %select_n3A_520 = arith.select %and3A, %sub3A_519, %div3A : i32
      %jit3A_521 = arith.constant 4 : i32
      %div3A_522 = arith.divsi %select_n3A_520, %jit3A_521 : i32
      %sign3A_523 = arith.constant 0 : i32
      %sign3A_524 = arith.cmpi sgt, %select_n3A_520, %sign3A_523 : i32
      %sign3A_525 = arith.extui %sign3A_524 : i1 to i32
      %sign3A_526 = arith.constant 0 : i32
      %sign3A_527 = arith.cmpi slt, %select_n3A_520, %sign3A_526 : i32
      %sign3A_528 = arith.extui %sign3A_527 : i1 to i32
      %sign3A_529 = arith.subi %sign3A_525, %sign3A_528 : i32
      %sign3A_530 = arith.constant 0 : i32
      %sign3A_531 = arith.cmpi sgt, %jit3A_521, %sign3A_530 : i32
      %sign3A_532 = arith.extui %sign3A_531 : i1 to i32
      %sign3A_533 = arith.constant 0 : i32
      %sign3A_534 = arith.cmpi slt, %jit3A_521, %sign3A_533 : i32
      %sign3A_535 = arith.extui %sign3A_534 : i1 to i32
      %sign3A_536 = arith.subi %sign3A_532, %sign3A_535 : i32
      %ne3A_537 = arith.cmpi ne, %sign3A_529, %sign3A_536 : i32
      %rem3A_538 = arith.remsi %select_n3A_520, %jit3A_521 : i32
      %ne3A_539 = arith.constant 0 : i32
      %ne3A_540 = arith.cmpi ne, %rem3A_538, %ne3A_539 : i32
      %and3A_541 = arith.andi %ne3A_537, %ne3A_540 : i1
      %sub3A_542 = arith.constant 1 : i32
      %sub3A_543 = arith.subi %div3A_522, %sub3A_542 : i32
      %select_n3A_544 = arith.select %and3A_541, %sub3A_543, %div3A_522 : i32
      %rem3A_545 = arith.constant 4 : i32
      %rem3A_546 = arith.remsi %select_n3A_520, %rem3A_545 : i32
      %mul3A_547 = arith.constant 4 : i32
      %mul3A_548 = arith.muli %rem3A_546, %mul3A_547 : i32
      %add3A_549 = arith.constant 0 : i32
      %add3A_550 = arith.addi %mul3A_548, %add3A_549 : i32
      %eq3A_551 = vector.broadcast %add3A_550 : i32 to vector<16xi32>
      %eq3A_552 = arith.cmpi eq, %iota3A, %eq3A_551 : vector<16xi32>
      %and3A_553 = vector.broadcast %eq3A_465 : i1 to vector<16xi1>
      %and3A_554 = arith.andi %and3A_553, %eq3A_552 : vector<16xi1>
      %eq3A_555 = arith.constant 0 : i32
      %eq3A_556 = arith.cmpi eq, %select_n3A_544, %eq3A_555 : i32
      %and3A_557 = vector.broadcast %eq3A_556 : i1 to vector<16xi1>
      %and3A_558 = arith.andi %and3A_554, %and3A_557 : vector<16xi1>
      %select_n3A_559 = arith.select %and3A_558, %select_n3A_482, %scan3A_399 : vector<16xi1>, vector<16xi32>
      %eq3A_560 = arith.constant 1 : i32
      %eq3A_561 = arith.cmpi eq, %select_n3A_544, %eq3A_560 : i32
      %and3A_562 = vector.broadcast %eq3A_561 : i1 to vector<16xi1>
      %and3A_563 = arith.andi %and3A_554, %and3A_562 : vector<16xi1>
      %select_n3A_564 = arith.select %and3A_563, %select_n3A_482, %scan3A_400 : vector<16xi1>, vector<16xi32>
      %add3A_565 = arith.constant 1 : i32
      %add3A_566 = arith.addi %mul3A_548, %add3A_565 : i32
      %eq3A_567 = vector.broadcast %add3A_566 : i32 to vector<16xi32>
      %eq3A_568 = arith.cmpi eq, %iota3A, %eq3A_567 : vector<16xi32>
      %and3A_569 = vector.broadcast %eq3A_465 : i1 to vector<16xi1>
      %and3A_570 = arith.andi %and3A_569, %eq3A_568 : vector<16xi1>
      %eq3A_571 = arith.constant 0 : i32
      %eq3A_572 = arith.cmpi eq, %select_n3A_544, %eq3A_571 : i32
      %and3A_573 = vector.broadcast %eq3A_572 : i1 to vector<16xi1>
      %and3A_574 = arith.andi %and3A_570, %and3A_573 : vector<16xi1>
      %select_n3A_575 = arith.select %and3A_574, %select_n3A_485, %select_n3A_559 : vector<16xi1>, vector<16xi32>
      %eq3A_576 = arith.constant 1 : i32
      %eq3A_577 = arith.cmpi eq, %select_n3A_544, %eq3A_576 : i32
      %and3A_578 = vector.broadcast %eq3A_577 : i1 to vector<16xi1>
      %and3A_579 = arith.andi %and3A_570, %and3A_578 : vector<16xi1>
      %select_n3A_580 = arith.select %and3A_579, %select_n3A_485, %select_n3A_564 : vector<16xi1>, vector<16xi32>
      %add3A_581 = arith.constant 2 : i32
      %add3A_582 = arith.addi %mul3A_548, %add3A_581 : i32
      %eq3A_583 = vector.broadcast %add3A_582 : i32 to vector<16xi32>
      %eq3A_584 = arith.cmpi eq, %iota3A, %eq3A_583 : vector<16xi32>
      %and3A_585 = vector.broadcast %eq3A_465 : i1 to vector<16xi1>
      %and3A_586 = arith.andi %and3A_585, %eq3A_584 : vector<16xi1>
      %eq3A_587 = arith.constant 0 : i32
      %eq3A_588 = arith.cmpi eq, %select_n3A_544, %eq3A_587 : i32
      %and3A_589 = vector.broadcast %eq3A_588 : i1 to vector<16xi1>
      %and3A_590 = arith.andi %and3A_586, %and3A_589 : vector<16xi1>
      %select_n3A_591 = arith.select %and3A_590, %select_n3A_491, %select_n3A_575 : vector<16xi1>, vector<16xi32>
      %eq3A_592 = arith.constant 1 : i32
      %eq3A_593 = arith.cmpi eq, %select_n3A_544, %eq3A_592 : i32
      %and3A_594 = vector.broadcast %eq3A_593 : i1 to vector<16xi1>
      %and3A_595 = arith.andi %and3A_586, %and3A_594 : vector<16xi1>
      %select_n3A_596 = arith.select %and3A_595, %select_n3A_491, %select_n3A_580 : vector<16xi1>, vector<16xi32>
      %add3A_597 = arith.constant 3 : i32
      %add3A_598 = arith.addi %mul3A_548, %add3A_597 : i32
      %eq3A_599 = vector.broadcast %add3A_598 : i32 to vector<16xi32>
      %eq3A_600 = arith.cmpi eq, %iota3A, %eq3A_599 : vector<16xi32>
      %and3A_601 = vector.broadcast %eq3A_465 : i1 to vector<16xi1>
      %and3A_602 = arith.andi %and3A_601, %eq3A_600 : vector<16xi1>
      %eq3A_603 = arith.constant 0 : i32
      %eq3A_604 = arith.cmpi eq, %select_n3A_544, %eq3A_603 : i32
      %and3A_605 = vector.broadcast %eq3A_604 : i1 to vector<16xi1>
      %and3A_606 = arith.andi %and3A_602, %and3A_605 : vector<16xi1>
      %select_n3A_607 = arith.select %and3A_606, %select_n3A_497, %select_n3A_591 : vector<16xi1>, vector<16xi32>
      %eq3A_608 = arith.constant 1 : i32
      %eq3A_609 = arith.cmpi eq, %select_n3A_544, %eq3A_608 : i32
      %and3A_610 = vector.broadcast %eq3A_609 : i1 to vector<16xi1>
      %and3A_611 = arith.andi %and3A_602, %and3A_610 : vector<16xi1>
      %select_n3A_612 = arith.select %and3A_611, %select_n3A_497, %select_n3A_596 : vector<16xi1>, vector<16xi32>
      %convert_element_type3A = arith.extui %eq3A_465 : i1 to i32
      %cond3A = arith.constant 0 : i32
      %cond3A_613 = arith.cmpi ne, %convert_element_type3A, %cond3A : i32
      scf.if %cond3A_613 {
        %scan3A_620 = arith.constant 0 : i32
        %scan3A_621 = arith.constant 0 : i32
        %scan3A_622 = arith.constant 32 : i32
        %scan3A_623 = arith.addi %scan3A_621, %scan3A_622 : i32
        %scan3A_624 = arith.constant 1 : i32
        %scan3A_625 = scf.for %scan3A_627 = %scan3A_621 to %scan3A_623 step %scan3A_624 iter_args(%scan3A_628 = %scan3A_620) -> (i32)  : i32 {
          %mul3A_629 = arith.constant 16 : i32
          %mul3A_630 = arith.muli %scan3A_627, %mul3A_629 : i32
          %swap3A_631 = arith.index_cast %mul3A_630 : i32 to index
          %swap3A_632 = tpu.vector_load %arg6[%swap3A_631] {strides = array<i32>} : memref<512xf32, #tpu.memory_space<vmem>>, vector<16xf32>,
          tpu.vector_store %arg6[%swap3A_631], %broadcast_in_dim3A_3 {strides = array<i32>} : memref<512xf32, #tpu.memory_space<vmem>>, vector<16xf32>,
          %scan3A_633 = arith.constant 0 : i32
          scf.yield %scan3A_633 : i32
        }
        %scan3A_626 = arith.constant 32 : i32
      } else {
      }
      %broadcast_in_dim3A_614 = arith.constant 512 : i32
      %broadcast_in_dim3A_615 = vector.broadcast %broadcast_in_dim3A_614 : i32 to vector<16xi32>
      %select_n3A_616 = arith.select %eq3A_465, %broadcast_in_dim3A_615, %scan3A_462#0 : vector<16xi32>
      %broadcast_in_dim3A_617 = arith.constant -1 : i32
      %broadcast_in_dim3A_618 = vector.broadcast %broadcast_in_dim3A_617 : i32 to vector<16xi32>
      %select_n3A_619 = arith.select %eq3A_465, %broadcast_in_dim3A_618, %scan3A_462#1 : vector<16xi32>
      scf.yield %select_n3A_616, %select_n3A_619, %select_n3A_607, %select_n3A_612 : vector<16xi32>, vector<16xi32>, vector<16xi32>, vector<16xi32>
    }
    %scan3A_28 = arith.constant 12 : i32
    %dma_wait3A = arith.constant 0 : i32
    %dma_wait3A_29 = arith.constant 0 : i32
    %dma_wait3A_30 = arith.constant 0 : i32
    %dma_wait3A_31 = tpu.memref_slice %arg2[%dma_wait3A, %dma_wait3A_29, %dma_wait3A_30] : memref<2048x64x512xf32, #tpu.memory_space<hbm>> -> memref<1x64x512xf32, #tpu.memory_space<hbm>>
    %dma_wait3A_32 = tpu.memref_squeeze %dma_wait3A_31 : memref<1x64x512xf32, #tpu.memory_space<hbm>> -> memref<64x512xf32, #tpu.memory_space<hbm>>
    %dma_wait3A_33 = arith.constant 0 : i32
    %dma_wait3A_34 = arith.constant 0 : i32
    %dma_wait3A_35 = tpu.memref_slice %arg2[%dma_wait3A, %dma_wait3A_33, %dma_wait3A_34] : memref<2048x64x512xf32, #tpu.memory_space<hbm>> -> memref<1x64x512xf32, #tpu.memory_space<hbm>>
    %dma_wait3A_36 = tpu.memref_squeeze %dma_wait3A_35 : memref<1x64x512xf32, #tpu.memory_space<hbm>> -> memref<64x512xf32, #tpu.memory_space<hbm>>
    tpu.wait_dma2 semaphore(%arg8 : memref<!tpu.dma_semaphore, #tpu.memory_space<semaphore_mem>>) src(%dma_wait3A_36 : memref<64x512xf32, #tpu.memory_space<hbm>>) dst(%arg4 : memref<64x512xf32, #tpu.memory_space<vmem>>)
    %mul3A_37 = arith.constant 5 : i32
    %mul3A_38 = arith.muli %add3A, %mul3A_37 : i32
    %add3A_39 = arith.constant 96 : i32
    %add3A_40 = arith.addi %add3A_39, %mul3A_38 : i32
    %add3A_41 = arith.constant 0 : i32
    %add3A_42 = arith.addi %add3A_40, %add3A_41 : i32
    %mul3A_43 = arith.constant 8 : i32
    %mul3A_44 = arith.muli %add3A_42, %mul3A_43 : i32
    %add3A_45 = arith.constant 7 : i32
    %add3A_46 = arith.addi %mul3A_44, %add3A_45 : i32
    %dma_start3A_47 = arith.constant 0 : i32
    %dma_start3A_48 = arith.constant 0 : i32
    %dma_start3A_49 = tpu.memref_slice %arg2[%add3A_46, %dma_start3A_47, %dma_start3A_48] : memref<2048x64x512xf32, #tpu.memory_space<hbm>> -> memref<1x64x512xf32, #tpu.memory_space<hbm>>
    %dma_start3A_50 = tpu.memref_squeeze %dma_start3A_49 : memref<1x64x512xf32, #tpu.memory_space<hbm>> -> memref<64x512xf32, #tpu.memory_space<hbm>>
    %dma_start3A_51 = arith.constant 0 : i32
    %dma_start3A_52 = arith.constant 0 : i32
    %dma_start3A_53 = tpu.memref_slice %arg2[%add3A_46, %dma_start3A_51, %dma_start3A_52] : memref<2048x64x512xf32, #tpu.memory_space<hbm>> -> memref<1x64x512xf32, #tpu.memory_space<hbm>>
    %dma_start3A_54 = tpu.memref_squeeze %dma_start3A_53 : memref<1x64x512xf32, #tpu.memory_space<hbm>> -> memref<64x512xf32, #tpu.memory_space<hbm>>
    tpu.enqueue_dma source(%dma_start3A_54 : memref<64x512xf32, #tpu.memory_space<hbm>>) target(%arg4 : memref<64x512xf32, #tpu.memory_space<vmem>>) target_semaphore(%arg8 : memref<!tpu.dma_semaphore, #tpu.memory_space<semaphore_mem>>)
    %mul3A_55 = arith.constant 5 : i32
    %mul3A_56 = arith.muli %add3A, %mul3A_55 : i32
    %add3A_57 = arith.constant 96 : i32
    %add3A_58 = arith.addi %add3A_57, %mul3A_56 : i32
    %add3A_59 = arith.constant 1 : i32
    %add3A_60 = arith.addi %add3A_58, %add3A_59 : i32
    %mul3A_61 = arith.constant 8 : i32
    %mul3A_62 = arith.muli %add3A_60, %mul3A_61 : i32
    %add3A_63 = arith.constant 7 : i32
    %add3A_64 = arith.addi %mul3A_62, %add3A_63 : i32
    %dma_start3A_65 = arith.constant 0 : i32
    %dma_start3A_66 = arith.constant 0 : i32
    %dma_start3A_67 = tpu.memref_slice %arg2[%add3A_64, %dma_start3A_65, %dma_start3A_66] : memref<2048x64x512xf32, #tpu.memory_space<hbm>> -> memref<1x64x512xf32, #tpu.memory_space<hbm>>
    %dma_start3A_68 = tpu.memref_squeeze %dma_start3A_67 : memref<1x64x512xf32, #tpu.memory_space<hbm>> -> memref<64x512xf32, #tpu.memory_space<hbm>>
    %dma_start3A_69 = arith.constant 0 : i32
    %dma_start3A_70 = arith.constant 0 : i32
    %dma_start3A_71 = tpu.memref_slice %arg2[%add3A_64, %dma_start3A_69, %dma_start3A_70] : memref<2048x64x512xf32, #tpu.memory_space<hbm>> -> memref<1x64x512xf32, #tpu.memory_space<hbm>>
    %dma_start3A_72 = tpu.memref_squeeze %dma_start3A_71 : memref<1x64x512xf32, #tpu.memory_space<hbm>> -> memref<64x512xf32, #tpu.memory_space<hbm>>
    tpu.enqueue_dma source(%dma_start3A_72 : memref<64x512xf32, #tpu.memory_space<hbm>>) target(%arg5 : memref<64x512xf32, #tpu.memory_space<vmem>>) target_semaphore(%arg9 : memref<!tpu.dma_semaphore, #tpu.memory_space<semaphore_mem>>)
    %dma_wait3A_73 = arith.constant 0 : i32
    %dma_wait3A_74 = arith.constant 0 : i32
    %dma_wait3A_75 = arith.constant 0 : i32
    %dma_wait3A_76 = tpu.memref_slice %arg2[%dma_wait3A_73, %dma_wait3A_74, %dma_wait3A_75] : memref<2048x64x512xf32, #tpu.memory_space<hbm>> -> memref<1x64x512xf32, #tpu.memory_space<hbm>>
    %dma_wait3A_77 = tpu.memref_squeeze %dma_wait3A_76 : memref<1x64x512xf32, #tpu.memory_space<hbm>> -> memref<64x512xf32, #tpu.memory_space<hbm>>
    %dma_wait3A_78 = arith.constant 0 : i32
    %dma_wait3A_79 = arith.constant 0 : i32
    %dma_wait3A_80 = tpu.memref_slice %arg2[%dma_wait3A_73, %dma_wait3A_78, %dma_wait3A_79] : memref<2048x64x512xf32, #tpu.memory_space<hbm>> -> memref<1x64x512xf32, #tpu.memory_space<hbm>>
    %dma_wait3A_81 = tpu.memref_squeeze %dma_wait3A_80 : memref<1x64x512xf32, #tpu.memory_space<hbm>> -> memref<64x512xf32, #tpu.memory_space<hbm>>
    tpu.wait_dma2 semaphore(%arg8 : memref<!tpu.dma_semaphore, #tpu.memory_space<semaphore_mem>>) src(%dma_wait3A_81 : memref<64x512xf32, #tpu.memory_space<hbm>>) dst(%arg4 : memref<64x512xf32, #tpu.memory_space<vmem>>)
    %broadcast_in_dim3A_82 = arith.constant 512 : i32
    %broadcast_in_dim3A_83 = vector.broadcast %broadcast_in_dim3A_82 : i32 to vector<16xi32>
    %broadcast_in_dim3A_84 = arith.constant -1 : i32
    %broadcast_in_dim3A_85 = vector.broadcast %broadcast_in_dim3A_84 : i32 to vector<16xi32>
    %scan3A_86 = arith.constant 0 : i32
    %scan3A_87 = arith.constant 4 : i32
    %scan3A_88 = arith.addi %scan3A_86, %scan3A_87 : i32
    %scan3A_89 = arith.constant 1 : i32
    %scan3A_90:2 = scf.for %scan3A_396 = %scan3A_86 to %scan3A_88 step %scan3A_89 iter_args(%scan3A_397 = %broadcast_in_dim3A_83, %scan3A_398 = %broadcast_in_dim3A_85) -> (vector<16xi32>, vector<16xi32>)  : i32 {
      %broadcast_in_dim3A_399 = arith.constant 0xFF800000 : f32
      %broadcast_in_dim3A_400 = vector.broadcast %broadcast_in_dim3A_399 : f32 to vector<16xf32>
      %broadcast_in_dim3A_401 = arith.constant 0xFF800000 : f32
      %broadcast_in_dim3A_402 = vector.broadcast %broadcast_in_dim3A_401 : f32 to vector<16xf32>
      %broadcast_in_dim3A_403 = arith.constant 0xFF800000 : f32
      %broadcast_in_dim3A_404 = vector.broadcast %broadcast_in_dim3A_403 : f32 to vector<16xf32>
      %broadcast_in_dim3A_405 = arith.constant 0xFF800000 : f32
      %broadcast_in_dim3A_406 = vector.broadcast %broadcast_in_dim3A_405 : f32 to vector<16xf32>
      %broadcast_in_dim3A_407 = arith.constant 0xFF800000 : f32
      %broadcast_in_dim3A_408 = vector.broadcast %broadcast_in_dim3A_407 : f32 to vector<16xf32>
      %broadcast_in_dim3A_409 = arith.constant 0xFF800000 : f32
      %broadcast_in_dim3A_410 = vector.broadcast %broadcast_in_dim3A_409 : f32 to vector<16xf32>
      %broadcast_in_dim3A_411 = arith.constant 0xFF800000 : f32
      %broadcast_in_dim3A_412 = vector.broadcast %broadcast_in_dim3A_411 : f32 to vector<16xf32>
      %broadcast_in_dim3A_413 = arith.constant 0xFF800000 : f32
      %broadcast_in_dim3A_414 = vector.broadcast %broadcast_in_dim3A_413 : f32 to vector<16xf32>
      %broadcast_in_dim3A_415 = arith.constant 0xFF800000 : f32
      %broadcast_in_dim3A_416 = vector.broadcast %broadcast_in_dim3A_415 : f32 to vector<16xf32>
      %broadcast_in_dim3A_417 = arith.constant 0xFF800000 : f32
      %broadcast_in_dim3A_418 = vector.broadcast %broadcast_in_dim3A_417 : f32 to vector<16xf32>
      %broadcast_in_dim3A_419 = arith.constant 0xFF800000 : f32
      %broadcast_in_dim3A_420 = vector.broadcast %broadcast_in_dim3A_419 : f32 to vector<16xf32>
      %broadcast_in_dim3A_421 = arith.constant 0xFF800000 : f32
      %broadcast_in_dim3A_422 = vector.broadcast %broadcast_in_dim3A_421 : f32 to vector<16xf32>
      %broadcast_in_dim3A_423 = arith.constant 0xFF800000 : f32
      %broadcast_in_dim3A_424 = vector.broadcast %broadcast_in_dim3A_423 : f32 to vector<16xf32>
      %broadcast_in_dim3A_425 = arith.constant 0xFF800000 : f32
      %broadcast_in_dim3A_426 = vector.broadcast %broadcast_in_dim3A_425 : f32 to vector<16xf32>
      %broadcast_in_dim3A_427 = arith.constant 0xFF800000 : f32
      %broadcast_in_dim3A_428 = vector.broadcast %broadcast_in_dim3A_427 : f32 to vector<16xf32>
      %broadcast_in_dim3A_429 = arith.constant 0xFF800000 : f32
      %broadcast_in_dim3A_430 = vector.broadcast %broadcast_in_dim3A_429 : f32 to vector<16xf32>
      %scan3A_431 = arith.constant 0 : i32
      %scan3A_432 = arith.constant 32 : i32
      %scan3A_433 = arith.addi %scan3A_431, %scan3A_432 : i32
      %scan3A_434 = arith.constant 1 : i32
      %scan3A_435:16 = scf.for %scan3A_660 = %scan3A_431 to %scan3A_433 step %scan3A_434 iter_args(%scan3A_661 = %broadcast_in_dim3A_400, %scan3A_662 = %broadcast_in_dim3A_402, %scan3A_663 = %broadcast_in_dim3A_404, %scan3A_664 = %broadcast_in_dim3A_406, %scan3A_665 = %broadcast_in_dim3A_408, %scan3A_666 = %broadcast_in_dim3A_410, %scan3A_667 = %broadcast_in_dim3A_412, %scan3A_668 = %broadcast_in_dim3A_414, %scan3A_669 = %broadcast_in_dim3A_416, %scan3A_670 = %broadcast_in_dim3A_418, %scan3A_671 = %broadcast_in_dim3A_420, %scan3A_672 = %broadcast_in_dim3A_422, %scan3A_673 = %broadcast_in_dim3A_424, %scan3A_674 = %broadcast_in_dim3A_426, %scan3A_675 = %broadcast_in_dim3A_428, %scan3A_676 = %broadcast_in_dim3A_430) -> (vector<16xf32>, vector<16xf32>, vector<16xf32>, vector<16xf32>, vector<16xf32>, vector<16xf32>, vector<16xf32>, vector<16xf32>, vector<16xf32>, vector<16xf32>, vector<16xf32>, vector<16xf32>, vector<16xf32>, vector<16xf32>, vector<16xf32>, vector<16xf32>)  : i32 {
        %mul3A_677 = arith.constant 16 : i32
        %mul3A_678 = arith.muli %scan3A_396, %mul3A_677 : i32
        %add3A_679 = arith.constant 0 : i32
        %add3A_680 = arith.addi %mul3A_678, %add3A_679 : i32
        %mul3A_681 = arith.constant 16 : i32
        %mul3A_682 = arith.muli %scan3A_660, %mul3A_681 : i32
        %get3A = arith.index_cast %add3A_680 : i32 to index
        %get3A_683 = arith.index_cast %mul3A_682 : i32 to index
        %get3A_684 = tpu.vector_load %arg4[%get3A, %get3A_683] {strides = array<i32>} : memref<64x512xf32, #tpu.memory_space<vmem>>, vector<16xf32>,
        %mul3A_685 = arith.constant 16 : i32
        %mul3A_686 = arith.muli %scan3A_396, %mul3A_685 : i32
        %add3A_687 = arith.constant 1 : i32
        %add3A_688 = arith.addi %mul3A_686, %add3A_687 : i32
        %mul3A_689 = arith.constant 16 : i32
        %mul3A_690 = arith.muli %scan3A_660, %mul3A_689 : i32
        %get3A_691 = arith.index_cast %add3A_688 : i32 to index
        %get3A_692 = arith.index_cast %mul3A_690 : i32 to index
        %get3A_693 = tpu.vector_load %arg4[%get3A_691, %get3A_692] {strides = array<i32>} : memref<64x512xf32, #tpu.memory_space<vmem>>, vector<16xf32>,
        %mul3A_694 = arith.constant 16 : i32
        %mul3A_695 = arith.muli %scan3A_396, %mul3A_694 : i32
        %add3A_696 = arith.constant 2 : i32
        %add3A_697 = arith.addi %mul3A_695, %add3A_696 : i32
        %mul3A_698 = arith.constant 16 : i32
        %mul3A_699 = arith.muli %scan3A_660, %mul3A_698 : i32
        %get3A_700 = arith.index_cast %add3A_697 : i32 to index
        %get3A_701 = arith.index_cast %mul3A_699 : i32 to index
        %get3A_702 = tpu.vector_load %arg4[%get3A_700, %get3A_701] {strides = array<i32>} : memref<64x512xf32, #tpu.memory_space<vmem>>, vector<16xf32>,
        %mul3A_703 = arith.constant 16 : i32
        %mul3A_704 = arith.muli %scan3A_396, %mul3A_703 : i32
        %add3A_705 = arith.constant 3 : i32
        %add3A_706 = arith.addi %mul3A_704, %add3A_705 : i32
        %mul3A_707 = arith.constant 16 : i32
        %mul3A_708 = arith.muli %scan3A_660, %mul3A_707 : i32
        %get3A_709 = arith.index_cast %add3A_706 : i32 to index
        %get3A_710 = arith.index_cast %mul3A_708 : i32 to index
        %get3A_711 = tpu.vector_load %arg4[%get3A_709, %get3A_710] {strides = array<i32>} : memref<64x512xf32, #tpu.memory_space<vmem>>, vector<16xf32>,
        %mul3A_712 = arith.constant 16 : i32
        %mul3A_713 = arith.muli %scan3A_396, %mul3A_712 : i32
        %add3A_714 = arith.constant 4 : i32
        %add3A_715 = arith.addi %mul3A_713, %add3A_714 : i32
        %mul3A_716 = arith.constant 16 : i32
        %mul3A_717 = arith.muli %scan3A_660, %mul3A_716 : i32
        %get3A_718 = arith.index_cast %add3A_715 : i32 to index
        %get3A_719 = arith.index_cast %mul3A_717 : i32 to index
        %get3A_720 = tpu.vector_load %arg4[%get3A_718, %get3A_719] {strides = array<i32>} : memref<64x512xf32, #tpu.memory_space<vmem>>, vector<16xf32>,
        %mul3A_721 = arith.constant 16 : i32
        %mul3A_722 = arith.muli %scan3A_396, %mul3A_721 : i32
        %add3A_723 = arith.constant 5 : i32
        %add3A_724 = arith.addi %mul3A_722, %add3A_723 : i32
        %mul3A_725 = arith.constant 16 : i32
        %mul3A_726 = arith.muli %scan3A_660, %mul3A_725 : i32
        %get3A_727 = arith.index_cast %add3A_724 : i32 to index
        %get3A_728 = arith.index_cast %mul3A_726 : i32 to index
        %get3A_729 = tpu.vector_load %arg4[%get3A_727, %get3A_728] {strides = array<i32>} : memref<64x512xf32, #tpu.memory_space<vmem>>, vector<16xf32>,
        %mul3A_730 = arith.constant 16 : i32
        %mul3A_731 = arith.muli %scan3A_396, %mul3A_730 : i32
        %add3A_732 = arith.constant 6 : i32
        %add3A_733 = arith.addi %mul3A_731, %add3A_732 : i32
        %mul3A_734 = arith.constant 16 : i32
        %mul3A_735 = arith.muli %scan3A_660, %mul3A_734 : i32
        %get3A_736 = arith.index_cast %add3A_733 : i32 to index
        %get3A_737 = arith.index_cast %mul3A_735 : i32 to index
        %get3A_738 = tpu.vector_load %arg4[%get3A_736, %get3A_737] {strides = array<i32>} : memref<64x512xf32, #tpu.memory_space<vmem>>, vector<16xf32>,
        %mul3A_739 = arith.constant 16 : i32
        %mul3A_740 = arith.muli %scan3A_396, %mul3A_739 : i32
        %add3A_741 = arith.constant 7 : i32
        %add3A_742 = arith.addi %mul3A_740, %add3A_741 : i32
        %mul3A_743 = arith.constant 16 : i32
        %mul3A_744 = arith.muli %scan3A_660, %mul3A_743 : i32
        %get3A_745 = arith.index_cast %add3A_742 : i32 to index
        %get3A_746 = arith.index_cast %mul3A_744 : i32 to index
        %get3A_747 = tpu.vector_load %arg4[%get3A_745, %get3A_746] {strides = array<i32>} : memref<64x512xf32, #tpu.memory_space<vmem>>, vector<16xf32>,
        %mul3A_748 = arith.constant 16 : i32
        %mul3A_749 = arith.muli %scan3A_396, %mul3A_748 : i32
        %add3A_750 = arith.constant 8 : i32
        %add3A_751 = arith.addi %mul3A_749, %add3A_750 : i32
        %mul3A_752 = arith.constant 16 : i32
        %mul3A_753 = arith.muli %scan3A_660, %mul3A_752 : i32
        %get3A_754 = arith.index_cast %add3A_751 : i32 to index
        %get3A_755 = arith.index_cast %mul3A_753 : i32 to index
        %get3A_756 = tpu.vector_load %arg4[%get3A_754, %get3A_755] {strides = array<i32>} : memref<64x512xf32, #tpu.memory_space<vmem>>, vector<16xf32>,
        %mul3A_757 = arith.constant 16 : i32
        %mul3A_758 = arith.muli %scan3A_396, %mul3A_757 : i32
        %add3A_759 = arith.constant 9 : i32
        %add3A_760 = arith.addi %mul3A_758, %add3A_759 : i32
        %mul3A_761 = arith.constant 16 : i32
        %mul3A_762 = arith.muli %scan3A_660, %mul3A_761 : i32
        %get3A_763 = arith.index_cast %add3A_760 : i32 to index
        %get3A_764 = arith.index_cast %mul3A_762 : i32 to index
        %get3A_765 = tpu.vector_load %arg4[%get3A_763, %get3A_764] {strides = array<i32>} : memref<64x512xf32, #tpu.memory_space<vmem>>, vector<16xf32>,
        %mul3A_766 = arith.constant 16 : i32
        %mul3A_767 = arith.muli %scan3A_396, %mul3A_766 : i32
        %add3A_768 = arith.constant 10 : i32
        %add3A_769 = arith.addi %mul3A_767, %add3A_768 : i32
        %mul3A_770 = arith.constant 16 : i32
        %mul3A_771 = arith.muli %scan3A_660, %mul3A_770 : i32
        %get3A_772 = arith.index_cast %add3A_769 : i32 to index
        %get3A_773 = arith.index_cast %mul3A_771 : i32 to index
        %get3A_774 = tpu.vector_load %arg4[%get3A_772, %get3A_773] {strides = array<i32>} : memref<64x512xf32, #tpu.memory_space<vmem>>, vector<16xf32>,
        %mul3A_775 = arith.constant 16 : i32
        %mul3A_776 = arith.muli %scan3A_396, %mul3A_775 : i32
        %add3A_777 = arith.constant 11 : i32
        %add3A_778 = arith.addi %mul3A_776, %add3A_777 : i32
        %mul3A_779 = arith.constant 16 : i32
        %mul3A_780 = arith.muli %scan3A_660, %mul3A_779 : i32
        %get3A_781 = arith.index_cast %add3A_778 : i32 to index
        %get3A_782 = arith.index_cast %mul3A_780 : i32 to index
        %get3A_783 = tpu.vector_load %arg4[%get3A_781, %get3A_782] {strides = array<i32>} : memref<64x512xf32, #tpu.memory_space<vmem>>, vector<16xf32>,
        %mul3A_784 = arith.constant 16 : i32
        %mul3A_785 = arith.muli %scan3A_396, %mul3A_784 : i32
        %add3A_786 = arith.constant 12 : i32
        %add3A_787 = arith.addi %mul3A_785, %add3A_786 : i32
        %mul3A_788 = arith.constant 16 : i32
        %mul3A_789 = arith.muli %scan3A_660, %mul3A_788 : i32
        %get3A_790 = arith.index_cast %add3A_787 : i32 to index
        %get3A_791 = arith.index_cast %mul3A_789 : i32 to index
        %get3A_792 = tpu.vector_load %arg4[%get3A_790, %get3A_791] {strides = array<i32>} : memref<64x512xf32, #tpu.memory_space<vmem>>, vector<16xf32>,
        %mul3A_793 = arith.constant 16 : i32
        %mul3A_794 = arith.muli %scan3A_396, %mul3A_793 : i32
        %add3A_795 = arith.constant 13 : i32
        %add3A_796 = arith.addi %mul3A_794, %add3A_795 : i32
        %mul3A_797 = arith.constant 16 : i32
        %mul3A_798 = arith.muli %scan3A_660, %mul3A_797 : i32
        %get3A_799 = arith.index_cast %add3A_796 : i32 to index
        %get3A_800 = arith.index_cast %mul3A_798 : i32 to index
        %get3A_801 = tpu.vector_load %arg4[%get3A_799, %get3A_800] {strides = array<i32>} : memref<64x512xf32, #tpu.memory_space<vmem>>, vector<16xf32>,
        %mul3A_802 = arith.constant 16 : i32
        %mul3A_803 = arith.muli %scan3A_396, %mul3A_802 : i32
        %add3A_804 = arith.constant 14 : i32
        %add3A_805 = arith.addi %mul3A_803, %add3A_804 : i32
        %mul3A_806 = arith.constant 16 : i32
        %mul3A_807 = arith.muli %scan3A_660, %mul3A_806 : i32
        %get3A_808 = arith.index_cast %add3A_805 : i32 to index
        %get3A_809 = arith.index_cast %mul3A_807 : i32 to index
        %get3A_810 = tpu.vector_load %arg4[%get3A_808, %get3A_809] {strides = array<i32>} : memref<64x512xf32, #tpu.memory_space<vmem>>, vector<16xf32>,
        %mul3A_811 = arith.constant 16 : i32
        %mul3A_812 = arith.muli %scan3A_396, %mul3A_811 : i32
        %add3A_813 = arith.constant 15 : i32
        %add3A_814 = arith.addi %mul3A_812, %add3A_813 : i32
        %mul3A_815 = arith.constant 16 : i32
        %mul3A_816 = arith.muli %scan3A_660, %mul3A_815 : i32
        %get3A_817 = arith.index_cast %add3A_814 : i32 to index
        %get3A_818 = arith.index_cast %mul3A_816 : i32 to index
        %get3A_819 = tpu.vector_load %arg4[%get3A_817, %get3A_818] {strides = array<i32>} : memref<64x512xf32, #tpu.memory_space<vmem>>, vector<16xf32>,
        %max3A_820 = arith.maximumf %scan3A_661, %get3A_684 : vector<16xf32>
        %max3A_821 = arith.maximumf %scan3A_662, %get3A_693 : vector<16xf32>
        %max3A_822 = arith.maximumf %scan3A_663, %get3A_702 : vector<16xf32>
        %max3A_823 = arith.maximumf %scan3A_664, %get3A_711 : vector<16xf32>
        %max3A_824 = arith.maximumf %scan3A_665, %get3A_720 : vector<16xf32>
        %max3A_825 = arith.maximumf %scan3A_666, %get3A_729 : vector<16xf32>
        %max3A_826 = arith.maximumf %scan3A_667, %get3A_738 : vector<16xf32>
        %max3A_827 = arith.maximumf %scan3A_668, %get3A_747 : vector<16xf32>
        %max3A_828 = arith.maximumf %scan3A_669, %get3A_756 : vector<16xf32>
        %max3A_829 = arith.maximumf %scan3A_670, %get3A_765 : vector<16xf32>
        %max3A_830 = arith.maximumf %scan3A_671, %get3A_774 : vector<16xf32>
        %max3A_831 = arith.maximumf %scan3A_672, %get3A_783 : vector<16xf32>
        %max3A_832 = arith.maximumf %scan3A_673, %get3A_792 : vector<16xf32>
        %max3A_833 = arith.maximumf %scan3A_674, %get3A_801 : vector<16xf32>
        %max3A_834 = arith.maximumf %scan3A_675, %get3A_810 : vector<16xf32>
        %max3A_835 = arith.maximumf %scan3A_676, %get3A_819 : vector<16xf32>
        %mul3A_836 = arith.constant 16 : i32
        %mul3A_837 = arith.muli %scan3A_660, %mul3A_836 : i32
        %get3A_838 = arith.index_cast %mul3A_837 : i32 to index
        %get3A_839 = tpu.vector_load %arg6[%get3A_838] {strides = array<i32>} : memref<512xf32, #tpu.memory_space<vmem>>, vector<16xf32>,
        %max3A_840 = arith.maximumf %get3A_684, %get3A_693 : vector<16xf32>
        %max3A_841 = arith.maximumf %get3A_702, %get3A_711 : vector<16xf32>
        %max3A_842 = arith.maximumf %get3A_720, %get3A_729 : vector<16xf32>
        %max3A_843 = arith.maximumf %get3A_738, %get3A_747 : vector<16xf32>
        %max3A_844 = arith.maximumf %get3A_756, %get3A_765 : vector<16xf32>
        %max3A_845 = arith.maximumf %get3A_774, %get3A_783 : vector<16xf32>
        %max3A_846 = arith.maximumf %get3A_792, %get3A_801 : vector<16xf32>
        %max3A_847 = arith.maximumf %get3A_810, %get3A_819 : vector<16xf32>
        %max3A_848 = arith.maximumf %max3A_840, %max3A_841 : vector<16xf32>
        %max3A_849 = arith.maximumf %max3A_842, %max3A_843 : vector<16xf32>
        %max3A_850 = arith.maximumf %max3A_844, %max3A_845 : vector<16xf32>
        %max3A_851 = arith.maximumf %max3A_846, %max3A_847 : vector<16xf32>
        %max3A_852 = arith.maximumf %max3A_848, %max3A_849 : vector<16xf32>
        %max3A_853 = arith.maximumf %max3A_850, %max3A_851 : vector<16xf32>
        %max3A_854 = arith.maximumf %max3A_852, %max3A_853 : vector<16xf32>
        %max3A_855 = arith.maximumf %get3A_839, %max3A_854 : vector<16xf32>
        %mul3A_856 = arith.constant 16 : i32
        %mul3A_857 = arith.muli %scan3A_660, %mul3A_856 : i32
        %swap3A_858 = arith.index_cast %mul3A_857 : i32 to index
        %swap3A_859 = tpu.vector_load %arg6[%swap3A_858] {strides = array<i32>} : memref<512xf32, #tpu.memory_space<vmem>>, vector<16xf32>,
        tpu.vector_store %arg6[%swap3A_858], %max3A_855 {strides = array<i32>} : memref<512xf32, #tpu.memory_space<vmem>>, vector<16xf32>,
        scf.yield %max3A_820, %max3A_821, %max3A_822, %max3A_823, %max3A_824, %max3A_825, %max3A_826, %max3A_827, %max3A_828, %max3A_829, %max3A_830, %max3A_831, %max3A_832, %max3A_833, %max3A_834, %max3A_835 : vector<16xf32>, vector<16xf32>, vector<16xf32>, vector<16xf32>, vector<16xf32>, vector<16xf32>, vector<16xf32>, vector<16xf32>, vector<16xf32>, vector<16xf32>, vector<16xf32>, vector<16xf32>, vector<16xf32>, vector<16xf32>, vector<16xf32>, vector<16xf32>
      }
      %scan3A_436 = arith.constant 32 : i32
      %mul3A_437 = arith.constant 16 : i32
      %mul3A_438 = arith.muli %scan3A_396, %mul3A_437 : i32
      %add3A_439 = arith.constant 448 : i32
      %add3A_440 = arith.addi %add3A_439, %mul3A_438 : i32
      %ge3A = arith.constant 5.000000e-01 : f32
      %ge3A_441 = vector.broadcast %ge3A : f32 to vector<16xf32>
      %ge3A_442 = arith.cmpf oge, %scan3A_435#0, %ge3A_441 : vector<16xf32>
      %all_reduce_population_count3A = tpu.all_reduce %ge3A_442 {dim = 0 : i64, kind = #tpu.reduction_kind<sum>} : vector<16xi1> -> vector<16xi32>
      %gt3A = arith.constant 0 : i32
      %gt3A_443 = vector.broadcast %gt3A : i32 to vector<16xi32>
      %gt3A_444 = arith.cmpi sgt, %all_reduce_population_count3A, %gt3A_443 : vector<16xi32>
      %add3A_445 = arith.constant 0 : i32
      %add3A_446 = arith.addi %add3A_440, %add3A_445 : i32
      %broadcast_in_dim3A_447 = vector.broadcast %add3A_446 : i32 to vector<16xi32>
      %min3A = arith.minsi %scan3A_397, %broadcast_in_dim3A_447 : vector<16xi32>
      %select_n3A_448 = arith.select %gt3A_444, %min3A, %scan3A_397 : vector<16xi1>, vector<16xi32>
      %max3A = arith.maxsi %scan3A_398, %broadcast_in_dim3A_447 : vector<16xi32>
      %select_n3A_449 = arith.select %gt3A_444, %max3A, %scan3A_398 : vector<16xi1>, vector<16xi32>
      %ge3A_450 = arith.constant 5.000000e-01 : f32
      %ge3A_451 = vector.broadcast %ge3A_450 : f32 to vector<16xf32>
      %ge3A_452 = arith.cmpf oge, %scan3A_435#1, %ge3A_451 : vector<16xf32>
      %all_reduce_population_count3A_453 = tpu.all_reduce %ge3A_452 {dim = 0 : i64, kind = #tpu.reduction_kind<sum>} : vector<16xi1> -> vector<16xi32>
      %gt3A_454 = arith.constant 0 : i32
      %gt3A_455 = vector.broadcast %gt3A_454 : i32 to vector<16xi32>
      %gt3A_456 = arith.cmpi sgt, %all_reduce_population_count3A_453, %gt3A_455 : vector<16xi32>
      %add3A_457 = arith.constant 1 : i32
      %add3A_458 = arith.addi %add3A_440, %add3A_457 : i32
      %broadcast_in_dim3A_459 = vector.broadcast %add3A_458 : i32 to vector<16xi32>
      %min3A_460 = arith.minsi %select_n3A_448, %broadcast_in_dim3A_459 : vector<16xi32>
      %select_n3A_461 = arith.select %gt3A_456, %min3A_460, %select_n3A_448 : vector<16xi1>, vector<16xi32>
      %max3A_462 = arith.maxsi %select_n3A_449, %broadcast_in_dim3A_459 : vector<16xi32>
      %select_n3A_463 = arith.select %gt3A_456, %max3A_462, %select_n3A_449 : vector<16xi1>, vector<16xi32>
      %ge3A_464 = arith.constant 5.000000e-01 : f32
      %ge3A_465 = vector.broadcast %ge3A_464 : f32 to vector<16xf32>
      %ge3A_466 = arith.cmpf oge, %scan3A_435#2, %ge3A_465 : vector<16xf32>
      %all_reduce_population_count3A_467 = tpu.all_reduce %ge3A_466 {dim = 0 : i64, kind = #tpu.reduction_kind<sum>} : vector<16xi1> -> vector<16xi32>
      %gt3A_468 = arith.constant 0 : i32
      %gt3A_469 = vector.broadcast %gt3A_468 : i32 to vector<16xi32>
      %gt3A_470 = arith.cmpi sgt, %all_reduce_population_count3A_467, %gt3A_469 : vector<16xi32>
      %add3A_471 = arith.constant 2 : i32
      %add3A_472 = arith.addi %add3A_440, %add3A_471 : i32
      %broadcast_in_dim3A_473 = vector.broadcast %add3A_472 : i32 to vector<16xi32>
      %min3A_474 = arith.minsi %select_n3A_461, %broadcast_in_dim3A_473 : vector<16xi32>
      %select_n3A_475 = arith.select %gt3A_470, %min3A_474, %select_n3A_461 : vector<16xi1>, vector<16xi32>
      %max3A_476 = arith.maxsi %select_n3A_463, %broadcast_in_dim3A_473 : vector<16xi32>
      %select_n3A_477 = arith.select %gt3A_470, %max3A_476, %select_n3A_463 : vector<16xi1>, vector<16xi32>
      %ge3A_478 = arith.constant 5.000000e-01 : f32
      %ge3A_479 = vector.broadcast %ge3A_478 : f32 to vector<16xf32>
      %ge3A_480 = arith.cmpf oge, %scan3A_435#3, %ge3A_479 : vector<16xf32>
      %all_reduce_population_count3A_481 = tpu.all_reduce %ge3A_480 {dim = 0 : i64, kind = #tpu.reduction_kind<sum>} : vector<16xi1> -> vector<16xi32>
      %gt3A_482 = arith.constant 0 : i32
      %gt3A_483 = vector.broadcast %gt3A_482 : i32 to vector<16xi32>
      %gt3A_484 = arith.cmpi sgt, %all_reduce_population_count3A_481, %gt3A_483 : vector<16xi32>
      %add3A_485 = arith.constant 3 : i32
      %add3A_486 = arith.addi %add3A_440, %add3A_485 : i32
      %broadcast_in_dim3A_487 = vector.broadcast %add3A_486 : i32 to vector<16xi32>
      %min3A_488 = arith.minsi %select_n3A_475, %broadcast_in_dim3A_487 : vector<16xi32>
      %select_n3A_489 = arith.select %gt3A_484, %min3A_488, %select_n3A_475 : vector<16xi1>, vector<16xi32>
      %max3A_490 = arith.maxsi %select_n3A_477, %broadcast_in_dim3A_487 : vector<16xi32>
      %select_n3A_491 = arith.select %gt3A_484, %max3A_490, %select_n3A_477 : vector<16xi1>, vector<16xi32>
      %ge3A_492 = arith.constant 5.000000e-01 : f32
      %ge3A_493 = vector.broadcast %ge3A_492 : f32 to vector<16xf32>
      %ge3A_494 = arith.cmpf oge, %scan3A_435#4, %ge3A_493 : vector<16xf32>
      %all_reduce_population_count3A_495 = tpu.all_reduce %ge3A_494 {dim = 0 : i64, kind = #tpu.reduction_kind<sum>} : vector<16xi1> -> vector<16xi32>
      %gt3A_496 = arith.constant 0 : i32
      %gt3A_497 = vector.broadcast %gt3A_496 : i32 to vector<16xi32>
      %gt3A_498 = arith.cmpi sgt, %all_reduce_population_count3A_495, %gt3A_497 : vector<16xi32>
      %add3A_499 = arith.constant 4 : i32
      %add3A_500 = arith.addi %add3A_440, %add3A_499 : i32
      %broadcast_in_dim3A_501 = vector.broadcast %add3A_500 : i32 to vector<16xi32>
      %min3A_502 = arith.minsi %select_n3A_489, %broadcast_in_dim3A_501 : vector<16xi32>
      %select_n3A_503 = arith.select %gt3A_498, %min3A_502, %select_n3A_489 : vector<16xi1>, vector<16xi32>
      %max3A_504 = arith.maxsi %select_n3A_491, %broadcast_in_dim3A_501 : vector<16xi32>
      %select_n3A_505 = arith.select %gt3A_498, %max3A_504, %select_n3A_491 : vector<16xi1>, vector<16xi32>
      %ge3A_506 = arith.constant 5.000000e-01 : f32
      %ge3A_507 = vector.broadcast %ge3A_506 : f32 to vector<16xf32>
      %ge3A_508 = arith.cmpf oge, %scan3A_435#5, %ge3A_507 : vector<16xf32>
      %all_reduce_population_count3A_509 = tpu.all_reduce %ge3A_508 {dim = 0 : i64, kind = #tpu.reduction_kind<sum>} : vector<16xi1> -> vector<16xi32>
      %gt3A_510 = arith.constant 0 : i32
      %gt3A_511 = vector.broadcast %gt3A_510 : i32 to vector<16xi32>
      %gt3A_512 = arith.cmpi sgt, %all_reduce_population_count3A_509, %gt3A_511 : vector<16xi32>
      %add3A_513 = arith.constant 5 : i32
      %add3A_514 = arith.addi %add3A_440, %add3A_513 : i32
      %broadcast_in_dim3A_515 = vector.broadcast %add3A_514 : i32 to vector<16xi32>
      %min3A_516 = arith.minsi %select_n3A_503, %broadcast_in_dim3A_515 : vector<16xi32>
      %select_n3A_517 = arith.select %gt3A_512, %min3A_516, %select_n3A_503 : vector<16xi1>, vector<16xi32>
      %max3A_518 = arith.maxsi %select_n3A_505, %broadcast_in_dim3A_515 : vector<16xi32>
      %select_n3A_519 = arith.select %gt3A_512, %max3A_518, %select_n3A_505 : vector<16xi1>, vector<16xi32>
      %ge3A_520 = arith.constant 5.000000e-01 : f32
      %ge3A_521 = vector.broadcast %ge3A_520 : f32 to vector<16xf32>
      %ge3A_522 = arith.cmpf oge, %scan3A_435#6, %ge3A_521 : vector<16xf32>
      %all_reduce_population_count3A_523 = tpu.all_reduce %ge3A_522 {dim = 0 : i64, kind = #tpu.reduction_kind<sum>} : vector<16xi1> -> vector<16xi32>
      %gt3A_524 = arith.constant 0 : i32
      %gt3A_525 = vector.broadcast %gt3A_524 : i32 to vector<16xi32>
      %gt3A_526 = arith.cmpi sgt, %all_reduce_population_count3A_523, %gt3A_525 : vector<16xi32>
      %add3A_527 = arith.constant 6 : i32
      %add3A_528 = arith.addi %add3A_440, %add3A_527 : i32
      %broadcast_in_dim3A_529 = vector.broadcast %add3A_528 : i32 to vector<16xi32>
      %min3A_530 = arith.minsi %select_n3A_517, %broadcast_in_dim3A_529 : vector<16xi32>
      %select_n3A_531 = arith.select %gt3A_526, %min3A_530, %select_n3A_517 : vector<16xi1>, vector<16xi32>
      %max3A_532 = arith.maxsi %select_n3A_519, %broadcast_in_dim3A_529 : vector<16xi32>
      %select_n3A_533 = arith.select %gt3A_526, %max3A_532, %select_n3A_519 : vector<16xi1>, vector<16xi32>
      %ge3A_534 = arith.constant 5.000000e-01 : f32
      %ge3A_535 = vector.broadcast %ge3A_534 : f32 to vector<16xf32>
      %ge3A_536 = arith.cmpf oge, %scan3A_435#7, %ge3A_535 : vector<16xf32>
      %all_reduce_population_count3A_537 = tpu.all_reduce %ge3A_536 {dim = 0 : i64, kind = #tpu.reduction_kind<sum>} : vector<16xi1> -> vector<16xi32>
      %gt3A_538 = arith.constant 0 : i32
      %gt3A_539 = vector.broadcast %gt3A_538 : i32 to vector<16xi32>
      %gt3A_540 = arith.cmpi sgt, %all_reduce_population_count3A_537, %gt3A_539 : vector<16xi32>
      %add3A_541 = arith.constant 7 : i32
      %add3A_542 = arith.addi %add3A_440, %add3A_541 : i32
      %broadcast_in_dim3A_543 = vector.broadcast %add3A_542 : i32 to vector<16xi32>
      %min3A_544 = arith.minsi %select_n3A_531, %broadcast_in_dim3A_543 : vector<16xi32>
      %select_n3A_545 = arith.select %gt3A_540, %min3A_544, %select_n3A_531 : vector<16xi1>, vector<16xi32>
      %max3A_546 = arith.maxsi %select_n3A_533, %broadcast_in_dim3A_543 : vector<16xi32>
      %select_n3A_547 = arith.select %gt3A_540, %max3A_546, %select_n3A_533 : vector<16xi1>, vector<16xi32>
      %ge3A_548 = arith.constant 5.000000e-01 : f32
      %ge3A_549 = vector.broadcast %ge3A_548 : f32 to vector<16xf32>
      %ge3A_550 = arith.cmpf oge, %scan3A_435#8, %ge3A_549 : vector<16xf32>
      %all_reduce_population_count3A_551 = tpu.all_reduce %ge3A_550 {dim = 0 : i64, kind = #tpu.reduction_kind<sum>} : vector<16xi1> -> vector<16xi32>
      %gt3A_552 = arith.constant 0 : i32
      %gt3A_553 = vector.broadcast %gt3A_552 : i32 to vector<16xi32>
      %gt3A_554 = arith.cmpi sgt, %all_reduce_population_count3A_551, %gt3A_553 : vector<16xi32>
      %add3A_555 = arith.constant 8 : i32
      %add3A_556 = arith.addi %add3A_440, %add3A_555 : i32
      %broadcast_in_dim3A_557 = vector.broadcast %add3A_556 : i32 to vector<16xi32>
      %min3A_558 = arith.minsi %select_n3A_545, %broadcast_in_dim3A_557 : vector<16xi32>
      %select_n3A_559 = arith.select %gt3A_554, %min3A_558, %select_n3A_545 : vector<16xi1>, vector<16xi32>
      %max3A_560 = arith.maxsi %select_n3A_547, %broadcast_in_dim3A_557 : vector<16xi32>
      %select_n3A_561 = arith.select %gt3A_554, %max3A_560, %select_n3A_547 : vector<16xi1>, vector<16xi32>
      %ge3A_562 = arith.constant 5.000000e-01 : f32
      %ge3A_563 = vector.broadcast %ge3A_562 : f32 to vector<16xf32>
      %ge3A_564 = arith.cmpf oge, %scan3A_435#9, %ge3A_563 : vector<16xf32>
      %all_reduce_population_count3A_565 = tpu.all_reduce %ge3A_564 {dim = 0 : i64, kind = #tpu.reduction_kind<sum>} : vector<16xi1> -> vector<16xi32>
      %gt3A_566 = arith.constant 0 : i32
      %gt3A_567 = vector.broadcast %gt3A_566 : i32 to vector<16xi32>
      %gt3A_568 = arith.cmpi sgt, %all_reduce_population_count3A_565, %gt3A_567 : vector<16xi32>
      %add3A_569 = arith.constant 9 : i32
      %add3A_570 = arith.addi %add3A_440, %add3A_569 : i32
      %broadcast_in_dim3A_571 = vector.broadcast %add3A_570 : i32 to vector<16xi32>
      %min3A_572 = arith.minsi %select_n3A_559, %broadcast_in_dim3A_571 : vector<16xi32>
      %select_n3A_573 = arith.select %gt3A_568, %min3A_572, %select_n3A_559 : vector<16xi1>, vector<16xi32>
      %max3A_574 = arith.maxsi %select_n3A_561, %broadcast_in_dim3A_571 : vector<16xi32>
      %select_n3A_575 = arith.select %gt3A_568, %max3A_574, %select_n3A_561 : vector<16xi1>, vector<16xi32>
      %ge3A_576 = arith.constant 5.000000e-01 : f32
      %ge3A_577 = vector.broadcast %ge3A_576 : f32 to vector<16xf32>
      %ge3A_578 = arith.cmpf oge, %scan3A_435#10, %ge3A_577 : vector<16xf32>
      %all_reduce_population_count3A_579 = tpu.all_reduce %ge3A_578 {dim = 0 : i64, kind = #tpu.reduction_kind<sum>} : vector<16xi1> -> vector<16xi32>
      %gt3A_580 = arith.constant 0 : i32
      %gt3A_581 = vector.broadcast %gt3A_580 : i32 to vector<16xi32>
      %gt3A_582 = arith.cmpi sgt, %all_reduce_population_count3A_579, %gt3A_581 : vector<16xi32>
      %add3A_583 = arith.constant 10 : i32
      %add3A_584 = arith.addi %add3A_440, %add3A_583 : i32
      %broadcast_in_dim3A_585 = vector.broadcast %add3A_584 : i32 to vector<16xi32>
      %min3A_586 = arith.minsi %select_n3A_573, %broadcast_in_dim3A_585 : vector<16xi32>
      %select_n3A_587 = arith.select %gt3A_582, %min3A_586, %select_n3A_573 : vector<16xi1>, vector<16xi32>
      %max3A_588 = arith.maxsi %select_n3A_575, %broadcast_in_dim3A_585 : vector<16xi32>
      %select_n3A_589 = arith.select %gt3A_582, %max3A_588, %select_n3A_575 : vector<16xi1>, vector<16xi32>
      %ge3A_590 = arith.constant 5.000000e-01 : f32
      %ge3A_591 = vector.broadcast %ge3A_590 : f32 to vector<16xf32>
      %ge3A_592 = arith.cmpf oge, %scan3A_435#11, %ge3A_591 : vector<16xf32>
      %all_reduce_population_count3A_593 = tpu.all_reduce %ge3A_592 {dim = 0 : i64, kind = #tpu.reduction_kind<sum>} : vector<16xi1> -> vector<16xi32>
      %gt3A_594 = arith.constant 0 : i32
      %gt3A_595 = vector.broadcast %gt3A_594 : i32 to vector<16xi32>
      %gt3A_596 = arith.cmpi sgt, %all_reduce_population_count3A_593, %gt3A_595 : vector<16xi32>
      %add3A_597 = arith.constant 11 : i32
      %add3A_598 = arith.addi %add3A_440, %add3A_597 : i32
      %broadcast_in_dim3A_599 = vector.broadcast %add3A_598 : i32 to vector<16xi32>
      %min3A_600 = arith.minsi %select_n3A_587, %broadcast_in_dim3A_599 : vector<16xi32>
      %select_n3A_601 = arith.select %gt3A_596, %min3A_600, %select_n3A_587 : vector<16xi1>, vector<16xi32>
      %max3A_602 = arith.maxsi %select_n3A_589, %broadcast_in_dim3A_599 : vector<16xi32>
      %select_n3A_603 = arith.select %gt3A_596, %max3A_602, %select_n3A_589 : vector<16xi1>, vector<16xi32>
      %ge3A_604 = arith.constant 5.000000e-01 : f32
      %ge3A_605 = vector.broadcast %ge3A_604 : f32 to vector<16xf32>
      %ge3A_606 = arith.cmpf oge, %scan3A_435#12, %ge3A_605 : vector<16xf32>
      %all_reduce_population_count3A_607 = tpu.all_reduce %ge3A_606 {dim = 0 : i64, kind = #tpu.reduction_kind<sum>} : vector<16xi1> -> vector<16xi32>
      %gt3A_608 = arith.constant 0 : i32
      %gt3A_609 = vector.broadcast %gt3A_608 : i32 to vector<16xi32>
      %gt3A_610 = arith.cmpi sgt, %all_reduce_population_count3A_607, %gt3A_609 : vector<16xi32>
      %add3A_611 = arith.constant 12 : i32
      %add3A_612 = arith.addi %add3A_440, %add3A_611 : i32
      %broadcast_in_dim3A_613 = vector.broadcast %add3A_612 : i32 to vector<16xi32>
      %min3A_614 = arith.minsi %select_n3A_601, %broadcast_in_dim3A_613 : vector<16xi32>
      %select_n3A_615 = arith.select %gt3A_610, %min3A_614, %select_n3A_601 : vector<16xi1>, vector<16xi32>
      %max3A_616 = arith.maxsi %select_n3A_603, %broadcast_in_dim3A_613 : vector<16xi32>
      %select_n3A_617 = arith.select %gt3A_610, %max3A_616, %select_n3A_603 : vector<16xi1>, vector<16xi32>
      %ge3A_618 = arith.constant 5.000000e-01 : f32
      %ge3A_619 = vector.broadcast %ge3A_618 : f32 to vector<16xf32>
      %ge3A_620 = arith.cmpf oge, %scan3A_435#13, %ge3A_619 : vector<16xf32>
      %all_reduce_population_count3A_621 = tpu.all_reduce %ge3A_620 {dim = 0 : i64, kind = #tpu.reduction_kind<sum>} : vector<16xi1> -> vector<16xi32>
      %gt3A_622 = arith.constant 0 : i32
      %gt3A_623 = vector.broadcast %gt3A_622 : i32 to vector<16xi32>
      %gt3A_624 = arith.cmpi sgt, %all_reduce_population_count3A_621, %gt3A_623 : vector<16xi32>
      %add3A_625 = arith.constant 13 : i32
      %add3A_626 = arith.addi %add3A_440, %add3A_625 : i32
      %broadcast_in_dim3A_627 = vector.broadcast %add3A_626 : i32 to vector<16xi32>
      %min3A_628 = arith.minsi %select_n3A_615, %broadcast_in_dim3A_627 : vector<16xi32>
      %select_n3A_629 = arith.select %gt3A_624, %min3A_628, %select_n3A_615 : vector<16xi1>, vector<16xi32>
      %max3A_630 = arith.maxsi %select_n3A_617, %broadcast_in_dim3A_627 : vector<16xi32>
      %select_n3A_631 = arith.select %gt3A_624, %max3A_630, %select_n3A_617 : vector<16xi1>, vector<16xi32>
      %ge3A_632 = arith.constant 5.000000e-01 : f32
      %ge3A_633 = vector.broadcast %ge3A_632 : f32 to vector<16xf32>
      %ge3A_634 = arith.cmpf oge, %scan3A_435#14, %ge3A_633 : vector<16xf32>
      %all_reduce_population_count3A_635 = tpu.all_reduce %ge3A_634 {dim = 0 : i64, kind = #tpu.reduction_kind<sum>} : vector<16xi1> -> vector<16xi32>
      %gt3A_636 = arith.constant 0 : i32
      %gt3A_637 = vector.broadcast %gt3A_636 : i32 to vector<16xi32>
      %gt3A_638 = arith.cmpi sgt, %all_reduce_population_count3A_635, %gt3A_637 : vector<16xi32>
      %add3A_639 = arith.constant 14 : i32
      %add3A_640 = arith.addi %add3A_440, %add3A_639 : i32
      %broadcast_in_dim3A_641 = vector.broadcast %add3A_640 : i32 to vector<16xi32>
      %min3A_642 = arith.minsi %select_n3A_629, %broadcast_in_dim3A_641 : vector<16xi32>
      %select_n3A_643 = arith.select %gt3A_638, %min3A_642, %select_n3A_629 : vector<16xi1>, vector<16xi32>
      %max3A_644 = arith.maxsi %select_n3A_631, %broadcast_in_dim3A_641 : vector<16xi32>
      %select_n3A_645 = arith.select %gt3A_638, %max3A_644, %select_n3A_631 : vector<16xi1>, vector<16xi32>
      %ge3A_646 = arith.constant 5.000000e-01 : f32
      %ge3A_647 = vector.broadcast %ge3A_646 : f32 to vector<16xf32>
      %ge3A_648 = arith.cmpf oge, %scan3A_435#15, %ge3A_647 : vector<16xf32>
      %all_reduce_population_count3A_649 = tpu.all_reduce %ge3A_648 {dim = 0 : i64, kind = #tpu.reduction_kind<sum>} : vector<16xi1> -> vector<16xi32>
      %gt3A_650 = arith.constant 0 : i32
      %gt3A_651 = vector.broadcast %gt3A_650 : i32 to vector<16xi32>
      %gt3A_652 = arith.cmpi sgt, %all_reduce_population_count3A_649, %gt3A_651 : vector<16xi32>
      %add3A_653 = arith.constant 15 : i32
      %add3A_654 = arith.addi %add3A_440, %add3A_653 : i32
      %broadcast_in_dim3A_655 = vector.broadcast %add3A_654 : i32 to vector<16xi32>
      %min3A_656 = arith.minsi %select_n3A_643, %broadcast_in_dim3A_655 : vector<16xi32>
      %select_n3A_657 = arith.select %gt3A_652, %min3A_656, %select_n3A_643 : vector<16xi1>, vector<16xi32>
      %max3A_658 = arith.maxsi %select_n3A_645, %broadcast_in_dim3A_655 : vector<16xi32>
      %select_n3A_659 = arith.select %gt3A_652, %max3A_658, %select_n3A_645 : vector<16xi1>, vector<16xi32>
      scf.yield %select_n3A_657, %select_n3A_659 : vector<16xi32>, vector<16xi32>
    }
    %scan3A_91 = arith.constant 4 : i32
    %broadcast_in_dim3A_92 = arith.constant 512 : i32
    %broadcast_in_dim3A_93 = vector.broadcast %broadcast_in_dim3A_92 : i32 to vector<16xi32>
    %broadcast_in_dim3A_94 = arith.constant -1 : i32
    %broadcast_in_dim3A_95 = vector.broadcast %broadcast_in_dim3A_94 : i32 to vector<16xi32>
    %scan3A_96 = arith.constant 0 : i32
    %scan3A_97 = arith.constant 32 : i32
    %scan3A_98 = arith.addi %scan3A_96, %scan3A_97 : i32
    %scan3A_99 = arith.constant 1 : i32
    %scan3A_100:2 = scf.for %scan3A_396 = %scan3A_96 to %scan3A_98 step %scan3A_99 iter_args(%scan3A_397 = %broadcast_in_dim3A_93, %scan3A_398 = %broadcast_in_dim3A_95) -> (vector<16xi32>, vector<16xi32>)  : i32 {
      %mul3A_399 = arith.constant 16 : i32
      %mul3A_400 = arith.muli %scan3A_396, %mul3A_399 : i32
      %get3A = arith.index_cast %mul3A_400 : i32 to index
      %get3A_401 = tpu.vector_load %arg6[%get3A] {strides = array<i32>} : memref<512xf32, #tpu.memory_space<vmem>>, vector<16xf32>,
      %ge3A = arith.constant 5.000000e-01 : f32
      %ge3A_402 = vector.broadcast %ge3A : f32 to vector<16xf32>
      %ge3A_403 = arith.cmpf oge, %get3A_401, %ge3A_402 : vector<16xf32>
      %all_reduce_population_count3A = tpu.all_reduce %ge3A_403 {dim = 0 : i64, kind = #tpu.reduction_kind<sum>} : vector<16xi1> -> vector<16xi32>
      %gt3A = arith.constant 0 : i32
      %gt3A_404 = vector.broadcast %gt3A : i32 to vector<16xi32>
      %gt3A_405 = arith.cmpi sgt, %all_reduce_population_count3A, %gt3A_404 : vector<16xi32>
      %all_reduce_ffs3A = tpu.all_reduce %ge3A_403 {dim = 0 : i64, kind = #tpu.reduction_kind<find_first_set>} : vector<16xi1> -> vector<16xi32>
      %rev3A = arith.constant 15 : i32
      %rev3A_406 = vector.broadcast %rev3A : i32 to vector<16xi32>
      %rev3A_407 = tpu.iota {dimensions = array<i32: 0>} : vector<16xi32>
      %rev3A_408 = arith.subi %rev3A_406, %rev3A_407 : vector<16xi32>
      %rev3A_409 = tpu.dynamic_gather %get3A_401[%rev3A_408] in [0] : vector<16xf32>, vector<16xi32> -> vector<16xf32>
      %ge3A_410 = arith.constant 5.000000e-01 : f32
      %ge3A_411 = vector.broadcast %ge3A_410 : f32 to vector<16xf32>
      %ge3A_412 = arith.cmpf oge, %rev3A_409, %ge3A_411 : vector<16xf32>
      %all_reduce_ffs3A_413 = tpu.all_reduce %ge3A_412 {dim = 0 : i64, kind = #tpu.reduction_kind<find_first_set>} : vector<16xi1> -> vector<16xi32>
      %sub3A = arith.constant 15 : i32
      %sub3A_414 = vector.broadcast %sub3A : i32 to vector<16xi32>
      %sub3A_415 = arith.subi %sub3A_414, %all_reduce_ffs3A_413 : vector<16xi32>
      %mul3A_416 = arith.constant 16 : i32
      %mul3A_417 = arith.muli %scan3A_396, %mul3A_416 : i32
      %add3A_418 = vector.broadcast %mul3A_417 : i32 to vector<16xi32>
      %add3A_419 = arith.addi %add3A_418, %all_reduce_ffs3A : vector<16xi32>
      %min3A = arith.minsi %scan3A_397, %add3A_419 : vector<16xi32>
      %select_n3A_420 = arith.select %gt3A_405, %min3A, %scan3A_397 : vector<16xi1>, vector<16xi32>
      %mul3A_421 = arith.constant 16 : i32
      %mul3A_422 = arith.muli %scan3A_396, %mul3A_421 : i32
      %add3A_423 = vector.broadcast %mul3A_422 : i32 to vector<16xi32>
      %add3A_424 = arith.addi %add3A_423, %sub3A_415 : vector<16xi32>
      %max3A = arith.maxsi %scan3A_398, %add3A_424 : vector<16xi32>
      %select_n3A_425 = arith.select %gt3A_405, %max3A, %scan3A_398 : vector<16xi1>, vector<16xi32>
      scf.yield %select_n3A_420, %select_n3A_425 : vector<16xi32>, vector<16xi32>
    }
    %scan3A_101 = arith.constant 32 : i32
    %scan3A_102 = arith.constant 0 : i32
    %scan3A_103 = arith.constant 0 : i32
    %scan3A_104 = arith.constant 32 : i32
    %scan3A_105 = arith.addi %scan3A_103, %scan3A_104 : i32
    %scan3A_106 = arith.constant 1 : i32
    %scan3A_107 = scf.for %scan3A_396 = %scan3A_103 to %scan3A_105 step %scan3A_106 iter_args(%scan3A_397 = %scan3A_102) -> (i32)  : i32 {
      %mul3A_398 = arith.constant 16 : i32
      %mul3A_399 = arith.muli %scan3A_396, %mul3A_398 : i32
      %swap3A_400 = arith.index_cast %mul3A_399 : i32 to index
      %swap3A_401 = tpu.vector_load %arg6[%swap3A_400] {strides = array<i32>} : memref<512xf32, #tpu.memory_space<vmem>>, vector<16xf32>,
      tpu.vector_store %arg6[%swap3A_400], %broadcast_in_dim3A_3 {strides = array<i32>} : memref<512xf32, #tpu.memory_space<vmem>>, vector<16xf32>,
      %scan3A_402 = arith.constant 0 : i32
      scf.yield %scan3A_402 : i32
    }
    %scan3A_108 = arith.constant 32 : i32
    %eq3A = arith.constant 0 : i32
    %eq3A_109 = vector.broadcast %eq3A : i32 to vector<16xi32>
    %eq3A_110 = arith.cmpi eq, %iota3A, %eq3A_109 : vector<16xi32>
    %select_n3A = arith.select %eq3A_110, %scan3A_90#0, %broadcast_in_dim3A_18 : vector<16xi1>, vector<16xi32>
    %eq3A_111 = arith.constant 1 : i32
    %eq3A_112 = vector.broadcast %eq3A_111 : i32 to vector<16xi32>
    %eq3A_113 = arith.cmpi eq, %iota3A, %eq3A_112 : vector<16xi32>
    %select_n3A_114 = arith.select %eq3A_113, %scan3A_100#0, %select_n3A : vector<16xi1>, vector<16xi32>
    %eq3A_115 = arith.constant 2 : i32
    %eq3A_116 = vector.broadcast %eq3A_115 : i32 to vector<16xi32>
    %eq3A_117 = arith.cmpi eq, %iota3A, %eq3A_116 : vector<16xi32>
    %select_n3A_118 = arith.select %eq3A_117, %scan3A_90#1, %select_n3A_114 : vector<16xi1>, vector<16xi32>
    %eq3A_119 = arith.constant 3 : i32
    %eq3A_120 = vector.broadcast %eq3A_119 : i32 to vector<16xi32>
    %eq3A_121 = arith.cmpi eq, %iota3A, %eq3A_120 : vector<16xi32>
    %select_n3A_122 = arith.select %eq3A_121, %scan3A_100#1, %select_n3A_118 : vector<16xi1>, vector<16xi32>
    %mul3A_123 = arith.constant 5 : i32
    %mul3A_124 = arith.muli %add3A, %mul3A_123 : i32
    %add3A_125 = arith.constant 96 : i32
    %add3A_126 = arith.addi %add3A_125, %mul3A_124 : i32
    %add3A_127 = arith.constant 2 : i32
    %add3A_128 = arith.addi %add3A_126, %add3A_127 : i32
    %mul3A_129 = arith.constant 8 : i32
    %mul3A_130 = arith.muli %add3A_128, %mul3A_129 : i32
    %add3A_131 = arith.constant 7 : i32
    %add3A_132 = arith.addi %mul3A_130, %add3A_131 : i32
    %dma_start3A_133 = arith.constant 0 : i32
    %dma_start3A_134 = arith.constant 0 : i32
    %dma_start3A_135 = tpu.memref_slice %arg2[%add3A_132, %dma_start3A_133, %dma_start3A_134] : memref<2048x64x512xf32, #tpu.memory_space<hbm>> -> memref<1x64x512xf32, #tpu.memory_space<hbm>>
    %dma_start3A_136 = tpu.memref_squeeze %dma_start3A_135 : memref<1x64x512xf32, #tpu.memory_space<hbm>> -> memref<64x512xf32, #tpu.memory_space<hbm>>
    %dma_start3A_137 = arith.constant 0 : i32
    %dma_start3A_138 = arith.constant 0 : i32
    %dma_start3A_139 = tpu.memref_slice %arg2[%add3A_132, %dma_start3A_137, %dma_start3A_138] : memref<2048x64x512xf32, #tpu.memory_space<hbm>> -> memref<1x64x512xf32, #tpu.memory_space<hbm>>
    %dma_start3A_140 = tpu.memref_squeeze %dma_start3A_139 : memref<1x64x512xf32, #tpu.memory_space<hbm>> -> memref<64x512xf32, #tpu.memory_space<hbm>>
    tpu.enqueue_dma source(%dma_start3A_140 : memref<64x512xf32, #tpu.memory_space<hbm>>) target(%arg4 : memref<64x512xf32, #tpu.memory_space<vmem>>) target_semaphore(%arg8 : memref<!tpu.dma_semaphore, #tpu.memory_space<semaphore_mem>>)
    %dma_wait3A_141 = arith.constant 0 : i32
    %dma_wait3A_142 = arith.constant 0 : i32
    %dma_wait3A_143 = arith.constant 0 : i32
    %dma_wait3A_144 = tpu.memref_slice %arg2[%dma_wait3A_141, %dma_wait3A_142, %dma_wait3A_143] : memref<2048x64x512xf32, #tpu.memory_space<hbm>> -> memref<1x64x512xf32, #tpu.memory_space<hbm>>
    %dma_wait3A_145 = tpu.memref_squeeze %dma_wait3A_144 : memref<1x64x512xf32, #tpu.memory_space<hbm>> -> memref<64x512xf32, #tpu.memory_space<hbm>>
    %dma_wait3A_146 = arith.constant 0 : i32
    %dma_wait3A_147 = arith.constant 0 : i32
    %dma_wait3A_148 = tpu.memref_slice %arg2[%dma_wait3A_141, %dma_wait3A_146, %dma_wait3A_147] : memref<2048x64x512xf32, #tpu.memory_space<hbm>> -> memref<1x64x512xf32, #tpu.memory_space<hbm>>
    %dma_wait3A_149 = tpu.memref_squeeze %dma_wait3A_148 : memref<1x64x512xf32, #tpu.memory_space<hbm>> -> memref<64x512xf32, #tpu.memory_space<hbm>>
    tpu.wait_dma2 semaphore(%arg9 : memref<!tpu.dma_semaphore, #tpu.memory_space<semaphore_mem>>) src(%dma_wait3A_149 : memref<64x512xf32, #tpu.memory_space<hbm>>) dst(%arg5 : memref<64x512xf32, #tpu.memory_space<vmem>>)
    %broadcast_in_dim3A_150 = arith.constant 512 : i32
    %broadcast_in_dim3A_151 = vector.broadcast %broadcast_in_dim3A_150 : i32 to vector<16xi32>
    %broadcast_in_dim3A_152 = arith.constant -1 : i32
    %broadcast_in_dim3A_153 = vector.broadcast %broadcast_in_dim3A_152 : i32 to vector<16xi32>
    %scan3A_154 = arith.constant 0 : i32
    %scan3A_155 = arith.constant 4 : i32
    %scan3A_156 = arith.addi %scan3A_154, %scan3A_155 : i32
    %scan3A_157 = arith.constant 1 : i32
    %scan3A_158:2 = scf.for %scan3A_396 = %scan3A_154 to %scan3A_156 step %scan3A_157 iter_args(%scan3A_397 = %broadcast_in_dim3A_151, %scan3A_398 = %broadcast_in_dim3A_153) -> (vector<16xi32>, vector<16xi32>)  : i32 {
      %broadcast_in_dim3A_399 = arith.constant 0xFF800000 : f32
      %broadcast_in_dim3A_400 = vector.broadcast %broadcast_in_dim3A_399 : f32 to vector<16xf32>
      %broadcast_in_dim3A_401 = arith.constant 0xFF800000 : f32
      %broadcast_in_dim3A_402 = vector.broadcast %broadcast_in_dim3A_401 : f32 to vector<16xf32>
      %broadcast_in_dim3A_403 = arith.constant 0xFF800000 : f32
      %broadcast_in_dim3A_404 = vector.broadcast %broadcast_in_dim3A_403 : f32 to vector<16xf32>
      %broadcast_in_dim3A_405 = arith.constant 0xFF800000 : f32
      %broadcast_in_dim3A_406 = vector.broadcast %broadcast_in_dim3A_405 : f32 to vector<16xf32>
      %broadcast_in_dim3A_407 = arith.constant 0xFF800000 : f32
      %broadcast_in_dim3A_408 = vector.broadcast %broadcast_in_dim3A_407 : f32 to vector<16xf32>
      %broadcast_in_dim3A_409 = arith.constant 0xFF800000 : f32
      %broadcast_in_dim3A_410 = vector.broadcast %broadcast_in_dim3A_409 : f32 to vector<16xf32>
      %broadcast_in_dim3A_411 = arith.constant 0xFF800000 : f32
      %broadcast_in_dim3A_412 = vector.broadcast %broadcast_in_dim3A_411 : f32 to vector<16xf32>
      %broadcast_in_dim3A_413 = arith.constant 0xFF800000 : f32
      %broadcast_in_dim3A_414 = vector.broadcast %broadcast_in_dim3A_413 : f32 to vector<16xf32>
      %broadcast_in_dim3A_415 = arith.constant 0xFF800000 : f32
      %broadcast_in_dim3A_416 = vector.broadcast %broadcast_in_dim3A_415 : f32 to vector<16xf32>
      %broadcast_in_dim3A_417 = arith.constant 0xFF800000 : f32
      %broadcast_in_dim3A_418 = vector.broadcast %broadcast_in_dim3A_417 : f32 to vector<16xf32>
      %broadcast_in_dim3A_419 = arith.constant 0xFF800000 : f32
      %broadcast_in_dim3A_420 = vector.broadcast %broadcast_in_dim3A_419 : f32 to vector<16xf32>
      %broadcast_in_dim3A_421 = arith.constant 0xFF800000 : f32
      %broadcast_in_dim3A_422 = vector.broadcast %broadcast_in_dim3A_421 : f32 to vector<16xf32>
      %broadcast_in_dim3A_423 = arith.constant 0xFF800000 : f32
      %broadcast_in_dim3A_424 = vector.broadcast %broadcast_in_dim3A_423 : f32 to vector<16xf32>
      %broadcast_in_dim3A_425 = arith.constant 0xFF800000 : f32
      %broadcast_in_dim3A_426 = vector.broadcast %broadcast_in_dim3A_425 : f32 to vector<16xf32>
      %broadcast_in_dim3A_427 = arith.constant 0xFF800000 : f32
      %broadcast_in_dim3A_428 = vector.broadcast %broadcast_in_dim3A_427 : f32 to vector<16xf32>
      %broadcast_in_dim3A_429 = arith.constant 0xFF800000 : f32
      %broadcast_in_dim3A_430 = vector.broadcast %broadcast_in_dim3A_429 : f32 to vector<16xf32>
      %scan3A_431 = arith.constant 0 : i32
      %scan3A_432 = arith.constant 32 : i32
      %scan3A_433 = arith.addi %scan3A_431, %scan3A_432 : i32
      %scan3A_434 = arith.constant 1 : i32
      %scan3A_435:16 = scf.for %scan3A_660 = %scan3A_431 to %scan3A_433 step %scan3A_434 iter_args(%scan3A_661 = %broadcast_in_dim3A_400, %scan3A_662 = %broadcast_in_dim3A_402, %scan3A_663 = %broadcast_in_dim3A_404, %scan3A_664 = %broadcast_in_dim3A_406, %scan3A_665 = %broadcast_in_dim3A_408, %scan3A_666 = %broadcast_in_dim3A_410, %scan3A_667 = %broadcast_in_dim3A_412, %scan3A_668 = %broadcast_in_dim3A_414, %scan3A_669 = %broadcast_in_dim3A_416, %scan3A_670 = %broadcast_in_dim3A_418, %scan3A_671 = %broadcast_in_dim3A_420, %scan3A_672 = %broadcast_in_dim3A_422, %scan3A_673 = %broadcast_in_dim3A_424, %scan3A_674 = %broadcast_in_dim3A_426, %scan3A_675 = %broadcast_in_dim3A_428, %scan3A_676 = %broadcast_in_dim3A_430) -> (vector<16xf32>, vector<16xf32>, vector<16xf32>, vector<16xf32>, vector<16xf32>, vector<16xf32>, vector<16xf32>, vector<16xf32>, vector<16xf32>, vector<16xf32>, vector<16xf32>, vector<16xf32>, vector<16xf32>, vector<16xf32>, vector<16xf32>, vector<16xf32>)  : i32 {
        %mul3A_677 = arith.constant 16 : i32
        %mul3A_678 = arith.muli %scan3A_396, %mul3A_677 : i32
        %add3A_679 = arith.constant 0 : i32
        %add3A_680 = arith.addi %mul3A_678, %add3A_679 : i32
        %mul3A_681 = arith.constant 16 : i32
        %mul3A_682 = arith.muli %scan3A_660, %mul3A_681 : i32
        %get3A = arith.index_cast %add3A_680 : i32 to index
        %get3A_683 = arith.index_cast %mul3A_682 : i32 to index
        %get3A_684 = tpu.vector_load %arg5[%get3A, %get3A_683] {strides = array<i32>} : memref<64x512xf32, #tpu.memory_space<vmem>>, vector<16xf32>,
        %mul3A_685 = arith.constant 16 : i32
        %mul3A_686 = arith.muli %scan3A_396, %mul3A_685 : i32
        %add3A_687 = arith.constant 1 : i32
        %add3A_688 = arith.addi %mul3A_686, %add3A_687 : i32
        %mul3A_689 = arith.constant 16 : i32
        %mul3A_690 = arith.muli %scan3A_660, %mul3A_689 : i32
        %get3A_691 = arith.index_cast %add3A_688 : i32 to index
        %get3A_692 = arith.index_cast %mul3A_690 : i32 to index
        %get3A_693 = tpu.vector_load %arg5[%get3A_691, %get3A_692] {strides = array<i32>} : memref<64x512xf32, #tpu.memory_space<vmem>>, vector<16xf32>,
        %mul3A_694 = arith.constant 16 : i32
        %mul3A_695 = arith.muli %scan3A_396, %mul3A_694 : i32
        %add3A_696 = arith.constant 2 : i32
        %add3A_697 = arith.addi %mul3A_695, %add3A_696 : i32
        %mul3A_698 = arith.constant 16 : i32
        %mul3A_699 = arith.muli %scan3A_660, %mul3A_698 : i32
        %get3A_700 = arith.index_cast %add3A_697 : i32 to index
        %get3A_701 = arith.index_cast %mul3A_699 : i32 to index
        %get3A_702 = tpu.vector_load %arg5[%get3A_700, %get3A_701] {strides = array<i32>} : memref<64x512xf32, #tpu.memory_space<vmem>>, vector<16xf32>,
        %mul3A_703 = arith.constant 16 : i32
        %mul3A_704 = arith.muli %scan3A_396, %mul3A_703 : i32
        %add3A_705 = arith.constant 3 : i32
        %add3A_706 = arith.addi %mul3A_704, %add3A_705 : i32
        %mul3A_707 = arith.constant 16 : i32
        %mul3A_708 = arith.muli %scan3A_660, %mul3A_707 : i32
        %get3A_709 = arith.index_cast %add3A_706 : i32 to index
        %get3A_710 = arith.index_cast %mul3A_708 : i32 to index
        %get3A_711 = tpu.vector_load %arg5[%get3A_709, %get3A_710] {strides = array<i32>} : memref<64x512xf32, #tpu.memory_space<vmem>>, vector<16xf32>,
        %mul3A_712 = arith.constant 16 : i32
        %mul3A_713 = arith.muli %scan3A_396, %mul3A_712 : i32
        %add3A_714 = arith.constant 4 : i32
        %add3A_715 = arith.addi %mul3A_713, %add3A_714 : i32
        %mul3A_716 = arith.constant 16 : i32
        %mul3A_717 = arith.muli %scan3A_660, %mul3A_716 : i32
        %get3A_718 = arith.index_cast %add3A_715 : i32 to index
        %get3A_719 = arith.index_cast %mul3A_717 : i32 to index
        %get3A_720 = tpu.vector_load %arg5[%get3A_718, %get3A_719] {strides = array<i32>} : memref<64x512xf32, #tpu.memory_space<vmem>>, vector<16xf32>,
        %mul3A_721 = arith.constant 16 : i32
        %mul3A_722 = arith.muli %scan3A_396, %mul3A_721 : i32
        %add3A_723 = arith.constant 5 : i32
        %add3A_724 = arith.addi %mul3A_722, %add3A_723 : i32
        %mul3A_725 = arith.constant 16 : i32
        %mul3A_726 = arith.muli %scan3A_660, %mul3A_725 : i32
        %get3A_727 = arith.index_cast %add3A_724 : i32 to index
        %get3A_728 = arith.index_cast %mul3A_726 : i32 to index
        %get3A_729 = tpu.vector_load %arg5[%get3A_727, %get3A_728] {strides = array<i32>} : memref<64x512xf32, #tpu.memory_space<vmem>>, vector<16xf32>,
        %mul3A_730 = arith.constant 16 : i32
        %mul3A_731 = arith.muli %scan3A_396, %mul3A_730 : i32
        %add3A_732 = arith.constant 6 : i32
        %add3A_733 = arith.addi %mul3A_731, %add3A_732 : i32
        %mul3A_734 = arith.constant 16 : i32
        %mul3A_735 = arith.muli %scan3A_660, %mul3A_734 : i32
        %get3A_736 = arith.index_cast %add3A_733 : i32 to index
        %get3A_737 = arith.index_cast %mul3A_735 : i32 to index
        %get3A_738 = tpu.vector_load %arg5[%get3A_736, %get3A_737] {strides = array<i32>} : memref<64x512xf32, #tpu.memory_space<vmem>>, vector<16xf32>,
        %mul3A_739 = arith.constant 16 : i32
        %mul3A_740 = arith.muli %scan3A_396, %mul3A_739 : i32
        %add3A_741 = arith.constant 7 : i32
        %add3A_742 = arith.addi %mul3A_740, %add3A_741 : i32
        %mul3A_743 = arith.constant 16 : i32
        %mul3A_744 = arith.muli %scan3A_660, %mul3A_743 : i32
        %get3A_745 = arith.index_cast %add3A_742 : i32 to index
        %get3A_746 = arith.index_cast %mul3A_744 : i32 to index
        %get3A_747 = tpu.vector_load %arg5[%get3A_745, %get3A_746] {strides = array<i32>} : memref<64x512xf32, #tpu.memory_space<vmem>>, vector<16xf32>,
        %mul3A_748 = arith.constant 16 : i32
        %mul3A_749 = arith.muli %scan3A_396, %mul3A_748 : i32
        %add3A_750 = arith.constant 8 : i32
        %add3A_751 = arith.addi %mul3A_749, %add3A_750 : i32
        %mul3A_752 = arith.constant 16 : i32
        %mul3A_753 = arith.muli %scan3A_660, %mul3A_752 : i32
        %get3A_754 = arith.index_cast %add3A_751 : i32 to index
        %get3A_755 = arith.index_cast %mul3A_753 : i32 to index
        %get3A_756 = tpu.vector_load %arg5[%get3A_754, %get3A_755] {strides = array<i32>} : memref<64x512xf32, #tpu.memory_space<vmem>>, vector<16xf32>,
        %mul3A_757 = arith.constant 16 : i32
        %mul3A_758 = arith.muli %scan3A_396, %mul3A_757 : i32
        %add3A_759 = arith.constant 9 : i32
        %add3A_760 = arith.addi %mul3A_758, %add3A_759 : i32
        %mul3A_761 = arith.constant 16 : i32
        %mul3A_762 = arith.muli %scan3A_660, %mul3A_761 : i32
        %get3A_763 = arith.index_cast %add3A_760 : i32 to index
        %get3A_764 = arith.index_cast %mul3A_762 : i32 to index
        %get3A_765 = tpu.vector_load %arg5[%get3A_763, %get3A_764] {strides = array<i32>} : memref<64x512xf32, #tpu.memory_space<vmem>>, vector<16xf32>,
        %mul3A_766 = arith.constant 16 : i32
        %mul3A_767 = arith.muli %scan3A_396, %mul3A_766 : i32
        %add3A_768 = arith.constant 10 : i32
        %add3A_769 = arith.addi %mul3A_767, %add3A_768 : i32
        %mul3A_770 = arith.constant 16 : i32
        %mul3A_771 = arith.muli %scan3A_660, %mul3A_770 : i32
        %get3A_772 = arith.index_cast %add3A_769 : i32 to index
        %get3A_773 = arith.index_cast %mul3A_771 : i32 to index
        %get3A_774 = tpu.vector_load %arg5[%get3A_772, %get3A_773] {strides = array<i32>} : memref<64x512xf32, #tpu.memory_space<vmem>>, vector<16xf32>,
        %mul3A_775 = arith.constant 16 : i32
        %mul3A_776 = arith.muli %scan3A_396, %mul3A_775 : i32
        %add3A_777 = arith.constant 11 : i32
        %add3A_778 = arith.addi %mul3A_776, %add3A_777 : i32
        %mul3A_779 = arith.constant 16 : i32
        %mul3A_780 = arith.muli %scan3A_660, %mul3A_779 : i32
        %get3A_781 = arith.index_cast %add3A_778 : i32 to index
        %get3A_782 = arith.index_cast %mul3A_780 : i32 to index
        %get3A_783 = tpu.vector_load %arg5[%get3A_781, %get3A_782] {strides = array<i32>} : memref<64x512xf32, #tpu.memory_space<vmem>>, vector<16xf32>,
        %mul3A_784 = arith.constant 16 : i32
        %mul3A_785 = arith.muli %scan3A_396, %mul3A_784 : i32
        %add3A_786 = arith.constant 12 : i32
        %add3A_787 = arith.addi %mul3A_785, %add3A_786 : i32
        %mul3A_788 = arith.constant 16 : i32
        %mul3A_789 = arith.muli %scan3A_660, %mul3A_788 : i32
        %get3A_790 = arith.index_cast %add3A_787 : i32 to index
        %get3A_791 = arith.index_cast %mul3A_789 : i32 to index
        %get3A_792 = tpu.vector_load %arg5[%get3A_790, %get3A_791] {strides = array<i32>} : memref<64x512xf32, #tpu.memory_space<vmem>>, vector<16xf32>,
        %mul3A_793 = arith.constant 16 : i32
        %mul3A_794 = arith.muli %scan3A_396, %mul3A_793 : i32
        %add3A_795 = arith.constant 13 : i32
        %add3A_796 = arith.addi %mul3A_794, %add3A_795 : i32
        %mul3A_797 = arith.constant 16 : i32
        %mul3A_798 = arith.muli %scan3A_660, %mul3A_797 : i32
        %get3A_799 = arith.index_cast %add3A_796 : i32 to index
        %get3A_800 = arith.index_cast %mul3A_798 : i32 to index
        %get3A_801 = tpu.vector_load %arg5[%get3A_799, %get3A_800] {strides = array<i32>} : memref<64x512xf32, #tpu.memory_space<vmem>>, vector<16xf32>,
        %mul3A_802 = arith.constant 16 : i32
        %mul3A_803 = arith.muli %scan3A_396, %mul3A_802 : i32
        %add3A_804 = arith.constant 14 : i32
        %add3A_805 = arith.addi %mul3A_803, %add3A_804 : i32
        %mul3A_806 = arith.constant 16 : i32
        %mul3A_807 = arith.muli %scan3A_660, %mul3A_806 : i32
        %get3A_808 = arith.index_cast %add3A_805 : i32 to index
        %get3A_809 = arith.index_cast %mul3A_807 : i32 to index
        %get3A_810 = tpu.vector_load %arg5[%get3A_808, %get3A_809] {strides = array<i32>} : memref<64x512xf32, #tpu.memory_space<vmem>>, vector<16xf32>,
        %mul3A_811 = arith.constant 16 : i32
        %mul3A_812 = arith.muli %scan3A_396, %mul3A_811 : i32
        %add3A_813 = arith.constant 15 : i32
        %add3A_814 = arith.addi %mul3A_812, %add3A_813 : i32
        %mul3A_815 = arith.constant 16 : i32
        %mul3A_816 = arith.muli %scan3A_660, %mul3A_815 : i32
        %get3A_817 = arith.index_cast %add3A_814 : i32 to index
        %get3A_818 = arith.index_cast %mul3A_816 : i32 to index
        %get3A_819 = tpu.vector_load %arg5[%get3A_817, %get3A_818] {strides = array<i32>} : memref<64x512xf32, #tpu.memory_space<vmem>>, vector<16xf32>,
        %max3A_820 = arith.maximumf %scan3A_661, %get3A_684 : vector<16xf32>
        %max3A_821 = arith.maximumf %scan3A_662, %get3A_693 : vector<16xf32>
        %max3A_822 = arith.maximumf %scan3A_663, %get3A_702 : vector<16xf32>
        %max3A_823 = arith.maximumf %scan3A_664, %get3A_711 : vector<16xf32>
        %max3A_824 = arith.maximumf %scan3A_665, %get3A_720 : vector<16xf32>
        %max3A_825 = arith.maximumf %scan3A_666, %get3A_729 : vector<16xf32>
        %max3A_826 = arith.maximumf %scan3A_667, %get3A_738 : vector<16xf32>
        %max3A_827 = arith.maximumf %scan3A_668, %get3A_747 : vector<16xf32>
        %max3A_828 = arith.maximumf %scan3A_669, %get3A_756 : vector<16xf32>
        %max3A_829 = arith.maximumf %scan3A_670, %get3A_765 : vector<16xf32>
        %max3A_830 = arith.maximumf %scan3A_671, %get3A_774 : vector<16xf32>
        %max3A_831 = arith.maximumf %scan3A_672, %get3A_783 : vector<16xf32>
        %max3A_832 = arith.maximumf %scan3A_673, %get3A_792 : vector<16xf32>
        %max3A_833 = arith.maximumf %scan3A_674, %get3A_801 : vector<16xf32>
        %max3A_834 = arith.maximumf %scan3A_675, %get3A_810 : vector<16xf32>
        %max3A_835 = arith.maximumf %scan3A_676, %get3A_819 : vector<16xf32>
        %mul3A_836 = arith.constant 16 : i32
        %mul3A_837 = arith.muli %scan3A_660, %mul3A_836 : i32
        %get3A_838 = arith.index_cast %mul3A_837 : i32 to index
        %get3A_839 = tpu.vector_load %arg6[%get3A_838] {strides = array<i32>} : memref<512xf32, #tpu.memory_space<vmem>>, vector<16xf32>,
        %max3A_840 = arith.maximumf %get3A_684, %get3A_693 : vector<16xf32>
        %max3A_841 = arith.maximumf %get3A_702, %get3A_711 : vector<16xf32>
        %max3A_842 = arith.maximumf %get3A_720, %get3A_729 : vector<16xf32>
        %max3A_843 = arith.maximumf %get3A_738, %get3A_747 : vector<16xf32>
        %max3A_844 = arith.maximumf %get3A_756, %get3A_765 : vector<16xf32>
        %max3A_845 = arith.maximumf %get3A_774, %get3A_783 : vector<16xf32>
        %max3A_846 = arith.maximumf %get3A_792, %get3A_801 : vector<16xf32>
        %max3A_847 = arith.maximumf %get3A_810, %get3A_819 : vector<16xf32>
        %max3A_848 = arith.maximumf %max3A_840, %max3A_841 : vector<16xf32>
        %max3A_849 = arith.maximumf %max3A_842, %max3A_843 : vector<16xf32>
        %max3A_850 = arith.maximumf %max3A_844, %max3A_845 : vector<16xf32>
        %max3A_851 = arith.maximumf %max3A_846, %max3A_847 : vector<16xf32>
        %max3A_852 = arith.maximumf %max3A_848, %max3A_849 : vector<16xf32>
        %max3A_853 = arith.maximumf %max3A_850, %max3A_851 : vector<16xf32>
        %max3A_854 = arith.maximumf %max3A_852, %max3A_853 : vector<16xf32>
        %max3A_855 = arith.maximumf %get3A_839, %max3A_854 : vector<16xf32>
        %mul3A_856 = arith.constant 16 : i32
        %mul3A_857 = arith.muli %scan3A_660, %mul3A_856 : i32
        %swap3A_858 = arith.index_cast %mul3A_857 : i32 to index
        %swap3A_859 = tpu.vector_load %arg6[%swap3A_858] {strides = array<i32>} : memref<512xf32, #tpu.memory_space<vmem>>, vector<16xf32>,
        tpu.vector_store %arg6[%swap3A_858], %max3A_855 {strides = array<i32>} : memref<512xf32, #tpu.memory_space<vmem>>, vector<16xf32>,
        scf.yield %max3A_820, %max3A_821, %max3A_822, %max3A_823, %max3A_824, %max3A_825, %max3A_826, %max3A_827, %max3A_828, %max3A_829, %max3A_830, %max3A_831, %max3A_832, %max3A_833, %max3A_834, %max3A_835 : vector<16xf32>, vector<16xf32>, vector<16xf32>, vector<16xf32>, vector<16xf32>, vector<16xf32>, vector<16xf32>, vector<16xf32>, vector<16xf32>, vector<16xf32>, vector<16xf32>, vector<16xf32>, vector<16xf32>, vector<16xf32>, vector<16xf32>, vector<16xf32>
      }
      %scan3A_436 = arith.constant 32 : i32
      %mul3A_437 = arith.constant 16 : i32
      %mul3A_438 = arith.muli %scan3A_396, %mul3A_437 : i32
      %add3A_439 = arith.constant 448 : i32
      %add3A_440 = arith.addi %add3A_439, %mul3A_438 : i32
      %ge3A = arith.constant 5.000000e-01 : f32
      %ge3A_441 = vector.broadcast %ge3A : f32 to vector<16xf32>
      %ge3A_442 = arith.cmpf oge, %scan3A_435#0, %ge3A_441 : vector<16xf32>
      %all_reduce_population_count3A = tpu.all_reduce %ge3A_442 {dim = 0 : i64, kind = #tpu.reduction_kind<sum>} : vector<16xi1> -> vector<16xi32>
      %gt3A = arith.constant 0 : i32
      %gt3A_443 = vector.broadcast %gt3A : i32 to vector<16xi32>
      %gt3A_444 = arith.cmpi sgt, %all_reduce_population_count3A, %gt3A_443 : vector<16xi32>
      %add3A_445 = arith.constant 0 : i32
      %add3A_446 = arith.addi %add3A_440, %add3A_445 : i32
      %broadcast_in_dim3A_447 = vector.broadcast %add3A_446 : i32 to vector<16xi32>
      %min3A = arith.minsi %scan3A_397, %broadcast_in_dim3A_447 : vector<16xi32>
      %select_n3A_448 = arith.select %gt3A_444, %min3A, %scan3A_397 : vector<16xi1>, vector<16xi32>
      %max3A = arith.maxsi %scan3A_398, %broadcast_in_dim3A_447 : vector<16xi32>
      %select_n3A_449 = arith.select %gt3A_444, %max3A, %scan3A_398 : vector<16xi1>, vector<16xi32>
      %ge3A_450 = arith.constant 5.000000e-01 : f32
      %ge3A_451 = vector.broadcast %ge3A_450 : f32 to vector<16xf32>
      %ge3A_452 = arith.cmpf oge, %scan3A_435#1, %ge3A_451 : vector<16xf32>
      %all_reduce_population_count3A_453 = tpu.all_reduce %ge3A_452 {dim = 0 : i64, kind = #tpu.reduction_kind<sum>} : vector<16xi1> -> vector<16xi32>
      %gt3A_454 = arith.constant 0 : i32
      %gt3A_455 = vector.broadcast %gt3A_454 : i32 to vector<16xi32>
      %gt3A_456 = arith.cmpi sgt, %all_reduce_population_count3A_453, %gt3A_455 : vector<16xi32>
      %add3A_457 = arith.constant 1 : i32
      %add3A_458 = arith.addi %add3A_440, %add3A_457 : i32
      %broadcast_in_dim3A_459 = vector.broadcast %add3A_458 : i32 to vector<16xi32>
      %min3A_460 = arith.minsi %select_n3A_448, %broadcast_in_dim3A_459 : vector<16xi32>
      %select_n3A_461 = arith.select %gt3A_456, %min3A_460, %select_n3A_448 : vector<16xi1>, vector<16xi32>
      %max3A_462 = arith.maxsi %select_n3A_449, %broadcast_in_dim3A_459 : vector<16xi32>
      %select_n3A_463 = arith.select %gt3A_456, %max3A_462, %select_n3A_449 : vector<16xi1>, vector<16xi32>
      %ge3A_464 = arith.constant 5.000000e-01 : f32
      %ge3A_465 = vector.broadcast %ge3A_464 : f32 to vector<16xf32>
      %ge3A_466 = arith.cmpf oge, %scan3A_435#2, %ge3A_465 : vector<16xf32>
      %all_reduce_population_count3A_467 = tpu.all_reduce %ge3A_466 {dim = 0 : i64, kind = #tpu.reduction_kind<sum>} : vector<16xi1> -> vector<16xi32>
      %gt3A_468 = arith.constant 0 : i32
      %gt3A_469 = vector.broadcast %gt3A_468 : i32 to vector<16xi32>
      %gt3A_470 = arith.cmpi sgt, %all_reduce_population_count3A_467, %gt3A_469 : vector<16xi32>
      %add3A_471 = arith.constant 2 : i32
      %add3A_472 = arith.addi %add3A_440, %add3A_471 : i32
      %broadcast_in_dim3A_473 = vector.broadcast %add3A_472 : i32 to vector<16xi32>
      %min3A_474 = arith.minsi %select_n3A_461, %broadcast_in_dim3A_473 : vector<16xi32>
      %select_n3A_475 = arith.select %gt3A_470, %min3A_474, %select_n3A_461 : vector<16xi1>, vector<16xi32>
      %max3A_476 = arith.maxsi %select_n3A_463, %broadcast_in_dim3A_473 : vector<16xi32>
      %select_n3A_477 = arith.select %gt3A_470, %max3A_476, %select_n3A_463 : vector<16xi1>, vector<16xi32>
      %ge3A_478 = arith.constant 5.000000e-01 : f32
      %ge3A_479 = vector.broadcast %ge3A_478 : f32 to vector<16xf32>
      %ge3A_480 = arith.cmpf oge, %scan3A_435#3, %ge3A_479 : vector<16xf32>
      %all_reduce_population_count3A_481 = tpu.all_reduce %ge3A_480 {dim = 0 : i64, kind = #tpu.reduction_kind<sum>} : vector<16xi1> -> vector<16xi32>
      %gt3A_482 = arith.constant 0 : i32
      %gt3A_483 = vector.broadcast %gt3A_482 : i32 to vector<16xi32>
      %gt3A_484 = arith.cmpi sgt, %all_reduce_population_count3A_481, %gt3A_483 : vector<16xi32>
      %add3A_485 = arith.constant 3 : i32
      %add3A_486 = arith.addi %add3A_440, %add3A_485 : i32
      %broadcast_in_dim3A_487 = vector.broadcast %add3A_486 : i32 to vector<16xi32>
      %min3A_488 = arith.minsi %select_n3A_475, %broadcast_in_dim3A_487 : vector<16xi32>
      %select_n3A_489 = arith.select %gt3A_484, %min3A_488, %select_n3A_475 : vector<16xi1>, vector<16xi32>
      %max3A_490 = arith.maxsi %select_n3A_477, %broadcast_in_dim3A_487 : vector<16xi32>
      %select_n3A_491 = arith.select %gt3A_484, %max3A_490, %select_n3A_477 : vector<16xi1>, vector<16xi32>
      %ge3A_492 = arith.constant 5.000000e-01 : f32
      %ge3A_493 = vector.broadcast %ge3A_492 : f32 to vector<16xf32>
      %ge3A_494 = arith.cmpf oge, %scan3A_435#4, %ge3A_493 : vector<16xf32>
      %all_reduce_population_count3A_495 = tpu.all_reduce %ge3A_494 {dim = 0 : i64, kind = #tpu.reduction_kind<sum>} : vector<16xi1> -> vector<16xi32>
      %gt3A_496 = arith.constant 0 : i32
      %gt3A_497 = vector.broadcast %gt3A_496 : i32 to vector<16xi32>
      %gt3A_498 = arith.cmpi sgt, %all_reduce_population_count3A_495, %gt3A_497 : vector<16xi32>
      %add3A_499 = arith.constant 4 : i32
      %add3A_500 = arith.addi %add3A_440, %add3A_499 : i32
      %broadcast_in_dim3A_501 = vector.broadcast %add3A_500 : i32 to vector<16xi32>
      %min3A_502 = arith.minsi %select_n3A_489, %broadcast_in_dim3A_501 : vector<16xi32>
      %select_n3A_503 = arith.select %gt3A_498, %min3A_502, %select_n3A_489 : vector<16xi1>, vector<16xi32>
      %max3A_504 = arith.maxsi %select_n3A_491, %broadcast_in_dim3A_501 : vector<16xi32>
      %select_n3A_505 = arith.select %gt3A_498, %max3A_504, %select_n3A_491 : vector<16xi1>, vector<16xi32>
      %ge3A_506 = arith.constant 5.000000e-01 : f32
      %ge3A_507 = vector.broadcast %ge3A_506 : f32 to vector<16xf32>
      %ge3A_508 = arith.cmpf oge, %scan3A_435#5, %ge3A_507 : vector<16xf32>
      %all_reduce_population_count3A_509 = tpu.all_reduce %ge3A_508 {dim = 0 : i64, kind = #tpu.reduction_kind<sum>} : vector<16xi1> -> vector<16xi32>
      %gt3A_510 = arith.constant 0 : i32
      %gt3A_511 = vector.broadcast %gt3A_510 : i32 to vector<16xi32>
      %gt3A_512 = arith.cmpi sgt, %all_reduce_population_count3A_509, %gt3A_511 : vector<16xi32>
      %add3A_513 = arith.constant 5 : i32
      %add3A_514 = arith.addi %add3A_440, %add3A_513 : i32
      %broadcast_in_dim3A_515 = vector.broadcast %add3A_514 : i32 to vector<16xi32>
      %min3A_516 = arith.minsi %select_n3A_503, %broadcast_in_dim3A_515 : vector<16xi32>
      %select_n3A_517 = arith.select %gt3A_512, %min3A_516, %select_n3A_503 : vector<16xi1>, vector<16xi32>
      %max3A_518 = arith.maxsi %select_n3A_505, %broadcast_in_dim3A_515 : vector<16xi32>
      %select_n3A_519 = arith.select %gt3A_512, %max3A_518, %select_n3A_505 : vector<16xi1>, vector<16xi32>
      %ge3A_520 = arith.constant 5.000000e-01 : f32
      %ge3A_521 = vector.broadcast %ge3A_520 : f32 to vector<16xf32>
      %ge3A_522 = arith.cmpf oge, %scan3A_435#6, %ge3A_521 : vector<16xf32>
      %all_reduce_population_count3A_523 = tpu.all_reduce %ge3A_522 {dim = 0 : i64, kind = #tpu.reduction_kind<sum>} : vector<16xi1> -> vector<16xi32>
      %gt3A_524 = arith.constant 0 : i32
      %gt3A_525 = vector.broadcast %gt3A_524 : i32 to vector<16xi32>
      %gt3A_526 = arith.cmpi sgt, %all_reduce_population_count3A_523, %gt3A_525 : vector<16xi32>
      %add3A_527 = arith.constant 6 : i32
      %add3A_528 = arith.addi %add3A_440, %add3A_527 : i32
      %broadcast_in_dim3A_529 = vector.broadcast %add3A_528 : i32 to vector<16xi32>
      %min3A_530 = arith.minsi %select_n3A_517, %broadcast_in_dim3A_529 : vector<16xi32>
      %select_n3A_531 = arith.select %gt3A_526, %min3A_530, %select_n3A_517 : vector<16xi1>, vector<16xi32>
      %max3A_532 = arith.maxsi %select_n3A_519, %broadcast_in_dim3A_529 : vector<16xi32>
      %select_n3A_533 = arith.select %gt3A_526, %max3A_532, %select_n3A_519 : vector<16xi1>, vector<16xi32>
      %ge3A_534 = arith.constant 5.000000e-01 : f32
      %ge3A_535 = vector.broadcast %ge3A_534 : f32 to vector<16xf32>
      %ge3A_536 = arith.cmpf oge, %scan3A_435#7, %ge3A_535 : vector<16xf32>
      %all_reduce_population_count3A_537 = tpu.all_reduce %ge3A_536 {dim = 0 : i64, kind = #tpu.reduction_kind<sum>} : vector<16xi1> -> vector<16xi32>
      %gt3A_538 = arith.constant 0 : i32
      %gt3A_539 = vector.broadcast %gt3A_538 : i32 to vector<16xi32>
      %gt3A_540 = arith.cmpi sgt, %all_reduce_population_count3A_537, %gt3A_539 : vector<16xi32>
      %add3A_541 = arith.constant 7 : i32
      %add3A_542 = arith.addi %add3A_440, %add3A_541 : i32
      %broadcast_in_dim3A_543 = vector.broadcast %add3A_542 : i32 to vector<16xi32>
      %min3A_544 = arith.minsi %select_n3A_531, %broadcast_in_dim3A_543 : vector<16xi32>
      %select_n3A_545 = arith.select %gt3A_540, %min3A_544, %select_n3A_531 : vector<16xi1>, vector<16xi32>
      %max3A_546 = arith.maxsi %select_n3A_533, %broadcast_in_dim3A_543 : vector<16xi32>
      %select_n3A_547 = arith.select %gt3A_540, %max3A_546, %select_n3A_533 : vector<16xi1>, vector<16xi32>
      %ge3A_548 = arith.constant 5.000000e-01 : f32
      %ge3A_549 = vector.broadcast %ge3A_548 : f32 to vector<16xf32>
      %ge3A_550 = arith.cmpf oge, %scan3A_435#8, %ge3A_549 : vector<16xf32>
      %all_reduce_population_count3A_551 = tpu.all_reduce %ge3A_550 {dim = 0 : i64, kind = #tpu.reduction_kind<sum>} : vector<16xi1> -> vector<16xi32>
      %gt3A_552 = arith.constant 0 : i32
      %gt3A_553 = vector.broadcast %gt3A_552 : i32 to vector<16xi32>
      %gt3A_554 = arith.cmpi sgt, %all_reduce_population_count3A_551, %gt3A_553 : vector<16xi32>
      %add3A_555 = arith.constant 8 : i32
      %add3A_556 = arith.addi %add3A_440, %add3A_555 : i32
      %broadcast_in_dim3A_557 = vector.broadcast %add3A_556 : i32 to vector<16xi32>
      %min3A_558 = arith.minsi %select_n3A_545, %broadcast_in_dim3A_557 : vector<16xi32>
      %select_n3A_559 = arith.select %gt3A_554, %min3A_558, %select_n3A_545 : vector<16xi1>, vector<16xi32>
      %max3A_560 = arith.maxsi %select_n3A_547, %broadcast_in_dim3A_557 : vector<16xi32>
      %select_n3A_561 = arith.select %gt3A_554, %max3A_560, %select_n3A_547 : vector<16xi1>, vector<16xi32>
      %ge3A_562 = arith.constant 5.000000e-01 : f32
      %ge3A_563 = vector.broadcast %ge3A_562 : f32 to vector<16xf32>
      %ge3A_564 = arith.cmpf oge, %scan3A_435#9, %ge3A_563 : vector<16xf32>
      %all_reduce_population_count3A_565 = tpu.all_reduce %ge3A_564 {dim = 0 : i64, kind = #tpu.reduction_kind<sum>} : vector<16xi1> -> vector<16xi32>
      %gt3A_566 = arith.constant 0 : i32
      %gt3A_567 = vector.broadcast %gt3A_566 : i32 to vector<16xi32>
      %gt3A_568 = arith.cmpi sgt, %all_reduce_population_count3A_565, %gt3A_567 : vector<16xi32>
      %add3A_569 = arith.constant 9 : i32
      %add3A_570 = arith.addi %add3A_440, %add3A_569 : i32
      %broadcast_in_dim3A_571 = vector.broadcast %add3A_570 : i32 to vector<16xi32>
      %min3A_572 = arith.minsi %select_n3A_559, %broadcast_in_dim3A_571 : vector<16xi32>
      %select_n3A_573 = arith.select %gt3A_568, %min3A_572, %select_n3A_559 : vector<16xi1>, vector<16xi32>
      %max3A_574 = arith.maxsi %select_n3A_561, %broadcast_in_dim3A_571 : vector<16xi32>
      %select_n3A_575 = arith.select %gt3A_568, %max3A_574, %select_n3A_561 : vector<16xi1>, vector<16xi32>
      %ge3A_576 = arith.constant 5.000000e-01 : f32
      %ge3A_577 = vector.broadcast %ge3A_576 : f32 to vector<16xf32>
      %ge3A_578 = arith.cmpf oge, %scan3A_435#10, %ge3A_577 : vector<16xf32>
      %all_reduce_population_count3A_579 = tpu.all_reduce %ge3A_578 {dim = 0 : i64, kind = #tpu.reduction_kind<sum>} : vector<16xi1> -> vector<16xi32>
      %gt3A_580 = arith.constant 0 : i32
      %gt3A_581 = vector.broadcast %gt3A_580 : i32 to vector<16xi32>
      %gt3A_582 = arith.cmpi sgt, %all_reduce_population_count3A_579, %gt3A_581 : vector<16xi32>
      %add3A_583 = arith.constant 10 : i32
      %add3A_584 = arith.addi %add3A_440, %add3A_583 : i32
      %broadcast_in_dim3A_585 = vector.broadcast %add3A_584 : i32 to vector<16xi32>
      %min3A_586 = arith.minsi %select_n3A_573, %broadcast_in_dim3A_585 : vector<16xi32>
      %select_n3A_587 = arith.select %gt3A_582, %min3A_586, %select_n3A_573 : vector<16xi1>, vector<16xi32>
      %max3A_588 = arith.maxsi %select_n3A_575, %broadcast_in_dim3A_585 : vector<16xi32>
      %select_n3A_589 = arith.select %gt3A_582, %max3A_588, %select_n3A_575 : vector<16xi1>, vector<16xi32>
      %ge3A_590 = arith.constant 5.000000e-01 : f32
      %ge3A_591 = vector.broadcast %ge3A_590 : f32 to vector<16xf32>
      %ge3A_592 = arith.cmpf oge, %scan3A_435#11, %ge3A_591 : vector<16xf32>
      %all_reduce_population_count3A_593 = tpu.all_reduce %ge3A_592 {dim = 0 : i64, kind = #tpu.reduction_kind<sum>} : vector<16xi1> -> vector<16xi32>
      %gt3A_594 = arith.constant 0 : i32
      %gt3A_595 = vector.broadcast %gt3A_594 : i32 to vector<16xi32>
      %gt3A_596 = arith.cmpi sgt, %all_reduce_population_count3A_593, %gt3A_595 : vector<16xi32>
      %add3A_597 = arith.constant 11 : i32
      %add3A_598 = arith.addi %add3A_440, %add3A_597 : i32
      %broadcast_in_dim3A_599 = vector.broadcast %add3A_598 : i32 to vector<16xi32>
      %min3A_600 = arith.minsi %select_n3A_587, %broadcast_in_dim3A_599 : vector<16xi32>
      %select_n3A_601 = arith.select %gt3A_596, %min3A_600, %select_n3A_587 : vector<16xi1>, vector<16xi32>
      %max3A_602 = arith.maxsi %select_n3A_589, %broadcast_in_dim3A_599 : vector<16xi32>
      %select_n3A_603 = arith.select %gt3A_596, %max3A_602, %select_n3A_589 : vector<16xi1>, vector<16xi32>
      %ge3A_604 = arith.constant 5.000000e-01 : f32
      %ge3A_605 = vector.broadcast %ge3A_604 : f32 to vector<16xf32>
      %ge3A_606 = arith.cmpf oge, %scan3A_435#12, %ge3A_605 : vector<16xf32>
      %all_reduce_population_count3A_607 = tpu.all_reduce %ge3A_606 {dim = 0 : i64, kind = #tpu.reduction_kind<sum>} : vector<16xi1> -> vector<16xi32>
      %gt3A_608 = arith.constant 0 : i32
      %gt3A_609 = vector.broadcast %gt3A_608 : i32 to vector<16xi32>
      %gt3A_610 = arith.cmpi sgt, %all_reduce_population_count3A_607, %gt3A_609 : vector<16xi32>
      %add3A_611 = arith.constant 12 : i32
      %add3A_612 = arith.addi %add3A_440, %add3A_611 : i32
      %broadcast_in_dim3A_613 = vector.broadcast %add3A_612 : i32 to vector<16xi32>
      %min3A_614 = arith.minsi %select_n3A_601, %broadcast_in_dim3A_613 : vector<16xi32>
      %select_n3A_615 = arith.select %gt3A_610, %min3A_614, %select_n3A_601 : vector<16xi1>, vector<16xi32>
      %max3A_616 = arith.maxsi %select_n3A_603, %broadcast_in_dim3A_613 : vector<16xi32>
      %select_n3A_617 = arith.select %gt3A_610, %max3A_616, %select_n3A_603 : vector<16xi1>, vector<16xi32>
      %ge3A_618 = arith.constant 5.000000e-01 : f32
      %ge3A_619 = vector.broadcast %ge3A_618 : f32 to vector<16xf32>
      %ge3A_620 = arith.cmpf oge, %scan3A_435#13, %ge3A_619 : vector<16xf32>
      %all_reduce_population_count3A_621 = tpu.all_reduce %ge3A_620 {dim = 0 : i64, kind = #tpu.reduction_kind<sum>} : vector<16xi1> -> vector<16xi32>
      %gt3A_622 = arith.constant 0 : i32
      %gt3A_623 = vector.broadcast %gt3A_622 : i32 to vector<16xi32>
      %gt3A_624 = arith.cmpi sgt, %all_reduce_population_count3A_621, %gt3A_623 : vector<16xi32>
      %add3A_625 = arith.constant 13 : i32
      %add3A_626 = arith.addi %add3A_440, %add3A_625 : i32
      %broadcast_in_dim3A_627 = vector.broadcast %add3A_626 : i32 to vector<16xi32>
      %min3A_628 = arith.minsi %select_n3A_615, %broadcast_in_dim3A_627 : vector<16xi32>
      %select_n3A_629 = arith.select %gt3A_624, %min3A_628, %select_n3A_615 : vector<16xi1>, vector<16xi32>
      %max3A_630 = arith.maxsi %select_n3A_617, %broadcast_in_dim3A_627 : vector<16xi32>
      %select_n3A_631 = arith.select %gt3A_624, %max3A_630, %select_n3A_617 : vector<16xi1>, vector<16xi32>
      %ge3A_632 = arith.constant 5.000000e-01 : f32
      %ge3A_633 = vector.broadcast %ge3A_632 : f32 to vector<16xf32>
      %ge3A_634 = arith.cmpf oge, %scan3A_435#14, %ge3A_633 : vector<16xf32>
      %all_reduce_population_count3A_635 = tpu.all_reduce %ge3A_634 {dim = 0 : i64, kind = #tpu.reduction_kind<sum>} : vector<16xi1> -> vector<16xi32>
      %gt3A_636 = arith.constant 0 : i32
      %gt3A_637 = vector.broadcast %gt3A_636 : i32 to vector<16xi32>
      %gt3A_638 = arith.cmpi sgt, %all_reduce_population_count3A_635, %gt3A_637 : vector<16xi32>
      %add3A_639 = arith.constant 14 : i32
      %add3A_640 = arith.addi %add3A_440, %add3A_639 : i32
      %broadcast_in_dim3A_641 = vector.broadcast %add3A_640 : i32 to vector<16xi32>
      %min3A_642 = arith.minsi %select_n3A_629, %broadcast_in_dim3A_641 : vector<16xi32>
      %select_n3A_643 = arith.select %gt3A_638, %min3A_642, %select_n3A_629 : vector<16xi1>, vector<16xi32>
      %max3A_644 = arith.maxsi %select_n3A_631, %broadcast_in_dim3A_641 : vector<16xi32>
      %select_n3A_645 = arith.select %gt3A_638, %max3A_644, %select_n3A_631 : vector<16xi1>, vector<16xi32>
      %ge3A_646 = arith.constant 5.000000e-01 : f32
      %ge3A_647 = vector.broadcast %ge3A_646 : f32 to vector<16xf32>
      %ge3A_648 = arith.cmpf oge, %scan3A_435#15, %ge3A_647 : vector<16xf32>
      %all_reduce_population_count3A_649 = tpu.all_reduce %ge3A_648 {dim = 0 : i64, kind = #tpu.reduction_kind<sum>} : vector<16xi1> -> vector<16xi32>
      %gt3A_650 = arith.constant 0 : i32
      %gt3A_651 = vector.broadcast %gt3A_650 : i32 to vector<16xi32>
      %gt3A_652 = arith.cmpi sgt, %all_reduce_population_count3A_649, %gt3A_651 : vector<16xi32>
      %add3A_653 = arith.constant 15 : i32
      %add3A_654 = arith.addi %add3A_440, %add3A_653 : i32
      %broadcast_in_dim3A_655 = vector.broadcast %add3A_654 : i32 to vector<16xi32>
      %min3A_656 = arith.minsi %select_n3A_643, %broadcast_in_dim3A_655 : vector<16xi32>
      %select_n3A_657 = arith.select %gt3A_652, %min3A_656, %select_n3A_643 : vector<16xi1>, vector<16xi32>
      %max3A_658 = arith.maxsi %select_n3A_645, %broadcast_in_dim3A_655 : vector<16xi32>
      %select_n3A_659 = arith.select %gt3A_652, %max3A_658, %select_n3A_645 : vector<16xi1>, vector<16xi32>
      scf.yield %select_n3A_657, %select_n3A_659 : vector<16xi32>, vector<16xi32>
    }
    %scan3A_159 = arith.constant 4 : i32
    %broadcast_in_dim3A_160 = arith.constant 512 : i32
    %broadcast_in_dim3A_161 = vector.broadcast %broadcast_in_dim3A_160 : i32 to vector<16xi32>
    %broadcast_in_dim3A_162 = arith.constant -1 : i32
    %broadcast_in_dim3A_163 = vector.broadcast %broadcast_in_dim3A_162 : i32 to vector<16xi32>
    %scan3A_164 = arith.constant 0 : i32
    %scan3A_165 = arith.constant 32 : i32
    %scan3A_166 = arith.addi %scan3A_164, %scan3A_165 : i32
    %scan3A_167 = arith.constant 1 : i32
    %scan3A_168:2 = scf.for %scan3A_396 = %scan3A_164 to %scan3A_166 step %scan3A_167 iter_args(%scan3A_397 = %broadcast_in_dim3A_161, %scan3A_398 = %broadcast_in_dim3A_163) -> (vector<16xi32>, vector<16xi32>)  : i32 {
      %mul3A_399 = arith.constant 16 : i32
      %mul3A_400 = arith.muli %scan3A_396, %mul3A_399 : i32
      %get3A = arith.index_cast %mul3A_400 : i32 to index
      %get3A_401 = tpu.vector_load %arg6[%get3A] {strides = array<i32>} : memref<512xf32, #tpu.memory_space<vmem>>, vector<16xf32>,
      %ge3A = arith.constant 5.000000e-01 : f32
      %ge3A_402 = vector.broadcast %ge3A : f32 to vector<16xf32>
      %ge3A_403 = arith.cmpf oge, %get3A_401, %ge3A_402 : vector<16xf32>
      %all_reduce_population_count3A = tpu.all_reduce %ge3A_403 {dim = 0 : i64, kind = #tpu.reduction_kind<sum>} : vector<16xi1> -> vector<16xi32>
      %gt3A = arith.constant 0 : i32
      %gt3A_404 = vector.broadcast %gt3A : i32 to vector<16xi32>
      %gt3A_405 = arith.cmpi sgt, %all_reduce_population_count3A, %gt3A_404 : vector<16xi32>
      %all_reduce_ffs3A = tpu.all_reduce %ge3A_403 {dim = 0 : i64, kind = #tpu.reduction_kind<find_first_set>} : vector<16xi1> -> vector<16xi32>
      %rev3A = arith.constant 15 : i32
      %rev3A_406 = vector.broadcast %rev3A : i32 to vector<16xi32>
      %rev3A_407 = tpu.iota {dimensions = array<i32: 0>} : vector<16xi32>
      %rev3A_408 = arith.subi %rev3A_406, %rev3A_407 : vector<16xi32>
      %rev3A_409 = tpu.dynamic_gather %get3A_401[%rev3A_408] in [0] : vector<16xf32>, vector<16xi32> -> vector<16xf32>
      %ge3A_410 = arith.constant 5.000000e-01 : f32
      %ge3A_411 = vector.broadcast %ge3A_410 : f32 to vector<16xf32>
      %ge3A_412 = arith.cmpf oge, %rev3A_409, %ge3A_411 : vector<16xf32>
      %all_reduce_ffs3A_413 = tpu.all_reduce %ge3A_412 {dim = 0 : i64, kind = #tpu.reduction_kind<find_first_set>} : vector<16xi1> -> vector<16xi32>
      %sub3A = arith.constant 15 : i32
      %sub3A_414 = vector.broadcast %sub3A : i32 to vector<16xi32>
      %sub3A_415 = arith.subi %sub3A_414, %all_reduce_ffs3A_413 : vector<16xi32>
      %mul3A_416 = arith.constant 16 : i32
      %mul3A_417 = arith.muli %scan3A_396, %mul3A_416 : i32
      %add3A_418 = vector.broadcast %mul3A_417 : i32 to vector<16xi32>
      %add3A_419 = arith.addi %add3A_418, %all_reduce_ffs3A : vector<16xi32>
      %min3A = arith.minsi %scan3A_397, %add3A_419 : vector<16xi32>
      %select_n3A_420 = arith.select %gt3A_405, %min3A, %scan3A_397 : vector<16xi1>, vector<16xi32>
      %mul3A_421 = arith.constant 16 : i32
      %mul3A_422 = arith.muli %scan3A_396, %mul3A_421 : i32
      %add3A_423 = vector.broadcast %mul3A_422 : i32 to vector<16xi32>
      %add3A_424 = arith.addi %add3A_423, %sub3A_415 : vector<16xi32>
      %max3A = arith.maxsi %scan3A_398, %add3A_424 : vector<16xi32>
      %select_n3A_425 = arith.select %gt3A_405, %max3A, %scan3A_398 : vector<16xi1>, vector<16xi32>
      scf.yield %select_n3A_420, %select_n3A_425 : vector<16xi32>, vector<16xi32>
    }
    %scan3A_169 = arith.constant 32 : i32
    %scan3A_170 = arith.constant 0 : i32
    %scan3A_171 = arith.constant 0 : i32
    %scan3A_172 = arith.constant 32 : i32
    %scan3A_173 = arith.addi %scan3A_171, %scan3A_172 : i32
    %scan3A_174 = arith.constant 1 : i32
    %scan3A_175 = scf.for %scan3A_396 = %scan3A_171 to %scan3A_173 step %scan3A_174 iter_args(%scan3A_397 = %scan3A_170) -> (i32)  : i32 {
      %mul3A_398 = arith.constant 16 : i32
      %mul3A_399 = arith.muli %scan3A_396, %mul3A_398 : i32
      %swap3A_400 = arith.index_cast %mul3A_399 : i32 to index
      %swap3A_401 = tpu.vector_load %arg6[%swap3A_400] {strides = array<i32>} : memref<512xf32, #tpu.memory_space<vmem>>, vector<16xf32>,
      tpu.vector_store %arg6[%swap3A_400], %broadcast_in_dim3A_3 {strides = array<i32>} : memref<512xf32, #tpu.memory_space<vmem>>, vector<16xf32>,
      %scan3A_402 = arith.constant 0 : i32
      scf.yield %scan3A_402 : i32
    }
    %scan3A_176 = arith.constant 32 : i32
    %eq3A_177 = arith.constant 4 : i32
    %eq3A_178 = vector.broadcast %eq3A_177 : i32 to vector<16xi32>
    %eq3A_179 = arith.cmpi eq, %iota3A, %eq3A_178 : vector<16xi32>
    %select_n3A_180 = arith.select %eq3A_179, %scan3A_158#0, %select_n3A_122 : vector<16xi1>, vector<16xi32>
    %eq3A_181 = arith.constant 5 : i32
    %eq3A_182 = vector.broadcast %eq3A_181 : i32 to vector<16xi32>
    %eq3A_183 = arith.cmpi eq, %iota3A, %eq3A_182 : vector<16xi32>
    %select_n3A_184 = arith.select %eq3A_183, %scan3A_168#0, %select_n3A_180 : vector<16xi1>, vector<16xi32>
    %eq3A_185 = arith.constant 6 : i32
    %eq3A_186 = vector.broadcast %eq3A_185 : i32 to vector<16xi32>
    %eq3A_187 = arith.cmpi eq, %iota3A, %eq3A_186 : vector<16xi32>
    %select_n3A_188 = arith.select %eq3A_187, %scan3A_158#1, %select_n3A_184 : vector<16xi1>, vector<16xi32>
    %eq3A_189 = arith.constant 7 : i32
    %eq3A_190 = vector.broadcast %eq3A_189 : i32 to vector<16xi32>
    %eq3A_191 = arith.cmpi eq, %iota3A, %eq3A_190 : vector<16xi32>
    %select_n3A_192 = arith.select %eq3A_191, %scan3A_168#1, %select_n3A_188 : vector<16xi1>, vector<16xi32>
    %mul3A_193 = arith.constant 5 : i32
    %mul3A_194 = arith.muli %add3A, %mul3A_193 : i32
    %add3A_195 = arith.constant 96 : i32
    %add3A_196 = arith.addi %add3A_195, %mul3A_194 : i32
    %add3A_197 = arith.constant 3 : i32
    %add3A_198 = arith.addi %add3A_196, %add3A_197 : i32
    %mul3A_199 = arith.constant 8 : i32
    %mul3A_200 = arith.muli %add3A_198, %mul3A_199 : i32
    %add3A_201 = arith.constant 7 : i32
    %add3A_202 = arith.addi %mul3A_200, %add3A_201 : i32
    %dma_start3A_203 = arith.constant 0 : i32
    %dma_start3A_204 = arith.constant 0 : i32
    %dma_start3A_205 = tpu.memref_slice %arg2[%add3A_202, %dma_start3A_203, %dma_start3A_204] : memref<2048x64x512xf32, #tpu.memory_space<hbm>> -> memref<1x64x512xf32, #tpu.memory_space<hbm>>
    %dma_start3A_206 = tpu.memref_squeeze %dma_start3A_205 : memref<1x64x512xf32, #tpu.memory_space<hbm>> -> memref<64x512xf32, #tpu.memory_space<hbm>>
    %dma_start3A_207 = arith.constant 0 : i32
    %dma_start3A_208 = arith.constant 0 : i32
    %dma_start3A_209 = tpu.memref_slice %arg2[%add3A_202, %dma_start3A_207, %dma_start3A_208] : memref<2048x64x512xf32, #tpu.memory_space<hbm>> -> memref<1x64x512xf32, #tpu.memory_space<hbm>>
    %dma_start3A_210 = tpu.memref_squeeze %dma_start3A_209 : memref<1x64x512xf32, #tpu.memory_space<hbm>> -> memref<64x512xf32, #tpu.memory_space<hbm>>
    tpu.enqueue_dma source(%dma_start3A_210 : memref<64x512xf32, #tpu.memory_space<hbm>>) target(%arg5 : memref<64x512xf32, #tpu.memory_space<vmem>>) target_semaphore(%arg9 : memref<!tpu.dma_semaphore, #tpu.memory_space<semaphore_mem>>)
    %dma_wait3A_211 = arith.constant 0 : i32
    %dma_wait3A_212 = arith.constant 0 : i32
    %dma_wait3A_213 = arith.constant 0 : i32
    %dma_wait3A_214 = tpu.memref_slice %arg2[%dma_wait3A_211, %dma_wait3A_212, %dma_wait3A_213] : memref<2048x64x512xf32, #tpu.memory_space<hbm>> -> memref<1x64x512xf32, #tpu.memory_space<hbm>>
    %dma_wait3A_215 = tpu.memref_squeeze %dma_wait3A_214 : memref<1x64x512xf32, #tpu.memory_space<hbm>> -> memref<64x512xf32, #tpu.memory_space<hbm>>
    %dma_wait3A_216 = arith.constant 0 : i32
    %dma_wait3A_217 = arith.constant 0 : i32
    %dma_wait3A_218 = tpu.memref_slice %arg2[%dma_wait3A_211, %dma_wait3A_216, %dma_wait3A_217] : memref<2048x64x512xf32, #tpu.memory_space<hbm>> -> memref<1x64x512xf32, #tpu.memory_space<hbm>>
    %dma_wait3A_219 = tpu.memref_squeeze %dma_wait3A_218 : memref<1x64x512xf32, #tpu.memory_space<hbm>> -> memref<64x512xf32, #tpu.memory_space<hbm>>
    tpu.wait_dma2 semaphore(%arg8 : memref<!tpu.dma_semaphore, #tpu.memory_space<semaphore_mem>>) src(%dma_wait3A_219 : memref<64x512xf32, #tpu.memory_space<hbm>>) dst(%arg4 : memref<64x512xf32, #tpu.memory_space<vmem>>)
    %broadcast_in_dim3A_220 = arith.constant 512 : i32
    %broadcast_in_dim3A_221 = vector.broadcast %broadcast_in_dim3A_220 : i32 to vector<16xi32>
    %broadcast_in_dim3A_222 = arith.constant -1 : i32
    %broadcast_in_dim3A_223 = vector.broadcast %broadcast_in_dim3A_222 : i32 to vector<16xi32>
    %scan3A_224 = arith.constant 0 : i32
    %scan3A_225 = arith.constant 4 : i32
    %scan3A_226 = arith.addi %scan3A_224, %scan3A_225 : i32
    %scan3A_227 = arith.constant 1 : i32
    %scan3A_228:2 = scf.for %scan3A_396 = %scan3A_224 to %scan3A_226 step %scan3A_227 iter_args(%scan3A_397 = %broadcast_in_dim3A_221, %scan3A_398 = %broadcast_in_dim3A_223) -> (vector<16xi32>, vector<16xi32>)  : i32 {
      %broadcast_in_dim3A_399 = arith.constant 0xFF800000 : f32
      %broadcast_in_dim3A_400 = vector.broadcast %broadcast_in_dim3A_399 : f32 to vector<16xf32>
      %broadcast_in_dim3A_401 = arith.constant 0xFF800000 : f32
      %broadcast_in_dim3A_402 = vector.broadcast %broadcast_in_dim3A_401 : f32 to vector<16xf32>
      %broadcast_in_dim3A_403 = arith.constant 0xFF800000 : f32
      %broadcast_in_dim3A_404 = vector.broadcast %broadcast_in_dim3A_403 : f32 to vector<16xf32>
      %broadcast_in_dim3A_405 = arith.constant 0xFF800000 : f32
      %broadcast_in_dim3A_406 = vector.broadcast %broadcast_in_dim3A_405 : f32 to vector<16xf32>
      %broadcast_in_dim3A_407 = arith.constant 0xFF800000 : f32
      %broadcast_in_dim3A_408 = vector.broadcast %broadcast_in_dim3A_407 : f32 to vector<16xf32>
      %broadcast_in_dim3A_409 = arith.constant 0xFF800000 : f32
      %broadcast_in_dim3A_410 = vector.broadcast %broadcast_in_dim3A_409 : f32 to vector<16xf32>
      %broadcast_in_dim3A_411 = arith.constant 0xFF800000 : f32
      %broadcast_in_dim3A_412 = vector.broadcast %broadcast_in_dim3A_411 : f32 to vector<16xf32>
      %broadcast_in_dim3A_413 = arith.constant 0xFF800000 : f32
      %broadcast_in_dim3A_414 = vector.broadcast %broadcast_in_dim3A_413 : f32 to vector<16xf32>
      %broadcast_in_dim3A_415 = arith.constant 0xFF800000 : f32
      %broadcast_in_dim3A_416 = vector.broadcast %broadcast_in_dim3A_415 : f32 to vector<16xf32>
      %broadcast_in_dim3A_417 = arith.constant 0xFF800000 : f32
      %broadcast_in_dim3A_418 = vector.broadcast %broadcast_in_dim3A_417 : f32 to vector<16xf32>
      %broadcast_in_dim3A_419 = arith.constant 0xFF800000 : f32
      %broadcast_in_dim3A_420 = vector.broadcast %broadcast_in_dim3A_419 : f32 to vector<16xf32>
      %broadcast_in_dim3A_421 = arith.constant 0xFF800000 : f32
      %broadcast_in_dim3A_422 = vector.broadcast %broadcast_in_dim3A_421 : f32 to vector<16xf32>
      %broadcast_in_dim3A_423 = arith.constant 0xFF800000 : f32
      %broadcast_in_dim3A_424 = vector.broadcast %broadcast_in_dim3A_423 : f32 to vector<16xf32>
      %broadcast_in_dim3A_425 = arith.constant 0xFF800000 : f32
      %broadcast_in_dim3A_426 = vector.broadcast %broadcast_in_dim3A_425 : f32 to vector<16xf32>
      %broadcast_in_dim3A_427 = arith.constant 0xFF800000 : f32
      %broadcast_in_dim3A_428 = vector.broadcast %broadcast_in_dim3A_427 : f32 to vector<16xf32>
      %broadcast_in_dim3A_429 = arith.constant 0xFF800000 : f32
      %broadcast_in_dim3A_430 = vector.broadcast %broadcast_in_dim3A_429 : f32 to vector<16xf32>
      %scan3A_431 = arith.constant 0 : i32
      %scan3A_432 = arith.constant 32 : i32
      %scan3A_433 = arith.addi %scan3A_431, %scan3A_432 : i32
      %scan3A_434 = arith.constant 1 : i32
      %scan3A_435:16 = scf.for %scan3A_660 = %scan3A_431 to %scan3A_433 step %scan3A_434 iter_args(%scan3A_661 = %broadcast_in_dim3A_400, %scan3A_662 = %broadcast_in_dim3A_402, %scan3A_663 = %broadcast_in_dim3A_404, %scan3A_664 = %broadcast_in_dim3A_406, %scan3A_665 = %broadcast_in_dim3A_408, %scan3A_666 = %broadcast_in_dim3A_410, %scan3A_667 = %broadcast_in_dim3A_412, %scan3A_668 = %broadcast_in_dim3A_414, %scan3A_669 = %broadcast_in_dim3A_416, %scan3A_670 = %broadcast_in_dim3A_418, %scan3A_671 = %broadcast_in_dim3A_420, %scan3A_672 = %broadcast_in_dim3A_422, %scan3A_673 = %broadcast_in_dim3A_424, %scan3A_674 = %broadcast_in_dim3A_426, %scan3A_675 = %broadcast_in_dim3A_428, %scan3A_676 = %broadcast_in_dim3A_430) -> (vector<16xf32>, vector<16xf32>, vector<16xf32>, vector<16xf32>, vector<16xf32>, vector<16xf32>, vector<16xf32>, vector<16xf32>, vector<16xf32>, vector<16xf32>, vector<16xf32>, vector<16xf32>, vector<16xf32>, vector<16xf32>, vector<16xf32>, vector<16xf32>)  : i32 {
        %mul3A_677 = arith.constant 16 : i32
        %mul3A_678 = arith.muli %scan3A_396, %mul3A_677 : i32
        %add3A_679 = arith.constant 0 : i32
        %add3A_680 = arith.addi %mul3A_678, %add3A_679 : i32
        %mul3A_681 = arith.constant 16 : i32
        %mul3A_682 = arith.muli %scan3A_660, %mul3A_681 : i32
        %get3A = arith.index_cast %add3A_680 : i32 to index
        %get3A_683 = arith.index_cast %mul3A_682 : i32 to index
        %get3A_684 = tpu.vector_load %arg4[%get3A, %get3A_683] {strides = array<i32>} : memref<64x512xf32, #tpu.memory_space<vmem>>, vector<16xf32>,
        %mul3A_685 = arith.constant 16 : i32
        %mul3A_686 = arith.muli %scan3A_396, %mul3A_685 : i32
        %add3A_687 = arith.constant 1 : i32
        %add3A_688 = arith.addi %mul3A_686, %add3A_687 : i32
        %mul3A_689 = arith.constant 16 : i32
        %mul3A_690 = arith.muli %scan3A_660, %mul3A_689 : i32
        %get3A_691 = arith.index_cast %add3A_688 : i32 to index
        %get3A_692 = arith.index_cast %mul3A_690 : i32 to index
        %get3A_693 = tpu.vector_load %arg4[%get3A_691, %get3A_692] {strides = array<i32>} : memref<64x512xf32, #tpu.memory_space<vmem>>, vector<16xf32>,
        %mul3A_694 = arith.constant 16 : i32
        %mul3A_695 = arith.muli %scan3A_396, %mul3A_694 : i32
        %add3A_696 = arith.constant 2 : i32
        %add3A_697 = arith.addi %mul3A_695, %add3A_696 : i32
        %mul3A_698 = arith.constant 16 : i32
        %mul3A_699 = arith.muli %scan3A_660, %mul3A_698 : i32
        %get3A_700 = arith.index_cast %add3A_697 : i32 to index
        %get3A_701 = arith.index_cast %mul3A_699 : i32 to index
        %get3A_702 = tpu.vector_load %arg4[%get3A_700, %get3A_701] {strides = array<i32>} : memref<64x512xf32, #tpu.memory_space<vmem>>, vector<16xf32>,
        %mul3A_703 = arith.constant 16 : i32
        %mul3A_704 = arith.muli %scan3A_396, %mul3A_703 : i32
        %add3A_705 = arith.constant 3 : i32
        %add3A_706 = arith.addi %mul3A_704, %add3A_705 : i32
        %mul3A_707 = arith.constant 16 : i32
        %mul3A_708 = arith.muli %scan3A_660, %mul3A_707 : i32
        %get3A_709 = arith.index_cast %add3A_706 : i32 to index
        %get3A_710 = arith.index_cast %mul3A_708 : i32 to index
        %get3A_711 = tpu.vector_load %arg4[%get3A_709, %get3A_710] {strides = array<i32>} : memref<64x512xf32, #tpu.memory_space<vmem>>, vector<16xf32>,
        %mul3A_712 = arith.constant 16 : i32
        %mul3A_713 = arith.muli %scan3A_396, %mul3A_712 : i32
        %add3A_714 = arith.constant 4 : i32
        %add3A_715 = arith.addi %mul3A_713, %add3A_714 : i32
        %mul3A_716 = arith.constant 16 : i32
        %mul3A_717 = arith.muli %scan3A_660, %mul3A_716 : i32
        %get3A_718 = arith.index_cast %add3A_715 : i32 to index
        %get3A_719 = arith.index_cast %mul3A_717 : i32 to index
        %get3A_720 = tpu.vector_load %arg4[%get3A_718, %get3A_719] {strides = array<i32>} : memref<64x512xf32, #tpu.memory_space<vmem>>, vector<16xf32>,
        %mul3A_721 = arith.constant 16 : i32
        %mul3A_722 = arith.muli %scan3A_396, %mul3A_721 : i32
        %add3A_723 = arith.constant 5 : i32
        %add3A_724 = arith.addi %mul3A_722, %add3A_723 : i32
        %mul3A_725 = arith.constant 16 : i32
        %mul3A_726 = arith.muli %scan3A_660, %mul3A_725 : i32
        %get3A_727 = arith.index_cast %add3A_724 : i32 to index
        %get3A_728 = arith.index_cast %mul3A_726 : i32 to index
        %get3A_729 = tpu.vector_load %arg4[%get3A_727, %get3A_728] {strides = array<i32>} : memref<64x512xf32, #tpu.memory_space<vmem>>, vector<16xf32>,
        %mul3A_730 = arith.constant 16 : i32
        %mul3A_731 = arith.muli %scan3A_396, %mul3A_730 : i32
        %add3A_732 = arith.constant 6 : i32
        %add3A_733 = arith.addi %mul3A_731, %add3A_732 : i32
        %mul3A_734 = arith.constant 16 : i32
        %mul3A_735 = arith.muli %scan3A_660, %mul3A_734 : i32
        %get3A_736 = arith.index_cast %add3A_733 : i32 to index
        %get3A_737 = arith.index_cast %mul3A_735 : i32 to index
        %get3A_738 = tpu.vector_load %arg4[%get3A_736, %get3A_737] {strides = array<i32>} : memref<64x512xf32, #tpu.memory_space<vmem>>, vector<16xf32>,
        %mul3A_739 = arith.constant 16 : i32
        %mul3A_740 = arith.muli %scan3A_396, %mul3A_739 : i32
        %add3A_741 = arith.constant 7 : i32
        %add3A_742 = arith.addi %mul3A_740, %add3A_741 : i32
        %mul3A_743 = arith.constant 16 : i32
        %mul3A_744 = arith.muli %scan3A_660, %mul3A_743 : i32
        %get3A_745 = arith.index_cast %add3A_742 : i32 to index
        %get3A_746 = arith.index_cast %mul3A_744 : i32 to index
        %get3A_747 = tpu.vector_load %arg4[%get3A_745, %get3A_746] {strides = array<i32>} : memref<64x512xf32, #tpu.memory_space<vmem>>, vector<16xf32>,
        %mul3A_748 = arith.constant 16 : i32
        %mul3A_749 = arith.muli %scan3A_396, %mul3A_748 : i32
        %add3A_750 = arith.constant 8 : i32
        %add3A_751 = arith.addi %mul3A_749, %add3A_750 : i32
        %mul3A_752 = arith.constant 16 : i32
        %mul3A_753 = arith.muli %scan3A_660, %mul3A_752 : i32
        %get3A_754 = arith.index_cast %add3A_751 : i32 to index
        %get3A_755 = arith.index_cast %mul3A_753 : i32 to index
        %get3A_756 = tpu.vector_load %arg4[%get3A_754, %get3A_755] {strides = array<i32>} : memref<64x512xf32, #tpu.memory_space<vmem>>, vector<16xf32>,
        %mul3A_757 = arith.constant 16 : i32
        %mul3A_758 = arith.muli %scan3A_396, %mul3A_757 : i32
        %add3A_759 = arith.constant 9 : i32
        %add3A_760 = arith.addi %mul3A_758, %add3A_759 : i32
        %mul3A_761 = arith.constant 16 : i32
        %mul3A_762 = arith.muli %scan3A_660, %mul3A_761 : i32
        %get3A_763 = arith.index_cast %add3A_760 : i32 to index
        %get3A_764 = arith.index_cast %mul3A_762 : i32 to index
        %get3A_765 = tpu.vector_load %arg4[%get3A_763, %get3A_764] {strides = array<i32>} : memref<64x512xf32, #tpu.memory_space<vmem>>, vector<16xf32>,
        %mul3A_766 = arith.constant 16 : i32
        %mul3A_767 = arith.muli %scan3A_396, %mul3A_766 : i32
        %add3A_768 = arith.constant 10 : i32
        %add3A_769 = arith.addi %mul3A_767, %add3A_768 : i32
        %mul3A_770 = arith.constant 16 : i32
        %mul3A_771 = arith.muli %scan3A_660, %mul3A_770 : i32
        %get3A_772 = arith.index_cast %add3A_769 : i32 to index
        %get3A_773 = arith.index_cast %mul3A_771 : i32 to index
        %get3A_774 = tpu.vector_load %arg4[%get3A_772, %get3A_773] {strides = array<i32>} : memref<64x512xf32, #tpu.memory_space<vmem>>, vector<16xf32>,
        %mul3A_775 = arith.constant 16 : i32
        %mul3A_776 = arith.muli %scan3A_396, %mul3A_775 : i32
        %add3A_777 = arith.constant 11 : i32
        %add3A_778 = arith.addi %mul3A_776, %add3A_777 : i32
        %mul3A_779 = arith.constant 16 : i32
        %mul3A_780 = arith.muli %scan3A_660, %mul3A_779 : i32
        %get3A_781 = arith.index_cast %add3A_778 : i32 to index
        %get3A_782 = arith.index_cast %mul3A_780 : i32 to index
        %get3A_783 = tpu.vector_load %arg4[%get3A_781, %get3A_782] {strides = array<i32>} : memref<64x512xf32, #tpu.memory_space<vmem>>, vector<16xf32>,
        %mul3A_784 = arith.constant 16 : i32
        %mul3A_785 = arith.muli %scan3A_396, %mul3A_784 : i32
        %add3A_786 = arith.constant 12 : i32
        %add3A_787 = arith.addi %mul3A_785, %add3A_786 : i32
        %mul3A_788 = arith.constant 16 : i32
        %mul3A_789 = arith.muli %scan3A_660, %mul3A_788 : i32
        %get3A_790 = arith.index_cast %add3A_787 : i32 to index
        %get3A_791 = arith.index_cast %mul3A_789 : i32 to index
        %get3A_792 = tpu.vector_load %arg4[%get3A_790, %get3A_791] {strides = array<i32>} : memref<64x512xf32, #tpu.memory_space<vmem>>, vector<16xf32>,
        %mul3A_793 = arith.constant 16 : i32
        %mul3A_794 = arith.muli %scan3A_396, %mul3A_793 : i32
        %add3A_795 = arith.constant 13 : i32
        %add3A_796 = arith.addi %mul3A_794, %add3A_795 : i32
        %mul3A_797 = arith.constant 16 : i32
        %mul3A_798 = arith.muli %scan3A_660, %mul3A_797 : i32
        %get3A_799 = arith.index_cast %add3A_796 : i32 to index
        %get3A_800 = arith.index_cast %mul3A_798 : i32 to index
        %get3A_801 = tpu.vector_load %arg4[%get3A_799, %get3A_800] {strides = array<i32>} : memref<64x512xf32, #tpu.memory_space<vmem>>, vector<16xf32>,
        %mul3A_802 = arith.constant 16 : i32
        %mul3A_803 = arith.muli %scan3A_396, %mul3A_802 : i32
        %add3A_804 = arith.constant 14 : i32
        %add3A_805 = arith.addi %mul3A_803, %add3A_804 : i32
        %mul3A_806 = arith.constant 16 : i32
        %mul3A_807 = arith.muli %scan3A_660, %mul3A_806 : i32
        %get3A_808 = arith.index_cast %add3A_805 : i32 to index
        %get3A_809 = arith.index_cast %mul3A_807 : i32 to index
        %get3A_810 = tpu.vector_load %arg4[%get3A_808, %get3A_809] {strides = array<i32>} : memref<64x512xf32, #tpu.memory_space<vmem>>, vector<16xf32>,
        %mul3A_811 = arith.constant 16 : i32
        %mul3A_812 = arith.muli %scan3A_396, %mul3A_811 : i32
        %add3A_813 = arith.constant 15 : i32
        %add3A_814 = arith.addi %mul3A_812, %add3A_813 : i32
        %mul3A_815 = arith.constant 16 : i32
        %mul3A_816 = arith.muli %scan3A_660, %mul3A_815 : i32
        %get3A_817 = arith.index_cast %add3A_814 : i32 to index
        %get3A_818 = arith.index_cast %mul3A_816 : i32 to index
        %get3A_819 = tpu.vector_load %arg4[%get3A_817, %get3A_818] {strides = array<i32>} : memref<64x512xf32, #tpu.memory_space<vmem>>, vector<16xf32>,
        %max3A_820 = arith.maximumf %scan3A_661, %get3A_684 : vector<16xf32>
        %max3A_821 = arith.maximumf %scan3A_662, %get3A_693 : vector<16xf32>
        %max3A_822 = arith.maximumf %scan3A_663, %get3A_702 : vector<16xf32>
        %max3A_823 = arith.maximumf %scan3A_664, %get3A_711 : vector<16xf32>
        %max3A_824 = arith.maximumf %scan3A_665, %get3A_720 : vector<16xf32>
        %max3A_825 = arith.maximumf %scan3A_666, %get3A_729 : vector<16xf32>
        %max3A_826 = arith.maximumf %scan3A_667, %get3A_738 : vector<16xf32>
        %max3A_827 = arith.maximumf %scan3A_668, %get3A_747 : vector<16xf32>
        %max3A_828 = arith.maximumf %scan3A_669, %get3A_756 : vector<16xf32>
        %max3A_829 = arith.maximumf %scan3A_670, %get3A_765 : vector<16xf32>
        %max3A_830 = arith.maximumf %scan3A_671, %get3A_774 : vector<16xf32>
        %max3A_831 = arith.maximumf %scan3A_672, %get3A_783 : vector<16xf32>
        %max3A_832 = arith.maximumf %scan3A_673, %get3A_792 : vector<16xf32>
        %max3A_833 = arith.maximumf %scan3A_674, %get3A_801 : vector<16xf32>
        %max3A_834 = arith.maximumf %scan3A_675, %get3A_810 : vector<16xf32>
        %max3A_835 = arith.maximumf %scan3A_676, %get3A_819 : vector<16xf32>
        %mul3A_836 = arith.constant 16 : i32
        %mul3A_837 = arith.muli %scan3A_660, %mul3A_836 : i32
        %get3A_838 = arith.index_cast %mul3A_837 : i32 to index
        %get3A_839 = tpu.vector_load %arg6[%get3A_838] {strides = array<i32>} : memref<512xf32, #tpu.memory_space<vmem>>, vector<16xf32>,
        %max3A_840 = arith.maximumf %get3A_684, %get3A_693 : vector<16xf32>
        %max3A_841 = arith.maximumf %get3A_702, %get3A_711 : vector<16xf32>
        %max3A_842 = arith.maximumf %get3A_720, %get3A_729 : vector<16xf32>
        %max3A_843 = arith.maximumf %get3A_738, %get3A_747 : vector<16xf32>
        %max3A_844 = arith.maximumf %get3A_756, %get3A_765 : vector<16xf32>
        %max3A_845 = arith.maximumf %get3A_774, %get3A_783 : vector<16xf32>
        %max3A_846 = arith.maximumf %get3A_792, %get3A_801 : vector<16xf32>
        %max3A_847 = arith.maximumf %get3A_810, %get3A_819 : vector<16xf32>
        %max3A_848 = arith.maximumf %max3A_840, %max3A_841 : vector<16xf32>
        %max3A_849 = arith.maximumf %max3A_842, %max3A_843 : vector<16xf32>
        %max3A_850 = arith.maximumf %max3A_844, %max3A_845 : vector<16xf32>
        %max3A_851 = arith.maximumf %max3A_846, %max3A_847 : vector<16xf32>
        %max3A_852 = arith.maximumf %max3A_848, %max3A_849 : vector<16xf32>
        %max3A_853 = arith.maximumf %max3A_850, %max3A_851 : vector<16xf32>
        %max3A_854 = arith.maximumf %max3A_852, %max3A_853 : vector<16xf32>
        %max3A_855 = arith.maximumf %get3A_839, %max3A_854 : vector<16xf32>
        %mul3A_856 = arith.constant 16 : i32
        %mul3A_857 = arith.muli %scan3A_660, %mul3A_856 : i32
        %swap3A_858 = arith.index_cast %mul3A_857 : i32 to index
        %swap3A_859 = tpu.vector_load %arg6[%swap3A_858] {strides = array<i32>} : memref<512xf32, #tpu.memory_space<vmem>>, vector<16xf32>,
        tpu.vector_store %arg6[%swap3A_858], %max3A_855 {strides = array<i32>} : memref<512xf32, #tpu.memory_space<vmem>>, vector<16xf32>,
        scf.yield %max3A_820, %max3A_821, %max3A_822, %max3A_823, %max3A_824, %max3A_825, %max3A_826, %max3A_827, %max3A_828, %max3A_829, %max3A_830, %max3A_831, %max3A_832, %max3A_833, %max3A_834, %max3A_835 : vector<16xf32>, vector<16xf32>, vector<16xf32>, vector<16xf32>, vector<16xf32>, vector<16xf32>, vector<16xf32>, vector<16xf32>, vector<16xf32>, vector<16xf32>, vector<16xf32>, vector<16xf32>, vector<16xf32>, vector<16xf32>, vector<16xf32>, vector<16xf32>
      }
      %scan3A_436 = arith.constant 32 : i32
      %mul3A_437 = arith.constant 16 : i32
      %mul3A_438 = arith.muli %scan3A_396, %mul3A_437 : i32
      %add3A_439 = arith.constant 448 : i32
      %add3A_440 = arith.addi %add3A_439, %mul3A_438 : i32
      %ge3A = arith.constant 5.000000e-01 : f32
      %ge3A_441 = vector.broadcast %ge3A : f32 to vector<16xf32>
      %ge3A_442 = arith.cmpf oge, %scan3A_435#0, %ge3A_441 : vector<16xf32>
      %all_reduce_population_count3A = tpu.all_reduce %ge3A_442 {dim = 0 : i64, kind = #tpu.reduction_kind<sum>} : vector<16xi1> -> vector<16xi32>
      %gt3A = arith.constant 0 : i32
      %gt3A_443 = vector.broadcast %gt3A : i32 to vector<16xi32>
      %gt3A_444 = arith.cmpi sgt, %all_reduce_population_count3A, %gt3A_443 : vector<16xi32>
      %add3A_445 = arith.constant 0 : i32
      %add3A_446 = arith.addi %add3A_440, %add3A_445 : i32
      %broadcast_in_dim3A_447 = vector.broadcast %add3A_446 : i32 to vector<16xi32>
      %min3A = arith.minsi %scan3A_397, %broadcast_in_dim3A_447 : vector<16xi32>
      %select_n3A_448 = arith.select %gt3A_444, %min3A, %scan3A_397 : vector<16xi1>, vector<16xi32>
      %max3A = arith.maxsi %scan3A_398, %broadcast_in_dim3A_447 : vector<16xi32>
      %select_n3A_449 = arith.select %gt3A_444, %max3A, %scan3A_398 : vector<16xi1>, vector<16xi32>
      %ge3A_450 = arith.constant 5.000000e-01 : f32
      %ge3A_451 = vector.broadcast %ge3A_450 : f32 to vector<16xf32>
      %ge3A_452 = arith.cmpf oge, %scan3A_435#1, %ge3A_451 : vector<16xf32>
      %all_reduce_population_count3A_453 = tpu.all_reduce %ge3A_452 {dim = 0 : i64, kind = #tpu.reduction_kind<sum>} : vector<16xi1> -> vector<16xi32>
      %gt3A_454 = arith.constant 0 : i32
      %gt3A_455 = vector.broadcast %gt3A_454 : i32 to vector<16xi32>
      %gt3A_456 = arith.cmpi sgt, %all_reduce_population_count3A_453, %gt3A_455 : vector<16xi32>
      %add3A_457 = arith.constant 1 : i32
      %add3A_458 = arith.addi %add3A_440, %add3A_457 : i32
      %broadcast_in_dim3A_459 = vector.broadcast %add3A_458 : i32 to vector<16xi32>
      %min3A_460 = arith.minsi %select_n3A_448, %broadcast_in_dim3A_459 : vector<16xi32>
      %select_n3A_461 = arith.select %gt3A_456, %min3A_460, %select_n3A_448 : vector<16xi1>, vector<16xi32>
      %max3A_462 = arith.maxsi %select_n3A_449, %broadcast_in_dim3A_459 : vector<16xi32>
      %select_n3A_463 = arith.select %gt3A_456, %max3A_462, %select_n3A_449 : vector<16xi1>, vector<16xi32>
      %ge3A_464 = arith.constant 5.000000e-01 : f32
      %ge3A_465 = vector.broadcast %ge3A_464 : f32 to vector<16xf32>
      %ge3A_466 = arith.cmpf oge, %scan3A_435#2, %ge3A_465 : vector<16xf32>
      %all_reduce_population_count3A_467 = tpu.all_reduce %ge3A_466 {dim = 0 : i64, kind = #tpu.reduction_kind<sum>} : vector<16xi1> -> vector<16xi32>
      %gt3A_468 = arith.constant 0 : i32
      %gt3A_469 = vector.broadcast %gt3A_468 : i32 to vector<16xi32>
      %gt3A_470 = arith.cmpi sgt, %all_reduce_population_count3A_467, %gt3A_469 : vector<16xi32>
      %add3A_471 = arith.constant 2 : i32
      %add3A_472 = arith.addi %add3A_440, %add3A_471 : i32
      %broadcast_in_dim3A_473 = vector.broadcast %add3A_472 : i32 to vector<16xi32>
      %min3A_474 = arith.minsi %select_n3A_461, %broadcast_in_dim3A_473 : vector<16xi32>
      %select_n3A_475 = arith.select %gt3A_470, %min3A_474, %select_n3A_461 : vector<16xi1>, vector<16xi32>
      %max3A_476 = arith.maxsi %select_n3A_463, %broadcast_in_dim3A_473 : vector<16xi32>
      %select_n3A_477 = arith.select %gt3A_470, %max3A_476, %select_n3A_463 : vector<16xi1>, vector<16xi32>
      %ge3A_478 = arith.constant 5.000000e-01 : f32
      %ge3A_479 = vector.broadcast %ge3A_478 : f32 to vector<16xf32>
      %ge3A_480 = arith.cmpf oge, %scan3A_435#3, %ge3A_479 : vector<16xf32>
      %all_reduce_population_count3A_481 = tpu.all_reduce %ge3A_480 {dim = 0 : i64, kind = #tpu.reduction_kind<sum>} : vector<16xi1> -> vector<16xi32>
      %gt3A_482 = arith.constant 0 : i32
      %gt3A_483 = vector.broadcast %gt3A_482 : i32 to vector<16xi32>
      %gt3A_484 = arith.cmpi sgt, %all_reduce_population_count3A_481, %gt3A_483 : vector<16xi32>
      %add3A_485 = arith.constant 3 : i32
      %add3A_486 = arith.addi %add3A_440, %add3A_485 : i32
      %broadcast_in_dim3A_487 = vector.broadcast %add3A_486 : i32 to vector<16xi32>
      %min3A_488 = arith.minsi %select_n3A_475, %broadcast_in_dim3A_487 : vector<16xi32>
      %select_n3A_489 = arith.select %gt3A_484, %min3A_488, %select_n3A_475 : vector<16xi1>, vector<16xi32>
      %max3A_490 = arith.maxsi %select_n3A_477, %broadcast_in_dim3A_487 : vector<16xi32>
      %select_n3A_491 = arith.select %gt3A_484, %max3A_490, %select_n3A_477 : vector<16xi1>, vector<16xi32>
      %ge3A_492 = arith.constant 5.000000e-01 : f32
      %ge3A_493 = vector.broadcast %ge3A_492 : f32 to vector<16xf32>
      %ge3A_494 = arith.cmpf oge, %scan3A_435#4, %ge3A_493 : vector<16xf32>
      %all_reduce_population_count3A_495 = tpu.all_reduce %ge3A_494 {dim = 0 : i64, kind = #tpu.reduction_kind<sum>} : vector<16xi1> -> vector<16xi32>
      %gt3A_496 = arith.constant 0 : i32
      %gt3A_497 = vector.broadcast %gt3A_496 : i32 to vector<16xi32>
      %gt3A_498 = arith.cmpi sgt, %all_reduce_population_count3A_495, %gt3A_497 : vector<16xi32>
      %add3A_499 = arith.constant 4 : i32
      %add3A_500 = arith.addi %add3A_440, %add3A_499 : i32
      %broadcast_in_dim3A_501 = vector.broadcast %add3A_500 : i32 to vector<16xi32>
      %min3A_502 = arith.minsi %select_n3A_489, %broadcast_in_dim3A_501 : vector<16xi32>
      %select_n3A_503 = arith.select %gt3A_498, %min3A_502, %select_n3A_489 : vector<16xi1>, vector<16xi32>
      %max3A_504 = arith.maxsi %select_n3A_491, %broadcast_in_dim3A_501 : vector<16xi32>
      %select_n3A_505 = arith.select %gt3A_498, %max3A_504, %select_n3A_491 : vector<16xi1>, vector<16xi32>
      %ge3A_506 = arith.constant 5.000000e-01 : f32
      %ge3A_507 = vector.broadcast %ge3A_506 : f32 to vector<16xf32>
      %ge3A_508 = arith.cmpf oge, %scan3A_435#5, %ge3A_507 : vector<16xf32>
      %all_reduce_population_count3A_509 = tpu.all_reduce %ge3A_508 {dim = 0 : i64, kind = #tpu.reduction_kind<sum>} : vector<16xi1> -> vector<16xi32>
      %gt3A_510 = arith.constant 0 : i32
      %gt3A_511 = vector.broadcast %gt3A_510 : i32 to vector<16xi32>
      %gt3A_512 = arith.cmpi sgt, %all_reduce_population_count3A_509, %gt3A_511 : vector<16xi32>
      %add3A_513 = arith.constant 5 : i32
      %add3A_514 = arith.addi %add3A_440, %add3A_513 : i32
      %broadcast_in_dim3A_515 = vector.broadcast %add3A_514 : i32 to vector<16xi32>
      %min3A_516 = arith.minsi %select_n3A_503, %broadcast_in_dim3A_515 : vector<16xi32>
      %select_n3A_517 = arith.select %gt3A_512, %min3A_516, %select_n3A_503 : vector<16xi1>, vector<16xi32>
      %max3A_518 = arith.maxsi %select_n3A_505, %broadcast_in_dim3A_515 : vector<16xi32>
      %select_n3A_519 = arith.select %gt3A_512, %max3A_518, %select_n3A_505 : vector<16xi1>, vector<16xi32>
      %ge3A_520 = arith.constant 5.000000e-01 : f32
      %ge3A_521 = vector.broadcast %ge3A_520 : f32 to vector<16xf32>
      %ge3A_522 = arith.cmpf oge, %scan3A_435#6, %ge3A_521 : vector<16xf32>
      %all_reduce_population_count3A_523 = tpu.all_reduce %ge3A_522 {dim = 0 : i64, kind = #tpu.reduction_kind<sum>} : vector<16xi1> -> vector<16xi32>
      %gt3A_524 = arith.constant 0 : i32
      %gt3A_525 = vector.broadcast %gt3A_524 : i32 to vector<16xi32>
      %gt3A_526 = arith.cmpi sgt, %all_reduce_population_count3A_523, %gt3A_525 : vector<16xi32>
      %add3A_527 = arith.constant 6 : i32
      %add3A_528 = arith.addi %add3A_440, %add3A_527 : i32
      %broadcast_in_dim3A_529 = vector.broadcast %add3A_528 : i32 to vector<16xi32>
      %min3A_530 = arith.minsi %select_n3A_517, %broadcast_in_dim3A_529 : vector<16xi32>
      %select_n3A_531 = arith.select %gt3A_526, %min3A_530, %select_n3A_517 : vector<16xi1>, vector<16xi32>
      %max3A_532 = arith.maxsi %select_n3A_519, %broadcast_in_dim3A_529 : vector<16xi32>
      %select_n3A_533 = arith.select %gt3A_526, %max3A_532, %select_n3A_519 : vector<16xi1>, vector<16xi32>
      %ge3A_534 = arith.constant 5.000000e-01 : f32
      %ge3A_535 = vector.broadcast %ge3A_534 : f32 to vector<16xf32>
      %ge3A_536 = arith.cmpf oge, %scan3A_435#7, %ge3A_535 : vector<16xf32>
      %all_reduce_population_count3A_537 = tpu.all_reduce %ge3A_536 {dim = 0 : i64, kind = #tpu.reduction_kind<sum>} : vector<16xi1> -> vector<16xi32>
      %gt3A_538 = arith.constant 0 : i32
      %gt3A_539 = vector.broadcast %gt3A_538 : i32 to vector<16xi32>
      %gt3A_540 = arith.cmpi sgt, %all_reduce_population_count3A_537, %gt3A_539 : vector<16xi32>
      %add3A_541 = arith.constant 7 : i32
      %add3A_542 = arith.addi %add3A_440, %add3A_541 : i32
      %broadcast_in_dim3A_543 = vector.broadcast %add3A_542 : i32 to vector<16xi32>
      %min3A_544 = arith.minsi %select_n3A_531, %broadcast_in_dim3A_543 : vector<16xi32>
      %select_n3A_545 = arith.select %gt3A_540, %min3A_544, %select_n3A_531 : vector<16xi1>, vector<16xi32>
      %max3A_546 = arith.maxsi %select_n3A_533, %broadcast_in_dim3A_543 : vector<16xi32>
      %select_n3A_547 = arith.select %gt3A_540, %max3A_546, %select_n3A_533 : vector<16xi1>, vector<16xi32>
      %ge3A_548 = arith.constant 5.000000e-01 : f32
      %ge3A_549 = vector.broadcast %ge3A_548 : f32 to vector<16xf32>
      %ge3A_550 = arith.cmpf oge, %scan3A_435#8, %ge3A_549 : vector<16xf32>
      %all_reduce_population_count3A_551 = tpu.all_reduce %ge3A_550 {dim = 0 : i64, kind = #tpu.reduction_kind<sum>} : vector<16xi1> -> vector<16xi32>
      %gt3A_552 = arith.constant 0 : i32
      %gt3A_553 = vector.broadcast %gt3A_552 : i32 to vector<16xi32>
      %gt3A_554 = arith.cmpi sgt, %all_reduce_population_count3A_551, %gt3A_553 : vector<16xi32>
      %add3A_555 = arith.constant 8 : i32
      %add3A_556 = arith.addi %add3A_440, %add3A_555 : i32
      %broadcast_in_dim3A_557 = vector.broadcast %add3A_556 : i32 to vector<16xi32>
      %min3A_558 = arith.minsi %select_n3A_545, %broadcast_in_dim3A_557 : vector<16xi32>
      %select_n3A_559 = arith.select %gt3A_554, %min3A_558, %select_n3A_545 : vector<16xi1>, vector<16xi32>
      %max3A_560 = arith.maxsi %select_n3A_547, %broadcast_in_dim3A_557 : vector<16xi32>
      %select_n3A_561 = arith.select %gt3A_554, %max3A_560, %select_n3A_547 : vector<16xi1>, vector<16xi32>
      %ge3A_562 = arith.constant 5.000000e-01 : f32
      %ge3A_563 = vector.broadcast %ge3A_562 : f32 to vector<16xf32>
      %ge3A_564 = arith.cmpf oge, %scan3A_435#9, %ge3A_563 : vector<16xf32>
      %all_reduce_population_count3A_565 = tpu.all_reduce %ge3A_564 {dim = 0 : i64, kind = #tpu.reduction_kind<sum>} : vector<16xi1> -> vector<16xi32>
      %gt3A_566 = arith.constant 0 : i32
      %gt3A_567 = vector.broadcast %gt3A_566 : i32 to vector<16xi32>
      %gt3A_568 = arith.cmpi sgt, %all_reduce_population_count3A_565, %gt3A_567 : vector<16xi32>
      %add3A_569 = arith.constant 9 : i32
      %add3A_570 = arith.addi %add3A_440, %add3A_569 : i32
      %broadcast_in_dim3A_571 = vector.broadcast %add3A_570 : i32 to vector<16xi32>
      %min3A_572 = arith.minsi %select_n3A_559, %broadcast_in_dim3A_571 : vector<16xi32>
      %select_n3A_573 = arith.select %gt3A_568, %min3A_572, %select_n3A_559 : vector<16xi1>, vector<16xi32>
      %max3A_574 = arith.maxsi %select_n3A_561, %broadcast_in_dim3A_571 : vector<16xi32>
      %select_n3A_575 = arith.select %gt3A_568, %max3A_574, %select_n3A_561 : vector<16xi1>, vector<16xi32>
      %ge3A_576 = arith.constant 5.000000e-01 : f32
      %ge3A_577 = vector.broadcast %ge3A_576 : f32 to vector<16xf32>
      %ge3A_578 = arith.cmpf oge, %scan3A_435#10, %ge3A_577 : vector<16xf32>
      %all_reduce_population_count3A_579 = tpu.all_reduce %ge3A_578 {dim = 0 : i64, kind = #tpu.reduction_kind<sum>} : vector<16xi1> -> vector<16xi32>
      %gt3A_580 = arith.constant 0 : i32
      %gt3A_581 = vector.broadcast %gt3A_580 : i32 to vector<16xi32>
      %gt3A_582 = arith.cmpi sgt, %all_reduce_population_count3A_579, %gt3A_581 : vector<16xi32>
      %add3A_583 = arith.constant 10 : i32
      %add3A_584 = arith.addi %add3A_440, %add3A_583 : i32
      %broadcast_in_dim3A_585 = vector.broadcast %add3A_584 : i32 to vector<16xi32>
      %min3A_586 = arith.minsi %select_n3A_573, %broadcast_in_dim3A_585 : vector<16xi32>
      %select_n3A_587 = arith.select %gt3A_582, %min3A_586, %select_n3A_573 : vector<16xi1>, vector<16xi32>
      %max3A_588 = arith.maxsi %select_n3A_575, %broadcast_in_dim3A_585 : vector<16xi32>
      %select_n3A_589 = arith.select %gt3A_582, %max3A_588, %select_n3A_575 : vector<16xi1>, vector<16xi32>
      %ge3A_590 = arith.constant 5.000000e-01 : f32
      %ge3A_591 = vector.broadcast %ge3A_590 : f32 to vector<16xf32>
      %ge3A_592 = arith.cmpf oge, %scan3A_435#11, %ge3A_591 : vector<16xf32>
      %all_reduce_population_count3A_593 = tpu.all_reduce %ge3A_592 {dim = 0 : i64, kind = #tpu.reduction_kind<sum>} : vector<16xi1> -> vector<16xi32>
      %gt3A_594 = arith.constant 0 : i32
      %gt3A_595 = vector.broadcast %gt3A_594 : i32 to vector<16xi32>
      %gt3A_596 = arith.cmpi sgt, %all_reduce_population_count3A_593, %gt3A_595 : vector<16xi32>
      %add3A_597 = arith.constant 11 : i32
      %add3A_598 = arith.addi %add3A_440, %add3A_597 : i32
      %broadcast_in_dim3A_599 = vector.broadcast %add3A_598 : i32 to vector<16xi32>
      %min3A_600 = arith.minsi %select_n3A_587, %broadcast_in_dim3A_599 : vector<16xi32>
      %select_n3A_601 = arith.select %gt3A_596, %min3A_600, %select_n3A_587 : vector<16xi1>, vector<16xi32>
      %max3A_602 = arith.maxsi %select_n3A_589, %broadcast_in_dim3A_599 : vector<16xi32>
      %select_n3A_603 = arith.select %gt3A_596, %max3A_602, %select_n3A_589 : vector<16xi1>, vector<16xi32>
      %ge3A_604 = arith.constant 5.000000e-01 : f32
      %ge3A_605 = vector.broadcast %ge3A_604 : f32 to vector<16xf32>
      %ge3A_606 = arith.cmpf oge, %scan3A_435#12, %ge3A_605 : vector<16xf32>
      %all_reduce_population_count3A_607 = tpu.all_reduce %ge3A_606 {dim = 0 : i64, kind = #tpu.reduction_kind<sum>} : vector<16xi1> -> vector<16xi32>
      %gt3A_608 = arith.constant 0 : i32
      %gt3A_609 = vector.broadcast %gt3A_608 : i32 to vector<16xi32>
      %gt3A_610 = arith.cmpi sgt, %all_reduce_population_count3A_607, %gt3A_609 : vector<16xi32>
      %add3A_611 = arith.constant 12 : i32
      %add3A_612 = arith.addi %add3A_440, %add3A_611 : i32
      %broadcast_in_dim3A_613 = vector.broadcast %add3A_612 : i32 to vector<16xi32>
      %min3A_614 = arith.minsi %select_n3A_601, %broadcast_in_dim3A_613 : vector<16xi32>
      %select_n3A_615 = arith.select %gt3A_610, %min3A_614, %select_n3A_601 : vector<16xi1>, vector<16xi32>
      %max3A_616 = arith.maxsi %select_n3A_603, %broadcast_in_dim3A_613 : vector<16xi32>
      %select_n3A_617 = arith.select %gt3A_610, %max3A_616, %select_n3A_603 : vector<16xi1>, vector<16xi32>
      %ge3A_618 = arith.constant 5.000000e-01 : f32
      %ge3A_619 = vector.broadcast %ge3A_618 : f32 to vector<16xf32>
      %ge3A_620 = arith.cmpf oge, %scan3A_435#13, %ge3A_619 : vector<16xf32>
      %all_reduce_population_count3A_621 = tpu.all_reduce %ge3A_620 {dim = 0 : i64, kind = #tpu.reduction_kind<sum>} : vector<16xi1> -> vector<16xi32>
      %gt3A_622 = arith.constant 0 : i32
      %gt3A_623 = vector.broadcast %gt3A_622 : i32 to vector<16xi32>
      %gt3A_624 = arith.cmpi sgt, %all_reduce_population_count3A_621, %gt3A_623 : vector<16xi32>
      %add3A_625 = arith.constant 13 : i32
      %add3A_626 = arith.addi %add3A_440, %add3A_625 : i32
      %broadcast_in_dim3A_627 = vector.broadcast %add3A_626 : i32 to vector<16xi32>
      %min3A_628 = arith.minsi %select_n3A_615, %broadcast_in_dim3A_627 : vector<16xi32>
      %select_n3A_629 = arith.select %gt3A_624, %min3A_628, %select_n3A_615 : vector<16xi1>, vector<16xi32>
      %max3A_630 = arith.maxsi %select_n3A_617, %broadcast_in_dim3A_627 : vector<16xi32>
      %select_n3A_631 = arith.select %gt3A_624, %max3A_630, %select_n3A_617 : vector<16xi1>, vector<16xi32>
      %ge3A_632 = arith.constant 5.000000e-01 : f32
      %ge3A_633 = vector.broadcast %ge3A_632 : f32 to vector<16xf32>
      %ge3A_634 = arith.cmpf oge, %scan3A_435#14, %ge3A_633 : vector<16xf32>
      %all_reduce_population_count3A_635 = tpu.all_reduce %ge3A_634 {dim = 0 : i64, kind = #tpu.reduction_kind<sum>} : vector<16xi1> -> vector<16xi32>
      %gt3A_636 = arith.constant 0 : i32
      %gt3A_637 = vector.broadcast %gt3A_636 : i32 to vector<16xi32>
      %gt3A_638 = arith.cmpi sgt, %all_reduce_population_count3A_635, %gt3A_637 : vector<16xi32>
      %add3A_639 = arith.constant 14 : i32
      %add3A_640 = arith.addi %add3A_440, %add3A_639 : i32
      %broadcast_in_dim3A_641 = vector.broadcast %add3A_640 : i32 to vector<16xi32>
      %min3A_642 = arith.minsi %select_n3A_629, %broadcast_in_dim3A_641 : vector<16xi32>
      %select_n3A_643 = arith.select %gt3A_638, %min3A_642, %select_n3A_629 : vector<16xi1>, vector<16xi32>
      %max3A_644 = arith.maxsi %select_n3A_631, %broadcast_in_dim3A_641 : vector<16xi32>
      %select_n3A_645 = arith.select %gt3A_638, %max3A_644, %select_n3A_631 : vector<16xi1>, vector<16xi32>
      %ge3A_646 = arith.constant 5.000000e-01 : f32
      %ge3A_647 = vector.broadcast %ge3A_646 : f32 to vector<16xf32>
      %ge3A_648 = arith.cmpf oge, %scan3A_435#15, %ge3A_647 : vector<16xf32>
      %all_reduce_population_count3A_649 = tpu.all_reduce %ge3A_648 {dim = 0 : i64, kind = #tpu.reduction_kind<sum>} : vector<16xi1> -> vector<16xi32>
      %gt3A_650 = arith.constant 0 : i32
      %gt3A_651 = vector.broadcast %gt3A_650 : i32 to vector<16xi32>
      %gt3A_652 = arith.cmpi sgt, %all_reduce_population_count3A_649, %gt3A_651 : vector<16xi32>
      %add3A_653 = arith.constant 15 : i32
      %add3A_654 = arith.addi %add3A_440, %add3A_653 : i32
      %broadcast_in_dim3A_655 = vector.broadcast %add3A_654 : i32 to vector<16xi32>
      %min3A_656 = arith.minsi %select_n3A_643, %broadcast_in_dim3A_655 : vector<16xi32>
      %select_n3A_657 = arith.select %gt3A_652, %min3A_656, %select_n3A_643 : vector<16xi1>, vector<16xi32>
      %max3A_658 = arith.maxsi %select_n3A_645, %broadcast_in_dim3A_655 : vector<16xi32>
      %select_n3A_659 = arith.select %gt3A_652, %max3A_658, %select_n3A_645 : vector<16xi1>, vector<16xi32>
      scf.yield %select_n3A_657, %select_n3A_659 : vector<16xi32>, vector<16xi32>
    }
    %scan3A_229 = arith.constant 4 : i32
    %broadcast_in_dim3A_230 = arith.constant 512 : i32
    %broadcast_in_dim3A_231 = vector.broadcast %broadcast_in_dim3A_230 : i32 to vector<16xi32>
    %broadcast_in_dim3A_232 = arith.constant -1 : i32
    %broadcast_in_dim3A_233 = vector.broadcast %broadcast_in_dim3A_232 : i32 to vector<16xi32>
    %scan3A_234 = arith.constant 0 : i32
    %scan3A_235 = arith.constant 32 : i32
    %scan3A_236 = arith.addi %scan3A_234, %scan3A_235 : i32
    %scan3A_237 = arith.constant 1 : i32
    %scan3A_238:2 = scf.for %scan3A_396 = %scan3A_234 to %scan3A_236 step %scan3A_237 iter_args(%scan3A_397 = %broadcast_in_dim3A_231, %scan3A_398 = %broadcast_in_dim3A_233) -> (vector<16xi32>, vector<16xi32>)  : i32 {
      %mul3A_399 = arith.constant 16 : i32
      %mul3A_400 = arith.muli %scan3A_396, %mul3A_399 : i32
      %get3A = arith.index_cast %mul3A_400 : i32 to index
      %get3A_401 = tpu.vector_load %arg6[%get3A] {strides = array<i32>} : memref<512xf32, #tpu.memory_space<vmem>>, vector<16xf32>,
      %ge3A = arith.constant 5.000000e-01 : f32
      %ge3A_402 = vector.broadcast %ge3A : f32 to vector<16xf32>
      %ge3A_403 = arith.cmpf oge, %get3A_401, %ge3A_402 : vector<16xf32>
      %all_reduce_population_count3A = tpu.all_reduce %ge3A_403 {dim = 0 : i64, kind = #tpu.reduction_kind<sum>} : vector<16xi1> -> vector<16xi32>
      %gt3A = arith.constant 0 : i32
      %gt3A_404 = vector.broadcast %gt3A : i32 to vector<16xi32>
      %gt3A_405 = arith.cmpi sgt, %all_reduce_population_count3A, %gt3A_404 : vector<16xi32>
      %all_reduce_ffs3A = tpu.all_reduce %ge3A_403 {dim = 0 : i64, kind = #tpu.reduction_kind<find_first_set>} : vector<16xi1> -> vector<16xi32>
      %rev3A = arith.constant 15 : i32
      %rev3A_406 = vector.broadcast %rev3A : i32 to vector<16xi32>
      %rev3A_407 = tpu.iota {dimensions = array<i32: 0>} : vector<16xi32>
      %rev3A_408 = arith.subi %rev3A_406, %rev3A_407 : vector<16xi32>
      %rev3A_409 = tpu.dynamic_gather %get3A_401[%rev3A_408] in [0] : vector<16xf32>, vector<16xi32> -> vector<16xf32>
      %ge3A_410 = arith.constant 5.000000e-01 : f32
      %ge3A_411 = vector.broadcast %ge3A_410 : f32 to vector<16xf32>
      %ge3A_412 = arith.cmpf oge, %rev3A_409, %ge3A_411 : vector<16xf32>
      %all_reduce_ffs3A_413 = tpu.all_reduce %ge3A_412 {dim = 0 : i64, kind = #tpu.reduction_kind<find_first_set>} : vector<16xi1> -> vector<16xi32>
      %sub3A = arith.constant 15 : i32
      %sub3A_414 = vector.broadcast %sub3A : i32 to vector<16xi32>
      %sub3A_415 = arith.subi %sub3A_414, %all_reduce_ffs3A_413 : vector<16xi32>
      %mul3A_416 = arith.constant 16 : i32
      %mul3A_417 = arith.muli %scan3A_396, %mul3A_416 : i32
      %add3A_418 = vector.broadcast %mul3A_417 : i32 to vector<16xi32>
      %add3A_419 = arith.addi %add3A_418, %all_reduce_ffs3A : vector<16xi32>
      %min3A = arith.minsi %scan3A_397, %add3A_419 : vector<16xi32>
      %select_n3A_420 = arith.select %gt3A_405, %min3A, %scan3A_397 : vector<16xi1>, vector<16xi32>
      %mul3A_421 = arith.constant 16 : i32
      %mul3A_422 = arith.muli %scan3A_396, %mul3A_421 : i32
      %add3A_423 = vector.broadcast %mul3A_422 : i32 to vector<16xi32>
      %add3A_424 = arith.addi %add3A_423, %sub3A_415 : vector<16xi32>
      %max3A = arith.maxsi %scan3A_398, %add3A_424 : vector<16xi32>
      %select_n3A_425 = arith.select %gt3A_405, %max3A, %scan3A_398 : vector<16xi1>, vector<16xi32>
      scf.yield %select_n3A_420, %select_n3A_425 : vector<16xi32>, vector<16xi32>
    }
    %scan3A_239 = arith.constant 32 : i32
    %scan3A_240 = arith.constant 0 : i32
    %scan3A_241 = arith.constant 0 : i32
    %scan3A_242 = arith.constant 32 : i32
    %scan3A_243 = arith.addi %scan3A_241, %scan3A_242 : i32
    %scan3A_244 = arith.constant 1 : i32
    %scan3A_245 = scf.for %scan3A_396 = %scan3A_241 to %scan3A_243 step %scan3A_244 iter_args(%scan3A_397 = %scan3A_240) -> (i32)  : i32 {
      %mul3A_398 = arith.constant 16 : i32
      %mul3A_399 = arith.muli %scan3A_396, %mul3A_398 : i32
      %swap3A_400 = arith.index_cast %mul3A_399 : i32 to index
      %swap3A_401 = tpu.vector_load %arg6[%swap3A_400] {strides = array<i32>} : memref<512xf32, #tpu.memory_space<vmem>>, vector<16xf32>,
      tpu.vector_store %arg6[%swap3A_400], %broadcast_in_dim3A_3 {strides = array<i32>} : memref<512xf32, #tpu.memory_space<vmem>>, vector<16xf32>,
      %scan3A_402 = arith.constant 0 : i32
      scf.yield %scan3A_402 : i32
    }
    %scan3A_246 = arith.constant 32 : i32
    %eq3A_247 = arith.constant 8 : i32
    %eq3A_248 = vector.broadcast %eq3A_247 : i32 to vector<16xi32>
    %eq3A_249 = arith.cmpi eq, %iota3A, %eq3A_248 : vector<16xi32>
    %select_n3A_250 = arith.select %eq3A_249, %scan3A_228#0, %select_n3A_192 : vector<16xi1>, vector<16xi32>
    %eq3A_251 = arith.constant 9 : i32
    %eq3A_252 = vector.broadcast %eq3A_251 : i32 to vector<16xi32>
    %eq3A_253 = arith.cmpi eq, %iota3A, %eq3A_252 : vector<16xi32>
    %select_n3A_254 = arith.select %eq3A_253, %scan3A_238#0, %select_n3A_250 : vector<16xi1>, vector<16xi32>
    %eq3A_255 = arith.constant 10 : i32
    %eq3A_256 = vector.broadcast %eq3A_255 : i32 to vector<16xi32>
    %eq3A_257 = arith.cmpi eq, %iota3A, %eq3A_256 : vector<16xi32>
    %select_n3A_258 = arith.select %eq3A_257, %scan3A_228#1, %select_n3A_254 : vector<16xi1>, vector<16xi32>
    %eq3A_259 = arith.constant 11 : i32
    %eq3A_260 = vector.broadcast %eq3A_259 : i32 to vector<16xi32>
    %eq3A_261 = arith.cmpi eq, %iota3A, %eq3A_260 : vector<16xi32>
    %select_n3A_262 = arith.select %eq3A_261, %scan3A_238#1, %select_n3A_258 : vector<16xi1>, vector<16xi32>
    %mul3A_263 = arith.constant 5 : i32
    %mul3A_264 = arith.muli %add3A, %mul3A_263 : i32
    %add3A_265 = arith.constant 96 : i32
    %add3A_266 = arith.addi %add3A_265, %mul3A_264 : i32
    %add3A_267 = arith.constant 4 : i32
    %add3A_268 = arith.addi %add3A_266, %add3A_267 : i32
    %mul3A_269 = arith.constant 8 : i32
    %mul3A_270 = arith.muli %add3A_268, %mul3A_269 : i32
    %add3A_271 = arith.constant 7 : i32
    %add3A_272 = arith.addi %mul3A_270, %add3A_271 : i32
    %dma_start3A_273 = arith.constant 0 : i32
    %dma_start3A_274 = arith.constant 0 : i32
    %dma_start3A_275 = tpu.memref_slice %arg2[%add3A_272, %dma_start3A_273, %dma_start3A_274] : memref<2048x64x512xf32, #tpu.memory_space<hbm>> -> memref<1x64x512xf32, #tpu.memory_space<hbm>>
    %dma_start3A_276 = tpu.memref_squeeze %dma_start3A_275 : memref<1x64x512xf32, #tpu.memory_space<hbm>> -> memref<64x512xf32, #tpu.memory_space<hbm>>
    %dma_start3A_277 = arith.constant 0 : i32
    %dma_start3A_278 = arith.constant 0 : i32
    %dma_start3A_279 = tpu.memref_slice %arg2[%add3A_272, %dma_start3A_277, %dma_start3A_278] : memref<2048x64x512xf32, #tpu.memory_space<hbm>> -> memref<1x64x512xf32, #tpu.memory_space<hbm>>
    %dma_start3A_280 = tpu.memref_squeeze %dma_start3A_279 : memref<1x64x512xf32, #tpu.memory_space<hbm>> -> memref<64x512xf32, #tpu.memory_space<hbm>>
    tpu.enqueue_dma source(%dma_start3A_280 : memref<64x512xf32, #tpu.memory_space<hbm>>) target(%arg4 : memref<64x512xf32, #tpu.memory_space<vmem>>) target_semaphore(%arg8 : memref<!tpu.dma_semaphore, #tpu.memory_space<semaphore_mem>>)
    %dma_wait3A_281 = arith.constant 0 : i32
    %dma_wait3A_282 = arith.constant 0 : i32
    %dma_wait3A_283 = arith.constant 0 : i32
    %dma_wait3A_284 = tpu.memref_slice %arg2[%dma_wait3A_281, %dma_wait3A_282, %dma_wait3A_283] : memref<2048x64x512xf32, #tpu.memory_space<hbm>> -> memref<1x64x512xf32, #tpu.memory_space<hbm>>
    %dma_wait3A_285 = tpu.memref_squeeze %dma_wait3A_284 : memref<1x64x512xf32, #tpu.memory_space<hbm>> -> memref<64x512xf32, #tpu.memory_space<hbm>>
    %dma_wait3A_286 = arith.constant 0 : i32
    %dma_wait3A_287 = arith.constant 0 : i32
    %dma_wait3A_288 = tpu.memref_slice %arg2[%dma_wait3A_281, %dma_wait3A_286, %dma_wait3A_287] : memref<2048x64x512xf32, #tpu.memory_space<hbm>> -> memref<1x64x512xf32, #tpu.memory_space<hbm>>
    %dma_wait3A_289 = tpu.memref_squeeze %dma_wait3A_288 : memref<1x64x512xf32, #tpu.memory_space<hbm>> -> memref<64x512xf32, #tpu.memory_space<hbm>>
    tpu.wait_dma2 semaphore(%arg9 : memref<!tpu.dma_semaphore, #tpu.memory_space<semaphore_mem>>) src(%dma_wait3A_289 : memref<64x512xf32, #tpu.memory_space<hbm>>) dst(%arg5 : memref<64x512xf32, #tpu.memory_space<vmem>>)
    %broadcast_in_dim3A_290 = arith.constant 512 : i32
    %broadcast_in_dim3A_291 = vector.broadcast %broadcast_in_dim3A_290 : i32 to vector<16xi32>
    %broadcast_in_dim3A_292 = arith.constant -1 : i32
    %broadcast_in_dim3A_293 = vector.broadcast %broadcast_in_dim3A_292 : i32 to vector<16xi32>
    %scan3A_294 = arith.constant 0 : i32
    %scan3A_295 = arith.constant 4 : i32
    %scan3A_296 = arith.addi %scan3A_294, %scan3A_295 : i32
    %scan3A_297 = arith.constant 1 : i32
    %scan3A_298:2 = scf.for %scan3A_396 = %scan3A_294 to %scan3A_296 step %scan3A_297 iter_args(%scan3A_397 = %broadcast_in_dim3A_291, %scan3A_398 = %broadcast_in_dim3A_293) -> (vector<16xi32>, vector<16xi32>)  : i32 {
      %broadcast_in_dim3A_399 = arith.constant 0xFF800000 : f32
      %broadcast_in_dim3A_400 = vector.broadcast %broadcast_in_dim3A_399 : f32 to vector<16xf32>
      %broadcast_in_dim3A_401 = arith.constant 0xFF800000 : f32
      %broadcast_in_dim3A_402 = vector.broadcast %broadcast_in_dim3A_401 : f32 to vector<16xf32>
      %broadcast_in_dim3A_403 = arith.constant 0xFF800000 : f32
      %broadcast_in_dim3A_404 = vector.broadcast %broadcast_in_dim3A_403 : f32 to vector<16xf32>
      %broadcast_in_dim3A_405 = arith.constant 0xFF800000 : f32
      %broadcast_in_dim3A_406 = vector.broadcast %broadcast_in_dim3A_405 : f32 to vector<16xf32>
      %broadcast_in_dim3A_407 = arith.constant 0xFF800000 : f32
      %broadcast_in_dim3A_408 = vector.broadcast %broadcast_in_dim3A_407 : f32 to vector<16xf32>
      %broadcast_in_dim3A_409 = arith.constant 0xFF800000 : f32
      %broadcast_in_dim3A_410 = vector.broadcast %broadcast_in_dim3A_409 : f32 to vector<16xf32>
      %broadcast_in_dim3A_411 = arith.constant 0xFF800000 : f32
      %broadcast_in_dim3A_412 = vector.broadcast %broadcast_in_dim3A_411 : f32 to vector<16xf32>
      %broadcast_in_dim3A_413 = arith.constant 0xFF800000 : f32
      %broadcast_in_dim3A_414 = vector.broadcast %broadcast_in_dim3A_413 : f32 to vector<16xf32>
      %broadcast_in_dim3A_415 = arith.constant 0xFF800000 : f32
      %broadcast_in_dim3A_416 = vector.broadcast %broadcast_in_dim3A_415 : f32 to vector<16xf32>
      %broadcast_in_dim3A_417 = arith.constant 0xFF800000 : f32
      %broadcast_in_dim3A_418 = vector.broadcast %broadcast_in_dim3A_417 : f32 to vector<16xf32>
      %broadcast_in_dim3A_419 = arith.constant 0xFF800000 : f32
      %broadcast_in_dim3A_420 = vector.broadcast %broadcast_in_dim3A_419 : f32 to vector<16xf32>
      %broadcast_in_dim3A_421 = arith.constant 0xFF800000 : f32
      %broadcast_in_dim3A_422 = vector.broadcast %broadcast_in_dim3A_421 : f32 to vector<16xf32>
      %broadcast_in_dim3A_423 = arith.constant 0xFF800000 : f32
      %broadcast_in_dim3A_424 = vector.broadcast %broadcast_in_dim3A_423 : f32 to vector<16xf32>
      %broadcast_in_dim3A_425 = arith.constant 0xFF800000 : f32
      %broadcast_in_dim3A_426 = vector.broadcast %broadcast_in_dim3A_425 : f32 to vector<16xf32>
      %broadcast_in_dim3A_427 = arith.constant 0xFF800000 : f32
      %broadcast_in_dim3A_428 = vector.broadcast %broadcast_in_dim3A_427 : f32 to vector<16xf32>
      %broadcast_in_dim3A_429 = arith.constant 0xFF800000 : f32
      %broadcast_in_dim3A_430 = vector.broadcast %broadcast_in_dim3A_429 : f32 to vector<16xf32>
      %scan3A_431 = arith.constant 0 : i32
      %scan3A_432 = arith.constant 32 : i32
      %scan3A_433 = arith.addi %scan3A_431, %scan3A_432 : i32
      %scan3A_434 = arith.constant 1 : i32
      %scan3A_435:16 = scf.for %scan3A_660 = %scan3A_431 to %scan3A_433 step %scan3A_434 iter_args(%scan3A_661 = %broadcast_in_dim3A_400, %scan3A_662 = %broadcast_in_dim3A_402, %scan3A_663 = %broadcast_in_dim3A_404, %scan3A_664 = %broadcast_in_dim3A_406, %scan3A_665 = %broadcast_in_dim3A_408, %scan3A_666 = %broadcast_in_dim3A_410, %scan3A_667 = %broadcast_in_dim3A_412, %scan3A_668 = %broadcast_in_dim3A_414, %scan3A_669 = %broadcast_in_dim3A_416, %scan3A_670 = %broadcast_in_dim3A_418, %scan3A_671 = %broadcast_in_dim3A_420, %scan3A_672 = %broadcast_in_dim3A_422, %scan3A_673 = %broadcast_in_dim3A_424, %scan3A_674 = %broadcast_in_dim3A_426, %scan3A_675 = %broadcast_in_dim3A_428, %scan3A_676 = %broadcast_in_dim3A_430) -> (vector<16xf32>, vector<16xf32>, vector<16xf32>, vector<16xf32>, vector<16xf32>, vector<16xf32>, vector<16xf32>, vector<16xf32>, vector<16xf32>, vector<16xf32>, vector<16xf32>, vector<16xf32>, vector<16xf32>, vector<16xf32>, vector<16xf32>, vector<16xf32>)  : i32 {
        %mul3A_677 = arith.constant 16 : i32
        %mul3A_678 = arith.muli %scan3A_396, %mul3A_677 : i32
        %add3A_679 = arith.constant 0 : i32
        %add3A_680 = arith.addi %mul3A_678, %add3A_679 : i32
        %mul3A_681 = arith.constant 16 : i32
        %mul3A_682 = arith.muli %scan3A_660, %mul3A_681 : i32
        %get3A = arith.index_cast %add3A_680 : i32 to index
        %get3A_683 = arith.index_cast %mul3A_682 : i32 to index
        %get3A_684 = tpu.vector_load %arg5[%get3A, %get3A_683] {strides = array<i32>} : memref<64x512xf32, #tpu.memory_space<vmem>>, vector<16xf32>,
        %mul3A_685 = arith.constant 16 : i32
        %mul3A_686 = arith.muli %scan3A_396, %mul3A_685 : i32
        %add3A_687 = arith.constant 1 : i32
        %add3A_688 = arith.addi %mul3A_686, %add3A_687 : i32
        %mul3A_689 = arith.constant 16 : i32
        %mul3A_690 = arith.muli %scan3A_660, %mul3A_689 : i32
        %get3A_691 = arith.index_cast %add3A_688 : i32 to index
        %get3A_692 = arith.index_cast %mul3A_690 : i32 to index
        %get3A_693 = tpu.vector_load %arg5[%get3A_691, %get3A_692] {strides = array<i32>} : memref<64x512xf32, #tpu.memory_space<vmem>>, vector<16xf32>,
        %mul3A_694 = arith.constant 16 : i32
        %mul3A_695 = arith.muli %scan3A_396, %mul3A_694 : i32
        %add3A_696 = arith.constant 2 : i32
        %add3A_697 = arith.addi %mul3A_695, %add3A_696 : i32
        %mul3A_698 = arith.constant 16 : i32
        %mul3A_699 = arith.muli %scan3A_660, %mul3A_698 : i32
        %get3A_700 = arith.index_cast %add3A_697 : i32 to index
        %get3A_701 = arith.index_cast %mul3A_699 : i32 to index
        %get3A_702 = tpu.vector_load %arg5[%get3A_700, %get3A_701] {strides = array<i32>} : memref<64x512xf32, #tpu.memory_space<vmem>>, vector<16xf32>,
        %mul3A_703 = arith.constant 16 : i32
        %mul3A_704 = arith.muli %scan3A_396, %mul3A_703 : i32
        %add3A_705 = arith.constant 3 : i32
        %add3A_706 = arith.addi %mul3A_704, %add3A_705 : i32
        %mul3A_707 = arith.constant 16 : i32
        %mul3A_708 = arith.muli %scan3A_660, %mul3A_707 : i32
        %get3A_709 = arith.index_cast %add3A_706 : i32 to index
        %get3A_710 = arith.index_cast %mul3A_708 : i32 to index
        %get3A_711 = tpu.vector_load %arg5[%get3A_709, %get3A_710] {strides = array<i32>} : memref<64x512xf32, #tpu.memory_space<vmem>>, vector<16xf32>,
        %mul3A_712 = arith.constant 16 : i32
        %mul3A_713 = arith.muli %scan3A_396, %mul3A_712 : i32
        %add3A_714 = arith.constant 4 : i32
        %add3A_715 = arith.addi %mul3A_713, %add3A_714 : i32
        %mul3A_716 = arith.constant 16 : i32
        %mul3A_717 = arith.muli %scan3A_660, %mul3A_716 : i32
        %get3A_718 = arith.index_cast %add3A_715 : i32 to index
        %get3A_719 = arith.index_cast %mul3A_717 : i32 to index
        %get3A_720 = tpu.vector_load %arg5[%get3A_718, %get3A_719] {strides = array<i32>} : memref<64x512xf32, #tpu.memory_space<vmem>>, vector<16xf32>,
        %mul3A_721 = arith.constant 16 : i32
        %mul3A_722 = arith.muli %scan3A_396, %mul3A_721 : i32
        %add3A_723 = arith.constant 5 : i32
        %add3A_724 = arith.addi %mul3A_722, %add3A_723 : i32
        %mul3A_725 = arith.constant 16 : i32
        %mul3A_726 = arith.muli %scan3A_660, %mul3A_725 : i32
        %get3A_727 = arith.index_cast %add3A_724 : i32 to index
        %get3A_728 = arith.index_cast %mul3A_726 : i32 to index
        %get3A_729 = tpu.vector_load %arg5[%get3A_727, %get3A_728] {strides = array<i32>} : memref<64x512xf32, #tpu.memory_space<vmem>>, vector<16xf32>,
        %mul3A_730 = arith.constant 16 : i32
        %mul3A_731 = arith.muli %scan3A_396, %mul3A_730 : i32
        %add3A_732 = arith.constant 6 : i32
        %add3A_733 = arith.addi %mul3A_731, %add3A_732 : i32
        %mul3A_734 = arith.constant 16 : i32
        %mul3A_735 = arith.muli %scan3A_660, %mul3A_734 : i32
        %get3A_736 = arith.index_cast %add3A_733 : i32 to index
        %get3A_737 = arith.index_cast %mul3A_735 : i32 to index
        %get3A_738 = tpu.vector_load %arg5[%get3A_736, %get3A_737] {strides = array<i32>} : memref<64x512xf32, #tpu.memory_space<vmem>>, vector<16xf32>,
        %mul3A_739 = arith.constant 16 : i32
        %mul3A_740 = arith.muli %scan3A_396, %mul3A_739 : i32
        %add3A_741 = arith.constant 7 : i32
        %add3A_742 = arith.addi %mul3A_740, %add3A_741 : i32
        %mul3A_743 = arith.constant 16 : i32
        %mul3A_744 = arith.muli %scan3A_660, %mul3A_743 : i32
        %get3A_745 = arith.index_cast %add3A_742 : i32 to index
        %get3A_746 = arith.index_cast %mul3A_744 : i32 to index
        %get3A_747 = tpu.vector_load %arg5[%get3A_745, %get3A_746] {strides = array<i32>} : memref<64x512xf32, #tpu.memory_space<vmem>>, vector<16xf32>,
        %mul3A_748 = arith.constant 16 : i32
        %mul3A_749 = arith.muli %scan3A_396, %mul3A_748 : i32
        %add3A_750 = arith.constant 8 : i32
        %add3A_751 = arith.addi %mul3A_749, %add3A_750 : i32
        %mul3A_752 = arith.constant 16 : i32
        %mul3A_753 = arith.muli %scan3A_660, %mul3A_752 : i32
        %get3A_754 = arith.index_cast %add3A_751 : i32 to index
        %get3A_755 = arith.index_cast %mul3A_753 : i32 to index
        %get3A_756 = tpu.vector_load %arg5[%get3A_754, %get3A_755] {strides = array<i32>} : memref<64x512xf32, #tpu.memory_space<vmem>>, vector<16xf32>,
        %mul3A_757 = arith.constant 16 : i32
        %mul3A_758 = arith.muli %scan3A_396, %mul3A_757 : i32
        %add3A_759 = arith.constant 9 : i32
        %add3A_760 = arith.addi %mul3A_758, %add3A_759 : i32
        %mul3A_761 = arith.constant 16 : i32
        %mul3A_762 = arith.muli %scan3A_660, %mul3A_761 : i32
        %get3A_763 = arith.index_cast %add3A_760 : i32 to index
        %get3A_764 = arith.index_cast %mul3A_762 : i32 to index
        %get3A_765 = tpu.vector_load %arg5[%get3A_763, %get3A_764] {strides = array<i32>} : memref<64x512xf32, #tpu.memory_space<vmem>>, vector<16xf32>,
        %mul3A_766 = arith.constant 16 : i32
        %mul3A_767 = arith.muli %scan3A_396, %mul3A_766 : i32
        %add3A_768 = arith.constant 10 : i32
        %add3A_769 = arith.addi %mul3A_767, %add3A_768 : i32
        %mul3A_770 = arith.constant 16 : i32
        %mul3A_771 = arith.muli %scan3A_660, %mul3A_770 : i32
        %get3A_772 = arith.index_cast %add3A_769 : i32 to index
        %get3A_773 = arith.index_cast %mul3A_771 : i32 to index
        %get3A_774 = tpu.vector_load %arg5[%get3A_772, %get3A_773] {strides = array<i32>} : memref<64x512xf32, #tpu.memory_space<vmem>>, vector<16xf32>,
        %mul3A_775 = arith.constant 16 : i32
        %mul3A_776 = arith.muli %scan3A_396, %mul3A_775 : i32
        %add3A_777 = arith.constant 11 : i32
        %add3A_778 = arith.addi %mul3A_776, %add3A_777 : i32
        %mul3A_779 = arith.constant 16 : i32
        %mul3A_780 = arith.muli %scan3A_660, %mul3A_779 : i32
        %get3A_781 = arith.index_cast %add3A_778 : i32 to index
        %get3A_782 = arith.index_cast %mul3A_780 : i32 to index
        %get3A_783 = tpu.vector_load %arg5[%get3A_781, %get3A_782] {strides = array<i32>} : memref<64x512xf32, #tpu.memory_space<vmem>>, vector<16xf32>,
        %mul3A_784 = arith.constant 16 : i32
        %mul3A_785 = arith.muli %scan3A_396, %mul3A_784 : i32
        %add3A_786 = arith.constant 12 : i32
        %add3A_787 = arith.addi %mul3A_785, %add3A_786 : i32
        %mul3A_788 = arith.constant 16 : i32
        %mul3A_789 = arith.muli %scan3A_660, %mul3A_788 : i32
        %get3A_790 = arith.index_cast %add3A_787 : i32 to index
        %get3A_791 = arith.index_cast %mul3A_789 : i32 to index
        %get3A_792 = tpu.vector_load %arg5[%get3A_790, %get3A_791] {strides = array<i32>} : memref<64x512xf32, #tpu.memory_space<vmem>>, vector<16xf32>,
        %mul3A_793 = arith.constant 16 : i32
        %mul3A_794 = arith.muli %scan3A_396, %mul3A_793 : i32
        %add3A_795 = arith.constant 13 : i32
        %add3A_796 = arith.addi %mul3A_794, %add3A_795 : i32
        %mul3A_797 = arith.constant 16 : i32
        %mul3A_798 = arith.muli %scan3A_660, %mul3A_797 : i32
        %get3A_799 = arith.index_cast %add3A_796 : i32 to index
        %get3A_800 = arith.index_cast %mul3A_798 : i32 to index
        %get3A_801 = tpu.vector_load %arg5[%get3A_799, %get3A_800] {strides = array<i32>} : memref<64x512xf32, #tpu.memory_space<vmem>>, vector<16xf32>,
        %mul3A_802 = arith.constant 16 : i32
        %mul3A_803 = arith.muli %scan3A_396, %mul3A_802 : i32
        %add3A_804 = arith.constant 14 : i32
        %add3A_805 = arith.addi %mul3A_803, %add3A_804 : i32
        %mul3A_806 = arith.constant 16 : i32
        %mul3A_807 = arith.muli %scan3A_660, %mul3A_806 : i32
        %get3A_808 = arith.index_cast %add3A_805 : i32 to index
        %get3A_809 = arith.index_cast %mul3A_807 : i32 to index
        %get3A_810 = tpu.vector_load %arg5[%get3A_808, %get3A_809] {strides = array<i32>} : memref<64x512xf32, #tpu.memory_space<vmem>>, vector<16xf32>,
        %mul3A_811 = arith.constant 16 : i32
        %mul3A_812 = arith.muli %scan3A_396, %mul3A_811 : i32
        %add3A_813 = arith.constant 15 : i32
        %add3A_814 = arith.addi %mul3A_812, %add3A_813 : i32
        %mul3A_815 = arith.constant 16 : i32
        %mul3A_816 = arith.muli %scan3A_660, %mul3A_815 : i32
        %get3A_817 = arith.index_cast %add3A_814 : i32 to index
        %get3A_818 = arith.index_cast %mul3A_816 : i32 to index
        %get3A_819 = tpu.vector_load %arg5[%get3A_817, %get3A_818] {strides = array<i32>} : memref<64x512xf32, #tpu.memory_space<vmem>>, vector<16xf32>,
        %max3A_820 = arith.maximumf %scan3A_661, %get3A_684 : vector<16xf32>
        %max3A_821 = arith.maximumf %scan3A_662, %get3A_693 : vector<16xf32>
        %max3A_822 = arith.maximumf %scan3A_663, %get3A_702 : vector<16xf32>
        %max3A_823 = arith.maximumf %scan3A_664, %get3A_711 : vector<16xf32>
        %max3A_824 = arith.maximumf %scan3A_665, %get3A_720 : vector<16xf32>
        %max3A_825 = arith.maximumf %scan3A_666, %get3A_729 : vector<16xf32>
        %max3A_826 = arith.maximumf %scan3A_667, %get3A_738 : vector<16xf32>
        %max3A_827 = arith.maximumf %scan3A_668, %get3A_747 : vector<16xf32>
        %max3A_828 = arith.maximumf %scan3A_669, %get3A_756 : vector<16xf32>
        %max3A_829 = arith.maximumf %scan3A_670, %get3A_765 : vector<16xf32>
        %max3A_830 = arith.maximumf %scan3A_671, %get3A_774 : vector<16xf32>
        %max3A_831 = arith.maximumf %scan3A_672, %get3A_783 : vector<16xf32>
        %max3A_832 = arith.maximumf %scan3A_673, %get3A_792 : vector<16xf32>
        %max3A_833 = arith.maximumf %scan3A_674, %get3A_801 : vector<16xf32>
        %max3A_834 = arith.maximumf %scan3A_675, %get3A_810 : vector<16xf32>
        %max3A_835 = arith.maximumf %scan3A_676, %get3A_819 : vector<16xf32>
        %mul3A_836 = arith.constant 16 : i32
        %mul3A_837 = arith.muli %scan3A_660, %mul3A_836 : i32
        %get3A_838 = arith.index_cast %mul3A_837 : i32 to index
        %get3A_839 = tpu.vector_load %arg6[%get3A_838] {strides = array<i32>} : memref<512xf32, #tpu.memory_space<vmem>>, vector<16xf32>,
        %max3A_840 = arith.maximumf %get3A_684, %get3A_693 : vector<16xf32>
        %max3A_841 = arith.maximumf %get3A_702, %get3A_711 : vector<16xf32>
        %max3A_842 = arith.maximumf %get3A_720, %get3A_729 : vector<16xf32>
        %max3A_843 = arith.maximumf %get3A_738, %get3A_747 : vector<16xf32>
        %max3A_844 = arith.maximumf %get3A_756, %get3A_765 : vector<16xf32>
        %max3A_845 = arith.maximumf %get3A_774, %get3A_783 : vector<16xf32>
        %max3A_846 = arith.maximumf %get3A_792, %get3A_801 : vector<16xf32>
        %max3A_847 = arith.maximumf %get3A_810, %get3A_819 : vector<16xf32>
        %max3A_848 = arith.maximumf %max3A_840, %max3A_841 : vector<16xf32>
        %max3A_849 = arith.maximumf %max3A_842, %max3A_843 : vector<16xf32>
        %max3A_850 = arith.maximumf %max3A_844, %max3A_845 : vector<16xf32>
        %max3A_851 = arith.maximumf %max3A_846, %max3A_847 : vector<16xf32>
        %max3A_852 = arith.maximumf %max3A_848, %max3A_849 : vector<16xf32>
        %max3A_853 = arith.maximumf %max3A_850, %max3A_851 : vector<16xf32>
        %max3A_854 = arith.maximumf %max3A_852, %max3A_853 : vector<16xf32>
        %max3A_855 = arith.maximumf %get3A_839, %max3A_854 : vector<16xf32>
        %mul3A_856 = arith.constant 16 : i32
        %mul3A_857 = arith.muli %scan3A_660, %mul3A_856 : i32
        %swap3A_858 = arith.index_cast %mul3A_857 : i32 to index
        %swap3A_859 = tpu.vector_load %arg6[%swap3A_858] {strides = array<i32>} : memref<512xf32, #tpu.memory_space<vmem>>, vector<16xf32>,
        tpu.vector_store %arg6[%swap3A_858], %max3A_855 {strides = array<i32>} : memref<512xf32, #tpu.memory_space<vmem>>, vector<16xf32>,
        scf.yield %max3A_820, %max3A_821, %max3A_822, %max3A_823, %max3A_824, %max3A_825, %max3A_826, %max3A_827, %max3A_828, %max3A_829, %max3A_830, %max3A_831, %max3A_832, %max3A_833, %max3A_834, %max3A_835 : vector<16xf32>, vector<16xf32>, vector<16xf32>, vector<16xf32>, vector<16xf32>, vector<16xf32>, vector<16xf32>, vector<16xf32>, vector<16xf32>, vector<16xf32>, vector<16xf32>, vector<16xf32>, vector<16xf32>, vector<16xf32>, vector<16xf32>, vector<16xf32>
      }
      %scan3A_436 = arith.constant 32 : i32
      %mul3A_437 = arith.constant 16 : i32
      %mul3A_438 = arith.muli %scan3A_396, %mul3A_437 : i32
      %add3A_439 = arith.constant 448 : i32
      %add3A_440 = arith.addi %add3A_439, %mul3A_438 : i32
      %ge3A = arith.constant 5.000000e-01 : f32
      %ge3A_441 = vector.broadcast %ge3A : f32 to vector<16xf32>
      %ge3A_442 = arith.cmpf oge, %scan3A_435#0, %ge3A_441 : vector<16xf32>
      %all_reduce_population_count3A = tpu.all_reduce %ge3A_442 {dim = 0 : i64, kind = #tpu.reduction_kind<sum>} : vector<16xi1> -> vector<16xi32>
      %gt3A = arith.constant 0 : i32
      %gt3A_443 = vector.broadcast %gt3A : i32 to vector<16xi32>
      %gt3A_444 = arith.cmpi sgt, %all_reduce_population_count3A, %gt3A_443 : vector<16xi32>
      %add3A_445 = arith.constant 0 : i32
      %add3A_446 = arith.addi %add3A_440, %add3A_445 : i32
      %broadcast_in_dim3A_447 = vector.broadcast %add3A_446 : i32 to vector<16xi32>
      %min3A = arith.minsi %scan3A_397, %broadcast_in_dim3A_447 : vector<16xi32>
      %select_n3A_448 = arith.select %gt3A_444, %min3A, %scan3A_397 : vector<16xi1>, vector<16xi32>
      %max3A = arith.maxsi %scan3A_398, %broadcast_in_dim3A_447 : vector<16xi32>
      %select_n3A_449 = arith.select %gt3A_444, %max3A, %scan3A_398 : vector<16xi1>, vector<16xi32>
      %ge3A_450 = arith.constant 5.000000e-01 : f32
      %ge3A_451 = vector.broadcast %ge3A_450 : f32 to vector<16xf32>
      %ge3A_452 = arith.cmpf oge, %scan3A_435#1, %ge3A_451 : vector<16xf32>
      %all_reduce_population_count3A_453 = tpu.all_reduce %ge3A_452 {dim = 0 : i64, kind = #tpu.reduction_kind<sum>} : vector<16xi1> -> vector<16xi32>
      %gt3A_454 = arith.constant 0 : i32
      %gt3A_455 = vector.broadcast %gt3A_454 : i32 to vector<16xi32>
      %gt3A_456 = arith.cmpi sgt, %all_reduce_population_count3A_453, %gt3A_455 : vector<16xi32>
      %add3A_457 = arith.constant 1 : i32
      %add3A_458 = arith.addi %add3A_440, %add3A_457 : i32
      %broadcast_in_dim3A_459 = vector.broadcast %add3A_458 : i32 to vector<16xi32>
      %min3A_460 = arith.minsi %select_n3A_448, %broadcast_in_dim3A_459 : vector<16xi32>
      %select_n3A_461 = arith.select %gt3A_456, %min3A_460, %select_n3A_448 : vector<16xi1>, vector<16xi32>
      %max3A_462 = arith.maxsi %select_n3A_449, %broadcast_in_dim3A_459 : vector<16xi32>
      %select_n3A_463 = arith.select %gt3A_456, %max3A_462, %select_n3A_449 : vector<16xi1>, vector<16xi32>
      %ge3A_464 = arith.constant 5.000000e-01 : f32
      %ge3A_465 = vector.broadcast %ge3A_464 : f32 to vector<16xf32>
      %ge3A_466 = arith.cmpf oge, %scan3A_435#2, %ge3A_465 : vector<16xf32>
      %all_reduce_population_count3A_467 = tpu.all_reduce %ge3A_466 {dim = 0 : i64, kind = #tpu.reduction_kind<sum>} : vector<16xi1> -> vector<16xi32>
      %gt3A_468 = arith.constant 0 : i32
      %gt3A_469 = vector.broadcast %gt3A_468 : i32 to vector<16xi32>
      %gt3A_470 = arith.cmpi sgt, %all_reduce_population_count3A_467, %gt3A_469 : vector<16xi32>
      %add3A_471 = arith.constant 2 : i32
      %add3A_472 = arith.addi %add3A_440, %add3A_471 : i32
      %broadcast_in_dim3A_473 = vector.broadcast %add3A_472 : i32 to vector<16xi32>
      %min3A_474 = arith.minsi %select_n3A_461, %broadcast_in_dim3A_473 : vector<16xi32>
      %select_n3A_475 = arith.select %gt3A_470, %min3A_474, %select_n3A_461 : vector<16xi1>, vector<16xi32>
      %max3A_476 = arith.maxsi %select_n3A_463, %broadcast_in_dim3A_473 : vector<16xi32>
      %select_n3A_477 = arith.select %gt3A_470, %max3A_476, %select_n3A_463 : vector<16xi1>, vector<16xi32>
      %ge3A_478 = arith.constant 5.000000e-01 : f32
      %ge3A_479 = vector.broadcast %ge3A_478 : f32 to vector<16xf32>
      %ge3A_480 = arith.cmpf oge, %scan3A_435#3, %ge3A_479 : vector<16xf32>
      %all_reduce_population_count3A_481 = tpu.all_reduce %ge3A_480 {dim = 0 : i64, kind = #tpu.reduction_kind<sum>} : vector<16xi1> -> vector<16xi32>
      %gt3A_482 = arith.constant 0 : i32
      %gt3A_483 = vector.broadcast %gt3A_482 : i32 to vector<16xi32>
      %gt3A_484 = arith.cmpi sgt, %all_reduce_population_count3A_481, %gt3A_483 : vector<16xi32>
      %add3A_485 = arith.constant 3 : i32
      %add3A_486 = arith.addi %add3A_440, %add3A_485 : i32
      %broadcast_in_dim3A_487 = vector.broadcast %add3A_486 : i32 to vector<16xi32>
      %min3A_488 = arith.minsi %select_n3A_475, %broadcast_in_dim3A_487 : vector<16xi32>
      %select_n3A_489 = arith.select %gt3A_484, %min3A_488, %select_n3A_475 : vector<16xi1>, vector<16xi32>
      %max3A_490 = arith.maxsi %select_n3A_477, %broadcast_in_dim3A_487 : vector<16xi32>
      %select_n3A_491 = arith.select %gt3A_484, %max3A_490, %select_n3A_477 : vector<16xi1>, vector<16xi32>
      %ge3A_492 = arith.constant 5.000000e-01 : f32
      %ge3A_493 = vector.broadcast %ge3A_492 : f32 to vector<16xf32>
      %ge3A_494 = arith.cmpf oge, %scan3A_435#4, %ge3A_493 : vector<16xf32>
      %all_reduce_population_count3A_495 = tpu.all_reduce %ge3A_494 {dim = 0 : i64, kind = #tpu.reduction_kind<sum>} : vector<16xi1> -> vector<16xi32>
      %gt3A_496 = arith.constant 0 : i32
      %gt3A_497 = vector.broadcast %gt3A_496 : i32 to vector<16xi32>
      %gt3A_498 = arith.cmpi sgt, %all_reduce_population_count3A_495, %gt3A_497 : vector<16xi32>
      %add3A_499 = arith.constant 4 : i32
      %add3A_500 = arith.addi %add3A_440, %add3A_499 : i32
      %broadcast_in_dim3A_501 = vector.broadcast %add3A_500 : i32 to vector<16xi32>
      %min3A_502 = arith.minsi %select_n3A_489, %broadcast_in_dim3A_501 : vector<16xi32>
      %select_n3A_503 = arith.select %gt3A_498, %min3A_502, %select_n3A_489 : vector<16xi1>, vector<16xi32>
      %max3A_504 = arith.maxsi %select_n3A_491, %broadcast_in_dim3A_501 : vector<16xi32>
      %select_n3A_505 = arith.select %gt3A_498, %max3A_504, %select_n3A_491 : vector<16xi1>, vector<16xi32>
      %ge3A_506 = arith.constant 5.000000e-01 : f32
      %ge3A_507 = vector.broadcast %ge3A_506 : f32 to vector<16xf32>
      %ge3A_508 = arith.cmpf oge, %scan3A_435#5, %ge3A_507 : vector<16xf32>
      %all_reduce_population_count3A_509 = tpu.all_reduce %ge3A_508 {dim = 0 : i64, kind = #tpu.reduction_kind<sum>} : vector<16xi1> -> vector<16xi32>
      %gt3A_510 = arith.constant 0 : i32
      %gt3A_511 = vector.broadcast %gt3A_510 : i32 to vector<16xi32>
      %gt3A_512 = arith.cmpi sgt, %all_reduce_population_count3A_509, %gt3A_511 : vector<16xi32>
      %add3A_513 = arith.constant 5 : i32
      %add3A_514 = arith.addi %add3A_440, %add3A_513 : i32
      %broadcast_in_dim3A_515 = vector.broadcast %add3A_514 : i32 to vector<16xi32>
      %min3A_516 = arith.minsi %select_n3A_503, %broadcast_in_dim3A_515 : vector<16xi32>
      %select_n3A_517 = arith.select %gt3A_512, %min3A_516, %select_n3A_503 : vector<16xi1>, vector<16xi32>
      %max3A_518 = arith.maxsi %select_n3A_505, %broadcast_in_dim3A_515 : vector<16xi32>
      %select_n3A_519 = arith.select %gt3A_512, %max3A_518, %select_n3A_505 : vector<16xi1>, vector<16xi32>
      %ge3A_520 = arith.constant 5.000000e-01 : f32
      %ge3A_521 = vector.broadcast %ge3A_520 : f32 to vector<16xf32>
      %ge3A_522 = arith.cmpf oge, %scan3A_435#6, %ge3A_521 : vector<16xf32>
      %all_reduce_population_count3A_523 = tpu.all_reduce %ge3A_522 {dim = 0 : i64, kind = #tpu.reduction_kind<sum>} : vector<16xi1> -> vector<16xi32>
      %gt3A_524 = arith.constant 0 : i32
      %gt3A_525 = vector.broadcast %gt3A_524 : i32 to vector<16xi32>
      %gt3A_526 = arith.cmpi sgt, %all_reduce_population_count3A_523, %gt3A_525 : vector<16xi32>
      %add3A_527 = arith.constant 6 : i32
      %add3A_528 = arith.addi %add3A_440, %add3A_527 : i32
      %broadcast_in_dim3A_529 = vector.broadcast %add3A_528 : i32 to vector<16xi32>
      %min3A_530 = arith.minsi %select_n3A_517, %broadcast_in_dim3A_529 : vector<16xi32>
      %select_n3A_531 = arith.select %gt3A_526, %min3A_530, %select_n3A_517 : vector<16xi1>, vector<16xi32>
      %max3A_532 = arith.maxsi %select_n3A_519, %broadcast_in_dim3A_529 : vector<16xi32>
      %select_n3A_533 = arith.select %gt3A_526, %max3A_532, %select_n3A_519 : vector<16xi1>, vector<16xi32>
      %ge3A_534 = arith.constant 5.000000e-01 : f32
      %ge3A_535 = vector.broadcast %ge3A_534 : f32 to vector<16xf32>
      %ge3A_536 = arith.cmpf oge, %scan3A_435#7, %ge3A_535 : vector<16xf32>
      %all_reduce_population_count3A_537 = tpu.all_reduce %ge3A_536 {dim = 0 : i64, kind = #tpu.reduction_kind<sum>} : vector<16xi1> -> vector<16xi32>
      %gt3A_538 = arith.constant 0 : i32
      %gt3A_539 = vector.broadcast %gt3A_538 : i32 to vector<16xi32>
      %gt3A_540 = arith.cmpi sgt, %all_reduce_population_count3A_537, %gt3A_539 : vector<16xi32>
      %add3A_541 = arith.constant 7 : i32
      %add3A_542 = arith.addi %add3A_440, %add3A_541 : i32
      %broadcast_in_dim3A_543 = vector.broadcast %add3A_542 : i32 to vector<16xi32>
      %min3A_544 = arith.minsi %select_n3A_531, %broadcast_in_dim3A_543 : vector<16xi32>
      %select_n3A_545 = arith.select %gt3A_540, %min3A_544, %select_n3A_531 : vector<16xi1>, vector<16xi32>
      %max3A_546 = arith.maxsi %select_n3A_533, %broadcast_in_dim3A_543 : vector<16xi32>
      %select_n3A_547 = arith.select %gt3A_540, %max3A_546, %select_n3A_533 : vector<16xi1>, vector<16xi32>
      %ge3A_548 = arith.constant 5.000000e-01 : f32
      %ge3A_549 = vector.broadcast %ge3A_548 : f32 to vector<16xf32>
      %ge3A_550 = arith.cmpf oge, %scan3A_435#8, %ge3A_549 : vector<16xf32>
      %all_reduce_population_count3A_551 = tpu.all_reduce %ge3A_550 {dim = 0 : i64, kind = #tpu.reduction_kind<sum>} : vector<16xi1> -> vector<16xi32>
      %gt3A_552 = arith.constant 0 : i32
      %gt3A_553 = vector.broadcast %gt3A_552 : i32 to vector<16xi32>
      %gt3A_554 = arith.cmpi sgt, %all_reduce_population_count3A_551, %gt3A_553 : vector<16xi32>
      %add3A_555 = arith.constant 8 : i32
      %add3A_556 = arith.addi %add3A_440, %add3A_555 : i32
      %broadcast_in_dim3A_557 = vector.broadcast %add3A_556 : i32 to vector<16xi32>
      %min3A_558 = arith.minsi %select_n3A_545, %broadcast_in_dim3A_557 : vector<16xi32>
      %select_n3A_559 = arith.select %gt3A_554, %min3A_558, %select_n3A_545 : vector<16xi1>, vector<16xi32>
      %max3A_560 = arith.maxsi %select_n3A_547, %broadcast_in_dim3A_557 : vector<16xi32>
      %select_n3A_561 = arith.select %gt3A_554, %max3A_560, %select_n3A_547 : vector<16xi1>, vector<16xi32>
      %ge3A_562 = arith.constant 5.000000e-01 : f32
      %ge3A_563 = vector.broadcast %ge3A_562 : f32 to vector<16xf32>
      %ge3A_564 = arith.cmpf oge, %scan3A_435#9, %ge3A_563 : vector<16xf32>
      %all_reduce_population_count3A_565 = tpu.all_reduce %ge3A_564 {dim = 0 : i64, kind = #tpu.reduction_kind<sum>} : vector<16xi1> -> vector<16xi32>
      %gt3A_566 = arith.constant 0 : i32
      %gt3A_567 = vector.broadcast %gt3A_566 : i32 to vector<16xi32>
      %gt3A_568 = arith.cmpi sgt, %all_reduce_population_count3A_565, %gt3A_567 : vector<16xi32>
      %add3A_569 = arith.constant 9 : i32
      %add3A_570 = arith.addi %add3A_440, %add3A_569 : i32
      %broadcast_in_dim3A_571 = vector.broadcast %add3A_570 : i32 to vector<16xi32>
      %min3A_572 = arith.minsi %select_n3A_559, %broadcast_in_dim3A_571 : vector<16xi32>
      %select_n3A_573 = arith.select %gt3A_568, %min3A_572, %select_n3A_559 : vector<16xi1>, vector<16xi32>
      %max3A_574 = arith.maxsi %select_n3A_561, %broadcast_in_dim3A_571 : vector<16xi32>
      %select_n3A_575 = arith.select %gt3A_568, %max3A_574, %select_n3A_561 : vector<16xi1>, vector<16xi32>
      %ge3A_576 = arith.constant 5.000000e-01 : f32
      %ge3A_577 = vector.broadcast %ge3A_576 : f32 to vector<16xf32>
      %ge3A_578 = arith.cmpf oge, %scan3A_435#10, %ge3A_577 : vector<16xf32>
      %all_reduce_population_count3A_579 = tpu.all_reduce %ge3A_578 {dim = 0 : i64, kind = #tpu.reduction_kind<sum>} : vector<16xi1> -> vector<16xi32>
      %gt3A_580 = arith.constant 0 : i32
      %gt3A_581 = vector.broadcast %gt3A_580 : i32 to vector<16xi32>
      %gt3A_582 = arith.cmpi sgt, %all_reduce_population_count3A_579, %gt3A_581 : vector<16xi32>
      %add3A_583 = arith.constant 10 : i32
      %add3A_584 = arith.addi %add3A_440, %add3A_583 : i32
      %broadcast_in_dim3A_585 = vector.broadcast %add3A_584 : i32 to vector<16xi32>
      %min3A_586 = arith.minsi %select_n3A_573, %broadcast_in_dim3A_585 : vector<16xi32>
      %select_n3A_587 = arith.select %gt3A_582, %min3A_586, %select_n3A_573 : vector<16xi1>, vector<16xi32>
      %max3A_588 = arith.maxsi %select_n3A_575, %broadcast_in_dim3A_585 : vector<16xi32>
      %select_n3A_589 = arith.select %gt3A_582, %max3A_588, %select_n3A_575 : vector<16xi1>, vector<16xi32>
      %ge3A_590 = arith.constant 5.000000e-01 : f32
      %ge3A_591 = vector.broadcast %ge3A_590 : f32 to vector<16xf32>
      %ge3A_592 = arith.cmpf oge, %scan3A_435#11, %ge3A_591 : vector<16xf32>
      %all_reduce_population_count3A_593 = tpu.all_reduce %ge3A_592 {dim = 0 : i64, kind = #tpu.reduction_kind<sum>} : vector<16xi1> -> vector<16xi32>
      %gt3A_594 = arith.constant 0 : i32
      %gt3A_595 = vector.broadcast %gt3A_594 : i32 to vector<16xi32>
      %gt3A_596 = arith.cmpi sgt, %all_reduce_population_count3A_593, %gt3A_595 : vector<16xi32>
      %add3A_597 = arith.constant 11 : i32
      %add3A_598 = arith.addi %add3A_440, %add3A_597 : i32
      %broadcast_in_dim3A_599 = vector.broadcast %add3A_598 : i32 to vector<16xi32>
      %min3A_600 = arith.minsi %select_n3A_587, %broadcast_in_dim3A_599 : vector<16xi32>
      %select_n3A_601 = arith.select %gt3A_596, %min3A_600, %select_n3A_587 : vector<16xi1>, vector<16xi32>
      %max3A_602 = arith.maxsi %select_n3A_589, %broadcast_in_dim3A_599 : vector<16xi32>
      %select_n3A_603 = arith.select %gt3A_596, %max3A_602, %select_n3A_589 : vector<16xi1>, vector<16xi32>
      %ge3A_604 = arith.constant 5.000000e-01 : f32
      %ge3A_605 = vector.broadcast %ge3A_604 : f32 to vector<16xf32>
      %ge3A_606 = arith.cmpf oge, %scan3A_435#12, %ge3A_605 : vector<16xf32>
      %all_reduce_population_count3A_607 = tpu.all_reduce %ge3A_606 {dim = 0 : i64, kind = #tpu.reduction_kind<sum>} : vector<16xi1> -> vector<16xi32>
      %gt3A_608 = arith.constant 0 : i32
      %gt3A_609 = vector.broadcast %gt3A_608 : i32 to vector<16xi32>
      %gt3A_610 = arith.cmpi sgt, %all_reduce_population_count3A_607, %gt3A_609 : vector<16xi32>
      %add3A_611 = arith.constant 12 : i32
      %add3A_612 = arith.addi %add3A_440, %add3A_611 : i32
      %broadcast_in_dim3A_613 = vector.broadcast %add3A_612 : i32 to vector<16xi32>
      %min3A_614 = arith.minsi %select_n3A_601, %broadcast_in_dim3A_613 : vector<16xi32>
      %select_n3A_615 = arith.select %gt3A_610, %min3A_614, %select_n3A_601 : vector<16xi1>, vector<16xi32>
      %max3A_616 = arith.maxsi %select_n3A_603, %broadcast_in_dim3A_613 : vector<16xi32>
      %select_n3A_617 = arith.select %gt3A_610, %max3A_616, %select_n3A_603 : vector<16xi1>, vector<16xi32>
      %ge3A_618 = arith.constant 5.000000e-01 : f32
      %ge3A_619 = vector.broadcast %ge3A_618 : f32 to vector<16xf32>
      %ge3A_620 = arith.cmpf oge, %scan3A_435#13, %ge3A_619 : vector<16xf32>
      %all_reduce_population_count3A_621 = tpu.all_reduce %ge3A_620 {dim = 0 : i64, kind = #tpu.reduction_kind<sum>} : vector<16xi1> -> vector<16xi32>
      %gt3A_622 = arith.constant 0 : i32
      %gt3A_623 = vector.broadcast %gt3A_622 : i32 to vector<16xi32>
      %gt3A_624 = arith.cmpi sgt, %all_reduce_population_count3A_621, %gt3A_623 : vector<16xi32>
      %add3A_625 = arith.constant 13 : i32
      %add3A_626 = arith.addi %add3A_440, %add3A_625 : i32
      %broadcast_in_dim3A_627 = vector.broadcast %add3A_626 : i32 to vector<16xi32>
      %min3A_628 = arith.minsi %select_n3A_615, %broadcast_in_dim3A_627 : vector<16xi32>
      %select_n3A_629 = arith.select %gt3A_624, %min3A_628, %select_n3A_615 : vector<16xi1>, vector<16xi32>
      %max3A_630 = arith.maxsi %select_n3A_617, %broadcast_in_dim3A_627 : vector<16xi32>
      %select_n3A_631 = arith.select %gt3A_624, %max3A_630, %select_n3A_617 : vector<16xi1>, vector<16xi32>
      %ge3A_632 = arith.constant 5.000000e-01 : f32
      %ge3A_633 = vector.broadcast %ge3A_632 : f32 to vector<16xf32>
      %ge3A_634 = arith.cmpf oge, %scan3A_435#14, %ge3A_633 : vector<16xf32>
      %all_reduce_population_count3A_635 = tpu.all_reduce %ge3A_634 {dim = 0 : i64, kind = #tpu.reduction_kind<sum>} : vector<16xi1> -> vector<16xi32>
      %gt3A_636 = arith.constant 0 : i32
      %gt3A_637 = vector.broadcast %gt3A_636 : i32 to vector<16xi32>
      %gt3A_638 = arith.cmpi sgt, %all_reduce_population_count3A_635, %gt3A_637 : vector<16xi32>
      %add3A_639 = arith.constant 14 : i32
      %add3A_640 = arith.addi %add3A_440, %add3A_639 : i32
      %broadcast_in_dim3A_641 = vector.broadcast %add3A_640 : i32 to vector<16xi32>
      %min3A_642 = arith.minsi %select_n3A_629, %broadcast_in_dim3A_641 : vector<16xi32>
      %select_n3A_643 = arith.select %gt3A_638, %min3A_642, %select_n3A_629 : vector<16xi1>, vector<16xi32>
      %max3A_644 = arith.maxsi %select_n3A_631, %broadcast_in_dim3A_641 : vector<16xi32>
      %select_n3A_645 = arith.select %gt3A_638, %max3A_644, %select_n3A_631 : vector<16xi1>, vector<16xi32>
      %ge3A_646 = arith.constant 5.000000e-01 : f32
      %ge3A_647 = vector.broadcast %ge3A_646 : f32 to vector<16xf32>
      %ge3A_648 = arith.cmpf oge, %scan3A_435#15, %ge3A_647 : vector<16xf32>
      %all_reduce_population_count3A_649 = tpu.all_reduce %ge3A_648 {dim = 0 : i64, kind = #tpu.reduction_kind<sum>} : vector<16xi1> -> vector<16xi32>
      %gt3A_650 = arith.constant 0 : i32
      %gt3A_651 = vector.broadcast %gt3A_650 : i32 to vector<16xi32>
      %gt3A_652 = arith.cmpi sgt, %all_reduce_population_count3A_649, %gt3A_651 : vector<16xi32>
      %add3A_653 = arith.constant 15 : i32
      %add3A_654 = arith.addi %add3A_440, %add3A_653 : i32
      %broadcast_in_dim3A_655 = vector.broadcast %add3A_654 : i32 to vector<16xi32>
      %min3A_656 = arith.minsi %select_n3A_643, %broadcast_in_dim3A_655 : vector<16xi32>
      %select_n3A_657 = arith.select %gt3A_652, %min3A_656, %select_n3A_643 : vector<16xi1>, vector<16xi32>
      %max3A_658 = arith.maxsi %select_n3A_645, %broadcast_in_dim3A_655 : vector<16xi32>
      %select_n3A_659 = arith.select %gt3A_652, %max3A_658, %select_n3A_645 : vector<16xi1>, vector<16xi32>
      scf.yield %select_n3A_657, %select_n3A_659 : vector<16xi32>, vector<16xi32>
    }
    %scan3A_299 = arith.constant 4 : i32
    %broadcast_in_dim3A_300 = arith.constant 512 : i32
    %broadcast_in_dim3A_301 = vector.broadcast %broadcast_in_dim3A_300 : i32 to vector<16xi32>
    %broadcast_in_dim3A_302 = arith.constant -1 : i32
    %broadcast_in_dim3A_303 = vector.broadcast %broadcast_in_dim3A_302 : i32 to vector<16xi32>
    %scan3A_304 = arith.constant 0 : i32
    %scan3A_305 = arith.constant 32 : i32
    %scan3A_306 = arith.addi %scan3A_304, %scan3A_305 : i32
    %scan3A_307 = arith.constant 1 : i32
    %scan3A_308:2 = scf.for %scan3A_396 = %scan3A_304 to %scan3A_306 step %scan3A_307 iter_args(%scan3A_397 = %broadcast_in_dim3A_301, %scan3A_398 = %broadcast_in_dim3A_303) -> (vector<16xi32>, vector<16xi32>)  : i32 {
      %mul3A_399 = arith.constant 16 : i32
      %mul3A_400 = arith.muli %scan3A_396, %mul3A_399 : i32
      %get3A = arith.index_cast %mul3A_400 : i32 to index
      %get3A_401 = tpu.vector_load %arg6[%get3A] {strides = array<i32>} : memref<512xf32, #tpu.memory_space<vmem>>, vector<16xf32>,
      %ge3A = arith.constant 5.000000e-01 : f32
      %ge3A_402 = vector.broadcast %ge3A : f32 to vector<16xf32>
      %ge3A_403 = arith.cmpf oge, %get3A_401, %ge3A_402 : vector<16xf32>
      %all_reduce_population_count3A = tpu.all_reduce %ge3A_403 {dim = 0 : i64, kind = #tpu.reduction_kind<sum>} : vector<16xi1> -> vector<16xi32>
      %gt3A = arith.constant 0 : i32
      %gt3A_404 = vector.broadcast %gt3A : i32 to vector<16xi32>
      %gt3A_405 = arith.cmpi sgt, %all_reduce_population_count3A, %gt3A_404 : vector<16xi32>
      %all_reduce_ffs3A = tpu.all_reduce %ge3A_403 {dim = 0 : i64, kind = #tpu.reduction_kind<find_first_set>} : vector<16xi1> -> vector<16xi32>
      %rev3A = arith.constant 15 : i32
      %rev3A_406 = vector.broadcast %rev3A : i32 to vector<16xi32>
      %rev3A_407 = tpu.iota {dimensions = array<i32: 0>} : vector<16xi32>
      %rev3A_408 = arith.subi %rev3A_406, %rev3A_407 : vector<16xi32>
      %rev3A_409 = tpu.dynamic_gather %get3A_401[%rev3A_408] in [0] : vector<16xf32>, vector<16xi32> -> vector<16xf32>
      %ge3A_410 = arith.constant 5.000000e-01 : f32
      %ge3A_411 = vector.broadcast %ge3A_410 : f32 to vector<16xf32>
      %ge3A_412 = arith.cmpf oge, %rev3A_409, %ge3A_411 : vector<16xf32>
      %all_reduce_ffs3A_413 = tpu.all_reduce %ge3A_412 {dim = 0 : i64, kind = #tpu.reduction_kind<find_first_set>} : vector<16xi1> -> vector<16xi32>
      %sub3A = arith.constant 15 : i32
      %sub3A_414 = vector.broadcast %sub3A : i32 to vector<16xi32>
      %sub3A_415 = arith.subi %sub3A_414, %all_reduce_ffs3A_413 : vector<16xi32>
      %mul3A_416 = arith.constant 16 : i32
      %mul3A_417 = arith.muli %scan3A_396, %mul3A_416 : i32
      %add3A_418 = vector.broadcast %mul3A_417 : i32 to vector<16xi32>
      %add3A_419 = arith.addi %add3A_418, %all_reduce_ffs3A : vector<16xi32>
      %min3A = arith.minsi %scan3A_397, %add3A_419 : vector<16xi32>
      %select_n3A_420 = arith.select %gt3A_405, %min3A, %scan3A_397 : vector<16xi1>, vector<16xi32>
      %mul3A_421 = arith.constant 16 : i32
      %mul3A_422 = arith.muli %scan3A_396, %mul3A_421 : i32
      %add3A_423 = vector.broadcast %mul3A_422 : i32 to vector<16xi32>
      %add3A_424 = arith.addi %add3A_423, %sub3A_415 : vector<16xi32>
      %max3A = arith.maxsi %scan3A_398, %add3A_424 : vector<16xi32>
      %select_n3A_425 = arith.select %gt3A_405, %max3A, %scan3A_398 : vector<16xi1>, vector<16xi32>
      scf.yield %select_n3A_420, %select_n3A_425 : vector<16xi32>, vector<16xi32>
    }
    %scan3A_309 = arith.constant 32 : i32
    %scan3A_310 = arith.constant 0 : i32
    %scan3A_311 = arith.constant 0 : i32
    %scan3A_312 = arith.constant 32 : i32
    %scan3A_313 = arith.addi %scan3A_311, %scan3A_312 : i32
    %scan3A_314 = arith.constant 1 : i32
    %scan3A_315 = scf.for %scan3A_396 = %scan3A_311 to %scan3A_313 step %scan3A_314 iter_args(%scan3A_397 = %scan3A_310) -> (i32)  : i32 {
      %mul3A_398 = arith.constant 16 : i32
      %mul3A_399 = arith.muli %scan3A_396, %mul3A_398 : i32
      %swap3A_400 = arith.index_cast %mul3A_399 : i32 to index
      %swap3A_401 = tpu.vector_load %arg6[%swap3A_400] {strides = array<i32>} : memref<512xf32, #tpu.memory_space<vmem>>, vector<16xf32>,
      tpu.vector_store %arg6[%swap3A_400], %broadcast_in_dim3A_3 {strides = array<i32>} : memref<512xf32, #tpu.memory_space<vmem>>, vector<16xf32>,
      %scan3A_402 = arith.constant 0 : i32
      scf.yield %scan3A_402 : i32
    }
    %scan3A_316 = arith.constant 32 : i32
    %eq3A_317 = arith.constant 12 : i32
    %eq3A_318 = vector.broadcast %eq3A_317 : i32 to vector<16xi32>
    %eq3A_319 = arith.cmpi eq, %iota3A, %eq3A_318 : vector<16xi32>
    %select_n3A_320 = arith.select %eq3A_319, %scan3A_298#0, %select_n3A_262 : vector<16xi1>, vector<16xi32>
    %eq3A_321 = arith.constant 13 : i32
    %eq3A_322 = vector.broadcast %eq3A_321 : i32 to vector<16xi32>
    %eq3A_323 = arith.cmpi eq, %iota3A, %eq3A_322 : vector<16xi32>
    %select_n3A_324 = arith.select %eq3A_323, %scan3A_308#0, %select_n3A_320 : vector<16xi1>, vector<16xi32>
    %eq3A_325 = arith.constant 14 : i32
    %eq3A_326 = vector.broadcast %eq3A_325 : i32 to vector<16xi32>
    %eq3A_327 = arith.cmpi eq, %iota3A, %eq3A_326 : vector<16xi32>
    %select_n3A_328 = arith.select %eq3A_327, %scan3A_298#1, %select_n3A_324 : vector<16xi1>, vector<16xi32>
    %eq3A_329 = arith.constant 15 : i32
    %eq3A_330 = vector.broadcast %eq3A_329 : i32 to vector<16xi32>
    %eq3A_331 = arith.cmpi eq, %iota3A, %eq3A_330 : vector<16xi32>
    %select_n3A_332 = arith.select %eq3A_331, %scan3A_308#1, %select_n3A_328 : vector<16xi1>, vector<16xi32>
    %dma_wait3A_333 = arith.constant 0 : i32
    %dma_wait3A_334 = arith.constant 0 : i32
    %dma_wait3A_335 = arith.constant 0 : i32
    %dma_wait3A_336 = tpu.memref_slice %arg2[%dma_wait3A_333, %dma_wait3A_334, %dma_wait3A_335] : memref<2048x64x512xf32, #tpu.memory_space<hbm>> -> memref<1x64x512xf32, #tpu.memory_space<hbm>>
    %dma_wait3A_337 = tpu.memref_squeeze %dma_wait3A_336 : memref<1x64x512xf32, #tpu.memory_space<hbm>> -> memref<64x512xf32, #tpu.memory_space<hbm>>
    %dma_wait3A_338 = arith.constant 0 : i32
    %dma_wait3A_339 = arith.constant 0 : i32
    %dma_wait3A_340 = tpu.memref_slice %arg2[%dma_wait3A_333, %dma_wait3A_338, %dma_wait3A_339] : memref<2048x64x512xf32, #tpu.memory_space<hbm>> -> memref<1x64x512xf32, #tpu.memory_space<hbm>>
    %dma_wait3A_341 = tpu.memref_squeeze %dma_wait3A_340 : memref<1x64x512xf32, #tpu.memory_space<hbm>> -> memref<64x512xf32, #tpu.memory_space<hbm>>
    tpu.wait_dma2 semaphore(%arg8 : memref<!tpu.dma_semaphore, #tpu.memory_space<semaphore_mem>>) src(%dma_wait3A_341 : memref<64x512xf32, #tpu.memory_space<hbm>>) dst(%arg4 : memref<64x512xf32, #tpu.memory_space<vmem>>)
    %broadcast_in_dim3A_342 = arith.constant 512 : i32
    %broadcast_in_dim3A_343 = vector.broadcast %broadcast_in_dim3A_342 : i32 to vector<16xi32>
    %broadcast_in_dim3A_344 = arith.constant -1 : i32
    %broadcast_in_dim3A_345 = vector.broadcast %broadcast_in_dim3A_344 : i32 to vector<16xi32>
    %scan3A_346 = arith.constant 0 : i32
    %scan3A_347 = arith.constant 4 : i32
    %scan3A_348 = arith.addi %scan3A_346, %scan3A_347 : i32
    %scan3A_349 = arith.constant 1 : i32
    %scan3A_350:2 = scf.for %scan3A_396 = %scan3A_346 to %scan3A_348 step %scan3A_349 iter_args(%scan3A_397 = %broadcast_in_dim3A_343, %scan3A_398 = %broadcast_in_dim3A_345) -> (vector<16xi32>, vector<16xi32>)  : i32 {
      %broadcast_in_dim3A_399 = arith.constant 0xFF800000 : f32
      %broadcast_in_dim3A_400 = vector.broadcast %broadcast_in_dim3A_399 : f32 to vector<16xf32>
      %broadcast_in_dim3A_401 = arith.constant 0xFF800000 : f32
      %broadcast_in_dim3A_402 = vector.broadcast %broadcast_in_dim3A_401 : f32 to vector<16xf32>
      %broadcast_in_dim3A_403 = arith.constant 0xFF800000 : f32
      %broadcast_in_dim3A_404 = vector.broadcast %broadcast_in_dim3A_403 : f32 to vector<16xf32>
      %broadcast_in_dim3A_405 = arith.constant 0xFF800000 : f32
      %broadcast_in_dim3A_406 = vector.broadcast %broadcast_in_dim3A_405 : f32 to vector<16xf32>
      %broadcast_in_dim3A_407 = arith.constant 0xFF800000 : f32
      %broadcast_in_dim3A_408 = vector.broadcast %broadcast_in_dim3A_407 : f32 to vector<16xf32>
      %broadcast_in_dim3A_409 = arith.constant 0xFF800000 : f32
      %broadcast_in_dim3A_410 = vector.broadcast %broadcast_in_dim3A_409 : f32 to vector<16xf32>
      %broadcast_in_dim3A_411 = arith.constant 0xFF800000 : f32
      %broadcast_in_dim3A_412 = vector.broadcast %broadcast_in_dim3A_411 : f32 to vector<16xf32>
      %broadcast_in_dim3A_413 = arith.constant 0xFF800000 : f32
      %broadcast_in_dim3A_414 = vector.broadcast %broadcast_in_dim3A_413 : f32 to vector<16xf32>
      %broadcast_in_dim3A_415 = arith.constant 0xFF800000 : f32
      %broadcast_in_dim3A_416 = vector.broadcast %broadcast_in_dim3A_415 : f32 to vector<16xf32>
      %broadcast_in_dim3A_417 = arith.constant 0xFF800000 : f32
      %broadcast_in_dim3A_418 = vector.broadcast %broadcast_in_dim3A_417 : f32 to vector<16xf32>
      %broadcast_in_dim3A_419 = arith.constant 0xFF800000 : f32
      %broadcast_in_dim3A_420 = vector.broadcast %broadcast_in_dim3A_419 : f32 to vector<16xf32>
      %broadcast_in_dim3A_421 = arith.constant 0xFF800000 : f32
      %broadcast_in_dim3A_422 = vector.broadcast %broadcast_in_dim3A_421 : f32 to vector<16xf32>
      %broadcast_in_dim3A_423 = arith.constant 0xFF800000 : f32
      %broadcast_in_dim3A_424 = vector.broadcast %broadcast_in_dim3A_423 : f32 to vector<16xf32>
      %broadcast_in_dim3A_425 = arith.constant 0xFF800000 : f32
      %broadcast_in_dim3A_426 = vector.broadcast %broadcast_in_dim3A_425 : f32 to vector<16xf32>
      %broadcast_in_dim3A_427 = arith.constant 0xFF800000 : f32
      %broadcast_in_dim3A_428 = vector.broadcast %broadcast_in_dim3A_427 : f32 to vector<16xf32>
      %broadcast_in_dim3A_429 = arith.constant 0xFF800000 : f32
      %broadcast_in_dim3A_430 = vector.broadcast %broadcast_in_dim3A_429 : f32 to vector<16xf32>
      %scan3A_431 = arith.constant 0 : i32
      %scan3A_432 = arith.constant 32 : i32
      %scan3A_433 = arith.addi %scan3A_431, %scan3A_432 : i32
      %scan3A_434 = arith.constant 1 : i32
      %scan3A_435:16 = scf.for %scan3A_660 = %scan3A_431 to %scan3A_433 step %scan3A_434 iter_args(%scan3A_661 = %broadcast_in_dim3A_400, %scan3A_662 = %broadcast_in_dim3A_402, %scan3A_663 = %broadcast_in_dim3A_404, %scan3A_664 = %broadcast_in_dim3A_406, %scan3A_665 = %broadcast_in_dim3A_408, %scan3A_666 = %broadcast_in_dim3A_410, %scan3A_667 = %broadcast_in_dim3A_412, %scan3A_668 = %broadcast_in_dim3A_414, %scan3A_669 = %broadcast_in_dim3A_416, %scan3A_670 = %broadcast_in_dim3A_418, %scan3A_671 = %broadcast_in_dim3A_420, %scan3A_672 = %broadcast_in_dim3A_422, %scan3A_673 = %broadcast_in_dim3A_424, %scan3A_674 = %broadcast_in_dim3A_426, %scan3A_675 = %broadcast_in_dim3A_428, %scan3A_676 = %broadcast_in_dim3A_430) -> (vector<16xf32>, vector<16xf32>, vector<16xf32>, vector<16xf32>, vector<16xf32>, vector<16xf32>, vector<16xf32>, vector<16xf32>, vector<16xf32>, vector<16xf32>, vector<16xf32>, vector<16xf32>, vector<16xf32>, vector<16xf32>, vector<16xf32>, vector<16xf32>)  : i32 {
        %mul3A_677 = arith.constant 16 : i32
        %mul3A_678 = arith.muli %scan3A_396, %mul3A_677 : i32
        %add3A_679 = arith.constant 0 : i32
        %add3A_680 = arith.addi %mul3A_678, %add3A_679 : i32
        %mul3A_681 = arith.constant 16 : i32
        %mul3A_682 = arith.muli %scan3A_660, %mul3A_681 : i32
        %get3A = arith.index_cast %add3A_680 : i32 to index
        %get3A_683 = arith.index_cast %mul3A_682 : i32 to index
        %get3A_684 = tpu.vector_load %arg4[%get3A, %get3A_683] {strides = array<i32>} : memref<64x512xf32, #tpu.memory_space<vmem>>, vector<16xf32>,
        %mul3A_685 = arith.constant 16 : i32
        %mul3A_686 = arith.muli %scan3A_396, %mul3A_685 : i32
        %add3A_687 = arith.constant 1 : i32
        %add3A_688 = arith.addi %mul3A_686, %add3A_687 : i32
        %mul3A_689 = arith.constant 16 : i32
        %mul3A_690 = arith.muli %scan3A_660, %mul3A_689 : i32
        %get3A_691 = arith.index_cast %add3A_688 : i32 to index
        %get3A_692 = arith.index_cast %mul3A_690 : i32 to index
        %get3A_693 = tpu.vector_load %arg4[%get3A_691, %get3A_692] {strides = array<i32>} : memref<64x512xf32, #tpu.memory_space<vmem>>, vector<16xf32>,
        %mul3A_694 = arith.constant 16 : i32
        %mul3A_695 = arith.muli %scan3A_396, %mul3A_694 : i32
        %add3A_696 = arith.constant 2 : i32
        %add3A_697 = arith.addi %mul3A_695, %add3A_696 : i32
        %mul3A_698 = arith.constant 16 : i32
        %mul3A_699 = arith.muli %scan3A_660, %mul3A_698 : i32
        %get3A_700 = arith.index_cast %add3A_697 : i32 to index
        %get3A_701 = arith.index_cast %mul3A_699 : i32 to index
        %get3A_702 = tpu.vector_load %arg4[%get3A_700, %get3A_701] {strides = array<i32>} : memref<64x512xf32, #tpu.memory_space<vmem>>, vector<16xf32>,
        %mul3A_703 = arith.constant 16 : i32
        %mul3A_704 = arith.muli %scan3A_396, %mul3A_703 : i32
        %add3A_705 = arith.constant 3 : i32
        %add3A_706 = arith.addi %mul3A_704, %add3A_705 : i32
        %mul3A_707 = arith.constant 16 : i32
        %mul3A_708 = arith.muli %scan3A_660, %mul3A_707 : i32
        %get3A_709 = arith.index_cast %add3A_706 : i32 to index
        %get3A_710 = arith.index_cast %mul3A_708 : i32 to index
        %get3A_711 = tpu.vector_load %arg4[%get3A_709, %get3A_710] {strides = array<i32>} : memref<64x512xf32, #tpu.memory_space<vmem>>, vector<16xf32>,
        %mul3A_712 = arith.constant 16 : i32
        %mul3A_713 = arith.muli %scan3A_396, %mul3A_712 : i32
        %add3A_714 = arith.constant 4 : i32
        %add3A_715 = arith.addi %mul3A_713, %add3A_714 : i32
        %mul3A_716 = arith.constant 16 : i32
        %mul3A_717 = arith.muli %scan3A_660, %mul3A_716 : i32
        %get3A_718 = arith.index_cast %add3A_715 : i32 to index
        %get3A_719 = arith.index_cast %mul3A_717 : i32 to index
        %get3A_720 = tpu.vector_load %arg4[%get3A_718, %get3A_719] {strides = array<i32>} : memref<64x512xf32, #tpu.memory_space<vmem>>, vector<16xf32>,
        %mul3A_721 = arith.constant 16 : i32
        %mul3A_722 = arith.muli %scan3A_396, %mul3A_721 : i32
        %add3A_723 = arith.constant 5 : i32
        %add3A_724 = arith.addi %mul3A_722, %add3A_723 : i32
        %mul3A_725 = arith.constant 16 : i32
        %mul3A_726 = arith.muli %scan3A_660, %mul3A_725 : i32
        %get3A_727 = arith.index_cast %add3A_724 : i32 to index
        %get3A_728 = arith.index_cast %mul3A_726 : i32 to index
        %get3A_729 = tpu.vector_load %arg4[%get3A_727, %get3A_728] {strides = array<i32>} : memref<64x512xf32, #tpu.memory_space<vmem>>, vector<16xf32>,
        %mul3A_730 = arith.constant 16 : i32
        %mul3A_731 = arith.muli %scan3A_396, %mul3A_730 : i32
        %add3A_732 = arith.constant 6 : i32
        %add3A_733 = arith.addi %mul3A_731, %add3A_732 : i32
        %mul3A_734 = arith.constant 16 : i32
        %mul3A_735 = arith.muli %scan3A_660, %mul3A_734 : i32
        %get3A_736 = arith.index_cast %add3A_733 : i32 to index
        %get3A_737 = arith.index_cast %mul3A_735 : i32 to index
        %get3A_738 = tpu.vector_load %arg4[%get3A_736, %get3A_737] {strides = array<i32>} : memref<64x512xf32, #tpu.memory_space<vmem>>, vector<16xf32>,
        %mul3A_739 = arith.constant 16 : i32
        %mul3A_740 = arith.muli %scan3A_396, %mul3A_739 : i32
        %add3A_741 = arith.constant 7 : i32
        %add3A_742 = arith.addi %mul3A_740, %add3A_741 : i32
        %mul3A_743 = arith.constant 16 : i32
        %mul3A_744 = arith.muli %scan3A_660, %mul3A_743 : i32
        %get3A_745 = arith.index_cast %add3A_742 : i32 to index
        %get3A_746 = arith.index_cast %mul3A_744 : i32 to index
        %get3A_747 = tpu.vector_load %arg4[%get3A_745, %get3A_746] {strides = array<i32>} : memref<64x512xf32, #tpu.memory_space<vmem>>, vector<16xf32>,
        %mul3A_748 = arith.constant 16 : i32
        %mul3A_749 = arith.muli %scan3A_396, %mul3A_748 : i32
        %add3A_750 = arith.constant 8 : i32
        %add3A_751 = arith.addi %mul3A_749, %add3A_750 : i32
        %mul3A_752 = arith.constant 16 : i32
        %mul3A_753 = arith.muli %scan3A_660, %mul3A_752 : i32
        %get3A_754 = arith.index_cast %add3A_751 : i32 to index
        %get3A_755 = arith.index_cast %mul3A_753 : i32 to index
        %get3A_756 = tpu.vector_load %arg4[%get3A_754, %get3A_755] {strides = array<i32>} : memref<64x512xf32, #tpu.memory_space<vmem>>, vector<16xf32>,
        %mul3A_757 = arith.constant 16 : i32
        %mul3A_758 = arith.muli %scan3A_396, %mul3A_757 : i32
        %add3A_759 = arith.constant 9 : i32
        %add3A_760 = arith.addi %mul3A_758, %add3A_759 : i32
        %mul3A_761 = arith.constant 16 : i32
        %mul3A_762 = arith.muli %scan3A_660, %mul3A_761 : i32
        %get3A_763 = arith.index_cast %add3A_760 : i32 to index
        %get3A_764 = arith.index_cast %mul3A_762 : i32 to index
        %get3A_765 = tpu.vector_load %arg4[%get3A_763, %get3A_764] {strides = array<i32>} : memref<64x512xf32, #tpu.memory_space<vmem>>, vector<16xf32>,
        %mul3A_766 = arith.constant 16 : i32
        %mul3A_767 = arith.muli %scan3A_396, %mul3A_766 : i32
        %add3A_768 = arith.constant 10 : i32
        %add3A_769 = arith.addi %mul3A_767, %add3A_768 : i32
        %mul3A_770 = arith.constant 16 : i32
        %mul3A_771 = arith.muli %scan3A_660, %mul3A_770 : i32
        %get3A_772 = arith.index_cast %add3A_769 : i32 to index
        %get3A_773 = arith.index_cast %mul3A_771 : i32 to index
        %get3A_774 = tpu.vector_load %arg4[%get3A_772, %get3A_773] {strides = array<i32>} : memref<64x512xf32, #tpu.memory_space<vmem>>, vector<16xf32>,
        %mul3A_775 = arith.constant 16 : i32
        %mul3A_776 = arith.muli %scan3A_396, %mul3A_775 : i32
        %add3A_777 = arith.constant 11 : i32
        %add3A_778 = arith.addi %mul3A_776, %add3A_777 : i32
        %mul3A_779 = arith.constant 16 : i32
        %mul3A_780 = arith.muli %scan3A_660, %mul3A_779 : i32
        %get3A_781 = arith.index_cast %add3A_778 : i32 to index
        %get3A_782 = arith.index_cast %mul3A_780 : i32 to index
        %get3A_783 = tpu.vector_load %arg4[%get3A_781, %get3A_782] {strides = array<i32>} : memref<64x512xf32, #tpu.memory_space<vmem>>, vector<16xf32>,
        %mul3A_784 = arith.constant 16 : i32
        %mul3A_785 = arith.muli %scan3A_396, %mul3A_784 : i32
        %add3A_786 = arith.constant 12 : i32
        %add3A_787 = arith.addi %mul3A_785, %add3A_786 : i32
        %mul3A_788 = arith.constant 16 : i32
        %mul3A_789 = arith.muli %scan3A_660, %mul3A_788 : i32
        %get3A_790 = arith.index_cast %add3A_787 : i32 to index
        %get3A_791 = arith.index_cast %mul3A_789 : i32 to index
        %get3A_792 = tpu.vector_load %arg4[%get3A_790, %get3A_791] {strides = array<i32>} : memref<64x512xf32, #tpu.memory_space<vmem>>, vector<16xf32>,
        %mul3A_793 = arith.constant 16 : i32
        %mul3A_794 = arith.muli %scan3A_396, %mul3A_793 : i32
        %add3A_795 = arith.constant 13 : i32
        %add3A_796 = arith.addi %mul3A_794, %add3A_795 : i32
        %mul3A_797 = arith.constant 16 : i32
        %mul3A_798 = arith.muli %scan3A_660, %mul3A_797 : i32
        %get3A_799 = arith.index_cast %add3A_796 : i32 to index
        %get3A_800 = arith.index_cast %mul3A_798 : i32 to index
        %get3A_801 = tpu.vector_load %arg4[%get3A_799, %get3A_800] {strides = array<i32>} : memref<64x512xf32, #tpu.memory_space<vmem>>, vector<16xf32>,
        %mul3A_802 = arith.constant 16 : i32
        %mul3A_803 = arith.muli %scan3A_396, %mul3A_802 : i32
        %add3A_804 = arith.constant 14 : i32
        %add3A_805 = arith.addi %mul3A_803, %add3A_804 : i32
        %mul3A_806 = arith.constant 16 : i32
        %mul3A_807 = arith.muli %scan3A_660, %mul3A_806 : i32
        %get3A_808 = arith.index_cast %add3A_805 : i32 to index
        %get3A_809 = arith.index_cast %mul3A_807 : i32 to index
        %get3A_810 = tpu.vector_load %arg4[%get3A_808, %get3A_809] {strides = array<i32>} : memref<64x512xf32, #tpu.memory_space<vmem>>, vector<16xf32>,
        %mul3A_811 = arith.constant 16 : i32
        %mul3A_812 = arith.muli %scan3A_396, %mul3A_811 : i32
        %add3A_813 = arith.constant 15 : i32
        %add3A_814 = arith.addi %mul3A_812, %add3A_813 : i32
        %mul3A_815 = arith.constant 16 : i32
        %mul3A_816 = arith.muli %scan3A_660, %mul3A_815 : i32
        %get3A_817 = arith.index_cast %add3A_814 : i32 to index
        %get3A_818 = arith.index_cast %mul3A_816 : i32 to index
        %get3A_819 = tpu.vector_load %arg4[%get3A_817, %get3A_818] {strides = array<i32>} : memref<64x512xf32, #tpu.memory_space<vmem>>, vector<16xf32>,
        %max3A_820 = arith.maximumf %scan3A_661, %get3A_684 : vector<16xf32>
        %max3A_821 = arith.maximumf %scan3A_662, %get3A_693 : vector<16xf32>
        %max3A_822 = arith.maximumf %scan3A_663, %get3A_702 : vector<16xf32>
        %max3A_823 = arith.maximumf %scan3A_664, %get3A_711 : vector<16xf32>
        %max3A_824 = arith.maximumf %scan3A_665, %get3A_720 : vector<16xf32>
        %max3A_825 = arith.maximumf %scan3A_666, %get3A_729 : vector<16xf32>
        %max3A_826 = arith.maximumf %scan3A_667, %get3A_738 : vector<16xf32>
        %max3A_827 = arith.maximumf %scan3A_668, %get3A_747 : vector<16xf32>
        %max3A_828 = arith.maximumf %scan3A_669, %get3A_756 : vector<16xf32>
        %max3A_829 = arith.maximumf %scan3A_670, %get3A_765 : vector<16xf32>
        %max3A_830 = arith.maximumf %scan3A_671, %get3A_774 : vector<16xf32>
        %max3A_831 = arith.maximumf %scan3A_672, %get3A_783 : vector<16xf32>
        %max3A_832 = arith.maximumf %scan3A_673, %get3A_792 : vector<16xf32>
        %max3A_833 = arith.maximumf %scan3A_674, %get3A_801 : vector<16xf32>
        %max3A_834 = arith.maximumf %scan3A_675, %get3A_810 : vector<16xf32>
        %max3A_835 = arith.maximumf %scan3A_676, %get3A_819 : vector<16xf32>
        %mul3A_836 = arith.constant 16 : i32
        %mul3A_837 = arith.muli %scan3A_660, %mul3A_836 : i32
        %get3A_838 = arith.index_cast %mul3A_837 : i32 to index
        %get3A_839 = tpu.vector_load %arg6[%get3A_838] {strides = array<i32>} : memref<512xf32, #tpu.memory_space<vmem>>, vector<16xf32>,
        %max3A_840 = arith.maximumf %get3A_684, %get3A_693 : vector<16xf32>
        %max3A_841 = arith.maximumf %get3A_702, %get3A_711 : vector<16xf32>
        %max3A_842 = arith.maximumf %get3A_720, %get3A_729 : vector<16xf32>
        %max3A_843 = arith.maximumf %get3A_738, %get3A_747 : vector<16xf32>
        %max3A_844 = arith.maximumf %get3A_756, %get3A_765 : vector<16xf32>
        %max3A_845 = arith.maximumf %get3A_774, %get3A_783 : vector<16xf32>
        %max3A_846 = arith.maximumf %get3A_792, %get3A_801 : vector<16xf32>
        %max3A_847 = arith.maximumf %get3A_810, %get3A_819 : vector<16xf32>
        %max3A_848 = arith.maximumf %max3A_840, %max3A_841 : vector<16xf32>
        %max3A_849 = arith.maximumf %max3A_842, %max3A_843 : vector<16xf32>
        %max3A_850 = arith.maximumf %max3A_844, %max3A_845 : vector<16xf32>
        %max3A_851 = arith.maximumf %max3A_846, %max3A_847 : vector<16xf32>
        %max3A_852 = arith.maximumf %max3A_848, %max3A_849 : vector<16xf32>
        %max3A_853 = arith.maximumf %max3A_850, %max3A_851 : vector<16xf32>
        %max3A_854 = arith.maximumf %max3A_852, %max3A_853 : vector<16xf32>
        %max3A_855 = arith.maximumf %get3A_839, %max3A_854 : vector<16xf32>
        %mul3A_856 = arith.constant 16 : i32
        %mul3A_857 = arith.muli %scan3A_660, %mul3A_856 : i32
        %swap3A_858 = arith.index_cast %mul3A_857 : i32 to index
        %swap3A_859 = tpu.vector_load %arg6[%swap3A_858] {strides = array<i32>} : memref<512xf32, #tpu.memory_space<vmem>>, vector<16xf32>,
        tpu.vector_store %arg6[%swap3A_858], %max3A_855 {strides = array<i32>} : memref<512xf32, #tpu.memory_space<vmem>>, vector<16xf32>,
        scf.yield %max3A_820, %max3A_821, %max3A_822, %max3A_823, %max3A_824, %max3A_825, %max3A_826, %max3A_827, %max3A_828, %max3A_829, %max3A_830, %max3A_831, %max3A_832, %max3A_833, %max3A_834, %max3A_835 : vector<16xf32>, vector<16xf32>, vector<16xf32>, vector<16xf32>, vector<16xf32>, vector<16xf32>, vector<16xf32>, vector<16xf32>, vector<16xf32>, vector<16xf32>, vector<16xf32>, vector<16xf32>, vector<16xf32>, vector<16xf32>, vector<16xf32>, vector<16xf32>
      }
      %scan3A_436 = arith.constant 32 : i32
      %mul3A_437 = arith.constant 16 : i32
      %mul3A_438 = arith.muli %scan3A_396, %mul3A_437 : i32
      %add3A_439 = arith.constant 448 : i32
      %add3A_440 = arith.addi %add3A_439, %mul3A_438 : i32
      %ge3A = arith.constant 5.000000e-01 : f32
      %ge3A_441 = vector.broadcast %ge3A : f32 to vector<16xf32>
      %ge3A_442 = arith.cmpf oge, %scan3A_435#0, %ge3A_441 : vector<16xf32>
      %all_reduce_population_count3A = tpu.all_reduce %ge3A_442 {dim = 0 : i64, kind = #tpu.reduction_kind<sum>} : vector<16xi1> -> vector<16xi32>
      %gt3A = arith.constant 0 : i32
      %gt3A_443 = vector.broadcast %gt3A : i32 to vector<16xi32>
      %gt3A_444 = arith.cmpi sgt, %all_reduce_population_count3A, %gt3A_443 : vector<16xi32>
      %add3A_445 = arith.constant 0 : i32
      %add3A_446 = arith.addi %add3A_440, %add3A_445 : i32
      %broadcast_in_dim3A_447 = vector.broadcast %add3A_446 : i32 to vector<16xi32>
      %min3A = arith.minsi %scan3A_397, %broadcast_in_dim3A_447 : vector<16xi32>
      %select_n3A_448 = arith.select %gt3A_444, %min3A, %scan3A_397 : vector<16xi1>, vector<16xi32>
      %max3A = arith.maxsi %scan3A_398, %broadcast_in_dim3A_447 : vector<16xi32>
      %select_n3A_449 = arith.select %gt3A_444, %max3A, %scan3A_398 : vector<16xi1>, vector<16xi32>
      %ge3A_450 = arith.constant 5.000000e-01 : f32
      %ge3A_451 = vector.broadcast %ge3A_450 : f32 to vector<16xf32>
      %ge3A_452 = arith.cmpf oge, %scan3A_435#1, %ge3A_451 : vector<16xf32>
      %all_reduce_population_count3A_453 = tpu.all_reduce %ge3A_452 {dim = 0 : i64, kind = #tpu.reduction_kind<sum>} : vector<16xi1> -> vector<16xi32>
      %gt3A_454 = arith.constant 0 : i32
      %gt3A_455 = vector.broadcast %gt3A_454 : i32 to vector<16xi32>
      %gt3A_456 = arith.cmpi sgt, %all_reduce_population_count3A_453, %gt3A_455 : vector<16xi32>
      %add3A_457 = arith.constant 1 : i32
      %add3A_458 = arith.addi %add3A_440, %add3A_457 : i32
      %broadcast_in_dim3A_459 = vector.broadcast %add3A_458 : i32 to vector<16xi32>
      %min3A_460 = arith.minsi %select_n3A_448, %broadcast_in_dim3A_459 : vector<16xi32>
      %select_n3A_461 = arith.select %gt3A_456, %min3A_460, %select_n3A_448 : vector<16xi1>, vector<16xi32>
      %max3A_462 = arith.maxsi %select_n3A_449, %broadcast_in_dim3A_459 : vector<16xi32>
      %select_n3A_463 = arith.select %gt3A_456, %max3A_462, %select_n3A_449 : vector<16xi1>, vector<16xi32>
      %ge3A_464 = arith.constant 5.000000e-01 : f32
      %ge3A_465 = vector.broadcast %ge3A_464 : f32 to vector<16xf32>
      %ge3A_466 = arith.cmpf oge, %scan3A_435#2, %ge3A_465 : vector<16xf32>
      %all_reduce_population_count3A_467 = tpu.all_reduce %ge3A_466 {dim = 0 : i64, kind = #tpu.reduction_kind<sum>} : vector<16xi1> -> vector<16xi32>
      %gt3A_468 = arith.constant 0 : i32
      %gt3A_469 = vector.broadcast %gt3A_468 : i32 to vector<16xi32>
      %gt3A_470 = arith.cmpi sgt, %all_reduce_population_count3A_467, %gt3A_469 : vector<16xi32>
      %add3A_471 = arith.constant 2 : i32
      %add3A_472 = arith.addi %add3A_440, %add3A_471 : i32
      %broadcast_in_dim3A_473 = vector.broadcast %add3A_472 : i32 to vector<16xi32>
      %min3A_474 = arith.minsi %select_n3A_461, %broadcast_in_dim3A_473 : vector<16xi32>
      %select_n3A_475 = arith.select %gt3A_470, %min3A_474, %select_n3A_461 : vector<16xi1>, vector<16xi32>
      %max3A_476 = arith.maxsi %select_n3A_463, %broadcast_in_dim3A_473 : vector<16xi32>
      %select_n3A_477 = arith.select %gt3A_470, %max3A_476, %select_n3A_463 : vector<16xi1>, vector<16xi32>
      %ge3A_478 = arith.constant 5.000000e-01 : f32
      %ge3A_479 = vector.broadcast %ge3A_478 : f32 to vector<16xf32>
      %ge3A_480 = arith.cmpf oge, %scan3A_435#3, %ge3A_479 : vector<16xf32>
      %all_reduce_population_count3A_481 = tpu.all_reduce %ge3A_480 {dim = 0 : i64, kind = #tpu.reduction_kind<sum>} : vector<16xi1> -> vector<16xi32>
      %gt3A_482 = arith.constant 0 : i32
      %gt3A_483 = vector.broadcast %gt3A_482 : i32 to vector<16xi32>
      %gt3A_484 = arith.cmpi sgt, %all_reduce_population_count3A_481, %gt3A_483 : vector<16xi32>
      %add3A_485 = arith.constant 3 : i32
      %add3A_486 = arith.addi %add3A_440, %add3A_485 : i32
      %broadcast_in_dim3A_487 = vector.broadcast %add3A_486 : i32 to vector<16xi32>
      %min3A_488 = arith.minsi %select_n3A_475, %broadcast_in_dim3A_487 : vector<16xi32>
      %select_n3A_489 = arith.select %gt3A_484, %min3A_488, %select_n3A_475 : vector<16xi1>, vector<16xi32>
      %max3A_490 = arith.maxsi %select_n3A_477, %broadcast_in_dim3A_487 : vector<16xi32>
      %select_n3A_491 = arith.select %gt3A_484, %max3A_490, %select_n3A_477 : vector<16xi1>, vector<16xi32>
      %ge3A_492 = arith.constant 5.000000e-01 : f32
      %ge3A_493 = vector.broadcast %ge3A_492 : f32 to vector<16xf32>
      %ge3A_494 = arith.cmpf oge, %scan3A_435#4, %ge3A_493 : vector<16xf32>
      %all_reduce_population_count3A_495 = tpu.all_reduce %ge3A_494 {dim = 0 : i64, kind = #tpu.reduction_kind<sum>} : vector<16xi1> -> vector<16xi32>
      %gt3A_496 = arith.constant 0 : i32
      %gt3A_497 = vector.broadcast %gt3A_496 : i32 to vector<16xi32>
      %gt3A_498 = arith.cmpi sgt, %all_reduce_population_count3A_495, %gt3A_497 : vector<16xi32>
      %add3A_499 = arith.constant 4 : i32
      %add3A_500 = arith.addi %add3A_440, %add3A_499 : i32
      %broadcast_in_dim3A_501 = vector.broadcast %add3A_500 : i32 to vector<16xi32>
      %min3A_502 = arith.minsi %select_n3A_489, %broadcast_in_dim3A_501 : vector<16xi32>
      %select_n3A_503 = arith.select %gt3A_498, %min3A_502, %select_n3A_489 : vector<16xi1>, vector<16xi32>
      %max3A_504 = arith.maxsi %select_n3A_491, %broadcast_in_dim3A_501 : vector<16xi32>
      %select_n3A_505 = arith.select %gt3A_498, %max3A_504, %select_n3A_491 : vector<16xi1>, vector<16xi32>
      %ge3A_506 = arith.constant 5.000000e-01 : f32
      %ge3A_507 = vector.broadcast %ge3A_506 : f32 to vector<16xf32>
      %ge3A_508 = arith.cmpf oge, %scan3A_435#5, %ge3A_507 : vector<16xf32>
      %all_reduce_population_count3A_509 = tpu.all_reduce %ge3A_508 {dim = 0 : i64, kind = #tpu.reduction_kind<sum>} : vector<16xi1> -> vector<16xi32>
      %gt3A_510 = arith.constant 0 : i32
      %gt3A_511 = vector.broadcast %gt3A_510 : i32 to vector<16xi32>
      %gt3A_512 = arith.cmpi sgt, %all_reduce_population_count3A_509, %gt3A_511 : vector<16xi32>
      %add3A_513 = arith.constant 5 : i32
      %add3A_514 = arith.addi %add3A_440, %add3A_513 : i32
      %broadcast_in_dim3A_515 = vector.broadcast %add3A_514 : i32 to vector<16xi32>
      %min3A_516 = arith.minsi %select_n3A_503, %broadcast_in_dim3A_515 : vector<16xi32>
      %select_n3A_517 = arith.select %gt3A_512, %min3A_516, %select_n3A_503 : vector<16xi1>, vector<16xi32>
      %max3A_518 = arith.maxsi %select_n3A_505, %broadcast_in_dim3A_515 : vector<16xi32>
      %select_n3A_519 = arith.select %gt3A_512, %max3A_518, %select_n3A_505 : vector<16xi1>, vector<16xi32>
      %ge3A_520 = arith.constant 5.000000e-01 : f32
      %ge3A_521 = vector.broadcast %ge3A_520 : f32 to vector<16xf32>
      %ge3A_522 = arith.cmpf oge, %scan3A_435#6, %ge3A_521 : vector<16xf32>
      %all_reduce_population_count3A_523 = tpu.all_reduce %ge3A_522 {dim = 0 : i64, kind = #tpu.reduction_kind<sum>} : vector<16xi1> -> vector<16xi32>
      %gt3A_524 = arith.constant 0 : i32
      %gt3A_525 = vector.broadcast %gt3A_524 : i32 to vector<16xi32>
      %gt3A_526 = arith.cmpi sgt, %all_reduce_population_count3A_523, %gt3A_525 : vector<16xi32>
      %add3A_527 = arith.constant 6 : i32
      %add3A_528 = arith.addi %add3A_440, %add3A_527 : i32
      %broadcast_in_dim3A_529 = vector.broadcast %add3A_528 : i32 to vector<16xi32>
      %min3A_530 = arith.minsi %select_n3A_517, %broadcast_in_dim3A_529 : vector<16xi32>
      %select_n3A_531 = arith.select %gt3A_526, %min3A_530, %select_n3A_517 : vector<16xi1>, vector<16xi32>
      %max3A_532 = arith.maxsi %select_n3A_519, %broadcast_in_dim3A_529 : vector<16xi32>
      %select_n3A_533 = arith.select %gt3A_526, %max3A_532, %select_n3A_519 : vector<16xi1>, vector<16xi32>
      %ge3A_534 = arith.constant 5.000000e-01 : f32
      %ge3A_535 = vector.broadcast %ge3A_534 : f32 to vector<16xf32>
      %ge3A_536 = arith.cmpf oge, %scan3A_435#7, %ge3A_535 : vector<16xf32>
      %all_reduce_population_count3A_537 = tpu.all_reduce %ge3A_536 {dim = 0 : i64, kind = #tpu.reduction_kind<sum>} : vector<16xi1> -> vector<16xi32>
      %gt3A_538 = arith.constant 0 : i32
      %gt3A_539 = vector.broadcast %gt3A_538 : i32 to vector<16xi32>
      %gt3A_540 = arith.cmpi sgt, %all_reduce_population_count3A_537, %gt3A_539 : vector<16xi32>
      %add3A_541 = arith.constant 7 : i32
      %add3A_542 = arith.addi %add3A_440, %add3A_541 : i32
      %broadcast_in_dim3A_543 = vector.broadcast %add3A_542 : i32 to vector<16xi32>
      %min3A_544 = arith.minsi %select_n3A_531, %broadcast_in_dim3A_543 : vector<16xi32>
      %select_n3A_545 = arith.select %gt3A_540, %min3A_544, %select_n3A_531 : vector<16xi1>, vector<16xi32>
      %max3A_546 = arith.maxsi %select_n3A_533, %broadcast_in_dim3A_543 : vector<16xi32>
      %select_n3A_547 = arith.select %gt3A_540, %max3A_546, %select_n3A_533 : vector<16xi1>, vector<16xi32>
      %ge3A_548 = arith.constant 5.000000e-01 : f32
      %ge3A_549 = vector.broadcast %ge3A_548 : f32 to vector<16xf32>
      %ge3A_550 = arith.cmpf oge, %scan3A_435#8, %ge3A_549 : vector<16xf32>
      %all_reduce_population_count3A_551 = tpu.all_reduce %ge3A_550 {dim = 0 : i64, kind = #tpu.reduction_kind<sum>} : vector<16xi1> -> vector<16xi32>
      %gt3A_552 = arith.constant 0 : i32
      %gt3A_553 = vector.broadcast %gt3A_552 : i32 to vector<16xi32>
      %gt3A_554 = arith.cmpi sgt, %all_reduce_population_count3A_551, %gt3A_553 : vector<16xi32>
      %add3A_555 = arith.constant 8 : i32
      %add3A_556 = arith.addi %add3A_440, %add3A_555 : i32
      %broadcast_in_dim3A_557 = vector.broadcast %add3A_556 : i32 to vector<16xi32>
      %min3A_558 = arith.minsi %select_n3A_545, %broadcast_in_dim3A_557 : vector<16xi32>
      %select_n3A_559 = arith.select %gt3A_554, %min3A_558, %select_n3A_545 : vector<16xi1>, vector<16xi32>
      %max3A_560 = arith.maxsi %select_n3A_547, %broadcast_in_dim3A_557 : vector<16xi32>
      %select_n3A_561 = arith.select %gt3A_554, %max3A_560, %select_n3A_547 : vector<16xi1>, vector<16xi32>
      %ge3A_562 = arith.constant 5.000000e-01 : f32
      %ge3A_563 = vector.broadcast %ge3A_562 : f32 to vector<16xf32>
      %ge3A_564 = arith.cmpf oge, %scan3A_435#9, %ge3A_563 : vector<16xf32>
      %all_reduce_population_count3A_565 = tpu.all_reduce %ge3A_564 {dim = 0 : i64, kind = #tpu.reduction_kind<sum>} : vector<16xi1> -> vector<16xi32>
      %gt3A_566 = arith.constant 0 : i32
      %gt3A_567 = vector.broadcast %gt3A_566 : i32 to vector<16xi32>
      %gt3A_568 = arith.cmpi sgt, %all_reduce_population_count3A_565, %gt3A_567 : vector<16xi32>
      %add3A_569 = arith.constant 9 : i32
      %add3A_570 = arith.addi %add3A_440, %add3A_569 : i32
      %broadcast_in_dim3A_571 = vector.broadcast %add3A_570 : i32 to vector<16xi32>
      %min3A_572 = arith.minsi %select_n3A_559, %broadcast_in_dim3A_571 : vector<16xi32>
      %select_n3A_573 = arith.select %gt3A_568, %min3A_572, %select_n3A_559 : vector<16xi1>, vector<16xi32>
      %max3A_574 = arith.maxsi %select_n3A_561, %broadcast_in_dim3A_571 : vector<16xi32>
      %select_n3A_575 = arith.select %gt3A_568, %max3A_574, %select_n3A_561 : vector<16xi1>, vector<16xi32>
      %ge3A_576 = arith.constant 5.000000e-01 : f32
      %ge3A_577 = vector.broadcast %ge3A_576 : f32 to vector<16xf32>
      %ge3A_578 = arith.cmpf oge, %scan3A_435#10, %ge3A_577 : vector<16xf32>
      %all_reduce_population_count3A_579 = tpu.all_reduce %ge3A_578 {dim = 0 : i64, kind = #tpu.reduction_kind<sum>} : vector<16xi1> -> vector<16xi32>
      %gt3A_580 = arith.constant 0 : i32
      %gt3A_581 = vector.broadcast %gt3A_580 : i32 to vector<16xi32>
      %gt3A_582 = arith.cmpi sgt, %all_reduce_population_count3A_579, %gt3A_581 : vector<16xi32>
      %add3A_583 = arith.constant 10 : i32
      %add3A_584 = arith.addi %add3A_440, %add3A_583 : i32
      %broadcast_in_dim3A_585 = vector.broadcast %add3A_584 : i32 to vector<16xi32>
      %min3A_586 = arith.minsi %select_n3A_573, %broadcast_in_dim3A_585 : vector<16xi32>
      %select_n3A_587 = arith.select %gt3A_582, %min3A_586, %select_n3A_573 : vector<16xi1>, vector<16xi32>
      %max3A_588 = arith.maxsi %select_n3A_575, %broadcast_in_dim3A_585 : vector<16xi32>
      %select_n3A_589 = arith.select %gt3A_582, %max3A_588, %select_n3A_575 : vector<16xi1>, vector<16xi32>
      %ge3A_590 = arith.constant 5.000000e-01 : f32
      %ge3A_591 = vector.broadcast %ge3A_590 : f32 to vector<16xf32>
      %ge3A_592 = arith.cmpf oge, %scan3A_435#11, %ge3A_591 : vector<16xf32>
      %all_reduce_population_count3A_593 = tpu.all_reduce %ge3A_592 {dim = 0 : i64, kind = #tpu.reduction_kind<sum>} : vector<16xi1> -> vector<16xi32>
      %gt3A_594 = arith.constant 0 : i32
      %gt3A_595 = vector.broadcast %gt3A_594 : i32 to vector<16xi32>
      %gt3A_596 = arith.cmpi sgt, %all_reduce_population_count3A_593, %gt3A_595 : vector<16xi32>
      %add3A_597 = arith.constant 11 : i32
      %add3A_598 = arith.addi %add3A_440, %add3A_597 : i32
      %broadcast_in_dim3A_599 = vector.broadcast %add3A_598 : i32 to vector<16xi32>
      %min3A_600 = arith.minsi %select_n3A_587, %broadcast_in_dim3A_599 : vector<16xi32>
      %select_n3A_601 = arith.select %gt3A_596, %min3A_600, %select_n3A_587 : vector<16xi1>, vector<16xi32>
      %max3A_602 = arith.maxsi %select_n3A_589, %broadcast_in_dim3A_599 : vector<16xi32>
      %select_n3A_603 = arith.select %gt3A_596, %max3A_602, %select_n3A_589 : vector<16xi1>, vector<16xi32>
      %ge3A_604 = arith.constant 5.000000e-01 : f32
      %ge3A_605 = vector.broadcast %ge3A_604 : f32 to vector<16xf32>
      %ge3A_606 = arith.cmpf oge, %scan3A_435#12, %ge3A_605 : vector<16xf32>
      %all_reduce_population_count3A_607 = tpu.all_reduce %ge3A_606 {dim = 0 : i64, kind = #tpu.reduction_kind<sum>} : vector<16xi1> -> vector<16xi32>
      %gt3A_608 = arith.constant 0 : i32
      %gt3A_609 = vector.broadcast %gt3A_608 : i32 to vector<16xi32>
      %gt3A_610 = arith.cmpi sgt, %all_reduce_population_count3A_607, %gt3A_609 : vector<16xi32>
      %add3A_611 = arith.constant 12 : i32
      %add3A_612 = arith.addi %add3A_440, %add3A_611 : i32
      %broadcast_in_dim3A_613 = vector.broadcast %add3A_612 : i32 to vector<16xi32>
      %min3A_614 = arith.minsi %select_n3A_601, %broadcast_in_dim3A_613 : vector<16xi32>
      %select_n3A_615 = arith.select %gt3A_610, %min3A_614, %select_n3A_601 : vector<16xi1>, vector<16xi32>
      %max3A_616 = arith.maxsi %select_n3A_603, %broadcast_in_dim3A_613 : vector<16xi32>
      %select_n3A_617 = arith.select %gt3A_610, %max3A_616, %select_n3A_603 : vector<16xi1>, vector<16xi32>
      %ge3A_618 = arith.constant 5.000000e-01 : f32
      %ge3A_619 = vector.broadcast %ge3A_618 : f32 to vector<16xf32>
      %ge3A_620 = arith.cmpf oge, %scan3A_435#13, %ge3A_619 : vector<16xf32>
      %all_reduce_population_count3A_621 = tpu.all_reduce %ge3A_620 {dim = 0 : i64, kind = #tpu.reduction_kind<sum>} : vector<16xi1> -> vector<16xi32>
      %gt3A_622 = arith.constant 0 : i32
      %gt3A_623 = vector.broadcast %gt3A_622 : i32 to vector<16xi32>
      %gt3A_624 = arith.cmpi sgt, %all_reduce_population_count3A_621, %gt3A_623 : vector<16xi32>
      %add3A_625 = arith.constant 13 : i32
      %add3A_626 = arith.addi %add3A_440, %add3A_625 : i32
      %broadcast_in_dim3A_627 = vector.broadcast %add3A_626 : i32 to vector<16xi32>
      %min3A_628 = arith.minsi %select_n3A_615, %broadcast_in_dim3A_627 : vector<16xi32>
      %select_n3A_629 = arith.select %gt3A_624, %min3A_628, %select_n3A_615 : vector<16xi1>, vector<16xi32>
      %max3A_630 = arith.maxsi %select_n3A_617, %broadcast_in_dim3A_627 : vector<16xi32>
      %select_n3A_631 = arith.select %gt3A_624, %max3A_630, %select_n3A_617 : vector<16xi1>, vector<16xi32>
      %ge3A_632 = arith.constant 5.000000e-01 : f32
      %ge3A_633 = vector.broadcast %ge3A_632 : f32 to vector<16xf32>
      %ge3A_634 = arith.cmpf oge, %scan3A_435#14, %ge3A_633 : vector<16xf32>
      %all_reduce_population_count3A_635 = tpu.all_reduce %ge3A_634 {dim = 0 : i64, kind = #tpu.reduction_kind<sum>} : vector<16xi1> -> vector<16xi32>
      %gt3A_636 = arith.constant 0 : i32
      %gt3A_637 = vector.broadcast %gt3A_636 : i32 to vector<16xi32>
      %gt3A_638 = arith.cmpi sgt, %all_reduce_population_count3A_635, %gt3A_637 : vector<16xi32>
      %add3A_639 = arith.constant 14 : i32
      %add3A_640 = arith.addi %add3A_440, %add3A_639 : i32
      %broadcast_in_dim3A_641 = vector.broadcast %add3A_640 : i32 to vector<16xi32>
      %min3A_642 = arith.minsi %select_n3A_629, %broadcast_in_dim3A_641 : vector<16xi32>
      %select_n3A_643 = arith.select %gt3A_638, %min3A_642, %select_n3A_629 : vector<16xi1>, vector<16xi32>
      %max3A_644 = arith.maxsi %select_n3A_631, %broadcast_in_dim3A_641 : vector<16xi32>
      %select_n3A_645 = arith.select %gt3A_638, %max3A_644, %select_n3A_631 : vector<16xi1>, vector<16xi32>
      %ge3A_646 = arith.constant 5.000000e-01 : f32
      %ge3A_647 = vector.broadcast %ge3A_646 : f32 to vector<16xf32>
      %ge3A_648 = arith.cmpf oge, %scan3A_435#15, %ge3A_647 : vector<16xf32>
      %all_reduce_population_count3A_649 = tpu.all_reduce %ge3A_648 {dim = 0 : i64, kind = #tpu.reduction_kind<sum>} : vector<16xi1> -> vector<16xi32>
      %gt3A_650 = arith.constant 0 : i32
      %gt3A_651 = vector.broadcast %gt3A_650 : i32 to vector<16xi32>
      %gt3A_652 = arith.cmpi sgt, %all_reduce_population_count3A_649, %gt3A_651 : vector<16xi32>
      %add3A_653 = arith.constant 15 : i32
      %add3A_654 = arith.addi %add3A_440, %add3A_653 : i32
      %broadcast_in_dim3A_655 = vector.broadcast %add3A_654 : i32 to vector<16xi32>
      %min3A_656 = arith.minsi %select_n3A_643, %broadcast_in_dim3A_655 : vector<16xi32>
      %select_n3A_657 = arith.select %gt3A_652, %min3A_656, %select_n3A_643 : vector<16xi1>, vector<16xi32>
      %max3A_658 = arith.maxsi %select_n3A_645, %broadcast_in_dim3A_655 : vector<16xi32>
      %select_n3A_659 = arith.select %gt3A_652, %max3A_658, %select_n3A_645 : vector<16xi1>, vector<16xi32>
      scf.yield %select_n3A_657, %select_n3A_659 : vector<16xi32>, vector<16xi32>
    }
    %scan3A_351 = arith.constant 4 : i32
    %broadcast_in_dim3A_352 = arith.constant 512 : i32
    %broadcast_in_dim3A_353 = vector.broadcast %broadcast_in_dim3A_352 : i32 to vector<16xi32>
    %broadcast_in_dim3A_354 = arith.constant -1 : i32
    %broadcast_in_dim3A_355 = vector.broadcast %broadcast_in_dim3A_354 : i32 to vector<16xi32>
    %scan3A_356 = arith.constant 0 : i32
    %scan3A_357 = arith.constant 32 : i32
    %scan3A_358 = arith.addi %scan3A_356, %scan3A_357 : i32
    %scan3A_359 = arith.constant 1 : i32
    %scan3A_360:2 = scf.for %scan3A_396 = %scan3A_356 to %scan3A_358 step %scan3A_359 iter_args(%scan3A_397 = %broadcast_in_dim3A_353, %scan3A_398 = %broadcast_in_dim3A_355) -> (vector<16xi32>, vector<16xi32>)  : i32 {
      %mul3A_399 = arith.constant 16 : i32
      %mul3A_400 = arith.muli %scan3A_396, %mul3A_399 : i32
      %get3A = arith.index_cast %mul3A_400 : i32 to index
      %get3A_401 = tpu.vector_load %arg6[%get3A] {strides = array<i32>} : memref<512xf32, #tpu.memory_space<vmem>>, vector<16xf32>,
      %ge3A = arith.constant 5.000000e-01 : f32
      %ge3A_402 = vector.broadcast %ge3A : f32 to vector<16xf32>
      %ge3A_403 = arith.cmpf oge, %get3A_401, %ge3A_402 : vector<16xf32>
      %all_reduce_population_count3A = tpu.all_reduce %ge3A_403 {dim = 0 : i64, kind = #tpu.reduction_kind<sum>} : vector<16xi1> -> vector<16xi32>
      %gt3A = arith.constant 0 : i32
      %gt3A_404 = vector.broadcast %gt3A : i32 to vector<16xi32>
      %gt3A_405 = arith.cmpi sgt, %all_reduce_population_count3A, %gt3A_404 : vector<16xi32>
      %all_reduce_ffs3A = tpu.all_reduce %ge3A_403 {dim = 0 : i64, kind = #tpu.reduction_kind<find_first_set>} : vector<16xi1> -> vector<16xi32>
      %rev3A = arith.constant 15 : i32
      %rev3A_406 = vector.broadcast %rev3A : i32 to vector<16xi32>
      %rev3A_407 = tpu.iota {dimensions = array<i32: 0>} : vector<16xi32>
      %rev3A_408 = arith.subi %rev3A_406, %rev3A_407 : vector<16xi32>
      %rev3A_409 = tpu.dynamic_gather %get3A_401[%rev3A_408] in [0] : vector<16xf32>, vector<16xi32> -> vector<16xf32>
      %ge3A_410 = arith.constant 5.000000e-01 : f32
      %ge3A_411 = vector.broadcast %ge3A_410 : f32 to vector<16xf32>
      %ge3A_412 = arith.cmpf oge, %rev3A_409, %ge3A_411 : vector<16xf32>
      %all_reduce_ffs3A_413 = tpu.all_reduce %ge3A_412 {dim = 0 : i64, kind = #tpu.reduction_kind<find_first_set>} : vector<16xi1> -> vector<16xi32>
      %sub3A = arith.constant 15 : i32
      %sub3A_414 = vector.broadcast %sub3A : i32 to vector<16xi32>
      %sub3A_415 = arith.subi %sub3A_414, %all_reduce_ffs3A_413 : vector<16xi32>
      %mul3A_416 = arith.constant 16 : i32
      %mul3A_417 = arith.muli %scan3A_396, %mul3A_416 : i32
      %add3A_418 = vector.broadcast %mul3A_417 : i32 to vector<16xi32>
      %add3A_419 = arith.addi %add3A_418, %all_reduce_ffs3A : vector<16xi32>
      %min3A = arith.minsi %scan3A_397, %add3A_419 : vector<16xi32>
      %select_n3A_420 = arith.select %gt3A_405, %min3A, %scan3A_397 : vector<16xi1>, vector<16xi32>
      %mul3A_421 = arith.constant 16 : i32
      %mul3A_422 = arith.muli %scan3A_396, %mul3A_421 : i32
      %add3A_423 = vector.broadcast %mul3A_422 : i32 to vector<16xi32>
      %add3A_424 = arith.addi %add3A_423, %sub3A_415 : vector<16xi32>
      %max3A = arith.maxsi %scan3A_398, %add3A_424 : vector<16xi32>
      %select_n3A_425 = arith.select %gt3A_405, %max3A, %scan3A_398 : vector<16xi1>, vector<16xi32>
      scf.yield %select_n3A_420, %select_n3A_425 : vector<16xi32>, vector<16xi32>
    }
    %scan3A_361 = arith.constant 32 : i32
    %scan3A_362 = arith.constant 0 : i32
    %scan3A_363 = arith.constant 0 : i32
    %scan3A_364 = arith.constant 32 : i32
    %scan3A_365 = arith.addi %scan3A_363, %scan3A_364 : i32
    %scan3A_366 = arith.constant 1 : i32
    %scan3A_367 = scf.for %scan3A_396 = %scan3A_363 to %scan3A_365 step %scan3A_366 iter_args(%scan3A_397 = %scan3A_362) -> (i32)  : i32 {
      %mul3A_398 = arith.constant 16 : i32
      %mul3A_399 = arith.muli %scan3A_396, %mul3A_398 : i32
      %swap3A_400 = arith.index_cast %mul3A_399 : i32 to index
      %swap3A_401 = tpu.vector_load %arg6[%swap3A_400] {strides = array<i32>} : memref<512xf32, #tpu.memory_space<vmem>>, vector<16xf32>,
      tpu.vector_store %arg6[%swap3A_400], %broadcast_in_dim3A_3 {strides = array<i32>} : memref<512xf32, #tpu.memory_space<vmem>>, vector<16xf32>,
      %scan3A_402 = arith.constant 0 : i32
      scf.yield %scan3A_402 : i32
    }
    %scan3A_368 = arith.constant 32 : i32
    %eq3A_369 = arith.constant 0 : i32
    %eq3A_370 = vector.broadcast %eq3A_369 : i32 to vector<16xi32>
    %eq3A_371 = arith.cmpi eq, %iota3A, %eq3A_370 : vector<16xi32>
    %select_n3A_372 = arith.select %eq3A_371, %scan3A_350#0, %broadcast_in_dim3A_18 : vector<16xi1>, vector<16xi32>
    %eq3A_373 = arith.constant 1 : i32
    %eq3A_374 = vector.broadcast %eq3A_373 : i32 to vector<16xi32>
    %eq3A_375 = arith.cmpi eq, %iota3A, %eq3A_374 : vector<16xi32>
    %select_n3A_376 = arith.select %eq3A_375, %scan3A_360#0, %select_n3A_372 : vector<16xi1>, vector<16xi32>
    %eq3A_377 = arith.constant 2 : i32
    %eq3A_378 = vector.broadcast %eq3A_377 : i32 to vector<16xi32>
    %eq3A_379 = arith.cmpi eq, %iota3A, %eq3A_378 : vector<16xi32>
    %select_n3A_380 = arith.select %eq3A_379, %scan3A_350#1, %select_n3A_376 : vector<16xi1>, vector<16xi32>
    %eq3A_381 = arith.constant 3 : i32
    %eq3A_382 = vector.broadcast %eq3A_381 : i32 to vector<16xi32>
    %eq3A_383 = arith.cmpi eq, %iota3A, %eq3A_382 : vector<16xi32>
    %select_n3A_384 = arith.select %eq3A_383, %scan3A_360#1, %select_n3A_380 : vector<16xi1>, vector<16xi32>
    %swap3A = arith.constant 0 : index
    %swap3A_385 = tpu.vector_load %arg7[%swap3A] {strides = array<i32>} : memref<64xi32, #tpu.memory_space<vmem>>, vector<16xi32>,
    tpu.vector_store %arg7[%swap3A], %scan3A_27#2 {strides = array<i32>} : memref<64xi32, #tpu.memory_space<vmem>>, vector<16xi32>,
    %swap3A_386 = arith.constant 16 : index
    %swap3A_387 = tpu.vector_load %arg7[%swap3A_386] {strides = array<i32>} : memref<64xi32, #tpu.memory_space<vmem>>, vector<16xi32>,
    tpu.vector_store %arg7[%swap3A_386], %scan3A_27#3 {strides = array<i32>} : memref<64xi32, #tpu.memory_space<vmem>>, vector<16xi32>,
    %swap3A_388 = arith.constant 32 : index
    %swap3A_389 = tpu.vector_load %arg7[%swap3A_388] {strides = array<i32>} : memref<64xi32, #tpu.memory_space<vmem>>, vector<16xi32>,
    tpu.vector_store %arg7[%swap3A_388], %select_n3A_332 {strides = array<i32>} : memref<64xi32, #tpu.memory_space<vmem>>, vector<16xi32>,
    %swap3A_390 = arith.constant 48 : index
    %swap3A_391 = tpu.vector_load %arg7[%swap3A_390] {strides = array<i32>} : memref<64xi32, #tpu.memory_space<vmem>>, vector<16xi32>,
    tpu.vector_store %arg7[%swap3A_390], %select_n3A_384 {strides = array<i32>} : memref<64xi32, #tpu.memory_space<vmem>>, vector<16xi32>,
    %mul3A_392 = arith.constant 4 : i32
    %mul3A_393 = arith.muli %add3A, %mul3A_392 : i32
    %mul3A_394 = arith.constant 16 : i32
    %mul3A_395 = arith.muli %mul3A_393, %mul3A_394 : i32
    "tpu.region"() ({
      %run_scoped3A = tpu.sem_alloc : memref<!tpu.dma_semaphore, #tpu.memory_space<semaphore_mem>>
      %dma_start3A_396 = tpu.memref_slice %arg3[%mul3A_395] : memref<2048xi32, #tpu.memory_space<hbm>> -> memref<64xi32, #tpu.memory_space<hbm>>
      %dma_start3A_397 = tpu.memref_slice %arg3[%mul3A_395] : memref<2048xi32, #tpu.memory_space<hbm>> -> memref<64xi32, #tpu.memory_space<hbm>>
      tpu.enqueue_dma source(%arg7 : memref<64xi32, #tpu.memory_space<vmem>>) target(%dma_start3A_397 : memref<64xi32, #tpu.memory_space<hbm>>) target_semaphore(%run_scoped3A : memref<!tpu.dma_semaphore, #tpu.memory_space<semaphore_mem>>)
      %dma_wait3A_398 = tpu.memref_slice %arg3[%mul3A_395] : memref<2048xi32, #tpu.memory_space<hbm>> -> memref<64xi32, #tpu.memory_space<hbm>>
      %dma_wait3A_399 = tpu.memref_slice %arg3[%mul3A_395] : memref<2048xi32, #tpu.memory_space<hbm>> -> memref<64xi32, #tpu.memory_space<hbm>>
      tpu.wait_dma2 semaphore(%run_scoped3A : memref<!tpu.dma_semaphore, #tpu.memory_space<semaphore_mem>>) src(%arg7 : memref<64xi32, #tpu.memory_space<vmem>>) dst(%dma_wait3A_399 : memref<64xi32, #tpu.memory_space<hbm>>)
      tpu.yield
    }) : () -> ()
    return
  }
}

module attributes {stable_mosaic.version = 14 : i64} {
  func.func @_tc_body(%arg0: i32, %arg1: memref<8x448x512xf32, #tpu.memory_space<vmem>>, %arg2: memref<8x4xi32, #tpu.memory_space<vmem>>) attributes {dimension_semantics = [#tpu.dimension_semantics<arbitrary>], iteration_bounds = array<i64: 20>, scalar_prefetch = 0 : i64, scratch_operands = 0 : i64, tpu.core_type = #tpu.core_type<tc>, window_params = [{transform_indices = @transform_0, window_bounds = array<i64: 8, 448, 512>}, {transform_indices = @transform_1, window_bounds = array<i64: 8, 4>}]} {
    %get3A = arith.constant 0 : index
    %get3A_0 = arith.constant 0 : index
    %get3A_1 = arith.constant 0 : index
    %get3A_2 = vector.load %arg1[%get3A, %get3A_0, %get3A_1] : memref<8x448x512xf32, #tpu.memory_space<vmem>>, vector<8x448x512xf32>
    %reduce_max3A = arith.constant dense<0xFF800000> : vector<8x512xf32>
    %reduce_max3A_3 = vector.multi_reduction <maximumf>, %get3A_2, %reduce_max3A [1] : vector<8x448x512xf32> to vector<8x512xf32>
    %reduce_max3A_4 = arith.constant dense<0xFF800000> : vector<8x448xf32>
    %reduce_max3A_5 = vector.multi_reduction <maximumf>, %get3A_2, %reduce_max3A_4 [2] : vector<8x448x512xf32> to vector<8x448xf32>
    %ge3A = arith.constant 5.000000e-01 : f32
    %ge3A_6 = vector.broadcast %ge3A : f32 to vector<8x512xf32>
    %ge3A_7 = arith.cmpf oge, %reduce_max3A_3, %ge3A_6 : vector<8x512xf32>
    %ge3A_8 = arith.constant 5.000000e-01 : f32
    %ge3A_9 = vector.broadcast %ge3A_8 : f32 to vector<8x448xf32>
    %ge3A_10 = arith.cmpf oge, %reduce_max3A_5, %ge3A_9 : vector<8x448xf32>
    %iota3A = tpu.iota {dimensions = array<i32: 1>} : vector<8x512xi32>
    %iota3A_11 = tpu.iota {dimensions = array<i32: 1>} : vector<8x448xi32>
    %jit3A = arith.constant 512 : i32
    %broadcast_in_dim3A = vector.broadcast %jit3A : i32 to vector<8x512xi32>
    %select_n3A = arith.select %ge3A_7, %iota3A, %broadcast_in_dim3A : vector<8x512xi1>, vector<8x512xi32>
    %reduce_min3A = arith.constant dense<2147483647> : vector<8xi32>
    %reduce_min3A_12 = vector.multi_reduction <minsi>, %select_n3A, %reduce_min3A [1] : vector<8x512xi32> to vector<8xi32>
    %jit3A_13 = arith.constant -1 : i32
    %broadcast_in_dim3A_14 = vector.broadcast %jit3A_13 : i32 to vector<8x512xi32>
    %select_n3A_15 = arith.select %ge3A_7, %iota3A, %broadcast_in_dim3A_14 : vector<8x512xi1>, vector<8x512xi32>
    %reduce_max3A_16 = arith.constant dense<-2147483648> : vector<8xi32>
    %reduce_max3A_17 = vector.multi_reduction <maxsi>, %select_n3A_15, %reduce_max3A_16 [1] : vector<8x512xi32> to vector<8xi32>
    %jit3A_18 = arith.constant 512 : i32
    %broadcast_in_dim3A_19 = vector.broadcast %jit3A_18 : i32 to vector<8x448xi32>
    %select_n3A_20 = arith.select %ge3A_10, %iota3A_11, %broadcast_in_dim3A_19 : vector<8x448xi1>, vector<8x448xi32>
    %reduce_min3A_21 = arith.constant dense<2147483647> : vector<8xi32>
    %reduce_min3A_22 = vector.multi_reduction <minsi>, %select_n3A_20, %reduce_min3A_21 [1] : vector<8x448xi32> to vector<8xi32>
    %jit3A_23 = arith.constant -1 : i32
    %broadcast_in_dim3A_24 = vector.broadcast %jit3A_23 : i32 to vector<8x448xi32>
    %select_n3A_25 = arith.select %ge3A_10, %iota3A_11, %broadcast_in_dim3A_24 : vector<8x448xi1>, vector<8x448xi32>
    %reduce_max3A_26 = arith.constant dense<-2147483648> : vector<8xi32>
    %reduce_max3A_27 = vector.multi_reduction <maxsi>, %select_n3A_25, %reduce_max3A_26 [1] : vector<8x448xi32> to vector<8xi32>
    %stack3A = vector.shape_cast %reduce_min3A_22 : vector<8xi32> to vector<8x1xi32>
    %stack3A_28 = vector.shape_cast %reduce_min3A_12 : vector<8xi32> to vector<8x1xi32>
    %stack3A_29 = vector.shape_cast %reduce_max3A_27 : vector<8xi32> to vector<8x1xi32>
    %stack3A_30 = vector.shape_cast %reduce_max3A_17 : vector<8xi32> to vector<8x1xi32>
    %stack3A_31 = tpu.concatenate %stack3A, %stack3A_28, %stack3A_29, %stack3A_30 in 1 : vector<8x1xi32>, vector<8x1xi32>, vector<8x1xi32>, vector<8x1xi32> -> vector<8x4xi32>
    %swap3A = arith.constant 0 : index
    %swap3A_32 = arith.constant 0 : index
    %swap3A_33 = vector.load %arg2[%swap3A, %swap3A_32] : memref<8x4xi32, #tpu.memory_space<vmem>>, vector<8x4xi32>
    tpu.vector_store %arg2[%swap3A, %swap3A_32], %stack3A_31 {strides = array<i32>} : memref<8x4xi32, #tpu.memory_space<vmem>>, vector<8x4xi32>,
    return
  }
  func.func @transform_0(%arg0: i32) -> (i32, i32, i32) {
    %add3A = arith.constant 12 : i32
    %add3A_0 = arith.addi %arg0, %add3A : i32
    %c0_i32 = arith.constant 0 : i32
    %c0_i32_1 = arith.constant 0 : i32
    %c0_i32_2 = arith.constant 0 : i32
    return %add3A_0, %c0_i32, %c0_i32_1 : i32, i32, i32
  }
  func.func @transform_1(%arg0: i32) -> (i32, i32) {
    %c0_i32 = arith.constant 0 : i32
    %c0_i32_0 = arith.constant 0 : i32
    return %arg0, %c0_i32 : i32, i32
  }
}

</mosaic_0001>

<sc_bundles>
// kernel: kernel.4.cloned.1.call-start
scs
__scs_entry_jumppad:
0x0: {  	(pc) =	sbr.rel $0x88, $3  }
0x1: {  	(tag) =	ssettag $0x0;
	lr =	simm.s32 $0x1  }
0x2: {  	[smem:$0x3FA0] =	sst lr;
	_ =	strace $0xD0000000  }
0x3: {  	_ = 	snop  }
0x4: {  	_ = 	snop  }
0x5: {  	_ = 	snop  }
0x6: {  	_ = 	snop  }
0x7: {  	_ = 	snop  }
__scs_overlays_trampoline_lowered:
0x8: {  	[smem:$0x3FAF] =	sst s0  }
0x9: {  	[smem:$0x3FB0] =	sst s1  }
0xa: {  	[smem:$0x3FB1] =	sst s2  }
0xb: {  	[smem:$0x3FB2] =	sst s3  }
0xc: {  	[smem:$0x3FB3] =	sst s4  }
0xd: {  	[smem:$0x3FB4] =	sst s5  }
0xe: {  	[smem:$0x3FB5] =	sst s6  }
0xf: {  	[smem:$0x3FB6] =	sst s7  }
0x10: {  	[smem:$0x3FB7] =	sst s8  }
0x11: {  	[smem:$0x3FB8] =	sst s9;
	s0 =	simm.s32 @!p0 $0x0  }
0x12: {  	s1 =	sld [smem:$0x3F9E];
	s0 =	simm.s32 @p0 $0x1  }
0x13: {  	[smem:$0x3FB9] =	sst s0;
	s0 =	simm.s32 @!p1 $0x0  }
0x14: {  	s2 =	sld [smem:$0x3F9D];
	s0 =	simm.s32 @p1 $0x1  }
0x15: {  	[smem:$0x3FBA] =	sst s0;
	s0 =	simm.s32 @!p2 $0x0  }
0x16: {  	s3 =	sld [smem:$0x3FDB];
	s0 =	simm.s32 @p2 $0x1  }
0x17: {  	s4 =	simm.s32 $0x1BF5;
	[smem:$0x3FBC] =	sst s0  }
0x18: {  	s0 =	sld [smem:$0x3F9F];
	_ =	swait.ge [sflag:s4], $0x0  }
0x19: {  	s7 =	sld [smem:$0x3FA0]  }
0x1a: {  	s8 =	sadd.s32 $0xFFFFE003, lr  }
0x1b: {  	s9 =	sadd.s32 $0xFFFFFEF7, lr;
	s5 =	simm.s32 $0xFFFFFFFF;
	p2 =	slt.u32 s8, $0xFFFFF086  }
0x1c: {  	p1 =	slt.u32 s9, $0xF7A;
	s5 =	simm.s32 @!p2 $0x0  }
0x1d: {  	s5 =	simm.s32 @p1 $0x1;
	p0 =	seq.s32 s7, s2  }
0x1e: {  	s7 =	smul.u32 @!p0 $0xF7A, s2;
	p2 =	seq.s32 @!p0 s5, $0x0  }
0x1f: {  	s9 =	smul.u32 $0xF7A, s1;
	s8 =	simm.s32 @!p0 $0x1BF5;
	p2 =	por !p2, p0  }
0x20: {  	[sflag:s8] =	ssyncset.s32 @!p0 $0xFFFFF086;
	s6 =	sadd.s32 @!p0 s3, s7;
	s7 =	simm.s32 @!p0 $0x108  }
0x21: {  	s3 =	sadd.s32 s3, s9;
	s6 =	sadd.s32 @!p0 $0x88, s6;
	s7 =	simm.s32 @p2 $0x1082  }
0x22: {  	[simem:s7], [sflag:s8] =	dma.local @!p0 [hbm:s6], $0xF7A  }
0x23: {  	s9 =	sor.u32 $0xD0000000, s2;
	s6 =	simm.s32 $0x108;
	_ =	swait.ge @!p0 [sflag:s8], $0x0  }
0x24: {  	s3 =	sadd.s32 $0x88, s3;
	s6 =	simm.s32 @!p1 $0x1082;
	[sflag:s4] =	ssyncset.s32 $0xFFFFF086  }
0x25: {  	[simem:s6], [sflag:s4] =	dma.local [hbm:s3], $0xF7A  }
0x26: {  	[smem:$0x3FA0] =	sst s1;
	(tag) =	ssettag s2;
	_ =	strace s9  }
0x27: {  	s1 =	sld [smem:$0x3FB0]  }
0x28: {  	s2 =	sld [smem:$0x3FB1]  }
0x29: {  	s4 =	sld [smem:$0x3FB3]  }
0x2a: {  	p0 =	seq.s32 s5, $0x0;
	s5 =	sld [smem:$0x3FB4]  }
0x2b: {  	s6 =	sld [smem:$0x3FB5]  }
0x2c: {  	s7 =	sld [smem:$0x3FB6]  }
0x2d: {  	s3 =	simm.s32 $0x108;
	s8 =	sld [smem:$0x3FB7]  }
0x2e: {  	s3 =	simm.s32 @!p0 $0x1082;
	s9 =	sld [smem:$0x3FB8]  }
0x2f: {  	lr =	sadd.s32 s0, s3;
	s0 =	sld [smem:$0x3FAF]  }
0x30: {  	s3 =	sld [smem:$0x3FB2]  }
0x31: {  	[smem:$0x3FBB] =	sst s10  }
0x32: {  	s10 =	sld [smem:$0x3FB9];
	_ =	sdelay $0x3  }
0x33: {  	p0 =	seq.s32 s10, $0x1;
	s10 =	sld [smem:$0x3FBB];
	_ =	sdelay $0x3  }
0x34: {  	[smem:$0x3FBB] =	sst s10  }
0x35: {  	s10 =	sld [smem:$0x3FBA];
	_ =	sdelay $0x3  }
0x36: {  	p1 =	seq.s32 s10, $0x1;
	s10 =	sld [smem:$0x3FBB];
	_ =	sdelay $0x3  }
0x37: {  	[smem:$0x3FBB] =	sst s10  }
0x38: {  	s10 =	sld [smem:$0x3FBC]  }
0x39: {  	_ = 	snop;
	(pc) =	sbr.ind lr, $3  }
0x3a: {  	_ = 	snop  }
0x3b: {  	_ = 	snop  }
0x3c: {  	p2 =	seq.s32 s10, $0x1;
	s10 =	sld [smem:$0x3FBB]  }
0x3d: {  	_ =	shalt  }
0x3e: {  	_ =	shalt  }
0x3f: {  	_ =	shalt  }
0x40: {  	_ =	shalt  }
0x41: {  	_ =	shalt  }
0x42: {  	_ =	shalt  }
0x43: {  	_ =	shalt  }
0x44: {  	_ =	shalt  }
0x45: {  	_ =	shalt  }
0x46: {  	_ =	shalt  }
0x47: {  	_ =	shalt  }
0x48: {  	_ =	shalt  }
0x49: {  	_ =	shalt  }
0x4a: {  	_ =	shalt  }
0x4b: {  	_ =	shalt  }
0x4c: {  	_ =	shalt  }
0x4d: {  	_ =	shalt  }
0x4e: {  	_ =	shalt  }
0x4f: {  	_ =	shalt  }
0x50: {  	_ =	shalt  }
0x51: {  	_ =	shalt  }
0x52: {  	_ =	shalt  }
0x53: {  	_ =	shalt  }
0x54: {  	_ =	shalt  }
0x55: {  	_ =	shalt  }
0x56: {  	_ =	shalt  }
0x57: {  	_ =	shalt  }
0x58: {  	_ =	shalt  }
0x59: {  	_ =	shalt  }
0x5a: {  	_ =	shalt  }
0x5b: {  	_ =	shalt  }
0x5c: {  	_ =	shalt  }
0x5d: {  	_ =	shalt  }
0x5e: {  	_ =	shalt  }
0x5f: {  	_ =	shalt  }
0x60: {  	_ =	shalt  }
0x61: {  	_ =	shalt  }
0x62: {  	_ =	shalt  }
0x63: {  	_ =	shalt  }
0x64: {  	_ =	shalt  }
0x65: {  	_ =	shalt  }
0x66: {  	_ =	shalt  }
0x67: {  	_ =	shalt  }
0x68: {  	_ =	shalt  }
0x69: {  	_ =	shalt  }
0x6a: {  	_ =	shalt  }
0x6b: {  	_ =	shalt  }
0x6c: {  	_ =	shalt  }
0x6d: {  	_ =	shalt  }
0x6e: {  	_ =	shalt  }
0x6f: {  	_ =	shalt  }
0x70: {  	_ =	shalt  }
0x71: {  	_ =	shalt  }
0x72: {  	_ =	shalt  }
0x73: {  	_ =	shalt  }
0x74: {  	_ =	shalt  }
0x75: {  	_ =	shalt  }
0x76: {  	_ =	shalt  }
0x77: {  	_ =	shalt  }
0x78: {  	_ =	shalt  }
0x79: {  	_ =	shalt  }
0x7a: {  	_ =	shalt  }
0x7b: {  	_ =	shalt  }
0x7c: {  	_ =	shalt  }
0x7d: {  	_ =	shalt  }
0x7e: {  	_ =	shalt  }
0x7f: {  	_ =	shalt  }
0x80: {  	_ =	shalt  }
0x81: {  	_ =	shalt  }
0x82: {  	_ =	shalt  }
0x83: {  	_ =	shalt  }
0x84: {  	_ =	shalt  }
0x85: {  	_ =	shalt  }
0x86: {  	_ =	shalt  }
0x87: {  	_ =	shalt  }
.Lfunc_end0:
.L_simem_size_0:
called_computation_lowered:
.L_overlay_start_0:
0x88: {  	s2 =	sld [smem:$0x3FD9]  }
0x89: {  	s3 =	sld [smem:$0x3FFE];
	_ =	sdelay $0x1  }
0x8a: {  	s1 =	srdreg.scid  }
0x8b: {  	s0 =	sand.u32 $0x1, s1  }
0x8c: {  	s17 =	sshll.u32 s0, $0xA;
	s2 =	sadd.s32 s3, s2  }
0x8d: {  	s2 =	sadd.s32 s2, s17  }
0x8e: {  	[smem:$0x3FC7] =	sst s2  }
0x8f: {  	_ = 	snop  }
0x90: {  	s2 =	sld [smem:$0x3FC9];
	(tm) =	ssettm $0x1  }
0x91: {  	s18 =	sld [smem:$0x3FFB];
	_ =	sdelay $0x3  }
0x92: {  	_ =	strace s18  }
0x93: {  	s3 =	sld [smem:$0x3FFC];
	_ =	sdelay $0x3  }
0x94: {  	_ =	strace s3  }
0x95: {  	s3 =	sld [smem:$0x3FFD];
	_ =	sdelay $0x3  }
0x96: {  	_ =	strace s3  }
0x97: {  	_ =	strace $0x8FFFFFFF  }
0x98: {  	s19 =	sld [smem:$0x3FDB];
	_ =	sdelay $0x1  }
0x99: {  	s4 =	simm.s32 $_scs_section_size  }
0x9a: {  	s5 =	simm.s32 $_size__tile_overlayer_lowered;
	s6 =	simm.s32 $_tile_overlayer_lowered  }
0x9b: {  	s22 =	simm.s32 $0x1BFF;
	s21 =	sshll.u32 s6, $0x1;
	s3 =	sadd.s32 s4, s19  }
0x9c: {  	s7 =	simm.s32 $0x0;
	s20 =	sshll.u32 s5, $0x1;
	s5 =	sadd.s32 s21, s3  }
0x9d: {  	[timem:s7], [sflag:s22] =	dma.local [hbm:s5], s20  }
0x9e: {  	_ =	swait.ge [sflag:s22], s20  }
0x9f: {  	s4 =	ssub.s32 $0x0, s20;
	[sflag:s22] =	ssyncset.done $0x0  }
0xa0: {  	[sflag:s22] =	ssyncadd.s32 s4;
	_ =	sdelay $0x1  }
0xa1: {  	s23 =	simm.s32 $0x1B8B  }
0xa2: {  	_ =	swait.ge [sflag:s23], $0x1  }
0xa3: {  	[sflag:s23] =	ssyncset.done $0x0  }
0xa4: {  	s25 =	simm.s32 $0x1B8E;
	s24 =	sld [smem:$0x3FFE];
	[sflag:s23] =	ssyncadd.s32 $0xFFFFFFFF  }
0xa5: {  	s26 =	simm.s32 $execute0_lowered;
	[smem:$0x3FD2] =	sst s25  }
0xa6: {  	s5 =	sshll.u32 s26, $0x1;
	_ =	strace $0x80000046;
	[dreg:$0x1] =	wrdreg $0xFFFFFFFF  }
0xa7: {  	s28 =	simm.s32 $_size_execute0_lowered;
	s3 =	sadd.s32 s3, s5;
	[dreg:$0x0] =	wrdreg $0x0  }
0xa8: {  	s5 =	sshll.u32 s28, $0x1;
	[dreg:$0x2] =	wrdreg s3  }
0xa9: {  	[dreg:$0x3] =	wrdreg s5  }
0xaa: {  	[dreg:$0x4] =	wrdreg $0xC0  }
0xab: {  	_ =	task [dreg:s7], $0x5FFFF  }
0xac: {  	[dreg:$0x1] =	wrdreg $0xFFFFFFFF  }
0xad: {  	[dreg:$0x0] =	wrdreg $0x60  }
0xae: {  	[dreg:$0x2] =	wrdreg s2  }
0xaf: {  	[dreg:$0x3] =	wrdreg s24  }
0xb0: {  	[dreg:$0x4] =	wrdreg $0x9  }
0xb1: {  	_ =	task.clear_ibuf [dreg:s7], $0x5FFFF;
	_ =	strace $0x90000046  }
0xb2: {  	s29 =	simm.s32 $0x9;
	_ =	strace $0x80000048  }
0xb3: {  	_ =	swait.ge [sflag:s29], $0x1  }
0xb4: {  	[sflag:s29] =	ssyncadd.s32 $0xFFFFFFFF  }
0xb5: {  	_ =	strace $0x90000048  }
0xb6: {  	_ =	sfence  }
0xb7: {  	s30 =	sld [smem:$0x0];
	_ =	sdelay $0x2  }
0xb8: {  	s31 =	sshll.u32 s1, $0xD;
	s1 =	sshrl.u32 s1, $0x2  }
0xb9: {  	s3 =	sand.u32 $0x4000, s31;
	s1 =	sadd.s32 s1, s30  }
0xba: {  	s0 =	sor.u32 s3, s0;
	s1 =	sshll.u32 s1, $0x11  }
0xbb: {  	s0 =	sor.u32 s1, s0  }
0xbc: {  	s0 =	sadd.s32 $0x8F2B, s0  }
0xbd: {  	[sflag:s0] =	ssyncadd.remote.s32 $0x1  }
0xbe: {  	_ =	sfence.sel $0xFFFF  }
0xbf: {  	[dreg:$0x0] =	wrdreg $0xFFFFFFFF;
	(pc) =	sbr.abs _section_cstart, $3  }
0xc0: {  	[dreg:$0x1] =	wrdreg $0xFFFFFFFF  }
0xc1: {  	_ =	task.clear_ibuf [dreg:s7], $0x2FFFF;
	_ =	strace $0x9FFFFFFF  }
0xc2: {  	(tm) =	ssettm $0x7FFFFFFF  }
0xc3: {  	_ =	shalt  }
tec
execute0_lowered:
.L_overlay_start_1:
0x0: {  	(tag) =	ssettag $0x1  }
0x1: {  	s0 =	rddreg [dreg:$0x0]  }
0x2: {  	s3 =	rddreg [dreg:$0x1]  }
0x3: {  	s4 =	srdreg.scid;
	s1 =	stileid.u32;
	s2 =	simm.s32 $0x0  }
0x4: {  	s14 =	simm.s32 $0x8000;
	s15 =	simm.s32 $0x1;
	s16 =	simm.s32 $0x2  }
0x5: {  	s18 =	simm.s32 $0x3;
	s4 =	sand.u32 $0x1, s4;
	s5 =	sshll.u32 s1, $0x1  }
0x6: {  	s19 =	simm.s32 $0x0;
	[smem:$0x7FF] =	sst s2;
	s5 =	sor.u32 s4, s5  }
0x7: {  	_ =	strace $0x80000047;
	s4 =	ssub.s32 $0x2, s4;
	s6 =	smul.u32 $0x140000, s5  }
0x8: {  	s7 =	sshll.u32 s5, $0x3;
	s8 =	sshrl.u32 s4, $0x1;
	s9 =	smul.u32 $0x18000, s5  }
0x9: {  	s12 =	sadd.s32 s7, s3;
	s13 =	ssub.s32 s4, s8;
	s3 =	smul.u32 $0x18, s5  }
0xa: {  	v0 =	vlaneseq.u32;
	s5 =	sadd.s32 $0x1000, s0;
	s6 =	sshrl.u32 s6, $0x3;
	s4 =	sadd.s32 s0, s9  }
0xb: {  	v1 =	vimm.f32 $-Inf;
	v2 =	vmul.u32 $0xFFFFFFFF, v0;
	s12 =	sadd.s32 $0x600, s12;
	s13 =	smax.u32 s13, $0x1;
	s11 =	sadd.s32 s0, s6  }
0xc: {  	vm0 =	vmxor vm0, vm0;
	vm1 =	vcmask $0x310;
	vm2 =	vcmask $0x710;
	s6 =	sadd.s32 $0x2000, s0;
	s7 =	sadd.s32 $0x307000, s11;
	s8 =	sadd.s32 $0x30F000, s11  }
0xd: {  	vm3 =	vcmask $0xB10;
	v3 =	vimm.s32 $0x0;
	v2 =	vadd.s32 $0xF, v2;
	s9 =	sadd.s32 $0x317000, s11;
	s10 =	sadd.s32 $0x31F000, s11;
	s11 =	sadd.s32 $0x327000, s11  }
.LBB2_1:
0xe: {  	[tilespmem:$0x10000] =	vst v1  }
0xf: {  	[tilespmem:$0x10010] =	vst v1  }
0x10: {  	[tilespmem:$0x10020] =	vst v1  }
0x11: {  	[tilespmem:$0x10030] =	vst v1  }
0x12: {  	[tilespmem:$0x10040] =	vst v1  }
0x13: {  	[tilespmem:$0x10050] =	vst v1  }
0x14: {  	[tilespmem:$0x10060] =	vst v1  }
0x15: {  	[tilespmem:$0x10070] =	vst v1  }
0x16: {  	[tilespmem:$0x10080] =	vst v1  }
0x17: {  	[tilespmem:$0x10090] =	vst v1  }
0x18: {  	[tilespmem:$0x100A0] =	vst v1  }
0x19: {  	[tilespmem:$0x100B0] =	vst v1  }
0x1a: {  	[tilespmem:$0x100C0] =	vst v1  }
0x1b: {  	[tilespmem:$0x100D0] =	vst v1  }
0x1c: {  	[tilespmem:$0x100E0] =	vst v1  }
0x1d: {  	[tilespmem:$0x100F0] =	vst v1  }
0x1e: {  	[tilespmem:$0x10100] =	vst v1  }
0x1f: {  	[tilespmem:$0x10110] =	vst v1  }
0x20: {  	[tilespmem:$0x10120] =	vst v1  }
0x21: {  	[tilespmem:$0x10130] =	vst v1  }
0x22: {  	[tilespmem:$0x10140] =	vst v1  }
0x23: {  	[tilespmem:$0x10150] =	vst v1  }
0x24: {  	[tilespmem:$0x10160] =	vst v1  }
0x25: {  	[tilespmem:$0x10170] =	vst v1  }
0x26: {  	[tilespmem:$0x10180] =	vst v1  }
0x27: {  	[tilespmem:$0x10190] =	vst v1  }
0x28: {  	[tilespmem:$0x101A0] =	vst v1  }
0x29: {  	[tilespmem:$0x101B0] =	vst v1  }
0x2a: {  	[tilespmem:$0x101C0] =	vst v1  }
0x2b: {  	[tilespmem:$0x101D0] =	vst v1  }
0x2c: {  	[tilespmem:$0x101E0] =	vst v1  }
0x2d: {  	[tilespmem:$0x101F0] =	vst v1;
	s20 =	simm.s32 $0x0  }
0x2e: {  	v5 =	vimm.s32 $0x200;
	v6 =	vimm.s32 $0xFFFFFFFF;
	v4 =	vimm.s32 $0x0;
	[tilespmem:s2], [sflag:$0x1] =	stream.linear.gather [hbm4b:s4+s2], $0x8000, $0x38;
	[tilespmem:$0x10280] =	vst v63  }
.LBB2_2:
0x2f: {  	s21 =	sshll.u32 s20, $0x1  }
0x30: {  	s22 =	sadd.s32 s3, s21  }
0x31: {  	s0 =	sshll.u32 s22, $0xC  }
0x32: {  	s23 =	simm.s32 $0x0;
	s0 =	sadd.s32 s0, s5  }
0x33: {  	[tilespmem:s14], [sflag:$0x2] =	stream.linear.gather [hbm4b:s0+s23], $0x8000, $0x38;
	[tilespmem:$0x10280] =	vst v63  }
0x34: {  	_ =	swait.ge [sflag:s15], $0x8000  }
0x35: {  	s31 =	sshll.u32 s20, $0x7;
	[sflag:s15] =	ssyncset.done $0x0  }
0x36: {  	s25 =	simm.s32 $0x0;
	s24 =	sand.u32 $0x180, s31;
	[sflag:s15] =	ssyncadd.s32 $0xFFFF8000  }
.LBB2_3:
0x37: {  	s0 =	sshll.u32 s25, $0xD  }
0x38: {  	s1 =	sand.u32 $0xC00, s23;
	s29 =	sand.u32 $0x3FFFE000, s0  }
0x39: {  	s26 =	sand.u32 $0x70, s23;
	s28 =	sadd.s32 s1, s29  }
0x3a: {  	s28 =	sadd.s32 s26, s28  }
0x3b: {  	v7 =	vld [tilespmem:s28+$0x80]  }
0x3c: {  	v8 =	vld [tilespmem:s28+$0x0]  }
0x3d: {  	v12 =	vld [tilespmem:s28+$0x100]  }
0x3e: {  	v15 =	vld [tilespmem:s28+$0x180]  }
0x3f: {  	v16 =	vld [tilespmem:s28+$0x200]  }
0x40: {  	v17 =	vld [tilespmem:s28+$0x280]  }
0x41: {  	v18 =	vld [tilespmem:s28+$0x300]  }
0x42: {  	v19 =	vld [tilespmem:s28+$0x380]  }
0x43: {  	v21 =	vld [tilespmem:s28+$0x1080]  }
0x44: {  	v22 =	vld [tilespmem:s28+$0x1100]  }
0x45: {  	v23 =	vld [tilespmem:s28+$0x1180]  }
0x46: {  	v25 =	vld [tilespmem:s28+$0x1200]  }
0x47: {  	s30 =	sor.u32 $0x1000, s29;
	v28 =	vld [tilespmem:s28+$0x1280]  }
0x48: {  	s0 =	sadd.s32 s1, s30;
	v29 =	vld [tilespmem:s28+$0x1300]  }
0x49: {  	s0 =	sadd.s32 s26, s0;
	v30 =	vld [tilespmem:s28+$0x1380]  }
0x4a: {  	v20 =	vld [tilespmem:s0+$0x0];
	_ =	sdelay $0x2  }
0x4b: {  	s26 =	simm.s32 $0x10000;
	v9 =	vmax.f32 v8, v7;
	v10 =	vmax.f32 v12, v15;
	v11 =	vmax.f32 v16, v17  }
0x4c: {  	v13 =	vmax.f32 v18, v19;
	v24 =	vmax.f32 v22, v23;
	v9 =	vmax.f32 v9, v10;
	v10 =	vld [tilespmem:s26+$0x0]  }
0x4d: {  	v26 =	vmax.f32 v25, v28;
	v27 =	vmax.f32 v29, v30;
	v14 =	vmax.f32 v20, v21  }
0x4e: {  	v11 =	vmax.f32 v11, v13;
	v13 =	vmax.f32 v14, v24;
	v14 =	vmax.f32 v26, v27  }
0x4f: {  	s31 =	simm.s32 $0x80;
	v9 =	vmax.f32 v9, v11;
	v11 =	vmax.f32 v13, v14  }
0x50: {  	s17 =	simm.s32 $0x10;
	s1 =	sand.u32 $0xC00, s31;
	v9 =	vmax.f32 v9, v11  }
0x51: {  	s28 =	sadd.s32 s1, s29;
	s0 =	sand.u32 $0x70, s17;
	v9 =	vmax.f32 v10, v9  }
0x52: {  	s28 =	sadd.s32 s0, s28;
	[tilespmem:s26+$0x0] =	vst v9  }
0x53: {  	v10 =	vld [tilespmem:s28+$0x80]  }
0x54: {  	v13 =	vld [tilespmem:s28+$0x0]  }
0x55: {  	v11 =	vld [tilespmem:s28+$0x100]  }
0x56: {  	v14 =	vld [tilespmem:s28+$0x180]  }
0x57: {  	v31 =	vimm.f32 $-Inf;
	v9 =	vld [tilespmem:s28+$0x200]  }
0x58: {  	v32 =	vmax.f32 v31, v7;
	v33 =	vmax.f32 v31, v8;
	v36 =	vmax.f32 v31, v12;
	v12 =	vld [tilespmem:s28+$0x280]  }
0x59: {  	s1 =	sadd.s32 s1, s30;
	v37 =	vmax.f32 v31, v15;
	v38 =	vmax.f32 v31, v16;
	v39 =	vmax.f32 v31, v17;
	v16 =	vld [tilespmem:s28+$0x300]  }
0x5a: {  	s0 =	sadd.s32 s0, s1;
	v40 =	vmax.f32 v31, v18;
	v41 =	vmax.f32 v31, v19;
	v18 =	vmax.f32 v31, v25;
	v17 =	vld [tilespmem:s28+$0x380]  }
0x5b: {  	v15 =	vmax.f32 v31, v28;
	v8 =	vmax.f32 v31, v29;
	v7 =	vmax.f32 v31, v30;
	v19 =	vld [tilespmem:s0+$0x0]  }
0x5c: {  	v27 =	vmax.f32 v31, v20;
	v26 =	vmax.f32 v31, v21;
	v24 =	vmax.f32 v31, v22;
	v20 =	vld [tilespmem:s28+$0x1080]  }
0x5d: {  	v21 =	vmax.f32 v31, v23;
	v22 =	vld [tilespmem:s28+$0x1100];
	v34 =	vmax.f32 v32, v10;
	v35 =	vmax.f32 v33, v13  }
0x5e: {  	v23 =	vld [tilespmem:s28+$0x1180];
	v33 =	vmax.f32 v36, v11;
	v32 =	vmax.f32 v37, v14;
	v31 =	vmax.f32 v38, v9  }
0x5f: {  	v25 =	vld [tilespmem:s28+$0x1200];
	s0 =	simm.s32 $0x20;
	v30 =	vmax.f32 v39, v12;
	v29 =	vmax.f32 v40, v16;
	v28 =	vmax.f32 v41, v17  }
.LBB2_4:
0x60: {  	p0 =	sne.s32 s0, $0x1F0;
	v36 =	vld [tilespmem:s28+$0x1280];
	v27 =	vmax.f32 v27, v19  }
0x61: {  	v37 =	vld [tilespmem:s28+$0x1300];
	v26 =	vmax.f32 v26, v20  }
0x62: {  	v38 =	vld [tilespmem:s28+$0x1380];
	v24 =	vmax.f32 v24, v22  }
0x63: {  	v21 =	vmax.f32 v21, v23  }
0x64: {  	v10 =	vmax.f32 v13, v10;
	v11 =	vmax.f32 v11, v14;
	v18 =	vmax.f32 v18, v25  }
0x65: {  	s26 =	sadd.s32 $0x10, s26;
	v10 =	vmax.f32 v10, v11;
	v15 =	vmax.f32 v15, v36  }
0x66: {  	v9 =	vmax.f32 v9, v12;
	v12 =	vmax.f32 v16, v17;
	v13 =	vmax.f32 v19, v20;
	v11 =	vld [tilespmem:s26+$0x0]  }
0x67: {  	v14 =	vmax.f32 v22, v23;
	v16 =	vmax.f32 v25, v36;
	v17 =	vmax.f32 v37, v38  }
0x68: {  	v9 =	vmax.f32 v9, v12;
	v12 =	vmax.f32 v13, v14;
	v13 =	vmax.f32 v16, v17  }
0x69: {  	s31 =	sadd.s32 $0x80, s31;
	v9 =	vmax.f32 v10, v9;
	v8 =	vmax.f32 v8, v37;
	v10 =	vmax.f32 v12, v13  }
0x6a: {  	s1 =	sand.u32 $0xC00, s31;
	v7 =	vmax.f32 v7, v38;
	v9 =	vmax.f32 v9, v10  }
0x6b: {  	s17 =	sand.u32 $0x70, s0;
	s28 =	sadd.s32 s1, s29;
	v9 =	vmax.f32 v11, v9  }
0x6c: {  	s28 =	sadd.s32 s17, s28;
	[tilespmem:s26+$0x0] =	vst v9  }
0x6d: {  	v10 =	vld [tilespmem:s28+$0x80]  }
0x6e: {  	v13 =	vld [tilespmem:s28+$0x0]  }
0x6f: {  	v11 =	vld [tilespmem:s28+$0x100]  }
0x70: {  	v14 =	vld [tilespmem:s28+$0x180]  }
0x71: {  	v9 =	vld [tilespmem:s28+$0x200]  }
0x72: {  	v12 =	vld [tilespmem:s28+$0x280];
	v34 =	vmax.f32 v34, v10  }
0x73: {  	s1 =	sadd.s32 s1, s30;
	v16 =	vld [tilespmem:s28+$0x300];
	v35 =	vmax.f32 v35, v13  }
0x74: {  	s1 =	sadd.s32 s17, s1;
	v17 =	vld [tilespmem:s28+$0x380];
	v33 =	vmax.f32 v33, v11  }
.Ltmp0:
0x75: {  	v19 =	vld [tilespmem:s1+$0x0];
	v32 =	vmax.f32 v32, v14;
	(pc) =	sbr.rel @p0 .LBB2_4-.Ltmp0, $4  }
0x76: {  	v20 =	vld [tilespmem:s28+$0x1080];
	v31 =	vmax.f32 v31, v9  }
0x77: {  	v22 =	vld [tilespmem:s28+$0x1100];
	v30 =	vmax.f32 v30, v12  }
0x78: {  	v23 =	vld [tilespmem:s28+$0x1180];
	v29 =	vmax.f32 v29, v16  }
0x79: {  	s0 =	sadd.s32 $0x10, s0;
	v25 =	vld [tilespmem:s28+$0x1200];
	v28 =	vmax.f32 v28, v17  }
0x7a: {  	vm4 =	vge.f32 v35, $5.000000000e-01  }
0x7b: {  	s0 =	sshll.u32 s25, $0x4;
	vm5 =	vge.f32 v34, $5.000000000e-01;
	vm15 =	vge.f32 v33, $5.000000000e-01;
	vm9 =	vge.f32 v32, $5.000000000e-01  }
0x7c: {  	vm11 =	vge.f32 v29, $5.000000000e-01;
	v27 =	vmax.f32 v27, v19;
	s29 =	sadd.s32 s24, s0;
	v35 =	vmpcnt.ones.xlane vm4  }
0x7d: {  	vm12 =	vge.f32 v28, $5.000000000e-01;
	v10 =	vmax.f32 v13, v10;
	vm4 =	vlt.s32 v5, s29  }
0x7e: {  	v36 =	vnsel vm4, s29, v5;
	vm4 =	vgt.s32 v6, s29;
	vm6 =	vgt.s32 v35, $0x0  }
0x7f: {  	v47 =	vmpcnt.ones.xlane vm5;
	s0 =	sor.u32 $0x1, s29;
	v46 =	vnsel vm4, s29, v6;
	v5 =	vsel vm6, v36, v5  }
0x80: {  	v11 =	vmax.f32 v11, v14;
	v6 =	vsel vm6, v46, v6;
	vm5 =	vlt.s32 v5, s0  }
0x81: {  	vm4 =	vgt.s32 v47, $0x0;
	v48 =	vnsel vm5, s0, v5;
	vm5 =	vgt.s32 v6, s0  }
0x82: {  	v49 =	vmpcnt.ones.xlane vm15;
	s30 =	sor.u32 $0x2, s29;
	v5 =	vsel vm4, v48, v5;
	v50 =	vnsel vm5, s0, v6  }
0x83: {  	v9 =	vmax.f32 v9, v12;
	v6 =	vsel vm4, v50, v6;
	vm5 =	vlt.s32 v5, s30  }
0x84: {  	vm4 =	vgt.s32 v49, $0x0;
	v51 =	vnsel vm5, s30, v5;
	vm5 =	vgt.s32 v6, s30  }
0x85: {  	v53 =	vmpcnt.ones.xlane vm9;
	s31 =	sor.u32 $0x3, s29;
	v5 =	vsel vm4, v51, v5;
	v52 =	vnsel vm5, s30, v6  }
0x86: {  	v60 =	vmpcnt.ones.xlane vm11;
	v6 =	vsel vm4, v52, v6;
	vm4 =	vlt.s32 v5, s31  }
0x87: {  	v32 =	vmpcnt.ones.xlane vm12;
	v54 =	vnsel vm4, s31, v5;
	vm4 =	vgt.s32 v6, s31  }
0x88: {  	vm5 =	vgt.s32 v53, $0x0;
	v55 =	vnsel vm4, s31, v6;
	vm4 =	vge.f32 v31, $5.000000000e-01  }
0x89: {  	v26 =	vmax.f32 v26, v20;
	s1 =	sor.u32 $0x4, s29;
	v5 =	vsel vm5, v54, v5;
	v31 =	vmpcnt.ones.xlane vm4  }
0x8a: {  	v6 =	vsel vm5, v55, v6;
	vm4 =	vlt.s32 v5, s1;
	vm5 =	vge.f32 v30, $5.000000000e-01  }
0x8b: {  	v56 =	vnsel vm4, s1, v5;
	vm4 =	vgt.s32 v6, s1;
	vm10 =	vgt.s32 v31, $0x0  }
0x8c: {  	s17 =	sor.u32 $0x5, s29;
	v58 =	vmpcnt.ones.xlane vm5;
	v57 =	vnsel vm4, s1, v6;
	v5 =	vsel vm10, v56, v5  }
0x8d: {  	v10 =	vmax.f32 v10, v11;
	v6 =	vsel vm10, v57, v6;
	vm5 =	vlt.s32 v5, s17  }
0x8e: {  	vm4 =	vgt.s32 v58, $0x0;
	v59 =	vnsel vm5, s17, v5;
	vm5 =	vgt.s32 v6, s17  }
0x8f: {  	v24 =	vmax.f32 v24, v22;
	s30 =	sor.u32 $0x6, s29;
	v5 =	vsel vm4, v59, v5;
	v61 =	vnsel vm5, s17, v6  }
0x90: {  	vm14 =	vge.f32 v24, $5.000000000e-01;
	v6 =	vsel vm4, v61, v6;
	vm5 =	vlt.s32 v5, s30  }
0x91: {  	vm4 =	vgt.s32 v60, $0x0;
	v62 =	vnsel vm5, s30, v5;
	vm5 =	vgt.s32 v6, s30  }
0x92: {  	v21 =	vmax.f32 v21, v23;
	s31 =	sor.u32 $0x7, s29;
	v5 =	vsel vm4, v62, v5;
	v63 =	vnsel vm5, s30, v6  }
0x93: {  	v39 =	vmpcnt.ones.xlane vm14;
	v6 =	vsel vm4, v63, v6;
	vm4 =	vlt.s32 v5, s31  }
0x94: {  	vm15 =	vge.f32 v21, $5.000000000e-01;
	v33 =	vnsel vm4, s31, v5;
	vm4 =	vgt.s32 v6, s31  }
0x95: {  	vm5 =	vgt.s32 v32, $0x0;
	v34 =	vnsel vm4, s31, v6;
	vm4 =	vge.f32 v27, $5.000000000e-01  }
0x96: {  	v18 =	vmax.f32 v18, v25;
	s1 =	sor.u32 $0x8, s29;
	v5 =	vsel vm5, v33, v5;
	v27 =	vmpcnt.ones.xlane vm4  }
0x97: {  	v43 =	vld [tilespmem:s28+$0x1280];
	v6 =	vsel vm5, v34, v6;
	vm4 =	vlt.s32 v5, s1;
	vm5 =	vge.f32 v26, $5.000000000e-01  }
0x98: {  	v35 =	vnsel vm4, s1, v5;
	vm4 =	vgt.s32 v6, s1;
	vm13 =	vgt.s32 v27, $0x0  }
0x99: {  	s17 =	sor.u32 $0x9, s29;
	v37 =	vmpcnt.ones.xlane vm5;
	v36 =	vnsel vm4, s1, v6;
	v5 =	vsel vm13, v35, v5  }
0x9a: {  	v44 =	vmpcnt.ones.xlane vm15;
	v51 =	vld [tilespmem:s28+$0x1300];
	v6 =	vsel vm13, v36, v6;
	vm5 =	vlt.s32 v5, s17  }
0x9b: {  	vm4 =	vgt.s32 v37, $0x0;
	v38 =	vnsel vm5, s17, v5;
	vm5 =	vgt.s32 v6, s17  }
0x9c: {  	v15 =	vmax.f32 v15, v43;
	s30 =	sor.u32 $0xA, s29;
	v5 =	vsel vm4, v38, v5;
	v40 =	vnsel vm5, s17, v6  }
0x9d: {  	v55 =	vmax.f32 v16, v17;
	v6 =	vsel vm4, v40, v6;
	vm5 =	vlt.s32 v5, s30  }
0x9e: {  	vm4 =	vgt.s32 v39, $0x0;
	v41 =	vnsel vm5, s30, v5;
	vm5 =	vgt.s32 v6, s30  }
0x9f: {  	v8 =	vmax.f32 v8, v51;
	s31 =	sor.u32 $0xB, s29;
	v42 =	vnsel vm5, s30, v6;
	v5 =	vsel vm4, v41, v5  }
0xa0: {  	v9 =	vmax.f32 v9, v55;
	v6 =	vsel vm4, v42, v6;
	vm4 =	vlt.s32 v5, s31  }
0xa1: {  	v52 =	vld [tilespmem:s28+$0x1380];
	vm5 =	vgt.s32 v44, $0x0;
	v45 =	vnsel vm4, s31, v5;
	vm4 =	vgt.s32 v6, s31  }
0xa2: {  	s1 =	sor.u32 $0xC, s29;
	v5 =	vsel vm5, v45, v5;
	v46 =	vnsel vm4, s31, v6;
	vm4 =	vge.f32 v18, $5.000000000e-01  }
0xa3: {  	v6 =	vsel vm5, v46, v6;
	v18 =	vmpcnt.ones.xlane vm4;
	vm4 =	vlt.s32 v5, s1  }
0xa4: {  	v9 =	vmax.f32 v10, v9;
	v47 =	vnsel vm4, s1, v5;
	vm4 =	vgt.s32 v6, s1  }
0xa5: {  	vm5 =	vgt.s32 v18, $0x0;
	v48 =	vnsel vm4, s1, v6;
	vm4 =	vge.f32 v15, $5.000000000e-01  }
0xa6: {  	v7 =	vmax.f32 v7, v52;
	s17 =	sor.u32 $0xD, s29;
	v5 =	vsel vm5, v47, v5;
	v15 =	vmpcnt.ones.xlane vm4  }
0xa7: {  	v56 =	vmax.f32 v19, v20;
	v6 =	vsel vm5, v48, v6;
	vm4 =	vlt.s32 v5, s17  }
0xa8: {  	vm5 =	vgt.s32 v6, s17;
	v49 =	vnsel vm4, s17, v5;
	vm4 =	vgt.s32 v15, $0x0  }
0xa9: {  	v57 =	vmax.f32 v22, v23;
	s30 =	sor.u32 $0xE, s29;
	v50 =	vnsel vm5, s17, v6;
	v5 =	vsel vm4, v49, v5  }
0xaa: {  	v58 =	vmax.f32 v25, v43;
	s31 =	sadd.s32 $0x10, s26;
	v6 =	vsel vm4, v50, v6;
	vm4 =	vlt.s32 v5, s30  }
0xab: {  	v60 =	vmax.f32 v51, v52;
	v59 =	vld [tilespmem:s31+$0x0];
	v53 =	vnsel vm4, s30, v5;
	vm4 =	vge.f32 v8, $5.000000000e-01  }
0xac: {  	s25 =	sadd.s32 $0x1, s25;
	v61 =	vmax.f32 v58, v60;
	vm5 =	vgt.s32 v6, s30;
	v62 =	vmpcnt.ones.xlane vm4  }
0xad: {  	p0 =	sne.s32 s25, $0x4;
	v54 =	vnsel vm5, s30, v6;
	v8 =	vmax.f32 v56, v57;
	vm5 =	vge.f32 v7, $5.000000000e-01  }
.Ltmp1:
0xae: {  	v8 =	vmax.f32 v8, v61;
	v7 =	vmpcnt.ones.xlane vm5;
	vm4 =	vgt.s32 v62, $0x0;
	(pc) =	sbr.rel @p0 .LBB2_3-.Ltmp1, $4  }
0xaf: {  	s1 =	sor.u32 $0xF, s29;
	v8 =	vmax.f32 v9, v8;
	v5 =	vsel vm4, v53, v5;
	v6 =	vsel vm4, v54, v6  }
0xb0: {  	v8 =	vmax.f32 v59, v8;
	vm4 =	vlt.s32 v5, s1;
	vm5 =	vgt.s32 v6, s1  }
0xb1: {  	v63 =	vnsel vm4, s1, v5;
	vm4 =	vgt.s32 v7, $0x0;
	v7 =	vnsel vm5, s1, v6  }
0xb2: {  	[tilespmem:s31+$0x0] =	vst v8;
	v5 =	vsel vm4, v63, v5;
	v6 =	vsel vm4, v7, v6  }
0xb3: {  	s0 =	smin.u32 s22, $0x2FD  }
0xb4: {  	s0 =	sshll.u32 s0, $0xC  }
0xb5: {  	s22 =	simm.s32 $0x0;
	s0 =	sadd.s32 s0, s6  }
0xb6: {  	[tilespmem:s22], [sflag:$0x1] =	stream.linear.gather [hbm4b:s0+s22], $0x8000, $0x38;
	[tilespmem:$0x10280] =	vst v63  }
0xb7: {  	_ =	swait.ge [sflag:s16], $0x8000  }
0xb8: {  	s21 =	sand.u32 $0x6, s21;
	[sflag:s16] =	ssyncset.done $0x0  }
0xb9: {  	s24 =	simm.s32 $0x0;
	s23 =	sshll.u32 s21, $0x6;
	[sflag:s16] =	ssyncadd.s32 $0xFFFF8000  }
.LBB2_7:
0xba: {  	s0 =	sshll.u32 s24, $0xD  }
0xbb: {  	s0 =	sand.u32 $0x3FFFE000, s0  }
0xbc: {  	s1 =	sand.u32 $0xC00, s22;
	s28 =	sadd.s32 $0x8000, s0  }
0xbd: {  	s17 =	sand.u32 $0x70, s22;
	s25 =	sadd.s32 s1, s28  }
0xbe: {  	s25 =	sadd.s32 s17, s25  }
0xbf: {  	v7 =	vld [tilespmem:s25+$0x80]  }
0xc0: {  	v8 =	vld [tilespmem:s25+$0x0]  }
0xc1: {  	v12 =	vld [tilespmem:s25+$0x100]  }
0xc2: {  	v15 =	vld [tilespmem:s25+$0x180]  }
0xc3: {  	v16 =	vld [tilespmem:s25+$0x200]  }
0xc4: {  	s29 =	sadd.s32 $0x9000, s0;
	v17 =	vld [tilespmem:s25+$0x280]  }
0xc5: {  	s0 =	sadd.s32 s1, s29;
	v18 =	vld [tilespmem:s25+$0x300]  }
0xc6: {  	s0 =	sadd.s32 s17, s0;
	v19 =	vld [tilespmem:s25+$0x380]  }
0xc7: {  	v20 =	vld [tilespmem:s0+$0x0]  }
0xc8: {  	v21 =	vld [tilespmem:s25+$0x1080]  }
0xc9: {  	v22 =	vld [tilespmem:s25+$0x1100]  }
0xca: {  	v23 =	vld [tilespmem:s25+$0x1180]  }
0xcb: {  	v25 =	vld [tilespmem:s25+$0x1200]  }
0xcc: {  	v28 =	vld [tilespmem:s25+$0x1280]  }
0xcd: {  	v29 =	vld [tilespmem:s25+$0x1300]  }
0xce: {  	v30 =	vld [tilespmem:s25+$0x1380];
	_ =	sdelay $0x2  }
0xcf: {  	s25 =	simm.s32 $0x10000;
	v9 =	vmax.f32 v8, v7;
	v10 =	vmax.f32 v12, v15;
	v11 =	vmax.f32 v16, v17  }
0xd0: {  	v13 =	vmax.f32 v18, v19;
	v14 =	vmax.f32 v20, v21;
	v9 =	vmax.f32 v9, v10;
	v10 =	vld [tilespmem:s25+$0x0]  }
0xd1: {  	v24 =	vmax.f32 v22, v23;
	v26 =	vmax.f32 v25, v28;
	v27 =	vmax.f32 v29, v30  }
0xd2: {  	v11 =	vmax.f32 v11, v13;
	v13 =	vmax.f32 v14, v24;
	v14 =	vmax.f32 v26, v27  }
0xd3: {  	s30 =	simm.s32 $0x80;
	v9 =	vmax.f32 v9, v11;
	v11 =	vmax.f32 v13, v14  }
0xd4: {  	s26 =	simm.s32 $0x10;
	s1 =	sand.u32 $0xC00, s30;
	v9 =	vmax.f32 v9, v11  }
0xd5: {  	s31 =	sadd.s32 s1, s28;
	s0 =	sand.u32 $0x70, s26;
	v9 =	vmax.f32 v10, v9  }
0xd6: {  	s26 =	sadd.s32 s0, s31;
	[tilespmem:s25+$0x0] =	vst v9  }
0xd7: {  	v10 =	vld [tilespmem:s26+$0x80]  }
0xd8: {  	v13 =	vld [tilespmem:s26+$0x0]  }
0xd9: {  	v11 =	vld [tilespmem:s26+$0x100]  }
0xda: {  	v14 =	vld [tilespmem:s26+$0x180]  }
0xdb: {  	v31 =	vimm.f32 $-Inf;
	v9 =	vld [tilespmem:s26+$0x200]  }
0xdc: {  	v32 =	vmax.f32 v31, v7;
	v33 =	vmax.f32 v31, v8;
	v36 =	vmax.f32 v31, v12;
	v12 =	vld [tilespmem:s26+$0x280]  }
0xdd: {  	s1 =	sadd.s32 s1, s29;
	v37 =	vmax.f32 v31, v15;
	v38 =	vmax.f32 v31, v16;
	v39 =	vmax.f32 v31, v17;
	v16 =	vld [tilespmem:s26+$0x300]  }
0xde: {  	s0 =	sadd.s32 s0, s1;
	v40 =	vmax.f32 v31, v18;
	v41 =	vmax.f32 v31, v19;
	v18 =	vmax.f32 v31, v25;
	v17 =	vld [tilespmem:s26+$0x380]  }
0xdf: {  	v15 =	vmax.f32 v31, v28;
	v8 =	vmax.f32 v31, v29;
	v7 =	vmax.f32 v31, v30;
	v19 =	vld [tilespmem:s0+$0x0]  }
0xe0: {  	v27 =	vmax.f32 v31, v20;
	v26 =	vmax.f32 v31, v21;
	v24 =	vmax.f32 v31, v22;
	v20 =	vld [tilespmem:s26+$0x1080]  }
0xe1: {  	v21 =	vmax.f32 v31, v23;
	v22 =	vld [tilespmem:s26+$0x1100];
	v34 =	vmax.f32 v32, v10;
	v35 =	vmax.f32 v33, v13  }
0xe2: {  	v23 =	vld [tilespmem:s26+$0x1180];
	v33 =	vmax.f32 v36, v11;
	v32 =	vmax.f32 v37, v14;
	v31 =	vmax.f32 v38, v9  }
0xe3: {  	v25 =	vld [tilespmem:s26+$0x1200];
	s0 =	simm.s32 $0x20;
	v30 =	vmax.f32 v39, v12;
	v29 =	vmax.f32 v40, v16;
	v28 =	vmax.f32 v41, v17  }
.LBB2_8:
0xe4: {  	p0 =	sne.s32 s0, $0x1F0;
	v36 =	vld [tilespmem:s26+$0x1280];
	v27 =	vmax.f32 v27, v19  }
0xe5: {  	v37 =	vld [tilespmem:s26+$0x1300];
	v26 =	vmax.f32 v26, v20  }
0xe6: {  	v38 =	vld [tilespmem:s26+$0x1380];
	v24 =	vmax.f32 v24, v22  }
0xe7: {  	v21 =	vmax.f32 v21, v23  }
0xe8: {  	v10 =	vmax.f32 v13, v10;
	v11 =	vmax.f32 v11, v14;
	v18 =	vmax.f32 v18, v25  }
0xe9: {  	s25 =	sadd.s32 $0x10, s25;
	v10 =	vmax.f32 v10, v11;
	v15 =	vmax.f32 v15, v36  }
0xea: {  	v9 =	vmax.f32 v9, v12;
	v12 =	vmax.f32 v16, v17;
	v13 =	vmax.f32 v19, v20;
	v11 =	vld [tilespmem:s25+$0x0]  }
0xeb: {  	v14 =	vmax.f32 v22, v23;
	v16 =	vmax.f32 v25, v36;
	v17 =	vmax.f32 v37, v38  }
0xec: {  	v9 =	vmax.f32 v9, v12;
	v12 =	vmax.f32 v13, v14;
	v13 =	vmax.f32 v16, v17  }
0xed: {  	s30 =	sadd.s32 $0x80, s30;
	v9 =	vmax.f32 v10, v9;
	v8 =	vmax.f32 v8, v37;
	v10 =	vmax.f32 v12, v13  }
0xee: {  	s1 =	sand.u32 $0xC00, s30;
	v7 =	vmax.f32 v7, v38;
	v9 =	vmax.f32 v9, v10  }
0xef: {  	s17 =	sand.u32 $0x70, s0;
	s26 =	sadd.s32 s1, s28;
	v9 =	vmax.f32 v11, v9  }
0xf0: {  	s26 =	sadd.s32 s17, s26;
	[tilespmem:s25+$0x0] =	vst v9  }
0xf1: {  	v10 =	vld [tilespmem:s26+$0x80]  }
0xf2: {  	v13 =	vld [tilespmem:s26+$0x0]  }
0xf3: {  	v11 =	vld [tilespmem:s26+$0x100]  }
0xf4: {  	v14 =	vld [tilespmem:s26+$0x180]  }
0xf5: {  	v9 =	vld [tilespmem:s26+$0x200]  }
0xf6: {  	v12 =	vld [tilespmem:s26+$0x280];
	v34 =	vmax.f32 v34, v10  }
0xf7: {  	s1 =	sadd.s32 s1, s29;
	v16 =	vld [tilespmem:s26+$0x300];
	v35 =	vmax.f32 v35, v13  }
0xf8: {  	s1 =	sadd.s32 s17, s1;
	v17 =	vld [tilespmem:s26+$0x380];
	v33 =	vmax.f32 v33, v11  }
.Ltmp2:
0xf9: {  	v19 =	vld [tilespmem:s1+$0x0];
	v32 =	vmax.f32 v32, v14;
	(pc) =	sbr.rel @p0 .LBB2_8-.Ltmp2, $4  }
0xfa: {  	v20 =	vld [tilespmem:s26+$0x1080];
	v31 =	vmax.f32 v31, v9  }
0xfb: {  	v22 =	vld [tilespmem:s26+$0x1100];
	v30 =	vmax.f32 v30, v12  }
0xfc: {  	v23 =	vld [tilespmem:s26+$0x1180];
	v29 =	vmax.f32 v29, v16  }
0xfd: {  	s0 =	sadd.s32 $0x10, s0;
	v25 =	vld [tilespmem:s26+$0x1200];
	v28 =	vmax.f32 v28, v17  }
0xfe: {  	s0 =	sshll.u32 s24, $0x4;
	vm4 =	vge.f32 v35, $5.000000000e-01  }
0xff: {  	vm5 =	vge.f32 v34, $5.000000000e-01;
	vm15 =	vge.f32 v33, $5.000000000e-01;
	vm9 =	vge.f32 v32, $5.000000000e-01;
	s28 =	sadd.s32 s23, s0  }
0x100: {  	vm11 =	vge.f32 v29, $5.000000000e-01;
	v27 =	vmax.f32 v27, v19;
	v35 =	vmpcnt.ones.xlane vm4;
	s0 =	sor.u32 $0x40, s28  }
0x101: {  	vm12 =	vge.f32 v28, $5.000000000e-01;
	v10 =	vmax.f32 v13, v10;
	vm4 =	vlt.s32 v5, s0  }
0x102: {  	vm6 =	vgt.s32 v35, $0x0;
	v36 =	vnsel vm4, s0, v5;
	vm4 =	vgt.s32 v6, s0  }
0x103: {  	v47 =	vmpcnt.ones.xlane vm5;
	s1 =	sor.u32 $0x41, s28;
	v46 =	vnsel vm4, s0, v6;
	v5 =	vsel vm6, v36, v5  }
0x104: {  	v11 =	vmax.f32 v11, v14;
	v6 =	vsel vm6, v46, v6;
	vm5 =	vlt.s32 v5, s1  }
0x105: {  	vm4 =	vgt.s32 v47, $0x0;
	v48 =	vnsel vm5, s1, v5;
	vm5 =	vgt.s32 v6, s1  }
0x106: {  	v49 =	vmpcnt.ones.xlane vm15;
	s17 =	sor.u32 $0x42, s28;
	v5 =	vsel vm4, v48, v5;
	v50 =	vnsel vm5, s1, v6  }
0x107: {  	v9 =	vmax.f32 v9, v12;
	v6 =	vsel vm4, v50, v6;
	vm5 =	vlt.s32 v5, s17  }
0x108: {  	vm4 =	vgt.s32 v49, $0x0;
	v51 =	vnsel vm5, s17, v5;
	vm5 =	vgt.s32 v6, s17  }
0x109: {  	v53 =	vmpcnt.ones.xlane vm9;
	s29 =	sor.u32 $0x43, s28;
	v5 =	vsel vm4, v51, v5;
	v52 =	vnsel vm5, s17, v6  }
0x10a: {  	v60 =	vmpcnt.ones.xlane vm11;
	v6 =	vsel vm4, v52, v6;
	vm4 =	vlt.s32 v5, s29  }
0x10b: {  	v32 =	vmpcnt.ones.xlane vm12;
	v54 =	vnsel vm4, s29, v5;
	vm4 =	vgt.s32 v6, s29  }
0x10c: {  	vm5 =	vgt.s32 v53, $0x0;
	v55 =	vnsel vm4, s29, v6;
	vm4 =	vge.f32 v31, $5.000000000e-01  }
0x10d: {  	v26 =	vmax.f32 v26, v20;
	s30 =	sor.u32 $0x44, s28;
	v5 =	vsel vm5, v54, v5;
	v31 =	vmpcnt.ones.xlane vm4  }
0x10e: {  	v6 =	vsel vm5, v55, v6;
	vm4 =	vlt.s32 v5, s30;
	vm5 =	vge.f32 v30, $5.000000000e-01  }
0x10f: {  	v56 =	vnsel vm4, s30, v5;
	vm4 =	vgt.s32 v6, s30;
	vm10 =	vgt.s32 v31, $0x0  }
0x110: {  	s31 =	sor.u32 $0x45, s28;
	v58 =	vmpcnt.ones.xlane vm5;
	v57 =	vnsel vm4, s30, v6;
	v5 =	vsel vm10, v56, v5  }
0x111: {  	v10 =	vmax.f32 v10, v11;
	v6 =	vsel vm10, v57, v6;
	vm5 =	vlt.s32 v5, s31  }
0x112: {  	vm4 =	vgt.s32 v58, $0x0;
	v59 =	vnsel vm5, s31, v5;
	vm5 =	vgt.s32 v6, s31  }
0x113: {  	v24 =	vmax.f32 v24, v22;
	s1 =	sor.u32 $0x46, s28;
	v5 =	vsel vm4, v59, v5;
	v61 =	vnsel vm5, s31, v6  }
0x114: {  	vm14 =	vge.f32 v24, $5.000000000e-01;
	v6 =	vsel vm4, v61, v6;
	vm5 =	vlt.s32 v5, s1  }
0x115: {  	vm4 =	vgt.s32 v60, $0x0;
	v62 =	vnsel vm5, s1, v5;
	vm5 =	vgt.s32 v6, s1  }
0x116: {  	v21 =	vmax.f32 v21, v23;
	s17 =	sor.u32 $0x47, s28;
	v5 =	vsel vm4, v62, v5;
	v63 =	vnsel vm5, s1, v6  }
0x117: {  	v39 =	vmpcnt.ones.xlane vm14;
	v6 =	vsel vm4, v63, v6;
	vm4 =	vlt.s32 v5, s17  }
0x118: {  	vm15 =	vge.f32 v21, $5.000000000e-01;
	v33 =	vnsel vm4, s17, v5;
	vm4 =	vgt.s32 v6, s17  }
0x119: {  	vm5 =	vgt.s32 v32, $0x0;
	v34 =	vnsel vm4, s17, v6;
	vm4 =	vge.f32 v27, $5.000000000e-01  }
0x11a: {  	v18 =	vmax.f32 v18, v25;
	s29 =	sor.u32 $0x48, s28;
	v5 =	vsel vm5, v33, v5;
	v27 =	vmpcnt.ones.xlane vm4  }
0x11b: {  	v43 =	vld [tilespmem:s26+$0x1280];
	v6 =	vsel vm5, v34, v6;
	vm4 =	vlt.s32 v5, s29;
	vm5 =	vge.f32 v26, $5.000000000e-01  }
0x11c: {  	v35 =	vnsel vm4, s29, v5;
	vm4 =	vgt.s32 v6, s29;
	vm13 =	vgt.s32 v27, $0x0  }
0x11d: {  	s30 =	sor.u32 $0x49, s28;
	v37 =	vmpcnt.ones.xlane vm5;
	v36 =	vnsel vm4, s29, v6;
	v5 =	vsel vm13, v35, v5  }
0x11e: {  	v44 =	vmpcnt.ones.xlane vm15;
	v51 =	vld [tilespmem:s26+$0x1300];
	v6 =	vsel vm13, v36, v6;
	vm5 =	vlt.s32 v5, s30  }
0x11f: {  	vm4 =	vgt.s32 v37, $0x0;
	v38 =	vnsel vm5, s30, v5;
	vm5 =	vgt.s32 v6, s30  }
0x120: {  	v15 =	vmax.f32 v15, v43;
	s31 =	sor.u32 $0x4A, s28;
	v5 =	vsel vm4, v38, v5;
	v40 =	vnsel vm5, s30, v6  }
0x121: {  	v55 =	vmax.f32 v16, v17;
	v6 =	vsel vm4, v40, v6;
	vm5 =	vlt.s32 v5, s31  }
0x122: {  	vm4 =	vgt.s32 v39, $0x0;
	v41 =	vnsel vm5, s31, v5;
	vm5 =	vgt.s32 v6, s31  }
0x123: {  	v8 =	vmax.f32 v8, v51;
	s1 =	sor.u32 $0x4B, s28;
	v42 =	vnsel vm5, s31, v6;
	v5 =	vsel vm4, v41, v5  }
0x124: {  	v9 =	vmax.f32 v9, v55;
	v6 =	vsel vm4, v42, v6;
	vm4 =	vlt.s32 v5, s1  }
0x125: {  	v52 =	vld [tilespmem:s26+$0x1380];
	vm5 =	vgt.s32 v44, $0x0;
	v45 =	vnsel vm4, s1, v5;
	vm4 =	vgt.s32 v6, s1  }
0x126: {  	s17 =	sor.u32 $0x4C, s28;
	v5 =	vsel vm5, v45, v5;
	v46 =	vnsel vm4, s1, v6;
	vm4 =	vge.f32 v18, $5.000000000e-01  }
0x127: {  	v6 =	vsel vm5, v46, v6;
	v18 =	vmpcnt.ones.xlane vm4;
	vm4 =	vlt.s32 v5, s17  }
0x128: {  	v9 =	vmax.f32 v10, v9;
	v47 =	vnsel vm4, s17, v5;
	vm4 =	vgt.s32 v6, s17  }
0x129: {  	vm5 =	vgt.s32 v18, $0x0;
	v48 =	vnsel vm4, s17, v6;
	vm4 =	vge.f32 v15, $5.000000000e-01  }
0x12a: {  	v7 =	vmax.f32 v7, v52;
	s29 =	sor.u32 $0x4D, s28;
	v5 =	vsel vm5, v47, v5;
	v15 =	vmpcnt.ones.xlane vm4  }
0x12b: {  	v56 =	vmax.f32 v19, v20;
	v6 =	vsel vm5, v48, v6;
	vm4 =	vlt.s32 v5, s29  }
0x12c: {  	vm5 =	vgt.s32 v6, s29;
	v49 =	vnsel vm4, s29, v5;
	vm4 =	vgt.s32 v15, $0x0  }
0x12d: {  	v57 =	vmax.f32 v22, v23;
	s30 =	sor.u32 $0x4E, s28;
	v50 =	vnsel vm5, s29, v6;
	v5 =	vsel vm4, v49, v5  }
0x12e: {  	v58 =	vmax.f32 v25, v43;
	s31 =	sadd.s32 $0x10, s25;
	v6 =	vsel vm4, v50, v6;
	vm4 =	vlt.s32 v5, s30  }
0x12f: {  	v60 =	vmax.f32 v51, v52;
	v59 =	vld [tilespmem:s31+$0x0];
	v53 =	vnsel vm4, s30, v5;
	vm4 =	vge.f32 v8, $5.000000000e-01  }
0x130: {  	s24 =	sadd.s32 $0x1, s24;
	v61 =	vmax.f32 v58, v60;
	vm5 =	vgt.s32 v6, s30;
	v62 =	vmpcnt.ones.xlane vm4  }
0x131: {  	p0 =	sne.s32 s24, $0x4;
	v54 =	vnsel vm5, s30, v6;
	v8 =	vmax.f32 v56, v57;
	vm5 =	vge.f32 v7, $5.000000000e-01  }
.Ltmp3:
0x132: {  	v8 =	vmax.f32 v8, v61;
	v7 =	vmpcnt.ones.xlane vm5;
	vm4 =	vgt.s32 v62, $0x0;
	(pc) =	sbr.rel @p0 .LBB2_7-.Ltmp3, $4  }
0x133: {  	s1 =	sor.u32 $0x4F, s28;
	v8 =	vmax.f32 v9, v8;
	v5 =	vsel vm4, v53, v5;
	v6 =	vsel vm4, v54, v6  }
0x134: {  	v8 =	vmax.f32 v59, v8;
	vm4 =	vlt.s32 v5, s1;
	vm5 =	vgt.s32 v6, s1  }
0x135: {  	v63 =	vnsel vm4, s1, v5;
	vm4 =	vgt.s32 v7, $0x0;
	v7 =	vnsel vm5, s1, v6  }
0x136: {  	[tilespmem:s31+$0x0] =	vst v8;
	v5 =	vsel vm4, v63, v5;
	v6 =	vsel vm4, v7, v6  }
0x137: {  	s0 =	simm.s32 $0x10000  }
0x138: {  	v10 =	vld [tilespmem:s0+$0x0];
	_ =	sdelay $0x2  }
0x139: {  	s31 =	simm.s32 $0x10010  }
0x13a: {  	v9 =	vld [tilespmem:s31+$0x0]  }
0x13b: {  	v11 =	vperm.xlane v10, v2  }
0x13c: {  	v7 =	vimm.s32 $0x200  }
0x13d: {  	v8 =	vimm.s32 $0xFFFFFFFF;
	s22 =	simm.s32 $0x0;
	vm5 =	vge.f32 v10, $5.000000000e-01;
	vm4 =	vge.f32 v11, $5.000000000e-01  }
0x13e: {  	v12 =	vmov s22;
	v10 =	vmctz.xlane vm5;
	v11 =	vmctz.xlane vm4  }
0x13f: {  	s23 =	simm.s32 $0x20;
	s24 =	simm.s32 $0x10020;
	s0 =	simm.s32 $0x10;
	v12 =	vor.u32 $0xF, v12;
	vm5 =	vmmov vm5;
	vm4 =	vge.f32 v9, $5.000000000e-01  }
.LBB2_11:
0x140: {  	v13 =	vld [tilespmem:s24+$0x0];
	v14 =	vmpcnt.ones.xlane vm5;
	v10 =	vadd.s32 s22, v10;
	v11 =	vsub.s32 v12, v11;
	s22 =	smov.u32 s0;
	s0 =	smov.u32 s23;
	p0 =	sne.s32 s23, $0x1F0  }
.Ltmp4:
0x141: {  	v9 =	vperm.xlane v9, v2;
	vm5 =	vlt.s32 v7, v10;
	vm6 =	vgt.s32 v8, v11;
	(pc) =	sbr.rel @p0 .LBB2_11-.Ltmp4, $4  }
0x142: {  	s23 =	sadd.s32 $0x10, s23;
	vm7 =	vgt.s32 v14, $0x0;
	v10 =	vsel vm5, v7, v10;
	v11 =	vsel vm6, v8, v11  }
0x143: {  	vm5 =	vge.f32 v9, $5.000000000e-01;
	v7 =	vsel vm7, v10, v7;
	v8 =	vsel vm7, v11, v8  }
0x144: {  	v14 =	vmov s22;
	v10 =	vmctz.xlane vm4;
	v11 =	vmctz.xlane vm5  }
0x145: {  	s24 =	sadd.s32 $0x10, s24;
	v12 =	vor.u32 $0xF, v14;
	vm5 =	vmmov vm4;
	v9 =	vmovc v13;
	vm4 =	vge.f32 v13, $5.000000000e-01  }
0x146: {  	p0 =	sne.s32 s21, $0x6  }
0x147: {  	v13 =	vimm.f32 @!p0 $-Inf  }
0x148: {  	[tilespmem:$0x10000] =	vst @!p0 v13  }
0x149: {  	[tilespmem:$0x10010] =	vst @!p0 v13  }
0x14a: {  	[tilespmem:$0x10020] =	vst @!p0 v13  }
0x14b: {  	[tilespmem:$0x10030] =	vst @!p0 v13  }
0x14c: {  	[tilespmem:$0x10040] =	vst @!p0 v13  }
0x14d: {  	[tilespmem:$0x10050] =	vst @!p0 v13  }
0x14e: {  	[tilespmem:$0x10060] =	vst @!p0 v13  }
0x14f: {  	[tilespmem:$0x10070] =	vst @!p0 v13  }
0x150: {  	[tilespmem:$0x10080] =	vst @!p0 v13  }
0x151: {  	[tilespmem:$0x10090] =	vst @!p0 v13  }
0x152: {  	[tilespmem:$0x100A0] =	vst @!p0 v13  }
0x153: {  	[tilespmem:$0x100B0] =	vst @!p0 v13  }
0x154: {  	[tilespmem:$0x100C0] =	vst @!p0 v13  }
0x155: {  	v11 =	vsub.s32 v12, v11;
	[tilespmem:$0x100D0] =	vst @!p0 v13  }
0x156: {  	v53 =	vmpcnt.ones.xlane vm5;
	v10 =	vadd.s32 s22, v10;
	v9 =	vperm.xlane v9, v2;
	[tilespmem:$0x100E0] =	vst @!p0 v13  }
0x157: {  	v54 =	vmov s0;
	v55 =	vmctz.xlane vm4;
	vm4 =	vmmov vm4;
	[tilespmem:$0x100F0] =	vst @!p0 v13  }
0x158: {  	s30 =	sand.u32 $0xC, s20;
	v59 =	vadd.s32 $0x1, v6;
	s31 =	sor.u32 $0x3, s20;
	vm5 =	vlt.s32 v7, v10;
	vm6 =	vgt.s32 v8, v11;
	[tilespmem:$0x10100] =	vst @!p0 v13  }
0x159: {  	v56 =	vmpcnt.ones.xlane vm4;
	v60 =	vmov s30;
	v63 =	vmov s31;
	[tilespmem:$0x10110] =	vst @!p0 v13  }
0x15a: {  	vm7 =	vgt.s32 v53, $0x0;
	v11 =	vsel vm6, v8, v11;
	vm12 =	vge.f32 v9, $5.000000000e-01;
	[tilespmem:$0x10120] =	vst @!p0 v13  }
0x15b: {  	s1 =	sor.u32 $0x1, s30;
	v10 =	vsel vm5, v7, v10;
	[tilespmem:$0x10130] =	vst @!p0 v13;
	v57 =	vadd.s32 s0, v55;
	vm6 =	vmmov vm0  }
0x15c: {  	[tilespmem:$0x10140] =	vst @!p0 v13;
	v61 =	vmov s1;
	vm15 =	veq.s32 v63, v0;
	v8 =	vsel vm7, v11, v8  }
0x15d: {  	p1 =	seq.s32 s21, $0x6;
	[tilespmem:$0x10150] =	vst @!p0 v13;
	v9 =	vmctz.xlane vm12;
	v11 =	vor.u32 $0xF, v54;
	v7 =	vsel vm7, v10, v7  }
0x15e: {  	[tilespmem:$0x10160] =	vst @!p0 v13;
	vm13 =	vgt.s32 v56, $0x0;
	vm6 =	vmneg @p1 vm6;
	vm5 =	vlt.s32 v7, v57  }
0x15f: {  	[tilespmem:$0x10170] =	vst @!p0 v13;
	v9 =	vsub.s32 v11, v9;
	v10 =	vsel vm5, v7, v57;
	vm5 =	vgt.s32 v6, $0xFFFFFFFF  }
0x160: {  	[tilespmem:$0x10180] =	vst @!p0 v13;
	vm4 =	vgt.s32 v8, v9;
	v7 =	vsel vm13, v10, v7;
	v58 =	vnsel vm5, $0x0, v5  }
0x161: {  	s20 =	sadd.s32 $0x1, s20;
	[tilespmem:$0x10190] =	vst @!p0 v13;
	s0 =	sor.u32 $0x2, s30;
	v10 =	vnsel vm5, $0x200, v59;
	vm5 =	veq.s32 v60, v0;
	v9 =	vsel vm4, v8, v9  }
0x162: {  	[tilespmem:$0x101A0] =	vst @!p0 v13;
	v62 =	vmov s0;
	p1 =	sne.s32 s20, $0xC;
	vm5 =	vmand vm5, vm6;
	v8 =	vsel vm13, v9, v8  }
.Ltmp5:
0x163: {  	[tilespmem:$0x101B0] =	vst @!p0 v13;
	v4 =	vsel vm5, v58, v4;
	vm5 =	veq.s32 v61, v0;
	vm4 =	vgt.s32 v8, $0xFFFFFFFF;
	(pc) =	sbr.rel @p1 .LBB2_2-.Ltmp5, $4  }
0x164: {  	[tilespmem:$0x101C0] =	vst @!p0 v13;
	vm14 =	veq.s32 v62, v0;
	vm5 =	vmand vm6, vm5;
	v7 =	vnsel vm4, $0x0, v7  }
0x165: {  	[tilespmem:$0x101D0] =	vst @!p0 v13;
	v8 =	vadd.s32 $0x1, v8;
	v4 =	vsel vm5, v7, v4;
	vm5 =	vmand vm6, vm14  }
0x166: {  	[tilespmem:$0x101E0] =	vst @!p0 v13;
	v7 =	vnsel vm4, $0x200, v8;
	vm4 =	vmand vm15, vm6;
	v4 =	vsel vm5, v10, v4  }
0x167: {  	[tilespmem:$0x101F0] =	vst @!p0 v13;
	v6 =	vpsel !p0, $0xFFFFFFFF, v6;
	v5 =	vpsel !p0, $0x200, v5;
	v4 =	vsel vm4, v7, v4  }
0x168: {  	_ =	swait.ge [sflag:s15], $0x8000  }
0x169: {  	[sflag:s15] =	ssyncset.done $0x0  }
0x16a: {  	s20 =	simm.s32 $0x0;
	[sflag:s15] =	ssyncadd.s32 $0xFFFF8000  }
0x16b: {  	[tilespmem:s20], [sflag:$0x1] =	stream.linear.gather [hbm4b:s7+s20], $0x8000, $0x38;
	[tilespmem:$0x10280] =	vst v63  }
0x16c: {  	_ = 	snop  }
0x16d: {  	[tilespmem:s14], [sflag:$0x2] =	stream.linear.gather [hbm4b:s8+s20], $0x8000, $0x38;
	[tilespmem:$0x10280] =	vst v63  }
0x16e: {  	_ =	swait.ge [sflag:s15], $0x8000  }
0x16f: {  	[sflag:s15] =	ssyncset.done $0x0  }
0x170: {  	v6 =	vimm.s32 $0x200;
	v5 =	vimm.s32 $0xFFFFFFFF;
	s21 =	simm.s32 $0x0;
	[sflag:s15] =	ssyncadd.s32 $0xFFFF8000  }
.LBB2_14:
0x171: {  	s0 =	sshll.u32 s21, $0xD  }
0x172: {  	s28 =	sand.u32 $0xC00, s20;
	s24 =	sand.u32 $0x3FFFE000, s0  }
0x173: {  	s1 =	sand.u32 $0x70, s20;
	s17 =	sadd.s32 s28, s24  }
0x174: {  	s17 =	sadd.s32 s1, s17  }
0x175: {  	v7 =	vld [tilespmem:s17+$0x80]  }
0x176: {  	v8 =	vld [tilespmem:s17+$0x0]  }
0x177: {  	v12 =	vld [tilespmem:s17+$0x100]  }
0x178: {  	v15 =	vld [tilespmem:s17+$0x180]  }
0x179: {  	v16 =	vld [tilespmem:s17+$0x200]  }
0x17a: {  	v17 =	vld [tilespmem:s17+$0x280]  }
0x17b: {  	v18 =	vld [tilespmem:s17+$0x300]  }
0x17c: {  	v19 =	vld [tilespmem:s17+$0x380]  }
0x17d: {  	v21 =	vld [tilespmem:s17+$0x1080]  }
0x17e: {  	v22 =	vld [tilespmem:s17+$0x1100]  }
0x17f: {  	v23 =	vld [tilespmem:s17+$0x1180]  }
0x180: {  	v25 =	vld [tilespmem:s17+$0x1200]  }
0x181: {  	s25 =	sor.u32 $0x1000, s24;
	v28 =	vld [tilespmem:s17+$0x1280]  }
0x182: {  	s0 =	sadd.s32 s28, s25;
	v29 =	vld [tilespmem:s17+$0x1300]  }
0x183: {  	s0 =	sadd.s32 s1, s0;
	v30 =	vld [tilespmem:s17+$0x1380]  }
0x184: {  	v20 =	vld [tilespmem:s0+$0x0];
	_ =	sdelay $0x2  }
0x185: {  	s22 =	simm.s32 $0x10000;
	v9 =	vmax.f32 v8, v7;
	v10 =	vmax.f32 v12, v15;
	v11 =	vmax.f32 v16, v17  }
0x186: {  	v13 =	vmax.f32 v18, v19;
	v24 =	vmax.f32 v22, v23;
	v9 =	vmax.f32 v9, v10;
	v10 =	vld [tilespmem:s22+$0x0]  }
0x187: {  	v26 =	vmax.f32 v25, v28;
	v27 =	vmax.f32 v29, v30;
	v14 =	vmax.f32 v20, v21  }
0x188: {  	v11 =	vmax.f32 v11, v13;
	v13 =	vmax.f32 v14, v24;
	v14 =	vmax.f32 v26, v27  }
0x189: {  	s26 =	simm.s32 $0x80;
	v9 =	vmax.f32 v9, v11;
	v11 =	vmax.f32 v13, v14  }
0x18a: {  	s29 =	simm.s32 $0x10;
	s30 =	sand.u32 $0xC00, s26;
	v9 =	vmax.f32 v9, v11  }
0x18b: {  	s31 =	sadd.s32 s30, s24;
	s0 =	sand.u32 $0x70, s29;
	v9 =	vmax.f32 v10, v9  }
0x18c: {  	s23 =	sadd.s32 s0, s31;
	[tilespmem:s22+$0x0] =	vst v9  }
0x18d: {  	v10 =	vld [tilespmem:s23+$0x80]  }
0x18e: {  	v13 =	vld [tilespmem:s23+$0x0]  }
0x18f: {  	v11 =	vld [tilespmem:s23+$0x100]  }
0x190: {  	v14 =	vld [tilespmem:s23+$0x180]  }
0x191: {  	v31 =	vimm.f32 $-Inf;
	v9 =	vld [tilespmem:s23+$0x200]  }
0x192: {  	v32 =	vmax.f32 v31, v7;
	v33 =	vmax.f32 v31, v8;
	v36 =	vmax.f32 v31, v12;
	v12 =	vld [tilespmem:s23+$0x280]  }
0x193: {  	s1 =	sadd.s32 s30, s25;
	v37 =	vmax.f32 v31, v15;
	v38 =	vmax.f32 v31, v16;
	v39 =	vmax.f32 v31, v17;
	v16 =	vld [tilespmem:s23+$0x300]  }
0x194: {  	s0 =	sadd.s32 s0, s1;
	v40 =	vmax.f32 v31, v18;
	v41 =	vmax.f32 v31, v19;
	v18 =	vmax.f32 v31, v25;
	v17 =	vld [tilespmem:s23+$0x380]  }
0x195: {  	v15 =	vmax.f32 v31, v28;
	v8 =	vmax.f32 v31, v29;
	v7 =	vmax.f32 v31, v30;
	v19 =	vld [tilespmem:s0+$0x0]  }
0x196: {  	v27 =	vmax.f32 v31, v20;
	v26 =	vmax.f32 v31, v21;
	v24 =	vmax.f32 v31, v22;
	v20 =	vld [tilespmem:s23+$0x1080]  }
0x197: {  	v21 =	vmax.f32 v31, v23;
	v22 =	vld [tilespmem:s23+$0x1100];
	v34 =	vmax.f32 v32, v10;
	v35 =	vmax.f32 v33, v13  }
0x198: {  	v23 =	vld [tilespmem:s23+$0x1180];
	v33 =	vmax.f32 v36, v11;
	v32 =	vmax.f32 v37, v14;
	v31 =	vmax.f32 v38, v9  }
0x199: {  	v25 =	vld [tilespmem:s23+$0x1200];
	s0 =	simm.s32 $0x20;
	v30 =	vmax.f32 v39, v12;
	v29 =	vmax.f32 v40, v16;
	v28 =	vmax.f32 v41, v17  }
.LBB2_15:
0x19a: {  	p0 =	sne.s32 s0, $0x1F0;
	v36 =	vld [tilespmem:s23+$0x1280];
	v27 =	vmax.f32 v27, v19  }
0x19b: {  	v37 =	vld [tilespmem:s23+$0x1300];
	v26 =	vmax.f32 v26, v20  }
0x19c: {  	v38 =	vld [tilespmem:s23+$0x1380];
	v24 =	vmax.f32 v24, v22  }
0x19d: {  	v21 =	vmax.f32 v21, v23  }
0x19e: {  	v10 =	vmax.f32 v13, v10;
	v11 =	vmax.f32 v11, v14;
	v18 =	vmax.f32 v18, v25  }
0x19f: {  	s22 =	sadd.s32 $0x10, s22;
	v10 =	vmax.f32 v10, v11;
	v15 =	vmax.f32 v15, v36  }
0x1a0: {  	v9 =	vmax.f32 v9, v12;
	v12 =	vmax.f32 v16, v17;
	v13 =	vmax.f32 v19, v20;
	v11 =	vld [tilespmem:s22+$0x0]  }
0x1a1: {  	v14 =	vmax.f32 v22, v23;
	v16 =	vmax.f32 v25, v36;
	v17 =	vmax.f32 v37, v38  }
0x1a2: {  	v9 =	vmax.f32 v9, v12;
	v12 =	vmax.f32 v13, v14;
	v13 =	vmax.f32 v16, v17  }
0x1a3: {  	s26 =	sadd.s32 $0x80, s26;
	v9 =	vmax.f32 v10, v9;
	v8 =	vmax.f32 v8, v37;
	v10 =	vmax.f32 v12, v13  }
0x1a4: {  	s1 =	sand.u32 $0xC00, s26;
	v7 =	vmax.f32 v7, v38;
	v9 =	vmax.f32 v9, v10  }
0x1a5: {  	s17 =	sand.u32 $0x70, s0;
	s23 =	sadd.s32 s1, s24;
	v9 =	vmax.f32 v11, v9  }
0x1a6: {  	s23 =	sadd.s32 s17, s23;
	[tilespmem:s22+$0x0] =	vst v9  }
0x1a7: {  	v10 =	vld [tilespmem:s23+$0x80]  }
0x1a8: {  	v13 =	vld [tilespmem:s23+$0x0]  }
0x1a9: {  	v11 =	vld [tilespmem:s23+$0x100]  }
0x1aa: {  	v14 =	vld [tilespmem:s23+$0x180]  }
0x1ab: {  	v9 =	vld [tilespmem:s23+$0x200]  }
0x1ac: {  	v12 =	vld [tilespmem:s23+$0x280];
	v34 =	vmax.f32 v34, v10  }
0x1ad: {  	s1 =	sadd.s32 s1, s25;
	v16 =	vld [tilespmem:s23+$0x300];
	v35 =	vmax.f32 v35, v13  }
0x1ae: {  	s1 =	sadd.s32 s17, s1;
	v17 =	vld [tilespmem:s23+$0x380];
	v33 =	vmax.f32 v33, v11  }
.Ltmp6:
0x1af: {  	v19 =	vld [tilespmem:s1+$0x0];
	v32 =	vmax.f32 v32, v14;
	(pc) =	sbr.rel @p0 .LBB2_15-.Ltmp6, $4  }
0x1b0: {  	v20 =	vld [tilespmem:s23+$0x1080];
	v31 =	vmax.f32 v31, v9  }
0x1b1: {  	v22 =	vld [tilespmem:s23+$0x1100];
	v30 =	vmax.f32 v30, v12  }
0x1b2: {  	v23 =	vld [tilespmem:s23+$0x1180];
	v29 =	vmax.f32 v29, v16  }
0x1b3: {  	s0 =	sadd.s32 $0x10, s0;
	v25 =	vld [tilespmem:s23+$0x1200];
	v28 =	vmax.f32 v28, v17  }
0x1b4: {  	vm4 =	vge.f32 v35, $5.000000000e-01  }
0x1b5: {  	s24 =	sshll.u32 s21, $0x4;
	vm5 =	vge.f32 v34, $5.000000000e-01;
	vm15 =	vge.f32 v33, $5.000000000e-01;
	vm9 =	vge.f32 v32, $5.000000000e-01  }
0x1b6: {  	vm11 =	vge.f32 v29, $5.000000000e-01;
	v27 =	vmax.f32 v27, v19;
	s0 =	sor.u32 $0x1C0, s24;
	v35 =	vmpcnt.ones.xlane vm4  }
0x1b7: {  	vm12 =	vge.f32 v28, $5.000000000e-01;
	v10 =	vmax.f32 v13, v10;
	vm4 =	vlt.s32 v6, s0  }
0x1b8: {  	v36 =	vnsel vm4, s0, v6;
	vm4 =	vgt.s32 v5, s0;
	vm6 =	vgt.s32 v35, $0x0  }
0x1b9: {  	v47 =	vmpcnt.ones.xlane vm5;
	s17 =	sor.u32 $0x1C1, s24;
	v46 =	vnsel vm4, s0, v5;
	v6 =	vsel vm6, v36, v6  }
0x1ba: {  	v11 =	vmax.f32 v11, v14;
	v5 =	vsel vm6, v46, v5;
	vm5 =	vlt.s32 v6, s17  }
0x1bb: {  	vm4 =	vgt.s32 v47, $0x0;
	v48 =	vnsel vm5, s17, v6;
	vm5 =	vgt.s32 v5, s17  }
0x1bc: {  	v49 =	vmpcnt.ones.xlane vm15;
	s25 =	sor.u32 $0x1C2, s24;
	v6 =	vsel vm4, v48, v6;
	v50 =	vnsel vm5, s17, v5  }
0x1bd: {  	v9 =	vmax.f32 v9, v12;
	v5 =	vsel vm4, v50, v5;
	vm5 =	vlt.s32 v6, s25  }
0x1be: {  	vm4 =	vgt.s32 v49, $0x0;
	v51 =	vnsel vm5, s25, v6;
	vm5 =	vgt.s32 v5, s25  }
0x1bf: {  	v53 =	vmpcnt.ones.xlane vm9;
	s26 =	sor.u32 $0x1C3, s24;
	v6 =	vsel vm4, v51, v6;
	v52 =	vnsel vm5, s25, v5  }
0x1c0: {  	v60 =	vmpcnt.ones.xlane vm11;
	v5 =	vsel vm4, v52, v5;
	vm4 =	vlt.s32 v6, s26  }
0x1c1: {  	v32 =	vmpcnt.ones.xlane vm12;
	v54 =	vnsel vm4, s26, v6;
	vm4 =	vgt.s32 v5, s26  }
0x1c2: {  	vm5 =	vgt.s32 v53, $0x0;
	v55 =	vnsel vm4, s26, v5;
	vm4 =	vge.f32 v31, $5.000000000e-01  }
0x1c3: {  	s28 =	sor.u32 $0x1C4, s24;
	v26 =	vmax.f32 v26, v20;
	v6 =	vsel vm5, v54, v6;
	v31 =	vmpcnt.ones.xlane vm4  }
0x1c4: {  	v5 =	vsel vm5, v55, v5;
	vm4 =	vlt.s32 v6, s28;
	vm5 =	vge.f32 v30, $5.000000000e-01  }
0x1c5: {  	v56 =	vnsel vm4, s28, v6;
	vm4 =	vgt.s32 v5, s28;
	vm10 =	vgt.s32 v31, $0x0  }
0x1c6: {  	s29 =	sor.u32 $0x1C5, s24;
	v58 =	vmpcnt.ones.xlane vm5;
	v57 =	vnsel vm4, s28, v5;
	v6 =	vsel vm10, v56, v6  }
0x1c7: {  	v10 =	vmax.f32 v10, v11;
	v5 =	vsel vm10, v57, v5;
	vm5 =	vlt.s32 v6, s29  }
0x1c8: {  	vm4 =	vgt.s32 v58, $0x0;
	v59 =	vnsel vm5, s29, v6;
	vm5 =	vgt.s32 v5, s29  }
0x1c9: {  	s30 =	sor.u32 $0x1C6, s24;
	v24 =	vmax.f32 v24, v22;
	v6 =	vsel vm4, v59, v6;
	v61 =	vnsel vm5, s29, v5  }
0x1ca: {  	vm14 =	vge.f32 v24, $5.000000000e-01;
	v5 =	vsel vm4, v61, v5;
	vm5 =	vlt.s32 v6, s30  }
0x1cb: {  	vm4 =	vgt.s32 v60, $0x0;
	v62 =	vnsel vm5, s30, v6;
	vm5 =	vgt.s32 v5, s30  }
0x1cc: {  	s31 =	sor.u32 $0x1C7, s24;
	v21 =	vmax.f32 v21, v23;
	v6 =	vsel vm4, v62, v6;
	v63 =	vnsel vm5, s30, v5  }
0x1cd: {  	v39 =	vmpcnt.ones.xlane vm14;
	v5 =	vsel vm4, v63, v5;
	vm4 =	vlt.s32 v6, s31  }
0x1ce: {  	vm15 =	vge.f32 v21, $5.000000000e-01;
	v33 =	vnsel vm4, s31, v6;
	vm4 =	vgt.s32 v5, s31  }
0x1cf: {  	vm5 =	vgt.s32 v32, $0x0;
	v34 =	vnsel vm4, s31, v5;
	vm4 =	vge.f32 v27, $5.000000000e-01  }
0x1d0: {  	s1 =	sor.u32 $0x1C8, s24;
	v18 =	vmax.f32 v18, v25;
	v6 =	vsel vm5, v33, v6;
	v27 =	vmpcnt.ones.xlane vm4  }
0x1d1: {  	v43 =	vld [tilespmem:s23+$0x1280];
	v5 =	vsel vm5, v34, v5;
	vm4 =	vlt.s32 v6, s1;
	vm5 =	vge.f32 v26, $5.000000000e-01  }
0x1d2: {  	v35 =	vnsel vm4, s1, v6;
	vm4 =	vgt.s32 v5, s1;
	vm13 =	vgt.s32 v27, $0x0  }
0x1d3: {  	s17 =	sor.u32 $0x1C9, s24;
	v37 =	vmpcnt.ones.xlane vm5;
	v36 =	vnsel vm4, s1, v5;
	v6 =	vsel vm13, v35, v6  }
0x1d4: {  	v44 =	vmpcnt.ones.xlane vm15;
	v51 =	vld [tilespmem:s23+$0x1300];
	v5 =	vsel vm13, v36, v5;
	vm5 =	vlt.s32 v6, s17  }
0x1d5: {  	vm4 =	vgt.s32 v37, $0x0;
	v38 =	vnsel vm5, s17, v6;
	vm5 =	vgt.s32 v5, s17  }
0x1d6: {  	v15 =	vmax.f32 v15, v43;
	s25 =	sor.u32 $0x1CA, s24;
	v6 =	vsel vm4, v38, v6;
	v40 =	vnsel vm5, s17, v5  }
0x1d7: {  	v55 =	vmax.f32 v16, v17;
	v5 =	vsel vm4, v40, v5;
	vm5 =	vlt.s32 v6, s25  }
0x1d8: {  	vm4 =	vgt.s32 v39, $0x0;
	v41 =	vnsel vm5, s25, v6;
	vm5 =	vgt.s32 v5, s25  }
0x1d9: {  	s26 =	sor.u32 $0x1CB, s24;
	v8 =	vmax.f32 v8, v51;
	v42 =	vnsel vm5, s25, v5;
	v6 =	vsel vm4, v41, v6  }
0x1da: {  	v9 =	vmax.f32 v9, v55;
	v5 =	vsel vm4, v42, v5;
	vm4 =	vlt.s32 v6, s26  }
0x1db: {  	v52 =	vld [tilespmem:s23+$0x1380];
	vm5 =	vgt.s32 v44, $0x0;
	v45 =	vnsel vm4, s26, v6;
	vm4 =	vgt.s32 v5, s26  }
0x1dc: {  	s28 =	sor.u32 $0x1CC, s24;
	v6 =	vsel vm5, v45, v6;
	v46 =	vnsel vm4, s26, v5;
	vm4 =	vge.f32 v18, $5.000000000e-01  }
0x1dd: {  	v5 =	vsel vm5, v46, v5;
	v18 =	vmpcnt.ones.xlane vm4;
	vm4 =	vlt.s32 v6, s28  }
0x1de: {  	v9 =	vmax.f32 v10, v9;
	v47 =	vnsel vm4, s28, v6;
	vm4 =	vgt.s32 v5, s28  }
0x1df: {  	vm5 =	vgt.s32 v18, $0x0;
	v48 =	vnsel vm4, s28, v5;
	vm4 =	vge.f32 v15, $5.000000000e-01  }
0x1e0: {  	v7 =	vmax.f32 v7, v52;
	s29 =	sor.u32 $0x1CD, s24;
	v6 =	vsel vm5, v47, v6;
	v15 =	vmpcnt.ones.xlane vm4  }
0x1e1: {  	v56 =	vmax.f32 v19, v20;
	v5 =	vsel vm5, v48, v5;
	vm4 =	vlt.s32 v6, s29  }
0x1e2: {  	vm5 =	vgt.s32 v5, s29;
	v49 =	vnsel vm4, s29, v6;
	vm4 =	vgt.s32 v15, $0x0  }
0x1e3: {  	v57 =	vmax.f32 v22, v23;
	s30 =	sor.u32 $0x1CE, s24;
	v50 =	vnsel vm5, s29, v5;
	v6 =	vsel vm4, v49, v6  }
0x1e4: {  	v58 =	vmax.f32 v25, v43;
	s31 =	sadd.s32 $0x10, s22;
	v5 =	vsel vm4, v50, v5;
	vm4 =	vlt.s32 v6, s30  }
0x1e5: {  	v60 =	vmax.f32 v51, v52;
	v59 =	vld [tilespmem:s31+$0x0];
	v53 =	vnsel vm4, s30, v6;
	vm4 =	vge.f32 v8, $5.000000000e-01  }
0x1e6: {  	s21 =	sadd.s32 $0x1, s21;
	v61 =	vmax.f32 v58, v60;
	vm5 =	vgt.s32 v5, s30;
	v62 =	vmpcnt.ones.xlane vm4  }
0x1e7: {  	p0 =	seq.s32 s21, $0x4;
	v54 =	vnsel vm5, s30, v5;
	v8 =	vmax.f32 v56, v57;
	vm5 =	vge.f32 v7, $5.000000000e-01  }
.Ltmp7:
0x1e8: {  	v8 =	vmax.f32 v8, v61;
	v7 =	vmpcnt.ones.xlane vm5;
	vm4 =	vgt.s32 v62, $0x0;
	(pc) =	sbr.rel @!p0 .LBB2_14-.Ltmp7, $4  }
0x1e9: {  	s1 =	sor.u32 $0x1CF, s24;
	v8 =	vmax.f32 v9, v8;
	v6 =	vsel vm4, v53, v6;
	v5 =	vsel vm4, v54, v5  }
0x1ea: {  	v8 =	vmax.f32 v59, v8;
	vm4 =	vlt.s32 v6, s1;
	vm5 =	vgt.s32 v5, s1  }
0x1eb: {  	v63 =	vnsel vm4, s1, v6;
	vm4 =	vgt.s32 v7, $0x0;
	v7 =	vnsel vm5, s1, v5  }
0x1ec: {  	[tilespmem:s31+$0x0] =	vst v8;
	v6 =	vsel vm4, v63, v6;
	v5 =	vsel vm4, v7, v5  }
0x1ed: {  	s0 =	simm.s32 $0x10000  }
0x1ee: {  	v10 =	vld [tilespmem:s0+$0x0];
	_ =	sdelay $0x2  }
0x1ef: {  	s31 =	simm.s32 $0x10010  }
0x1f0: {  	v9 =	vld [tilespmem:s31+$0x0]  }
0x1f1: {  	v11 =	vperm.xlane v10, v2  }
0x1f2: {  	v8 =	vimm.s32 $0x200  }
0x1f3: {  	v7 =	vimm.s32 $0xFFFFFFFF;
	s20 =	simm.s32 $0x0;
	vm5 =	vge.f32 v10, $5.000000000e-01;
	vm4 =	vge.f32 v11, $5.000000000e-01  }
0x1f4: {  	v12 =	vmov s20;
	v10 =	vmctz.xlane vm5;
	v11 =	vmctz.xlane vm4  }
0x1f5: {  	s21 =	simm.s32 $0x20;
	s22 =	simm.s32 $0x10020;
	s0 =	simm.s32 $0x10;
	v12 =	vor.u32 $0xF, v12;
	vm5 =	vmmov vm5;
	vm4 =	vge.f32 v9, $5.000000000e-01  }
.LBB2_18:
0x1f6: {  	v13 =	vld [tilespmem:s22+$0x0];
	v14 =	vmpcnt.ones.xlane vm5;
	v10 =	vadd.s32 s20, v10;
	v11 =	vsub.s32 v12, v11;
	s20 =	smov.u32 s0;
	s0 =	smov.u32 s21;
	p0 =	seq.s32 s21, $0x1F0  }
.Ltmp8:
0x1f7: {  	v9 =	vperm.xlane v9, v2;
	vm5 =	vlt.s32 v8, v10;
	vm6 =	vgt.s32 v7, v11;
	(pc) =	sbr.rel @!p0 .LBB2_18-.Ltmp8, $4  }
0x1f8: {  	s21 =	sadd.s32 $0x10, s21;
	vm7 =	vgt.s32 v14, $0x0;
	v10 =	vsel vm5, v8, v10;
	v11 =	vsel vm6, v7, v11  }
0x1f9: {  	vm5 =	vge.f32 v9, $5.000000000e-01;
	v8 =	vsel vm7, v10, v8;
	v7 =	vsel vm7, v11, v7  }
0x1fa: {  	v14 =	vmov s20;
	v10 =	vmctz.xlane vm4;
	v11 =	vmctz.xlane vm5  }
0x1fb: {  	s22 =	sadd.s32 $0x10, s22;
	v12 =	vor.u32 $0xF, v14;
	vm5 =	vmmov vm4;
	v9 =	vmovc v13;
	vm4 =	vge.f32 v13, $5.000000000e-01  }
0x1fc: {  	[tilespmem:$0x10000] =	vst v1  }
0x1fd: {  	[tilespmem:$0x10010] =	vst v1  }
0x1fe: {  	[tilespmem:$0x10020] =	vst v1  }
0x1ff: {  	[tilespmem:$0x10030] =	vst v1  }
0x200: {  	[tilespmem:$0x10040] =	vst v1  }
0x201: {  	[tilespmem:$0x10050] =	vst v1  }
0x202: {  	[tilespmem:$0x10060] =	vst v1  }
0x203: {  	[tilespmem:$0x10070] =	vst v1  }
0x204: {  	[tilespmem:$0x10080] =	vst v1  }
0x205: {  	[tilespmem:$0x10090] =	vst v1  }
0x206: {  	[tilespmem:$0x100A0] =	vst v1  }
0x207: {  	[tilespmem:$0x100B0] =	vst v1  }
0x208: {  	[tilespmem:$0x100C0] =	vst v1  }
0x209: {  	[tilespmem:$0x100D0] =	vst v1  }
0x20a: {  	[tilespmem:$0x100E0] =	vst v1  }
0x20b: {  	[tilespmem:$0x100F0] =	vst v1  }
0x20c: {  	[tilespmem:$0x10100] =	vst v1  }
0x20d: {  	[tilespmem:$0x10110] =	vst v1  }
0x20e: {  	[tilespmem:$0x10120] =	vst v1  }
0x20f: {  	[tilespmem:$0x10130] =	vst v1  }
0x210: {  	[tilespmem:$0x10140] =	vst v1  }
0x211: {  	[tilespmem:$0x10150] =	vst v1  }
0x212: {  	[tilespmem:$0x10160] =	vst v1  }
0x213: {  	[tilespmem:$0x10170] =	vst v1  }
0x214: {  	[tilespmem:$0x10180] =	vst v1  }
0x215: {  	v13 =	vmpcnt.ones.xlane vm5;
	[tilespmem:$0x10190] =	vst v1  }
0x216: {  	v10 =	vadd.s32 s20, v10;
	v11 =	vsub.s32 v12, v11;
	v9 =	vperm.xlane v9, v2;
	[tilespmem:$0x101A0] =	vst v1  }
0x217: {  	v62 =	vmov s0;
	[tilespmem:$0x101B0] =	vst v1;
	vm5 =	vlt.s32 v8, v10;
	vm6 =	vgt.s32 v7, v11  }
0x218: {  	[tilespmem:$0x101C0] =	vst v1;
	vm7 =	vgt.s32 v13, $0x0;
	v10 =	vsel vm5, v8, v10;
	v11 =	vsel vm6, v7, v11  }
0x219: {  	[tilespmem:$0x101D0] =	vst v1;
	vm5 =	vge.f32 v9, $5.000000000e-01;
	v9 =	vmctz.xlane vm4;
	vm4 =	vmmov vm4  }
0x21a: {  	[tilespmem:$0x101E0] =	vst v1;
	v8 =	vsel vm7, v10, v8;
	v10 =	vmctz.xlane vm5;
	v7 =	vsel vm7, v11, v7  }
0x21b: {  	[tilespmem:$0x101F0] =	vst v1;
	s20 =	simm.s32 $0x0;
	v11 =	vor.u32 $0xF, v62;
	v63 =	vmpcnt.ones.xlane vm4;
	v9 =	vadd.s32 s0, v9  }
0x21c: {  	[tilespmem:s20], [sflag:$0x1] =	stream.linear.gather [hbm4b:s9+s20], $0x8000, $0x38;
	v10 =	vsub.s32 v11, v10;
	vm4 =	vlt.s32 v8, v9;
	[tilespmem:$0x10280] =	vst v63  }
0x21d: {  	_ =	swait.ge [sflag:s16], $0x8000;
	vm15 =	vgt.s32 v63, $0x0;
	vm5 =	vgt.s32 v7, v10;
	v9 =	vsel vm4, v8, v9  }
0x21e: {  	[sflag:s16] =	ssyncset.done $0x0;
	v10 =	vsel vm5, v7, v10;
	v8 =	vsel vm15, v9, v8  }
0x21f: {  	s21 =	simm.s32 $0x0;
	[sflag:s16] =	ssyncadd.s32 $0xFFFF8000;
	v9 =	vimm.s32 $0xFFFFFFFF;
	v7 =	vsel vm15, v10, v7;
	v10 =	vimm.s32 $0x200  }
.LBB2_20:
0x220: {  	s0 =	sshll.u32 s21, $0xD  }
0x221: {  	s0 =	sand.u32 $0x3FFFE000, s0  }
0x222: {  	s1 =	sand.u32 $0xC00, s20;
	s24 =	sadd.s32 $0x8000, s0  }
0x223: {  	s17 =	sand.u32 $0x70, s20;
	s22 =	sadd.s32 s1, s24  }
0x224: {  	s22 =	sadd.s32 s17, s22  }
0x225: {  	v11 =	vld [tilespmem:s22+$0x80]  }
0x226: {  	v12 =	vld [tilespmem:s22+$0x0]  }
0x227: {  	v16 =	vld [tilespmem:s22+$0x100]  }
0x228: {  	v19 =	vld [tilespmem:s22+$0x180]  }
0x229: {  	v20 =	vld [tilespmem:s22+$0x200]  }
0x22a: {  	s25 =	sadd.s32 $0x9000, s0;
	v21 =	vld [tilespmem:s22+$0x280]  }
0x22b: {  	s0 =	sadd.s32 s1, s25;
	v22 =	vld [tilespmem:s22+$0x300]  }
0x22c: {  	s0 =	sadd.s32 s17, s0;
	v23 =	vld [tilespmem:s22+$0x380]  }
0x22d: {  	v24 =	vld [tilespmem:s0+$0x0]  }
0x22e: {  	v25 =	vld [tilespmem:s22+$0x1080]  }
0x22f: {  	v26 =	vld [tilespmem:s22+$0x1100]  }
0x230: {  	v27 =	vld [tilespmem:s22+$0x1180]  }
0x231: {  	v29 =	vld [tilespmem:s22+$0x1200]  }
0x232: {  	v32 =	vld [tilespmem:s22+$0x1280]  }
0x233: {  	v33 =	vld [tilespmem:s22+$0x1300]  }
0x234: {  	v34 =	vld [tilespmem:s22+$0x1380];
	_ =	sdelay $0x2  }
0x235: {  	s22 =	simm.s32 $0x10000;
	v13 =	vmax.f32 v12, v11;
	v14 =	vmax.f32 v16, v19;
	v15 =	vmax.f32 v20, v21  }
0x236: {  	v17 =	vmax.f32 v22, v23;
	v18 =	vmax.f32 v24, v25;
	v13 =	vmax.f32 v13, v14;
	v14 =	vld [tilespmem:s22+$0x0]  }
0x237: {  	v28 =	vmax.f32 v26, v27;
	v30 =	vmax.f32 v29, v32;
	v31 =	vmax.f32 v33, v34  }
0x238: {  	v15 =	vmax.f32 v15, v17;
	v17 =	vmax.f32 v18, v28;
	v18 =	vmax.f32 v30, v31  }
0x239: {  	s26 =	simm.s32 $0x80;
	v13 =	vmax.f32 v13, v15;
	v15 =	vmax.f32 v17, v18  }
0x23a: {  	s29 =	simm.s32 $0x10;
	s30 =	sand.u32 $0xC00, s26;
	v13 =	vmax.f32 v13, v15  }
0x23b: {  	s31 =	sadd.s32 s30, s24;
	s0 =	sand.u32 $0x70, s29;
	v13 =	vmax.f32 v14, v13  }
0x23c: {  	s23 =	sadd.s32 s0, s31;
	[tilespmem:s22+$0x0] =	vst v13  }
0x23d: {  	v14 =	vld [tilespmem:s23+$0x80]  }
0x23e: {  	v17 =	vld [tilespmem:s23+$0x0]  }
0x23f: {  	v15 =	vld [tilespmem:s23+$0x100]  }
0x240: {  	v18 =	vld [tilespmem:s23+$0x180]  }
0x241: {  	v35 =	vimm.f32 $-Inf;
	v13 =	vld [tilespmem:s23+$0x200]  }
0x242: {  	v36 =	vmax.f32 v35, v11;
	v37 =	vmax.f32 v35, v12;
	v40 =	vmax.f32 v35, v16;
	v16 =	vld [tilespmem:s23+$0x280]  }
0x243: {  	s1 =	sadd.s32 s30, s25;
	v41 =	vmax.f32 v35, v19;
	v42 =	vmax.f32 v35, v20;
	v43 =	vmax.f32 v35, v21;
	v20 =	vld [tilespmem:s23+$0x300]  }
0x244: {  	s0 =	sadd.s32 s0, s1;
	v44 =	vmax.f32 v35, v22;
	v45 =	vmax.f32 v35, v23;
	v22 =	vmax.f32 v35, v29;
	v21 =	vld [tilespmem:s23+$0x380]  }
0x245: {  	v19 =	vmax.f32 v35, v32;
	v12 =	vmax.f32 v35, v33;
	v11 =	vmax.f32 v35, v34;
	v23 =	vld [tilespmem:s0+$0x0]  }
0x246: {  	v31 =	vmax.f32 v35, v24;
	v30 =	vmax.f32 v35, v25;
	v28 =	vmax.f32 v35, v26;
	v24 =	vld [tilespmem:s23+$0x1080]  }
0x247: {  	v25 =	vmax.f32 v35, v27;
	v26 =	vld [tilespmem:s23+$0x1100];
	v38 =	vmax.f32 v36, v14;
	v39 =	vmax.f32 v37, v17  }
0x248: {  	v27 =	vld [tilespmem:s23+$0x1180];
	v37 =	vmax.f32 v40, v15;
	v36 =	vmax.f32 v41, v18;
	v35 =	vmax.f32 v42, v13  }
0x249: {  	v29 =	vld [tilespmem:s23+$0x1200];
	s0 =	simm.s32 $0x20;
	v34 =	vmax.f32 v43, v16;
	v33 =	vmax.f32 v44, v20;
	v32 =	vmax.f32 v45, v21  }
.LBB2_21:
0x24a: {  	p0 =	sne.s32 s0, $0x1F0;
	v40 =	vld [tilespmem:s23+$0x1280];
	v31 =	vmax.f32 v31, v23  }
0x24b: {  	v41 =	vld [tilespmem:s23+$0x1300];
	v30 =	vmax.f32 v30, v24  }
0x24c: {  	v42 =	vld [tilespmem:s23+$0x1380];
	v28 =	vmax.f32 v28, v26  }
0x24d: {  	v25 =	vmax.f32 v25, v27  }
0x24e: {  	v14 =	vmax.f32 v17, v14;
	v15 =	vmax.f32 v15, v18;
	v22 =	vmax.f32 v22, v29  }
0x24f: {  	s22 =	sadd.s32 $0x10, s22;
	v14 =	vmax.f32 v14, v15;
	v19 =	vmax.f32 v19, v40  }
0x250: {  	v13 =	vmax.f32 v13, v16;
	v16 =	vmax.f32 v20, v21;
	v17 =	vmax.f32 v23, v24;
	v15 =	vld [tilespmem:s22+$0x0]  }
0x251: {  	v18 =	vmax.f32 v26, v27;
	v20 =	vmax.f32 v29, v40;
	v21 =	vmax.f32 v41, v42  }
0x252: {  	v13 =	vmax.f32 v13, v16;
	v16 =	vmax.f32 v17, v18;
	v17 =	vmax.f32 v20, v21  }
0x253: {  	s26 =	sadd.s32 $0x80, s26;
	v13 =	vmax.f32 v14, v13;
	v12 =	vmax.f32 v12, v41;
	v14 =	vmax.f32 v16, v17  }
0x254: {  	s1 =	sand.u32 $0xC00, s26;
	v11 =	vmax.f32 v11, v42;
	v13 =	vmax.f32 v13, v14  }
0x255: {  	s17 =	sand.u32 $0x70, s0;
	s23 =	sadd.s32 s1, s24;
	v13 =	vmax.f32 v15, v13  }
0x256: {  	s23 =	sadd.s32 s17, s23;
	[tilespmem:s22+$0x0] =	vst v13  }
0x257: {  	v14 =	vld [tilespmem:s23+$0x80]  }
0x258: {  	v17 =	vld [tilespmem:s23+$0x0]  }
0x259: {  	v15 =	vld [tilespmem:s23+$0x100]  }
0x25a: {  	v18 =	vld [tilespmem:s23+$0x180]  }
0x25b: {  	v13 =	vld [tilespmem:s23+$0x200]  }
0x25c: {  	v16 =	vld [tilespmem:s23+$0x280];
	v38 =	vmax.f32 v38, v14  }
0x25d: {  	s1 =	sadd.s32 s1, s25;
	v20 =	vld [tilespmem:s23+$0x300];
	v39 =	vmax.f32 v39, v17  }
0x25e: {  	s1 =	sadd.s32 s17, s1;
	v21 =	vld [tilespmem:s23+$0x380];
	v37 =	vmax.f32 v37, v15  }
.Ltmp9:
0x25f: {  	v23 =	vld [tilespmem:s1+$0x0];
	v36 =	vmax.f32 v36, v18;
	(pc) =	sbr.rel @p0 .LBB2_21-.Ltmp9, $4  }
0x260: {  	v24 =	vld [tilespmem:s23+$0x1080];
	v35 =	vmax.f32 v35, v13  }
0x261: {  	v26 =	vld [tilespmem:s23+$0x1100];
	v34 =	vmax.f32 v34, v16  }
0x262: {  	v27 =	vld [tilespmem:s23+$0x1180];
	v33 =	vmax.f32 v33, v20  }
0x263: {  	s0 =	sadd.s32 $0x10, s0;
	v29 =	vld [tilespmem:s23+$0x1200];
	v32 =	vmax.f32 v32, v21  }
0x264: {  	vm4 =	vge.f32 v39, $5.000000000e-01  }
0x265: {  	s24 =	sshll.u32 s21, $0x4;
	vm5 =	vge.f32 v38, $5.000000000e-01;
	vm15 =	vge.f32 v37, $5.000000000e-01;
	vm9 =	vge.f32 v36, $5.000000000e-01  }
0x266: {  	vm11 =	vge.f32 v33, $5.000000000e-01;
	v31 =	vmax.f32 v31, v23;
	s0 =	sor.u32 $0x1C0, s24;
	v39 =	vmpcnt.ones.xlane vm4  }
0x267: {  	vm12 =	vge.f32 v32, $5.000000000e-01;
	v14 =	vmax.f32 v17, v14;
	vm4 =	vlt.s32 v10, s0  }
0x268: {  	v40 =	vnsel vm4, s0, v10;
	vm4 =	vgt.s32 v9, s0;
	vm6 =	vgt.s32 v39, $0x0  }
0x269: {  	v43 =	vmpcnt.ones.xlane vm5;
	s17 =	sor.u32 $0x1C1, s24;
	v42 =	vnsel vm4, s0, v9;
	v10 =	vsel vm6, v40, v10  }
0x26a: {  	v15 =	vmax.f32 v15, v18;
	v9 =	vsel vm6, v42, v9;
	vm5 =	vlt.s32 v10, s17  }
0x26b: {  	vm4 =	vgt.s32 v43, $0x0;
	v44 =	vnsel vm5, s17, v10;
	vm5 =	vgt.s32 v9, s17  }
0x26c: {  	v45 =	vmpcnt.ones.xlane vm15;
	s25 =	sor.u32 $0x1C2, s24;
	v10 =	vsel vm4, v44, v10;
	v46 =	vnsel vm5, s17, v9  }
0x26d: {  	v13 =	vmax.f32 v13, v16;
	v9 =	vsel vm4, v46, v9;
	vm5 =	vlt.s32 v10, s25  }
0x26e: {  	vm4 =	vgt.s32 v45, $0x0;
	v47 =	vnsel vm5, s25, v10;
	vm5 =	vgt.s32 v9, s25  }
0x26f: {  	v49 =	vmpcnt.ones.xlane vm9;
	s26 =	sor.u32 $0x1C3, s24;
	v10 =	vsel vm4, v47, v10;
	v48 =	vnsel vm5, s25, v9  }
0x270: {  	v56 =	vmpcnt.ones.xlane vm11;
	v9 =	vsel vm4, v48, v9;
	vm4 =	vlt.s32 v10, s26  }
0x271: {  	v60 =	vmpcnt.ones.xlane vm12;
	v50 =	vnsel vm4, s26, v10;
	vm4 =	vgt.s32 v9, s26  }
0x272: {  	vm5 =	vgt.s32 v49, $0x0;
	v51 =	vnsel vm4, s26, v9;
	vm4 =	vge.f32 v35, $5.000000000e-01  }
0x273: {  	s28 =	sor.u32 $0x1C4, s24;
	v30 =	vmax.f32 v30, v24;
	v10 =	vsel vm5, v50, v10;
	v35 =	vmpcnt.ones.xlane vm4  }
0x274: {  	v9 =	vsel vm5, v51, v9;
	vm4 =	vlt.s32 v10, s28;
	vm5 =	vge.f32 v34, $5.000000000e-01  }
0x275: {  	v52 =	vnsel vm4, s28, v10;
	vm4 =	vgt.s32 v9, s28;
	vm10 =	vgt.s32 v35, $0x0  }
0x276: {  	s29 =	sor.u32 $0x1C5, s24;
	v54 =	vmpcnt.ones.xlane vm5;
	v53 =	vnsel vm4, s28, v9;
	v10 =	vsel vm10, v52, v10  }
0x277: {  	v14 =	vmax.f32 v14, v15;
	v9 =	vsel vm10, v53, v9;
	vm5 =	vlt.s32 v10, s29  }
0x278: {  	vm4 =	vgt.s32 v54, $0x0;
	v55 =	vnsel vm5, s29, v10;
	vm5 =	vgt.s32 v9, s29  }
0x279: {  	s30 =	sor.u32 $0x1C6, s24;
	v28 =	vmax.f32 v28, v26;
	v10 =	vsel vm4, v55, v10;
	v57 =	vnsel vm5, s29, v9  }
0x27a: {  	vm14 =	vge.f32 v28, $5.000000000e-01;
	v9 =	vsel vm4, v57, v9;
	vm5 =	vlt.s32 v10, s30  }
0x27b: {  	vm4 =	vgt.s32 v56, $0x0;
	v58 =	vnsel vm5, s30, v10;
	vm5 =	vgt.s32 v9, s30  }
0x27c: {  	s31 =	sor.u32 $0x1C7, s24;
	v25 =	vmax.f32 v25, v27;
	v10 =	vsel vm4, v58, v10;
	v59 =	vnsel vm5, s30, v9  }
0x27d: {  	v38 =	vmpcnt.ones.xlane vm14;
	v9 =	vsel vm4, v59, v9;
	vm4 =	vlt.s32 v10, s31  }
0x27e: {  	vm15 =	vge.f32 v25, $5.000000000e-01;
	v61 =	vnsel vm4, s31, v10;
	vm4 =	vgt.s32 v9, s31  }
0x27f: {  	vm5 =	vgt.s32 v60, $0x0;
	v62 =	vnsel vm4, s31, v9;
	vm4 =	vge.f32 v31, $5.000000000e-01  }
0x280: {  	s1 =	sor.u32 $0x1C8, s24;
	v22 =	vmax.f32 v22, v29;
	v10 =	vsel vm5, v61, v10;
	v31 =	vmpcnt.ones.xlane vm4  }
0x281: {  	v42 =	vld [tilespmem:s23+$0x1280];
	v9 =	vsel vm5, v62, v9;
	vm4 =	vlt.s32 v10, s1;
	vm5 =	vge.f32 v30, $5.000000000e-01  }
0x282: {  	v63 =	vnsel vm4, s1, v10;
	vm4 =	vgt.s32 v9, s1;
	vm13 =	vgt.s32 v31, $0x0  }
0x283: {  	s17 =	sor.u32 $0x1C9, s24;
	v36 =	vmpcnt.ones.xlane vm5;
	v35 =	vnsel vm4, s1, v9;
	v10 =	vsel vm13, v63, v10  }
0x284: {  	v43 =	vmpcnt.ones.xlane vm15;
	v50 =	vld [tilespmem:s23+$0x1300];
	v9 =	vsel vm13, v35, v9;
	vm5 =	vlt.s32 v10, s17  }
0x285: {  	vm4 =	vgt.s32 v36, $0x0;
	v37 =	vnsel vm5, s17, v10;
	vm5 =	vgt.s32 v9, s17  }
0x286: {  	s25 =	sor.u32 $0x1CA, s24;
	v19 =	vmax.f32 v19, v42;
	v10 =	vsel vm4, v37, v10;
	v39 =	vnsel vm5, s17, v9  }
0x287: {  	v54 =	vmax.f32 v20, v21;
	v9 =	vsel vm4, v39, v9;
	vm5 =	vlt.s32 v10, s25  }
0x288: {  	vm4 =	vgt.s32 v38, $0x0;
	v40 =	vnsel vm5, s25, v10;
	vm5 =	vgt.s32 v9, s25  }
0x289: {  	s26 =	sor.u32 $0x1CB, s24;
	v12 =	vmax.f32 v12, v50;
	v41 =	vnsel vm5, s25, v9;
	v10 =	vsel vm4, v40, v10  }
0x28a: {  	v13 =	vmax.f32 v13, v54;
	v9 =	vsel vm4, v41, v9;
	vm4 =	vlt.s32 v10, s26  }
0x28b: {  	vm5 =	vgt.s32 v43, $0x0;
	v44 =	vnsel vm4, s26, v10;
	vm4 =	vgt.s32 v9, s26  }
0x28c: {  	s28 =	sor.u32 $0x1CC, s24;
	v10 =	vsel vm5, v44, v10;
	v45 =	vnsel vm4, s26, v9;
	vm4 =	vge.f32 v22, $5.000000000e-01  }
0x28d: {  	v9 =	vsel vm5, v45, v9;
	v22 =	vmpcnt.ones.xlane vm4;
	vm4 =	vlt.s32 v10, s28  }
0x28e: {  	v13 =	vmax.f32 v14, v13;
	v46 =	vnsel vm4, s28, v10;
	vm4 =	vgt.s32 v9, s28  }
0x28f: {  	vm5 =	vgt.s32 v22, $0x0;
	v47 =	vnsel vm4, s28, v9;
	vm4 =	vge.f32 v19, $5.000000000e-01  }
0x290: {  	v51 =	vld [tilespmem:s23+$0x1380];
	s29 =	sor.u32 $0x1CD, s24;
	v55 =	vmax.f32 v23, v24;
	v10 =	vsel vm5, v46, v10;
	v19 =	vmpcnt.ones.xlane vm4  }
0x291: {  	v56 =	vmax.f32 v26, v27;
	v9 =	vsel vm5, v47, v9;
	vm4 =	vlt.s32 v10, s29  }
0x292: {  	vm5 =	vgt.s32 v9, s29;
	v48 =	vnsel vm4, s29, v10;
	vm4 =	vgt.s32 v19, $0x0  }
0x293: {  	v57 =	vmax.f32 v29, v42;
	s30 =	sor.u32 $0x1CE, s24;
	v49 =	vnsel vm5, s29, v9;
	v10 =	vsel vm4, v48, v10  }
0x294: {  	v60 =	vmax.f32 v55, v56;
	s31 =	sadd.s32 $0x10, s22;
	v9 =	vsel vm4, v49, v9;
	vm4 =	vlt.s32 v10, s30  }
0x295: {  	v59 =	vmax.f32 v50, v51;
	v58 =	vld [tilespmem:s31+$0x0];
	v52 =	vnsel vm4, s30, v10;
	vm4 =	vge.f32 v12, $5.000000000e-01  }
0x296: {  	s21 =	sadd.s32 $0x1, s21;
	v61 =	vmax.f32 v57, v59;
	vm5 =	vgt.s32 v9, s30;
	v62 =	vmpcnt.ones.xlane vm4  }
0x297: {  	p0 =	seq.s32 s21, $0x4;
	v11 =	vmax.f32 v11, v51;
	v53 =	vnsel vm5, s30, v9;
	v12 =	vmax.f32 v60, v61  }
.Ltmp10:
0x298: {  	vm5 =	vge.f32 v11, $5.000000000e-01;
	v12 =	vmax.f32 v13, v12;
	vm4 =	vgt.s32 v62, $0x0;
	(pc) =	sbr.rel @!p0 .LBB2_20-.Ltmp10, $4  }
0x299: {  	s1 =	sor.u32 $0x1CF, s24;
	v11 =	vmpcnt.ones.xlane vm5;
	v10 =	vsel vm4, v52, v10;
	v9 =	vsel vm4, v53, v9  }
0x29a: {  	v12 =	vmax.f32 v58, v12;
	vm4 =	vlt.s32 v10, s1;
	vm5 =	vgt.s32 v9, s1  }
0x29b: {  	v63 =	vnsel vm4, s1, v10;
	vm4 =	vgt.s32 v11, $0x0;
	v11 =	vnsel vm5, s1, v9  }
0x29c: {  	[tilespmem:s31+$0x0] =	vst v12;
	v10 =	vsel vm4, v63, v10;
	v9 =	vsel vm4, v11, v9  }
0x29d: {  	s0 =	simm.s32 $0x10000  }
0x29e: {  	v14 =	vld [tilespmem:s0+$0x0];
	_ =	sdelay $0x2  }
0x29f: {  	s31 =	simm.s32 $0x10010  }
0x2a0: {  	v13 =	vld [tilespmem:s31+$0x0]  }
0x2a1: {  	v15 =	vperm.xlane v14, v2  }
0x2a2: {  	v12 =	vimm.s32 $0x200  }
0x2a3: {  	v11 =	vimm.s32 $0xFFFFFFFF;
	s20 =	simm.s32 $0x0;
	vm5 =	vge.f32 v14, $5.000000000e-01;
	vm4 =	vge.f32 v15, $5.000000000e-01  }
0x2a4: {  	v16 =	vmov s20;
	v14 =	vmctz.xlane vm5;
	v15 =	vmctz.xlane vm4  }
0x2a5: {  	s21 =	simm.s32 $0x20;
	s22 =	simm.s32 $0x10020;
	s0 =	simm.s32 $0x10;
	v16 =	vor.u32 $0xF, v16;
	vm5 =	vmmov vm5;
	vm4 =	vge.f32 v13, $5.000000000e-01  }
.LBB2_24:
0x2a6: {  	v17 =	vld [tilespmem:s22+$0x0];
	v18 =	vmpcnt.ones.xlane vm5;
	v14 =	vadd.s32 s20, v14;
	v15 =	vsub.s32 v16, v15;
	s20 =	smov.u32 s0;
	s0 =	smov.u32 s21;
	p0 =	seq.s32 s21, $0x1F0  }
.Ltmp11:
0x2a7: {  	v13 =	vperm.xlane v13, v2;
	vm5 =	vlt.s32 v12, v14;
	vm6 =	vgt.s32 v11, v15;
	(pc) =	sbr.rel @!p0 .LBB2_24-.Ltmp11, $4  }
0x2a8: {  	s21 =	sadd.s32 $0x10, s21;
	vm7 =	vgt.s32 v18, $0x0;
	v14 =	vsel vm5, v12, v14;
	v15 =	vsel vm6, v11, v15  }
0x2a9: {  	vm5 =	vge.f32 v13, $5.000000000e-01;
	v12 =	vsel vm7, v14, v12;
	v11 =	vsel vm7, v15, v11  }
0x2aa: {  	v18 =	vmov s20;
	v14 =	vmctz.xlane vm4;
	v15 =	vmctz.xlane vm5  }
0x2ab: {  	s22 =	sadd.s32 $0x10, s22;
	v16 =	vor.u32 $0xF, v18;
	vm5 =	vmmov vm4;
	v13 =	vmovc v17;
	vm4 =	vge.f32 v17, $5.000000000e-01  }
0x2ac: {  	[tilespmem:$0x10000] =	vst v1  }
0x2ad: {  	[tilespmem:$0x10010] =	vst v1  }
0x2ae: {  	[tilespmem:$0x10020] =	vst v1  }
0x2af: {  	[tilespmem:$0x10030] =	vst v1  }
0x2b0: {  	[tilespmem:$0x10040] =	vst v1  }
0x2b1: {  	[tilespmem:$0x10050] =	vst v1  }
0x2b2: {  	[tilespmem:$0x10060] =	vst v1  }
0x2b3: {  	[tilespmem:$0x10070] =	vst v1  }
0x2b4: {  	[tilespmem:$0x10080] =	vst v1  }
0x2b5: {  	[tilespmem:$0x10090] =	vst v1  }
0x2b6: {  	[tilespmem:$0x100A0] =	vst v1  }
0x2b7: {  	[tilespmem:$0x100B0] =	vst v1  }
0x2b8: {  	[tilespmem:$0x100C0] =	vst v1  }
0x2b9: {  	[tilespmem:$0x100D0] =	vst v1  }
0x2ba: {  	[tilespmem:$0x100E0] =	vst v1  }
0x2bb: {  	[tilespmem:$0x100F0] =	vst v1  }
0x2bc: {  	[tilespmem:$0x10100] =	vst v1  }
0x2bd: {  	[tilespmem:$0x10110] =	vst v1  }
0x2be: {  	[tilespmem:$0x10120] =	vst v1  }
0x2bf: {  	[tilespmem:$0x10130] =	vst v1  }
0x2c0: {  	[tilespmem:$0x10140] =	vst v1  }
0x2c1: {  	[tilespmem:$0x10150] =	vst v1  }
0x2c2: {  	[tilespmem:$0x10160] =	vst v1  }
0x2c3: {  	[tilespmem:$0x10170] =	vst v1  }
0x2c4: {  	[tilespmem:$0x10180] =	vst v1  }
0x2c5: {  	v17 =	vmpcnt.ones.xlane vm5;
	[tilespmem:$0x10190] =	vst v1  }
0x2c6: {  	v14 =	vadd.s32 s20, v14;
	v15 =	vsub.s32 v16, v15;
	v13 =	vperm.xlane v13, v2;
	[tilespmem:$0x101A0] =	vst v1  }
0x2c7: {  	v62 =	vmov s0;
	[tilespmem:$0x101B0] =	vst v1;
	vm5 =	vlt.s32 v12, v14;
	vm6 =	vgt.s32 v11, v15  }
0x2c8: {  	[tilespmem:$0x101C0] =	vst v1;
	vm7 =	vgt.s32 v17, $0x0;
	v14 =	vsel vm5, v12, v14;
	v15 =	vsel vm6, v11, v15  }
0x2c9: {  	[tilespmem:$0x101D0] =	vst v1;
	vm5 =	vge.f32 v13, $5.000000000e-01;
	v13 =	vmctz.xlane vm4;
	vm4 =	vmmov vm4  }
0x2ca: {  	[tilespmem:$0x101E0] =	vst v1;
	v12 =	vsel vm7, v14, v12;
	v14 =	vmctz.xlane vm5;
	v11 =	vsel vm7, v15, v11  }
0x2cb: {  	[tilespmem:$0x101F0] =	vst v1;
	s20 =	simm.s32 $0x0;
	v15 =	vor.u32 $0xF, v62;
	v63 =	vmpcnt.ones.xlane vm4;
	v13 =	vadd.s32 s0, v13  }
0x2cc: {  	[tilespmem:s14], [sflag:$0x2] =	stream.linear.gather [hbm4b:s10+s20], $0x8000, $0x38;
	v14 =	vsub.s32 v15, v14;
	vm4 =	vlt.s32 v12, v13;
	[tilespmem:$0x10280] =	vst v63  }
0x2cd: {  	_ =	swait.ge [sflag:s15], $0x8000;
	vm15 =	vgt.s32 v63, $0x0;
	vm5 =	vgt.s32 v11, v14;
	v13 =	vsel vm4, v12, v13  }
0x2ce: {  	[sflag:s15] =	ssyncset.done $0x0;
	v14 =	vsel vm5, v11, v14;
	v12 =	vsel vm15, v13, v12  }
0x2cf: {  	s21 =	simm.s32 $0x0;
	[sflag:s15] =	ssyncadd.s32 $0xFFFF8000;
	v13 =	vimm.s32 $0xFFFFFFFF;
	v11 =	vsel vm15, v14, v11;
	v14 =	vimm.s32 $0x200  }
.LBB2_26:
0x2d0: {  	s0 =	sshll.u32 s21, $0xD  }
0x2d1: {  	s28 =	sand.u32 $0xC00, s20;
	s24 =	sand.u32 $0x3FFFE000, s0  }
0x2d2: {  	s1 =	sand.u32 $0x70, s20;
	s17 =	sadd.s32 s28, s24  }
0x2d3: {  	s17 =	sadd.s32 s1, s17  }
0x2d4: {  	v15 =	vld [tilespmem:s17+$0x80]  }
0x2d5: {  	v16 =	vld [tilespmem:s17+$0x0]  }
0x2d6: {  	v20 =	vld [tilespmem:s17+$0x100]  }
0x2d7: {  	v23 =	vld [tilespmem:s17+$0x180]  }
0x2d8: {  	v24 =	vld [tilespmem:s17+$0x200]  }
0x2d9: {  	v25 =	vld [tilespmem:s17+$0x280]  }
0x2da: {  	v26 =	vld [tilespmem:s17+$0x300]  }
0x2db: {  	v27 =	vld [tilespmem:s17+$0x380]  }
0x2dc: {  	v29 =	vld [tilespmem:s17+$0x1080]  }
0x2dd: {  	v30 =	vld [tilespmem:s17+$0x1100]  }
0x2de: {  	v31 =	vld [tilespmem:s17+$0x1180]  }
0x2df: {  	v33 =	vld [tilespmem:s17+$0x1200]  }
0x2e0: {  	s25 =	sor.u32 $0x1000, s24;
	v36 =	vld [tilespmem:s17+$0x1280]  }
0x2e1: {  	s0 =	sadd.s32 s28, s25;
	v37 =	vld [tilespmem:s17+$0x1300]  }
0x2e2: {  	s0 =	sadd.s32 s1, s0;
	v38 =	vld [tilespmem:s17+$0x1380]  }
0x2e3: {  	v28 =	vld [tilespmem:s0+$0x0];
	_ =	sdelay $0x2  }
0x2e4: {  	s22 =	simm.s32 $0x10000;
	v17 =	vmax.f32 v16, v15;
	v18 =	vmax.f32 v20, v23;
	v19 =	vmax.f32 v24, v25  }
0x2e5: {  	v21 =	vmax.f32 v26, v27;
	v32 =	vmax.f32 v30, v31;
	v17 =	vmax.f32 v17, v18;
	v18 =	vld [tilespmem:s22+$0x0]  }
0x2e6: {  	v34 =	vmax.f32 v33, v36;
	v35 =	vmax.f32 v37, v38;
	v22 =	vmax.f32 v28, v29  }
0x2e7: {  	v19 =	vmax.f32 v19, v21;
	v21 =	vmax.f32 v22, v32;
	v22 =	vmax.f32 v34, v35  }
0x2e8: {  	s26 =	simm.s32 $0x80;
	v17 =	vmax.f32 v17, v19;
	v19 =	vmax.f32 v21, v22  }
0x2e9: {  	s29 =	simm.s32 $0x10;
	s30 =	sand.u32 $0xC00, s26;
	v17 =	vmax.f32 v17, v19  }
0x2ea: {  	s31 =	sadd.s32 s30, s24;
	s0 =	sand.u32 $0x70, s29;
	v17 =	vmax.f32 v18, v17  }
0x2eb: {  	s23 =	sadd.s32 s0, s31;
	[tilespmem:s22+$0x0] =	vst v17  }
0x2ec: {  	v18 =	vld [tilespmem:s23+$0x80]  }
0x2ed: {  	v21 =	vld [tilespmem:s23+$0x0]  }
0x2ee: {  	v19 =	vld [tilespmem:s23+$0x100]  }
0x2ef: {  	v22 =	vld [tilespmem:s23+$0x180]  }
0x2f0: {  	v39 =	vimm.f32 $-Inf;
	v17 =	vld [tilespmem:s23+$0x200]  }
0x2f1: {  	v40 =	vmax.f32 v39, v15;
	v41 =	vmax.f32 v39, v16;
	v44 =	vmax.f32 v39, v20;
	v20 =	vld [tilespmem:s23+$0x280]  }
0x2f2: {  	s1 =	sadd.s32 s30, s25;
	v45 =	vmax.f32 v39, v23;
	v46 =	vmax.f32 v39, v24;
	v47 =	vmax.f32 v39, v25;
	v24 =	vld [tilespmem:s23+$0x300]  }
0x2f3: {  	s0 =	sadd.s32 s0, s1;
	v48 =	vmax.f32 v39, v26;
	v49 =	vmax.f32 v39, v27;
	v26 =	vmax.f32 v39, v33;
	v25 =	vld [tilespmem:s23+$0x380]  }
0x2f4: {  	v23 =	vmax.f32 v39, v36;
	v16 =	vmax.f32 v39, v37;
	v15 =	vmax.f32 v39, v38;
	v27 =	vld [tilespmem:s0+$0x0]  }
0x2f5: {  	v35 =	vmax.f32 v39, v28;
	v34 =	vmax.f32 v39, v29;
	v32 =	vmax.f32 v39, v30;
	v28 =	vld [tilespmem:s23+$0x1080]  }
0x2f6: {  	v29 =	vmax.f32 v39, v31;
	v30 =	vld [tilespmem:s23+$0x1100];
	v42 =	vmax.f32 v40, v18;
	v43 =	vmax.f32 v41, v21  }
0x2f7: {  	v31 =	vld [tilespmem:s23+$0x1180];
	v41 =	vmax.f32 v44, v19;
	v40 =	vmax.f32 v45, v22;
	v39 =	vmax.f32 v46, v17  }
0x2f8: {  	v33 =	vld [tilespmem:s23+$0x1200];
	s0 =	simm.s32 $0x20;
	v38 =	vmax.f32 v47, v20;
	v37 =	vmax.f32 v48, v24;
	v36 =	vmax.f32 v49, v25  }
.LBB2_27:
0x2f9: {  	p0 =	sne.s32 s0, $0x1F0;
	v44 =	vld [tilespmem:s23+$0x1280];
	v35 =	vmax.f32 v35, v27  }
0x2fa: {  	v45 =	vld [tilespmem:s23+$0x1300];
	v34 =	vmax.f32 v34, v28  }
0x2fb: {  	v46 =	vld [tilespmem:s23+$0x1380];
	v32 =	vmax.f32 v32, v30  }
0x2fc: {  	v29 =	vmax.f32 v29, v31  }
0x2fd: {  	v18 =	vmax.f32 v21, v18;
	v19 =	vmax.f32 v19, v22;
	v26 =	vmax.f32 v26, v33  }
0x2fe: {  	s22 =	sadd.s32 $0x10, s22;
	v18 =	vmax.f32 v18, v19;
	v23 =	vmax.f32 v23, v44  }
0x2ff: {  	v17 =	vmax.f32 v17, v20;
	v20 =	vmax.f32 v24, v25;
	v21 =	vmax.f32 v27, v28;
	v19 =	vld [tilespmem:s22+$0x0]  }
0x300: {  	v22 =	vmax.f32 v30, v31;
	v24 =	vmax.f32 v33, v44;
	v25 =	vmax.f32 v45, v46  }
0x301: {  	v17 =	vmax.f32 v17, v20;
	v20 =	vmax.f32 v21, v22;
	v21 =	vmax.f32 v24, v25  }
0x302: {  	s26 =	sadd.s32 $0x80, s26;
	v17 =	vmax.f32 v18, v17;
	v16 =	vmax.f32 v16, v45;
	v18 =	vmax.f32 v20, v21  }
0x303: {  	s1 =	sand.u32 $0xC00, s26;
	v15 =	vmax.f32 v15, v46;
	v17 =	vmax.f32 v17, v18  }
0x304: {  	s17 =	sand.u32 $0x70, s0;
	s23 =	sadd.s32 s1, s24;
	v17 =	vmax.f32 v19, v17  }
0x305: {  	s23 =	sadd.s32 s17, s23;
	[tilespmem:s22+$0x0] =	vst v17  }
0x306: {  	v18 =	vld [tilespmem:s23+$0x80]  }
0x307: {  	v21 =	vld [tilespmem:s23+$0x0]  }
0x308: {  	v19 =	vld [tilespmem:s23+$0x100]  }
0x309: {  	v22 =	vld [tilespmem:s23+$0x180]  }
0x30a: {  	v17 =	vld [tilespmem:s23+$0x200]  }
0x30b: {  	v20 =	vld [tilespmem:s23+$0x280];
	v42 =	vmax.f32 v42, v18  }
0x30c: {  	s1 =	sadd.s32 s1, s25;
	v24 =	vld [tilespmem:s23+$0x300];
	v43 =	vmax.f32 v43, v21  }
0x30d: {  	s1 =	sadd.s32 s17, s1;
	v25 =	vld [tilespmem:s23+$0x380];
	v41 =	vmax.f32 v41, v19  }
.Ltmp12:
0x30e: {  	v27 =	vld [tilespmem:s1+$0x0];
	v40 =	vmax.f32 v40, v22;
	(pc) =	sbr.rel @p0 .LBB2_27-.Ltmp12, $4  }
0x30f: {  	v28 =	vld [tilespmem:s23+$0x1080];
	v39 =	vmax.f32 v39, v17  }
0x310: {  	v30 =	vld [tilespmem:s23+$0x1100];
	v38 =	vmax.f32 v38, v20  }
0x311: {  	v31 =	vld [tilespmem:s23+$0x1180];
	v37 =	vmax.f32 v37, v24  }
0x312: {  	s0 =	sadd.s32 $0x10, s0;
	v33 =	vld [tilespmem:s23+$0x1200];
	v36 =	vmax.f32 v36, v25  }
0x313: {  	vm4 =	vge.f32 v43, $5.000000000e-01  }
0x314: {  	s24 =	sshll.u32 s21, $0x4;
	vm5 =	vge.f32 v42, $5.000000000e-01;
	vm15 =	vge.f32 v41, $5.000000000e-01;
	vm9 =	vge.f32 v40, $5.000000000e-01  }
0x315: {  	vm11 =	vge.f32 v37, $5.000000000e-01;
	v35 =	vmax.f32 v35, v27;
	s0 =	sor.u32 $0x1C0, s24;
	v43 =	vmpcnt.ones.xlane vm4  }
0x316: {  	vm12 =	vge.f32 v36, $5.000000000e-01;
	v18 =	vmax.f32 v21, v18;
	vm4 =	vlt.s32 v14, s0  }
0x317: {  	v44 =	vnsel vm4, s0, v14;
	vm4 =	vgt.s32 v13, s0;
	vm6 =	vgt.s32 v43, $0x0  }
0x318: {  	v61 =	vmpcnt.ones.xlane vm5;
	s17 =	sor.u32 $0x1C1, s24;
	v60 =	vnsel vm4, s0, v13;
	v14 =	vsel vm6, v44, v14  }
0x319: {  	v19 =	vmax.f32 v19, v22;
	v13 =	vsel vm6, v60, v13;
	vm5 =	vlt.s32 v14, s17  }
0x31a: {  	vm4 =	vgt.s32 v61, $0x0;
	v62 =	vnsel vm5, s17, v14;
	vm5 =	vgt.s32 v13, s17  }
0x31b: {  	v63 =	vmpcnt.ones.xlane vm15;
	s25 =	sor.u32 $0x1C2, s24;
	v14 =	vsel vm4, v62, v14;
	v44 =	vnsel vm5, s17, v13  }
0x31c: {  	v17 =	vmax.f32 v17, v20;
	v13 =	vsel vm4, v44, v13;
	vm5 =	vlt.s32 v14, s25  }
0x31d: {  	vm4 =	vgt.s32 v63, $0x0;
	v45 =	vnsel vm5, s25, v14;
	vm5 =	vgt.s32 v13, s25  }
0x31e: {  	v47 =	vmpcnt.ones.xlane vm9;
	s26 =	sor.u32 $0x1C3, s24;
	v14 =	vsel vm4, v45, v14;
	v46 =	vnsel vm5, s25, v13  }
0x31f: {  	v54 =	vmpcnt.ones.xlane vm11;
	v13 =	vsel vm4, v46, v13;
	vm4 =	vlt.s32 v14, s26  }
0x320: {  	v58 =	vmpcnt.ones.xlane vm12;
	v48 =	vnsel vm4, s26, v14;
	vm4 =	vgt.s32 v13, s26  }
0x321: {  	vm5 =	vgt.s32 v47, $0x0;
	v49 =	vnsel vm4, s26, v13;
	vm4 =	vge.f32 v39, $5.000000000e-01  }
0x322: {  	s28 =	sor.u32 $0x1C4, s24;
	v34 =	vmax.f32 v34, v28;
	v14 =	vsel vm5, v48, v14;
	v39 =	vmpcnt.ones.xlane vm4  }
0x323: {  	v13 =	vsel vm5, v49, v13;
	vm4 =	vlt.s32 v14, s28;
	vm5 =	vge.f32 v38, $5.000000000e-01  }
0x324: {  	v50 =	vnsel vm4, s28, v14;
	vm4 =	vgt.s32 v13, s28;
	vm10 =	vgt.s32 v39, $0x0  }
0x325: {  	s29 =	sor.u32 $0x1C5, s24;
	v52 =	vmpcnt.ones.xlane vm5;
	v51 =	vnsel vm4, s28, v13;
	v14 =	vsel vm10, v50, v14  }
0x326: {  	v18 =	vmax.f32 v18, v19;
	v13 =	vsel vm10, v51, v13;
	vm5 =	vlt.s32 v14, s29  }
0x327: {  	vm4 =	vgt.s32 v52, $0x0;
	v53 =	vnsel vm5, s29, v14;
	vm5 =	vgt.s32 v13, s29  }
0x328: {  	s30 =	sor.u32 $0x1C6, s24;
	v32 =	vmax.f32 v32, v30;
	v14 =	vsel vm4, v53, v14;
	v55 =	vnsel vm5, s29, v13  }
0x329: {  	vm14 =	vge.f32 v32, $5.000000000e-01;
	v13 =	vsel vm4, v55, v13;
	vm5 =	vlt.s32 v14, s30  }
0x32a: {  	vm4 =	vgt.s32 v54, $0x0;
	v56 =	vnsel vm5, s30, v14;
	vm5 =	vgt.s32 v13, s30  }
0x32b: {  	s31 =	sor.u32 $0x1C7, s24;
	v29 =	vmax.f32 v29, v31;
	v14 =	vsel vm4, v56, v14;
	v57 =	vnsel vm5, s30, v13  }
0x32c: {  	vm15 =	vge.f32 v29, $5.000000000e-01;
	v13 =	vsel vm4, v57, v13;
	vm4 =	vlt.s32 v14, s31  }
0x32d: {  	v26 =	vmax.f32 v26, v33;
	v59 =	vnsel vm4, s31, v14;
	vm4 =	vgt.s32 v13, s31  }
0x32e: {  	v42 =	vld [tilespmem:s23+$0x1280];
	vm5 =	vgt.s32 v58, $0x0;
	v60 =	vnsel vm4, s31, v13;
	vm4 =	vge.f32 v35, $5.000000000e-01  }
0x32f: {  	s1 =	sor.u32 $0x1C8, s24;
	v43 =	vmpcnt.ones.xlane vm15;
	v14 =	vsel vm5, v59, v14;
	v35 =	vmpcnt.ones.xlane vm4  }
0x330: {  	v13 =	vsel vm5, v60, v13;
	vm4 =	vlt.s32 v14, s1;
	vm5 =	vge.f32 v34, $5.000000000e-01  }
0x331: {  	v61 =	vnsel vm4, s1, v14;
	vm4 =	vgt.s32 v13, s1;
	vm13 =	vgt.s32 v35, $0x0  }
0x332: {  	s17 =	sor.u32 $0x1C9, s24;
	v63 =	vmpcnt.ones.xlane vm5;
	v62 =	vnsel vm4, s1, v13;
	v14 =	vsel vm13, v61, v14  }
0x333: {  	v23 =	vmax.f32 v23, v42;
	v13 =	vsel vm13, v62, v13;
	vm5 =	vlt.s32 v14, s17  }
0x334: {  	v50 =	vld [tilespmem:s23+$0x1300];
	vm4 =	vgt.s32 v63, $0x0;
	v37 =	vnsel vm5, s17, v14;
	vm5 =	vgt.s32 v13, s17  }
0x335: {  	s25 =	sor.u32 $0x1CA, s24;
	v38 =	vmpcnt.ones.xlane vm14;
	v14 =	vsel vm4, v37, v14;
	v39 =	vnsel vm5, s17, v13  }
0x336: {  	v54 =	vmax.f32 v24, v25;
	v13 =	vsel vm4, v39, v13;
	vm5 =	vlt.s32 v14, s25  }
0x337: {  	vm4 =	vgt.s32 v38, $0x0;
	v40 =	vnsel vm5, s25, v14;
	vm5 =	vgt.s32 v13, s25  }
0x338: {  	s26 =	sor.u32 $0x1CB, s24;
	v55 =	vmax.f32 v27, v28;
	v41 =	vnsel vm5, s25, v13;
	v14 =	vsel vm4, v40, v14  }
0x339: {  	v16 =	vmax.f32 v16, v50;
	v13 =	vsel vm4, v41, v13;
	vm4 =	vlt.s32 v14, s26  }
0x33a: {  	v51 =	vld [tilespmem:s23+$0x1380];
	vm5 =	vgt.s32 v43, $0x0;
	v44 =	vnsel vm4, s26, v14;
	vm4 =	vgt.s32 v13, s26  }
0x33b: {  	s28 =	sor.u32 $0x1CC, s24;
	v14 =	vsel vm5, v44, v14;
	v45 =	vnsel vm4, s26, v13;
	vm4 =	vge.f32 v26, $5.000000000e-01  }
0x33c: {  	v13 =	vsel vm5, v45, v13;
	v26 =	vmpcnt.ones.xlane vm4;
	vm4 =	vlt.s32 v14, s28  }
0x33d: {  	v17 =	vmax.f32 v17, v54;
	v46 =	vnsel vm4, s28, v14;
	vm4 =	vgt.s32 v13, s28  }
0x33e: {  	vm5 =	vgt.s32 v26, $0x0;
	v47 =	vnsel vm4, s28, v13;
	vm4 =	vge.f32 v23, $5.000000000e-01  }
0x33f: {  	s29 =	sor.u32 $0x1CD, s24;
	v15 =	vmax.f32 v15, v51;
	v14 =	vsel vm5, v46, v14;
	v23 =	vmpcnt.ones.xlane vm4  }
0x340: {  	v56 =	vmax.f32 v30, v31;
	v13 =	vsel vm5, v47, v13;
	vm4 =	vlt.s32 v14, s29  }
0x341: {  	vm5 =	vgt.s32 v13, s29;
	v48 =	vnsel vm4, s29, v14;
	vm4 =	vgt.s32 v23, $0x0  }
0x342: {  	s30 =	sor.u32 $0x1CE, s24;
	v57 =	vmax.f32 v33, v42;
	v49 =	vnsel vm5, s29, v13;
	v14 =	vsel vm4, v48, v14  }
0x343: {  	s31 =	sadd.s32 $0x10, s22;
	v59 =	vmax.f32 v50, v51;
	v13 =	vsel vm4, v49, v13;
	vm4 =	vlt.s32 v14, s30  }
0x344: {  	v58 =	vld [tilespmem:s31+$0x0];
	v60 =	vmax.f32 v55, v56;
	v52 =	vnsel vm4, s30, v14;
	vm4 =	vge.f32 v16, $5.000000000e-01  }
0x345: {  	s21 =	sadd.s32 $0x1, s21;
	v61 =	vmax.f32 v57, v59;
	vm5 =	vgt.s32 v13, s30;
	v62 =	vmpcnt.ones.xlane vm4  }
0x346: {  	p0 =	seq.s32 s21, $0x4;
	v17 =	vmax.f32 v18, v17;
	v53 =	vnsel vm5, s30, v13;
	v16 =	vmax.f32 v60, v61  }
.Ltmp13:
0x347: {  	vm5 =	vge.f32 v15, $5.000000000e-01;
	v16 =	vmax.f32 v17, v16;
	vm4 =	vgt.s32 v62, $0x0;
	(pc) =	sbr.rel @!p0 .LBB2_26-.Ltmp13, $4  }
0x348: {  	s1 =	sor.u32 $0x1CF, s24;
	v15 =	vmpcnt.ones.xlane vm5;
	v14 =	vsel vm4, v52, v14;
	v13 =	vsel vm4, v53, v13  }
0x349: {  	v16 =	vmax.f32 v58, v16;
	vm4 =	vlt.s32 v14, s1;
	vm5 =	vgt.s32 v13, s1  }
0x34a: {  	v63 =	vnsel vm4, s1, v14;
	vm4 =	vgt.s32 v15, $0x0;
	v15 =	vnsel vm5, s1, v13  }
0x34b: {  	[tilespmem:s31+$0x0] =	vst v16;
	v14 =	vsel vm4, v63, v14;
	v13 =	vsel vm4, v15, v13  }
0x34c: {  	s0 =	simm.s32 $0x10000  }
0x34d: {  	v18 =	vld [tilespmem:s0+$0x0];
	_ =	sdelay $0x2  }
0x34e: {  	s31 =	simm.s32 $0x10010  }
0x34f: {  	v17 =	vld [tilespmem:s31+$0x0]  }
0x350: {  	v19 =	vperm.xlane v18, v2  }
0x351: {  	v16 =	vimm.s32 $0x200  }
0x352: {  	v15 =	vimm.s32 $0xFFFFFFFF;
	s20 =	simm.s32 $0x0;
	vm5 =	vge.f32 v18, $5.000000000e-01;
	vm4 =	vge.f32 v19, $5.000000000e-01  }
0x353: {  	v20 =	vmov s20;
	v18 =	vmctz.xlane vm5;
	v19 =	vmctz.xlane vm4  }
0x354: {  	s21 =	simm.s32 $0x20;
	s22 =	simm.s32 $0x10020;
	s0 =	simm.s32 $0x10;
	v20 =	vor.u32 $0xF, v20;
	vm5 =	vmmov vm5;
	vm4 =	vge.f32 v17, $5.000000000e-01  }
.LBB2_30:
0x355: {  	v21 =	vld [tilespmem:s22+$0x0];
	v22 =	vmpcnt.ones.xlane vm5;
	v18 =	vadd.s32 s20, v18;
	v19 =	vsub.s32 v20, v19;
	s20 =	smov.u32 s0;
	s0 =	smov.u32 s21;
	p0 =	seq.s32 s21, $0x1F0  }
.Ltmp14:
0x356: {  	v17 =	vperm.xlane v17, v2;
	vm5 =	vlt.s32 v16, v18;
	vm6 =	vgt.s32 v15, v19;
	(pc) =	sbr.rel @!p0 .LBB2_30-.Ltmp14, $4  }
0x357: {  	s21 =	sadd.s32 $0x10, s21;
	vm7 =	vgt.s32 v22, $0x0;
	v18 =	vsel vm5, v16, v18;
	v19 =	vsel vm6, v15, v19  }
0x358: {  	vm5 =	vge.f32 v17, $5.000000000e-01;
	v16 =	vsel vm7, v18, v16;
	v15 =	vsel vm7, v19, v15  }
0x359: {  	v22 =	vmov s20;
	v18 =	vmctz.xlane vm4;
	v19 =	vmctz.xlane vm5  }
0x35a: {  	s22 =	sadd.s32 $0x10, s22;
	v20 =	vor.u32 $0xF, v22;
	vm5 =	vmmov vm4;
	v17 =	vmovc v21;
	vm4 =	vge.f32 v21, $5.000000000e-01  }
0x35b: {  	[tilespmem:$0x10000] =	vst v1  }
0x35c: {  	[tilespmem:$0x10010] =	vst v1  }
0x35d: {  	[tilespmem:$0x10020] =	vst v1  }
0x35e: {  	[tilespmem:$0x10030] =	vst v1  }
0x35f: {  	[tilespmem:$0x10040] =	vst v1  }
0x360: {  	[tilespmem:$0x10050] =	vst v1  }
0x361: {  	[tilespmem:$0x10060] =	vst v1  }
0x362: {  	[tilespmem:$0x10070] =	vst v1  }
0x363: {  	[tilespmem:$0x10080] =	vst v1  }
0x364: {  	[tilespmem:$0x10090] =	vst v1  }
0x365: {  	[tilespmem:$0x100A0] =	vst v1  }
0x366: {  	[tilespmem:$0x100B0] =	vst v1  }
0x367: {  	[tilespmem:$0x100C0] =	vst v1  }
0x368: {  	[tilespmem:$0x100D0] =	vst v1  }
0x369: {  	[tilespmem:$0x100E0] =	vst v1  }
0x36a: {  	[tilespmem:$0x100F0] =	vst v1  }
0x36b: {  	[tilespmem:$0x10100] =	vst v1  }
0x36c: {  	[tilespmem:$0x10110] =	vst v1  }
0x36d: {  	[tilespmem:$0x10120] =	vst v1  }
0x36e: {  	[tilespmem:$0x10130] =	vst v1  }
0x36f: {  	[tilespmem:$0x10140] =	vst v1  }
0x370: {  	[tilespmem:$0x10150] =	vst v1  }
0x371: {  	[tilespmem:$0x10160] =	vst v1  }
0x372: {  	[tilespmem:$0x10170] =	vst v1  }
0x373: {  	[tilespmem:$0x10180] =	vst v1  }
0x374: {  	v21 =	vmpcnt.ones.xlane vm5;
	[tilespmem:$0x10190] =	vst v1  }
0x375: {  	v18 =	vadd.s32 s20, v18;
	v19 =	vsub.s32 v20, v19;
	v17 =	vperm.xlane v17, v2;
	[tilespmem:$0x101A0] =	vst v1  }
0x376: {  	v20 =	vmov s0;
	[tilespmem:$0x101B0] =	vst v1;
	vm5 =	vlt.s32 v16, v18;
	vm6 =	vgt.s32 v15, v19  }
0x377: {  	[tilespmem:$0x101C0] =	vst v1;
	vm7 =	vgt.s32 v21, $0x0;
	v18 =	vsel vm5, v16, v18;
	v19 =	vsel vm6, v15, v19  }
0x378: {  	[tilespmem:$0x101D0] =	vst v1;
	vm5 =	vge.f32 v17, $5.000000000e-01;
	v17 =	vmctz.xlane vm4;
	vm4 =	vmmov vm4  }
0x379: {  	[tilespmem:$0x101E0] =	vst v1;
	v16 =	vsel vm7, v18, v16;
	v18 =	vmctz.xlane vm5;
	v15 =	vsel vm7, v19, v15  }
0x37a: {  	[tilespmem:$0x101F0] =	vst v1;
	s20 =	simm.s32 $0x0;
	v19 =	vor.u32 $0xF, v20;
	v20 =	vmpcnt.ones.xlane vm4;
	v17 =	vadd.s32 s0, v17  }
0x37b: {  	[tilespmem:s20], [sflag:$0x1] =	stream.linear.gather [hbm4b:s11+s20], $0x8000, $0x38;
	v18 =	vsub.s32 v19, v18;
	vm4 =	vlt.s32 v16, v17;
	[tilespmem:$0x10280] =	vst v63  }
0x37c: {  	_ =	swait.ge [sflag:s16], $0x8000;
	vm15 =	vgt.s32 v20, $0x0;
	vm5 =	vgt.s32 v15, v18;
	v17 =	vsel vm4, v16, v17  }
0x37d: {  	[sflag:s16] =	ssyncset.done $0x0;
	v18 =	vsel vm5, v15, v18;
	v16 =	vsel vm15, v17, v16  }
0x37e: {  	s21 =	simm.s32 $0x0;
	[sflag:s16] =	ssyncadd.s32 $0xFFFF8000;
	v17 =	vimm.s32 $0xFFFFFFFF;
	v15 =	vsel vm15, v18, v15;
	v18 =	vimm.s32 $0x200  }
.LBB2_32:
0x37f: {  	s0 =	sshll.u32 s21, $0xD  }
0x380: {  	s0 =	sand.u32 $0x3FFFE000, s0  }
0x381: {  	s1 =	sand.u32 $0xC00, s20;
	s24 =	sadd.s32 $0x8000, s0  }
0x382: {  	s17 =	sand.u32 $0x70, s20;
	s22 =	sadd.s32 s1, s24  }
0x383: {  	s22 =	sadd.s32 s17, s22  }
0x384: {  	v19 =	vld [tilespmem:s22+$0x80]  }
0x385: {  	v20 =	vld [tilespmem:s22+$0x0]  }
0x386: {  	v24 =	vld [tilespmem:s22+$0x100]  }
0x387: {  	v27 =	vld [tilespmem:s22+$0x180]  }
0x388: {  	v28 =	vld [tilespmem:s22+$0x200]  }
0x389: {  	s25 =	sadd.s32 $0x9000, s0;
	v29 =	vld [tilespmem:s22+$0x280]  }
0x38a: {  	s0 =	sadd.s32 s1, s25;
	v30 =	vld [tilespmem:s22+$0x300]  }
0x38b: {  	s0 =	sadd.s32 s17, s0;
	v31 =	vld [tilespmem:s22+$0x380]  }
0x38c: {  	v32 =	vld [tilespmem:s0+$0x0]  }
0x38d: {  	v33 =	vld [tilespmem:s22+$0x1080]  }
0x38e: {  	v34 =	vld [tilespmem:s22+$0x1100]  }
0x38f: {  	v35 =	vld [tilespmem:s22+$0x1180]  }
0x390: {  	v37 =	vld [tilespmem:s22+$0x1200]  }
0x391: {  	v40 =	vld [tilespmem:s22+$0x1280]  }
0x392: {  	v41 =	vld [tilespmem:s22+$0x1300]  }
0x393: {  	v42 =	vld [tilespmem:s22+$0x1380];
	_ =	sdelay $0x2  }
0x394: {  	s22 =	simm.s32 $0x10000;
	v21 =	vmax.f32 v20, v19;
	v22 =	vmax.f32 v24, v27;
	v23 =	vmax.f32 v28, v29  }
0x395: {  	v25 =	vmax.f32 v30, v31;
	v26 =	vmax.f32 v32, v33;
	v21 =	vmax.f32 v21, v22;
	v22 =	vld [tilespmem:s22+$0x0]  }
0x396: {  	v36 =	vmax.f32 v34, v35;
	v38 =	vmax.f32 v37, v40;
	v39 =	vmax.f32 v41, v42  }
0x397: {  	v23 =	vmax.f32 v23, v25;
	v25 =	vmax.f32 v26, v36;
	v26 =	vmax.f32 v38, v39  }
0x398: {  	s26 =	simm.s32 $0x80;
	v21 =	vmax.f32 v21, v23;
	v23 =	vmax.f32 v25, v26  }
0x399: {  	s29 =	simm.s32 $0x10;
	s30 =	sand.u32 $0xC00, s26;
	v21 =	vmax.f32 v21, v23  }
0x39a: {  	s31 =	sadd.s32 s30, s24;
	s0 =	sand.u32 $0x70, s29;
	v21 =	vmax.f32 v22, v21  }
0x39b: {  	s23 =	sadd.s32 s0, s31;
	[tilespmem:s22+$0x0] =	vst v21  }
0x39c: {  	v22 =	vld [tilespmem:s23+$0x80]  }
0x39d: {  	v25 =	vld [tilespmem:s23+$0x0]  }
0x39e: {  	v23 =	vld [tilespmem:s23+$0x100]  }
0x39f: {  	v26 =	vld [tilespmem:s23+$0x180]  }
0x3a0: {  	v43 =	vimm.f32 $-Inf;
	v21 =	vld [tilespmem:s23+$0x200]  }
0x3a1: {  	v44 =	vmax.f32 v43, v19;
	v45 =	vmax.f32 v43, v20;
	v48 =	vmax.f32 v43, v24;
	v24 =	vld [tilespmem:s23+$0x280]  }
0x3a2: {  	s1 =	sadd.s32 s30, s25;
	v49 =	vmax.f32 v43, v27;
	v50 =	vmax.f32 v43, v28;
	v51 =	vmax.f32 v43, v29;
	v28 =	vld [tilespmem:s23+$0x300]  }
0x3a3: {  	s0 =	sadd.s32 s0, s1;
	v52 =	vmax.f32 v43, v30;
	v53 =	vmax.f32 v43, v31;
	v30 =	vmax.f32 v43, v37;
	v29 =	vld [tilespmem:s23+$0x380]  }
0x3a4: {  	v27 =	vmax.f32 v43, v40;
	v20 =	vmax.f32 v43, v41;
	v19 =	vmax.f32 v43, v42;
	v31 =	vld [tilespmem:s0+$0x0]  }
0x3a5: {  	v39 =	vmax.f32 v43, v32;
	v38 =	vmax.f32 v43, v33;
	v36 =	vmax.f32 v43, v34;
	v32 =	vld [tilespmem:s23+$0x1080]  }
0x3a6: {  	v33 =	vmax.f32 v43, v35;
	v34 =	vld [tilespmem:s23+$0x1100];
	v46 =	vmax.f32 v44, v22;
	v47 =	vmax.f32 v45, v25  }
0x3a7: {  	v35 =	vld [tilespmem:s23+$0x1180];
	v45 =	vmax.f32 v48, v23;
	v44 =	vmax.f32 v49, v26;
	v43 =	vmax.f32 v50, v21  }
0x3a8: {  	v37 =	vld [tilespmem:s23+$0x1200];
	s0 =	simm.s32 $0x20;
	v42 =	vmax.f32 v51, v24;
	v41 =	vmax.f32 v52, v28;
	v40 =	vmax.f32 v53, v29  }
.LBB2_33:
0x3a9: {  	p0 =	sne.s32 s0, $0x1F0;
	v48 =	vld [tilespmem:s23+$0x1280];
	v39 =	vmax.f32 v39, v31  }
0x3aa: {  	v49 =	vld [tilespmem:s23+$0x1300];
	v38 =	vmax.f32 v38, v32  }
0x3ab: {  	v50 =	vld [tilespmem:s23+$0x1380];
	v36 =	vmax.f32 v36, v34  }
0x3ac: {  	v33 =	vmax.f32 v33, v35  }
0x3ad: {  	v22 =	vmax.f32 v25, v22;
	v23 =	vmax.f32 v23, v26;
	v30 =	vmax.f32 v30, v37  }
0x3ae: {  	s22 =	sadd.s32 $0x10, s22;
	v22 =	vmax.f32 v22, v23;
	v27 =	vmax.f32 v27, v48  }
0x3af: {  	v21 =	vmax.f32 v21, v24;
	v24 =	vmax.f32 v28, v29;
	v25 =	vmax.f32 v31, v32;
	v23 =	vld [tilespmem:s22+$0x0]  }
0x3b0: {  	v26 =	vmax.f32 v34, v35;
	v28 =	vmax.f32 v37, v48;
	v29 =	vmax.f32 v49, v50  }
0x3b1: {  	v21 =	vmax.f32 v21, v24;
	v24 =	vmax.f32 v25, v26;
	v25 =	vmax.f32 v28, v29  }
0x3b2: {  	s26 =	sadd.s32 $0x80, s26;
	v21 =	vmax.f32 v22, v21;
	v20 =	vmax.f32 v20, v49;
	v22 =	vmax.f32 v24, v25  }
0x3b3: {  	s1 =	sand.u32 $0xC00, s26;
	v19 =	vmax.f32 v19, v50;
	v21 =	vmax.f32 v21, v22  }
0x3b4: {  	s17 =	sand.u32 $0x70, s0;
	s23 =	sadd.s32 s1, s24;
	v21 =	vmax.f32 v23, v21  }
0x3b5: {  	s23 =	sadd.s32 s17, s23;
	[tilespmem:s22+$0x0] =	vst v21  }
0x3b6: {  	v22 =	vld [tilespmem:s23+$0x80]  }
0x3b7: {  	v25 =	vld [tilespmem:s23+$0x0]  }
0x3b8: {  	v23 =	vld [tilespmem:s23+$0x100]  }
0x3b9: {  	v26 =	vld [tilespmem:s23+$0x180]  }
0x3ba: {  	v21 =	vld [tilespmem:s23+$0x200]  }
0x3bb: {  	v24 =	vld [tilespmem:s23+$0x280];
	v46 =	vmax.f32 v46, v22  }
0x3bc: {  	s1 =	sadd.s32 s1, s25;
	v28 =	vld [tilespmem:s23+$0x300];
	v47 =	vmax.f32 v47, v25  }
0x3bd: {  	s1 =	sadd.s32 s17, s1;
	v29 =	vld [tilespmem:s23+$0x380];
	v45 =	vmax.f32 v45, v23  }
.Ltmp15:
0x3be: {  	v31 =	vld [tilespmem:s1+$0x0];
	v44 =	vmax.f32 v44, v26;
	(pc) =	sbr.rel @p0 .LBB2_33-.Ltmp15, $4  }
0x3bf: {  	v32 =	vld [tilespmem:s23+$0x1080];
	v43 =	vmax.f32 v43, v21  }
0x3c0: {  	v34 =	vld [tilespmem:s23+$0x1100];
	v42 =	vmax.f32 v42, v24  }
0x3c1: {  	v35 =	vld [tilespmem:s23+$0x1180];
	v41 =	vmax.f32 v41, v28  }
0x3c2: {  	s0 =	sadd.s32 $0x10, s0;
	v37 =	vld [tilespmem:s23+$0x1200];
	v40 =	vmax.f32 v40, v29  }
0x3c3: {  	vm4 =	vge.f32 v47, $5.000000000e-01  }
0x3c4: {  	s24 =	sshll.u32 s21, $0x4;
	vm5 =	vge.f32 v46, $5.000000000e-01;
	vm15 =	vge.f32 v45, $5.000000000e-01;
	vm9 =	vge.f32 v44, $5.000000000e-01  }
0x3c5: {  	vm11 =	vge.f32 v41, $5.000000000e-01;
	v39 =	vmax.f32 v39, v31;
	s0 =	sor.u32 $0x1C0, s24;
	v47 =	vmpcnt.ones.xlane vm4  }
0x3c6: {  	vm12 =	vge.f32 v40, $5.000000000e-01;
	v22 =	vmax.f32 v25, v22;
	vm4 =	vlt.s32 v18, s0  }
0x3c7: {  	v48 =	vnsel vm4, s0, v18;
	vm4 =	vgt.s32 v17, s0;
	vm6 =	vgt.s32 v47, $0x0  }
0x3c8: {  	v55 =	vmpcnt.ones.xlane vm5;
	s17 =	sor.u32 $0x1C1, s24;
	v54 =	vnsel vm4, s0, v17;
	v18 =	vsel vm6, v48, v18  }
0x3c9: {  	v23 =	vmax.f32 v23, v26;
	v17 =	vsel vm6, v54, v17;
	vm5 =	vlt.s32 v18, s17  }
0x3ca: {  	vm4 =	vgt.s32 v55, $0x0;
	v56 =	vnsel vm5, s17, v18;
	vm5 =	vgt.s32 v17, s17  }
0x3cb: {  	v57 =	vmpcnt.ones.xlane vm15;
	s25 =	sor.u32 $0x1C2, s24;
	v18 =	vsel vm4, v56, v18;
	v58 =	vnsel vm5, s17, v17  }
0x3cc: {  	v21 =	vmax.f32 v21, v24;
	v17 =	vsel vm4, v58, v17;
	vm5 =	vlt.s32 v18, s25  }
0x3cd: {  	vm4 =	vgt.s32 v57, $0x0;
	v59 =	vnsel vm5, s25, v18;
	vm5 =	vgt.s32 v17, s25  }
0x3ce: {  	v61 =	vmpcnt.ones.xlane vm9;
	s26 =	sor.u32 $0x1C3, s24;
	v18 =	vsel vm4, v59, v18;
	v60 =	vnsel vm5, s25, v17  }
0x3cf: {  	v52 =	vmpcnt.ones.xlane vm11;
	v17 =	vsel vm4, v60, v17;
	vm4 =	vlt.s32 v18, s26  }
0x3d0: {  	v38 =	vmax.f32 v38, v32;
	v62 =	vnsel vm4, s26, v18;
	vm4 =	vgt.s32 v17, s26  }
0x3d1: {  	vm5 =	vgt.s32 v61, $0x0;
	v63 =	vnsel vm4, s26, v17;
	vm4 =	vge.f32 v43, $5.000000000e-01  }
0x3d2: {  	s28 =	sor.u32 $0x1C4, s24;
	v22 =	vmax.f32 v22, v23;
	v18 =	vsel vm5, v62, v18;
	v43 =	vmpcnt.ones.xlane vm4  }
0x3d3: {  	v17 =	vsel vm5, v63, v17;
	vm4 =	vlt.s32 v18, s28;
	vm5 =	vge.f32 v42, $5.000000000e-01  }
0x3d4: {  	v48 =	vnsel vm4, s28, v18;
	vm4 =	vgt.s32 v17, s28;
	vm10 =	vgt.s32 v43, $0x0  }
0x3d5: {  	s29 =	sor.u32 $0x1C5, s24;
	v50 =	vmpcnt.ones.xlane vm5;
	v49 =	vnsel vm4, s28, v17;
	v18 =	vsel vm10, v48, v18  }
0x3d6: {  	v36 =	vmax.f32 v36, v34;
	v17 =	vsel vm10, v49, v17;
	vm5 =	vlt.s32 v18, s29  }
0x3d7: {  	vm4 =	vgt.s32 v50, $0x0;
	v51 =	vnsel vm5, s29, v18;
	vm5 =	vgt.s32 v17, s29  }
0x3d8: {  	s30 =	sor.u32 $0x1C6, s24;
	vm14 =	vge.f32 v36, $5.000000000e-01;
	v18 =	vsel vm4, v51, v18;
	v53 =	vnsel vm5, s29, v17  }
0x3d9: {  	v33 =	vmax.f32 v33, v35;
	v17 =	vsel vm4, v53, v17;
	vm5 =	vlt.s32 v18, s30  }
0x3da: {  	vm4 =	vgt.s32 v52, $0x0;
	v54 =	vnsel vm5, s30, v18;
	vm5 =	vgt.s32 v17, s30  }
0x3db: {  	s31 =	sor.u32 $0x1C7, s24;
	vm15 =	vge.f32 v33, $5.000000000e-01;
	v18 =	vsel vm4, v54, v18;
	v55 =	vnsel vm5, s30, v17  }
0x3dc: {  	v56 =	vmpcnt.ones.xlane vm12;
	v17 =	vsel vm4, v55, v17;
	vm4 =	vlt.s32 v18, s31  }
0x3dd: {  	v30 =	vmax.f32 v30, v37;
	v57 =	vnsel vm4, s31, v18;
	vm4 =	vgt.s32 v17, s31  }
0x3de: {  	vm5 =	vgt.s32 v56, $0x0;
	v58 =	vnsel vm4, s31, v17;
	vm4 =	vge.f32 v39, $5.000000000e-01  }
0x3df: {  	s1 =	sor.u32 $0x1C8, s24;
	v44 =	vmpcnt.ones.xlane vm15;
	v18 =	vsel vm5, v57, v18;
	v39 =	vmpcnt.ones.xlane vm4  }
0x3e0: {  	v43 =	vld [tilespmem:s23+$0x1280];
	v17 =	vsel vm5, v58, v17;
	vm4 =	vlt.s32 v18, s1;
	vm5 =	vge.f32 v38, $5.000000000e-01  }
0x3e1: {  	v59 =	vnsel vm4, s1, v18;
	vm4 =	vgt.s32 v17, s1;
	vm13 =	vgt.s32 v39, $0x0  }
0x3e2: {  	s17 =	sor.u32 $0x1C9, s24;
	v61 =	vmpcnt.ones.xlane vm5;
	v60 =	vnsel vm4, s1, v17;
	v18 =	vsel vm13, v59, v18  }
0x3e3: {  	v63 =	vmpcnt.ones.xlane vm14;
	v17 =	vsel vm13, v60, v17;
	vm5 =	vlt.s32 v18, s17  }
0x3e4: {  	v51 =	vld [tilespmem:s23+$0x1300];
	vm4 =	vgt.s32 v61, $0x0;
	v62 =	vnsel vm5, s17, v18;
	vm5 =	vgt.s32 v17, s17  }
0x3e5: {  	s25 =	sor.u32 $0x1CA, s24;
	v27 =	vmax.f32 v27, v43;
	v18 =	vsel vm4, v62, v18;
	v40 =	vnsel vm5, s17, v17  }
0x3e6: {  	v56 =	vmax.f32 v31, v32;
	v17 =	vsel vm4, v40, v17;
	vm5 =	vlt.s32 v18, s25  }
0x3e7: {  	vm4 =	vgt.s32 v63, $0x0;
	v41 =	vnsel vm5, s25, v18;
	vm5 =	vgt.s32 v17, s25  }
0x3e8: {  	s26 =	sor.u32 $0x1CB, s24;
	v55 =	vmax.f32 v28, v29;
	v42 =	vnsel vm5, s25, v17;
	v18 =	vsel vm4, v41, v18  }
0x3e9: {  	v20 =	vmax.f32 v20, v51;
	v17 =	vsel vm4, v42, v17;
	vm4 =	vlt.s32 v18, s26  }
0x3ea: {  	vm5 =	vgt.s32 v44, $0x0;
	v45 =	vnsel vm4, s26, v18;
	vm4 =	vgt.s32 v17, s26  }
0x3eb: {  	s28 =	sor.u32 $0x1CC, s24;
	v18 =	vsel vm5, v45, v18;
	v46 =	vnsel vm4, s26, v17;
	vm4 =	vge.f32 v30, $5.000000000e-01  }
0x3ec: {  	v17 =	vsel vm5, v46, v17;
	v30 =	vmpcnt.ones.xlane vm4;
	vm4 =	vlt.s32 v18, s28  }
0x3ed: {  	v52 =	vld [tilespmem:s23+$0x1380];
	v21 =	vmax.f32 v21, v55;
	v47 =	vnsel vm4, s28, v18;
	vm4 =	vgt.s32 v17, s28  }
0x3ee: {  	vm5 =	vgt.s32 v30, $0x0;
	v48 =	vnsel vm4, s28, v17;
	vm4 =	vge.f32 v27, $5.000000000e-01  }
0x3ef: {  	s29 =	sor.u32 $0x1CD, s24;
	v57 =	vmax.f32 v34, v35;
	v18 =	vsel vm5, v47, v18;
	v27 =	vmpcnt.ones.xlane vm4  }
0x3f0: {  	v21 =	vmax.f32 v22, v21;
	v17 =	vsel vm5, v48, v17;
	vm4 =	vlt.s32 v18, s29  }
0x3f1: {  	vm5 =	vgt.s32 v17, s29;
	v49 =	vnsel vm4, s29, v18;
	vm4 =	vgt.s32 v27, $0x0  }
0x3f2: {  	s30 =	sor.u32 $0x1CE, s24;
	v19 =	vmax.f32 v19, v52;
	v50 =	vnsel vm5, s29, v17;
	v18 =	vsel vm4, v49, v18  }
0x3f3: {  	s31 =	sadd.s32 $0x10, s22;
	v58 =	vmax.f32 v37, v43;
	v17 =	vsel vm4, v50, v17;
	vm4 =	vlt.s32 v18, s30  }
0x3f4: {  	v59 =	vld [tilespmem:s31+$0x0];
	v60 =	vmax.f32 v51, v52;
	v53 =	vnsel vm4, s30, v18;
	vm4 =	vge.f32 v20, $5.000000000e-01  }
0x3f5: {  	s21 =	sadd.s32 $0x1, s21;
	v61 =	vmax.f32 v58, v60;
	vm5 =	vgt.s32 v17, s30;
	v62 =	vmpcnt.ones.xlane vm4  }
0x3f6: {  	p0 =	seq.s32 s21, $0x4;
	v54 =	vnsel vm5, s30, v17;
	v20 =	vmax.f32 v56, v57;
	vm5 =	vge.f32 v19, $5.000000000e-01  }
.Ltmp16:
0x3f7: {  	v20 =	vmax.f32 v20, v61;
	v19 =	vmpcnt.ones.xlane vm5;
	vm4 =	vgt.s32 v62, $0x0;
	(pc) =	sbr.rel @!p0 .LBB2_32-.Ltmp16, $4  }
0x3f8: {  	s1 =	sor.u32 $0x1CF, s24;
	v20 =	vmax.f32 v21, v20;
	v18 =	vsel vm4, v53, v18;
	v17 =	vsel vm4, v54, v17  }
0x3f9: {  	v20 =	vmax.f32 v59, v20;
	vm4 =	vlt.s32 v18, s1;
	vm5 =	vgt.s32 v17, s1  }
0x3fa: {  	v63 =	vnsel vm4, s1, v18;
	vm4 =	vgt.s32 v19, $0x0;
	v19 =	vnsel vm5, s1, v17  }
0x3fb: {  	[tilespmem:s31+$0x0] =	vst v20;
	v18 =	vsel vm4, v63, v18;
	v17 =	vsel vm4, v19, v17  }
0x3fc: {  	s0 =	simm.s32 $0x10000  }
0x3fd: {  	v22 =	vld [tilespmem:s0+$0x0];
	_ =	sdelay $0x2  }
0x3fe: {  	s31 =	simm.s32 $0x10010  }
0x3ff: {  	v21 =	vld [tilespmem:s31+$0x0]  }
0x400: {  	v23 =	vperm.xlane v22, v2  }
0x401: {  	v20 =	vimm.s32 $0x200  }
0x402: {  	v19 =	vimm.s32 $0xFFFFFFFF;
	s20 =	simm.s32 $0x0;
	vm5 =	vge.f32 v22, $5.000000000e-01;
	vm4 =	vge.f32 v23, $5.000000000e-01  }
0x403: {  	v24 =	vmov s20;
	v22 =	vmctz.xlane vm5;
	v23 =	vmctz.xlane vm4  }
0x404: {  	s21 =	simm.s32 $0x20;
	s22 =	simm.s32 $0x10020;
	s0 =	simm.s32 $0x10;
	v24 =	vor.u32 $0xF, v24;
	vm5 =	vmmov vm5;
	vm4 =	vge.f32 v21, $5.000000000e-01  }
.LBB2_36:
0x405: {  	v25 =	vld [tilespmem:s22+$0x0];
	v26 =	vmpcnt.ones.xlane vm5;
	v22 =	vadd.s32 s20, v22;
	v23 =	vsub.s32 v24, v23;
	s20 =	smov.u32 s0;
	s0 =	smov.u32 s21;
	p0 =	seq.s32 s21, $0x1F0  }
.Ltmp17:
0x406: {  	v21 =	vperm.xlane v21, v2;
	vm5 =	vlt.s32 v20, v22;
	vm6 =	vgt.s32 v19, v23;
	(pc) =	sbr.rel @!p0 .LBB2_36-.Ltmp17, $4  }
0x407: {  	s21 =	sadd.s32 $0x10, s21;
	vm7 =	vgt.s32 v26, $0x0;
	v22 =	vsel vm5, v20, v22;
	v23 =	vsel vm6, v19, v23  }
0x408: {  	vm5 =	vge.f32 v21, $5.000000000e-01;
	v20 =	vsel vm7, v22, v20;
	v19 =	vsel vm7, v23, v19  }
0x409: {  	v26 =	vmov s20;
	v22 =	vmctz.xlane vm4;
	v23 =	vmctz.xlane vm5  }
0x40a: {  	s22 =	sadd.s32 $0x10, s22;
	v24 =	vor.u32 $0xF, v26;
	vm5 =	vmmov vm4;
	v21 =	vmovc v25;
	vm4 =	vge.f32 v25, $5.000000000e-01  }
0x40b: {  	[tilespmem:$0x10000] =	vst v1  }
0x40c: {  	[tilespmem:$0x10010] =	vst v1  }
0x40d: {  	[tilespmem:$0x10020] =	vst v1  }
0x40e: {  	[tilespmem:$0x10030] =	vst v1  }
0x40f: {  	[tilespmem:$0x10040] =	vst v1  }
0x410: {  	[tilespmem:$0x10050] =	vst v1  }
0x411: {  	[tilespmem:$0x10060] =	vst v1  }
0x412: {  	[tilespmem:$0x10070] =	vst v1  }
0x413: {  	[tilespmem:$0x10080] =	vst v1  }
0x414: {  	[tilespmem:$0x10090] =	vst v1  }
0x415: {  	[tilespmem:$0x100A0] =	vst v1  }
0x416: {  	[tilespmem:$0x100B0] =	vst v1  }
0x417: {  	[tilespmem:$0x100C0] =	vst v1  }
0x418: {  	[tilespmem:$0x100D0] =	vst v1  }
0x419: {  	[tilespmem:$0x100E0] =	vst v1  }
0x41a: {  	[tilespmem:$0x100F0] =	vst v1  }
0x41b: {  	[tilespmem:$0x10100] =	vst v1  }
0x41c: {  	[tilespmem:$0x10110] =	vst v1  }
0x41d: {  	[tilespmem:$0x10120] =	vst v1  }
0x41e: {  	[tilespmem:$0x10130] =	vst v1  }
0x41f: {  	[tilespmem:$0x10140] =	vst v1  }
0x420: {  	[tilespmem:$0x10150] =	vst v1  }
0x421: {  	[tilespmem:$0x10160] =	vst v1  }
0x422: {  	[tilespmem:$0x10170] =	vst v1  }
0x423: {  	v25 =	vmpcnt.ones.xlane vm5;
	[tilespmem:$0x10180] =	vst v1  }
0x424: {  	v22 =	vadd.s32 s20, v22;
	v23 =	vsub.s32 v24, v23;
	v21 =	vperm.xlane v21, v2;
	[tilespmem:$0x10190] =	vst v1  }
0x425: {  	v62 =	vmov s0;
	[tilespmem:$0x101A0] =	vst v1;
	vm5 =	vlt.s32 v20, v22;
	vm6 =	vgt.s32 v19, v23  }
0x426: {  	[tilespmem:$0x101B0] =	vst v1;
	vm7 =	vgt.s32 v25, $0x0;
	v22 =	vsel vm5, v20, v22;
	v23 =	vsel vm6, v19, v23  }
0x427: {  	[tilespmem:$0x101C0] =	vst v1;
	vm5 =	vge.f32 v21, $5.000000000e-01;
	v21 =	vmctz.xlane vm4;
	vm4 =	vmmov vm4  }
0x428: {  	[tilespmem:$0x101D0] =	vst v1;
	v20 =	vsel vm7, v22, v20;
	v22 =	vmctz.xlane vm5;
	v19 =	vsel vm7, v23, v19  }
0x429: {  	[tilespmem:$0x101E0] =	vst v1;
	v23 =	vor.u32 $0xF, v62;
	v63 =	vmpcnt.ones.xlane vm4;
	v21 =	vadd.s32 s0, v21  }
0x42a: {  	[tilespmem:$0x101F0] =	vst v1;
	v22 =	vsub.s32 v23, v22;
	vm4 =	vlt.s32 v20, v21  }
0x42b: {  	_ =	swait.ge [sflag:s15], $0x8000;
	vm15 =	vgt.s32 v63, $0x0;
	vm5 =	vgt.s32 v19, v22;
	v21 =	vsel vm4, v20, v21  }
0x42c: {  	[sflag:s15] =	ssyncset.done $0x0;
	v22 =	vsel vm5, v19, v22;
	v20 =	vsel vm15, v21, v20  }
0x42d: {  	s20 =	simm.s32 $0x0;
	s21 =	simm.s32 $0x0;
	[sflag:s15] =	ssyncadd.s32 $0xFFFF8000;
	v21 =	vimm.s32 $0xFFFFFFFF;
	v19 =	vsel vm15, v22, v19;
	v22 =	vimm.s32 $0x200  }
.LBB2_38:
0x42e: {  	s0 =	sshll.u32 s21, $0xD  }
0x42f: {  	s28 =	sand.u32 $0xC00, s20;
	s24 =	sand.u32 $0x3FFFE000, s0  }
0x430: {  	s1 =	sand.u32 $0x70, s20;
	s17 =	sadd.s32 s28, s24  }
0x431: {  	s17 =	sadd.s32 s1, s17  }
0x432: {  	v23 =	vld [tilespmem:s17+$0x80]  }
0x433: {  	v24 =	vld [tilespmem:s17+$0x0]  }
0x434: {  	v28 =	vld [tilespmem:s17+$0x100]  }
0x435: {  	v31 =	vld [tilespmem:s17+$0x180]  }
0x436: {  	v32 =	vld [tilespmem:s17+$0x200]  }
0x437: {  	v33 =	vld [tilespmem:s17+$0x280]  }
0x438: {  	v34 =	vld [tilespmem:s17+$0x300]  }
0x439: {  	v35 =	vld [tilespmem:s17+$0x380]  }
0x43a: {  	v37 =	vld [tilespmem:s17+$0x1080]  }
0x43b: {  	v38 =	vld [tilespmem:s17+$0x1100]  }
0x43c: {  	v39 =	vld [tilespmem:s17+$0x1180]  }
0x43d: {  	v41 =	vld [tilespmem:s17+$0x1200]  }
0x43e: {  	s25 =	sor.u32 $0x1000, s24;
	v44 =	vld [tilespmem:s17+$0x1280]  }
0x43f: {  	s0 =	sadd.s32 s28, s25;
	v45 =	vld [tilespmem:s17+$0x1300]  }
0x440: {  	s0 =	sadd.s32 s1, s0;
	v46 =	vld [tilespmem:s17+$0x1380]  }
0x441: {  	v36 =	vld [tilespmem:s0+$0x0];
	_ =	sdelay $0x2  }
0x442: {  	s22 =	simm.s32 $0x10000;
	v25 =	vmax.f32 v24, v23;
	v26 =	vmax.f32 v28, v31;
	v27 =	vmax.f32 v32, v33  }
0x443: {  	v29 =	vmax.f32 v34, v35;
	v40 =	vmax.f32 v38, v39;
	v25 =	vmax.f32 v25, v26;
	v26 =	vld [tilespmem:s22+$0x0]  }
0x444: {  	v42 =	vmax.f32 v41, v44;
	v43 =	vmax.f32 v45, v46;
	v30 =	vmax.f32 v36, v37  }
0x445: {  	v27 =	vmax.f32 v27, v29;
	v29 =	vmax.f32 v30, v40;
	v30 =	vmax.f32 v42, v43  }
0x446: {  	s26 =	simm.s32 $0x80;
	v25 =	vmax.f32 v25, v27;
	v27 =	vmax.f32 v29, v30  }
0x447: {  	s29 =	simm.s32 $0x10;
	s30 =	sand.u32 $0xC00, s26;
	v25 =	vmax.f32 v25, v27  }
0x448: {  	s31 =	sadd.s32 s30, s24;
	s0 =	sand.u32 $0x70, s29;
	v25 =	vmax.f32 v26, v25  }
0x449: {  	s23 =	sadd.s32 s0, s31;
	[tilespmem:s22+$0x0] =	vst v25  }
0x44a: {  	v26 =	vld [tilespmem:s23+$0x80]  }
0x44b: {  	v29 =	vld [tilespmem:s23+$0x0]  }
0x44c: {  	v27 =	vld [tilespmem:s23+$0x100]  }
0x44d: {  	v30 =	vld [tilespmem:s23+$0x180]  }
0x44e: {  	v47 =	vimm.f32 $-Inf;
	v25 =	vld [tilespmem:s23+$0x200]  }
0x44f: {  	v48 =	vmax.f32 v47, v23;
	v49 =	vmax.f32 v47, v24;
	v52 =	vmax.f32 v47, v28;
	v28 =	vld [tilespmem:s23+$0x280]  }
0x450: {  	s1 =	sadd.s32 s30, s25;
	v53 =	vmax.f32 v47, v31;
	v54 =	vmax.f32 v47, v32;
	v55 =	vmax.f32 v47, v33;
	v32 =	vld [tilespmem:s23+$0x300]  }
0x451: {  	s0 =	sadd.s32 s0, s1;
	v56 =	vmax.f32 v47, v34;
	v57 =	vmax.f32 v47, v35;
	v34 =	vmax.f32 v47, v41;
	v33 =	vld [tilespmem:s23+$0x380]  }
0x452: {  	v31 =	vmax.f32 v47, v44;
	v24 =	vmax.f32 v47, v45;
	v23 =	vmax.f32 v47, v46;
	v35 =	vld [tilespmem:s0+$0x0]  }
0x453: {  	v43 =	vmax.f32 v47, v36;
	v42 =	vmax.f32 v47, v37;
	v40 =	vmax.f32 v47, v38;
	v36 =	vld [tilespmem:s23+$0x1080]  }
0x454: {  	v37 =	vmax.f32 v47, v39;
	v38 =	vld [tilespmem:s23+$0x1100];
	v50 =	vmax.f32 v48, v26;
	v51 =	vmax.f32 v49, v29  }
0x455: {  	v39 =	vld [tilespmem:s23+$0x1180];
	v49 =	vmax.f32 v52, v27;
	v48 =	vmax.f32 v53, v30;
	v47 =	vmax.f32 v54, v25  }
0x456: {  	v41 =	vld [tilespmem:s23+$0x1200];
	s0 =	simm.s32 $0x20;
	v46 =	vmax.f32 v55, v28;
	v45 =	vmax.f32 v56, v32;
	v44 =	vmax.f32 v57, v33  }
.LBB2_39:
0x457: {  	p0 =	sne.s32 s0, $0x1F0;
	v52 =	vld [tilespmem:s23+$0x1280];
	v43 =	vmax.f32 v43, v35  }
0x458: {  	v53 =	vld [tilespmem:s23+$0x1300];
	v42 =	vmax.f32 v42, v36  }
0x459: {  	v54 =	vld [tilespmem:s23+$0x1380];
	v40 =	vmax.f32 v40, v38  }
0x45a: {  	v37 =	vmax.f32 v37, v39  }
0x45b: {  	v26 =	vmax.f32 v29, v26;
	v27 =	vmax.f32 v27, v30;
	v34 =	vmax.f32 v34, v41  }
0x45c: {  	s22 =	sadd.s32 $0x10, s22;
	v26 =	vmax.f32 v26, v27;
	v31 =	vmax.f32 v31, v52  }
0x45d: {  	v25 =	vmax.f32 v25, v28;
	v28 =	vmax.f32 v32, v33;
	v29 =	vmax.f32 v35, v36;
	v27 =	vld [tilespmem:s22+$0x0]  }
0x45e: {  	v30 =	vmax.f32 v38, v39;
	v32 =	vmax.f32 v41, v52;
	v33 =	vmax.f32 v53, v54  }
0x45f: {  	v25 =	vmax.f32 v25, v28;
	v28 =	vmax.f32 v29, v30;
	v29 =	vmax.f32 v32, v33  }
0x460: {  	s26 =	sadd.s32 $0x80, s26;
	v25 =	vmax.f32 v26, v25;
	v24 =	vmax.f32 v24, v53;
	v26 =	vmax.f32 v28, v29  }
0x461: {  	s1 =	sand.u32 $0xC00, s26;
	v23 =	vmax.f32 v23, v54;
	v25 =	vmax.f32 v25, v26  }
0x462: {  	s17 =	sand.u32 $0x70, s0;
	s23 =	sadd.s32 s1, s24;
	v25 =	vmax.f32 v27, v25  }
0x463: {  	s23 =	sadd.s32 s17, s23;
	[tilespmem:s22+$0x0] =	vst v25  }
0x464: {  	v26 =	vld [tilespmem:s23+$0x80]  }
0x465: {  	v29 =	vld [tilespmem:s23+$0x0]  }
0x466: {  	v27 =	vld [tilespmem:s23+$0x100]  }
0x467: {  	v30 =	vld [tilespmem:s23+$0x180]  }
0x468: {  	v25 =	vld [tilespmem:s23+$0x200]  }
0x469: {  	v28 =	vld [tilespmem:s23+$0x280];
	v50 =	vmax.f32 v50, v26  }
0x46a: {  	s1 =	sadd.s32 s1, s25;
	v32 =	vld [tilespmem:s23+$0x300];
	v51 =	vmax.f32 v51, v29  }
0x46b: {  	s1 =	sadd.s32 s17, s1;
	v33 =	vld [tilespmem:s23+$0x380];
	v49 =	vmax.f32 v49, v27  }
.Ltmp18:
0x46c: {  	v35 =	vld [tilespmem:s1+$0x0];
	v48 =	vmax.f32 v48, v30;
	(pc) =	sbr.rel @p0 .LBB2_39-.Ltmp18, $4  }
0x46d: {  	v36 =	vld [tilespmem:s23+$0x1080];
	v47 =	vmax.f32 v47, v25  }
0x46e: {  	v38 =	vld [tilespmem:s23+$0x1100];
	v46 =	vmax.f32 v46, v28  }
0x46f: {  	v39 =	vld [tilespmem:s23+$0x1180];
	v45 =	vmax.f32 v45, v32  }
0x470: {  	s0 =	sadd.s32 $0x10, s0;
	v41 =	vld [tilespmem:s23+$0x1200];
	v44 =	vmax.f32 v44, v33  }
0x471: {  	vm4 =	vge.f32 v51, $5.000000000e-01  }
0x472: {  	s24 =	sshll.u32 s21, $0x4;
	vm5 =	vge.f32 v50, $5.000000000e-01;
	vm15 =	vge.f32 v49, $5.000000000e-01;
	vm9 =	vge.f32 v48, $5.000000000e-01  }
0x473: {  	vm11 =	vge.f32 v45, $5.000000000e-01;
	v43 =	vmax.f32 v43, v35;
	s0 =	sor.u32 $0x1C0, s24;
	v51 =	vmpcnt.ones.xlane vm4  }
0x474: {  	vm12 =	vge.f32 v44, $5.000000000e-01;
	v26 =	vmax.f32 v29, v26;
	vm4 =	vlt.s32 v22, s0  }
0x475: {  	v52 =	vnsel vm4, s0, v22;
	vm4 =	vgt.s32 v21, s0;
	vm6 =	vgt.s32 v51, $0x0  }
0x476: {  	v62 =	vmpcnt.ones.xlane vm5;
	s17 =	sor.u32 $0x1C1, s24;
	v61 =	vnsel vm4, s0, v21;
	v22 =	vsel vm6, v52, v22  }
0x477: {  	v27 =	vmax.f32 v27, v30;
	v21 =	vsel vm6, v61, v21;
	vm5 =	vlt.s32 v22, s17  }
0x478: {  	vm4 =	vgt.s32 v62, $0x0;
	v63 =	vnsel vm5, s17, v22;
	vm5 =	vgt.s32 v21, s17  }
0x479: {  	s25 =	sor.u32 $0x1C2, s24;
	v52 =	vmpcnt.ones.xlane vm15;
	v22 =	vsel vm4, v63, v22;
	v53 =	vnsel vm5, s17, v21  }
0x47a: {  	v25 =	vmax.f32 v25, v28;
	v21 =	vsel vm4, v53, v21;
	vm5 =	vlt.s32 v22, s25  }
0x47b: {  	vm4 =	vgt.s32 v52, $0x0;
	v54 =	vnsel vm5, s25, v22;
	vm5 =	vgt.s32 v21, s25  }
0x47c: {  	v56 =	vmpcnt.ones.xlane vm9;
	s26 =	sor.u32 $0x1C3, s24;
	v22 =	vsel vm4, v54, v22;
	v55 =	vnsel vm5, s25, v21  }
0x47d: {  	v42 =	vmax.f32 v42, v36;
	v21 =	vsel vm4, v55, v21;
	vm4 =	vlt.s32 v22, s26  }
0x47e: {  	v26 =	vmax.f32 v26, v27;
	v57 =	vnsel vm4, s26, v22;
	vm4 =	vgt.s32 v21, s26  }
0x47f: {  	vm5 =	vgt.s32 v56, $0x0;
	v58 =	vnsel vm4, s26, v21;
	vm4 =	vge.f32 v47, $5.000000000e-01  }
0x480: {  	s28 =	sor.u32 $0x1C4, s24;
	v40 =	vmax.f32 v40, v38;
	v22 =	vsel vm5, v57, v22;
	v47 =	vmpcnt.ones.xlane vm4  }
0x481: {  	v21 =	vsel vm5, v58, v21;
	vm4 =	vlt.s32 v22, s28;
	vm5 =	vge.f32 v46, $5.000000000e-01  }
0x482: {  	v59 =	vnsel vm4, s28, v22;
	vm4 =	vgt.s32 v21, s28;
	vm10 =	vgt.s32 v47, $0x0  }
0x483: {  	s29 =	sor.u32 $0x1C5, s24;
	v61 =	vmpcnt.ones.xlane vm5;
	v60 =	vnsel vm4, s28, v21;
	v22 =	vsel vm10, v59, v22  }
0x484: {  	v51 =	vmpcnt.ones.xlane vm12;
	v21 =	vsel vm10, v60, v21;
	vm5 =	vlt.s32 v22, s29  }
0x485: {  	vm4 =	vgt.s32 v61, $0x0;
	v62 =	vnsel vm5, s29, v22;
	vm5 =	vgt.s32 v21, s29  }
0x486: {  	s30 =	sor.u32 $0x1C6, s24;
	v63 =	vmpcnt.ones.xlane vm11;
	v22 =	vsel vm4, v62, v22;
	v48 =	vnsel vm5, s29, v21  }
0x487: {  	vm14 =	vge.f32 v40, $5.000000000e-01;
	v21 =	vsel vm4, v48, v21;
	vm5 =	vlt.s32 v22, s30  }
0x488: {  	vm4 =	vgt.s32 v63, $0x0;
	v49 =	vnsel vm5, s30, v22;
	vm5 =	vgt.s32 v21, s30  }
0x489: {  	s31 =	sor.u32 $0x1C7, s24;
	v37 =	vmax.f32 v37, v39;
	v22 =	vsel vm4, v49, v22;
	v50 =	vnsel vm5, s30, v21  }
0x48a: {  	vm15 =	vge.f32 v37, $5.000000000e-01;
	v21 =	vsel vm4, v50, v21;
	vm4 =	vlt.s32 v22, s31  }
0x48b: {  	v34 =	vmax.f32 v34, v41;
	v52 =	vnsel vm4, s31, v22;
	vm4 =	vgt.s32 v21, s31  }
0x48c: {  	vm5 =	vgt.s32 v51, $0x0;
	v53 =	vnsel vm4, s31, v21;
	vm4 =	vge.f32 v43, $5.000000000e-01  }
0x48d: {  	s1 =	sor.u32 $0x1C8, s24;
	v58 =	vmpcnt.ones.xlane vm14;
	v22 =	vsel vm5, v52, v22;
	v43 =	vmpcnt.ones.xlane vm4  }
0x48e: {  	v62 =	vld [tilespmem:s23+$0x1280];
	v21 =	vsel vm5, v53, v21;
	vm4 =	vlt.s32 v22, s1;
	vm5 =	vge.f32 v42, $5.000000000e-01  }
0x48f: {  	v51 =	vld [tilespmem:s23+$0x1380];
	v54 =	vnsel vm4, s1, v22;
	vm4 =	vgt.s32 v21, s1;
	vm13 =	vgt.s32 v43, $0x0  }
0x490: {  	s17 =	sor.u32 $0x1C9, s24;
	v56 =	vmpcnt.ones.xlane vm5;
	v55 =	vnsel vm4, s1, v21;
	v22 =	vsel vm13, v54, v22  }
0x491: {  	v63 =	vmpcnt.ones.xlane vm15;
	v50 =	vld [tilespmem:s23+$0x1300];
	v21 =	vsel vm13, v55, v21;
	vm5 =	vlt.s32 v22, s17  }
0x492: {  	vm4 =	vgt.s32 v56, $0x0;
	v57 =	vnsel vm5, s17, v22;
	vm5 =	vgt.s32 v21, s17  }
0x493: {  	s25 =	sor.u32 $0x1CA, s24;
	v31 =	vmax.f32 v31, v62;
	v22 =	vsel vm4, v57, v22;
	v59 =	vnsel vm5, s17, v21  }
0x494: {  	v23 =	vmax.f32 v23, v51;
	v21 =	vsel vm4, v59, v21;
	vm5 =	vlt.s32 v22, s25  }
0x495: {  	vm4 =	vgt.s32 v58, $0x0;
	v60 =	vnsel vm5, s25, v22;
	vm5 =	vgt.s32 v21, s25  }
0x496: {  	s26 =	sor.u32 $0x1CB, s24;
	v24 =	vmax.f32 v24, v50;
	v61 =	vnsel vm5, s25, v21;
	v22 =	vsel vm4, v60, v22  }
0x497: {  	v54 =	vmax.f32 v32, v33;
	v21 =	vsel vm4, v61, v21;
	vm4 =	vlt.s32 v22, s26  }
0x498: {  	vm5 =	vgt.s32 v63, $0x0;
	v44 =	vnsel vm4, s26, v22;
	vm4 =	vgt.s32 v21, s26  }
0x499: {  	s28 =	sor.u32 $0x1CC, s24;
	v22 =	vsel vm5, v44, v22;
	v45 =	vnsel vm4, s26, v21;
	vm4 =	vge.f32 v34, $5.000000000e-01  }
0x49a: {  	v21 =	vsel vm5, v45, v21;
	v34 =	vmpcnt.ones.xlane vm4;
	vm4 =	vlt.s32 v22, s28  }
0x49b: {  	v55 =	vmax.f32 v35, v36;
	v46 =	vnsel vm4, s28, v22;
	vm4 =	vgt.s32 v21, s28  }
0x49c: {  	vm5 =	vgt.s32 v34, $0x0;
	v47 =	vnsel vm4, s28, v21;
	vm4 =	vge.f32 v31, $5.000000000e-01  }
0x49d: {  	s29 =	sor.u32 $0x1CD, s24;
	v56 =	vmax.f32 v38, v39;
	v22 =	vsel vm5, v46, v22;
	v31 =	vmpcnt.ones.xlane vm4  }
0x49e: {  	v25 =	vmax.f32 v25, v54;
	v21 =	vsel vm5, v47, v21;
	vm4 =	vlt.s32 v22, s29  }
0x49f: {  	vm5 =	vgt.s32 v21, s29;
	v48 =	vnsel vm4, s29, v22;
	vm4 =	vgt.s32 v31, $0x0  }
0x4a0: {  	s30 =	sor.u32 $0x1CE, s24;
	v57 =	vmax.f32 v41, v62;
	v49 =	vnsel vm5, s29, v21;
	v22 =	vsel vm4, v48, v22  }
0x4a1: {  	s31 =	sadd.s32 $0x10, s22;
	v59 =	vmax.f32 v50, v51;
	v21 =	vsel vm4, v49, v21;
	vm4 =	vlt.s32 v22, s30  }
0x4a2: {  	v58 =	vld [tilespmem:s31+$0x0];
	v60 =	vmax.f32 v55, v56;
	v52 =	vnsel vm4, s30, v22;
	vm4 =	vge.f32 v24, $5.000000000e-01  }
0x4a3: {  	s21 =	sadd.s32 $0x1, s21;
	v61 =	vmax.f32 v57, v59;
	vm5 =	vgt.s32 v21, s30;
	v62 =	vmpcnt.ones.xlane vm4  }
0x4a4: {  	p0 =	seq.s32 s21, $0x4;
	v25 =	vmax.f32 v26, v25;
	v53 =	vnsel vm5, s30, v21;
	v24 =	vmax.f32 v60, v61  }
.Ltmp19:
0x4a5: {  	vm5 =	vge.f32 v23, $5.000000000e-01;
	v24 =	vmax.f32 v25, v24;
	vm4 =	vgt.s32 v62, $0x0;
	(pc) =	sbr.rel @!p0 .LBB2_38-.Ltmp19, $4  }
0x4a6: {  	s1 =	sor.u32 $0x1CF, s24;
	v23 =	vmpcnt.ones.xlane vm5;
	v22 =	vsel vm4, v52, v22;
	v21 =	vsel vm4, v53, v21  }
0x4a7: {  	v24 =	vmax.f32 v58, v24;
	vm4 =	vlt.s32 v22, s1;
	vm5 =	vgt.s32 v21, s1  }
0x4a8: {  	v63 =	vnsel vm4, s1, v22;
	vm4 =	vgt.s32 v23, $0x0;
	v23 =	vnsel vm5, s1, v21  }
0x4a9: {  	[tilespmem:s31+$0x0] =	vst v24;
	v22 =	vsel vm4, v63, v22;
	v21 =	vsel vm4, v23, v21  }
0x4aa: {  	s0 =	simm.s32 $0x10000  }
0x4ab: {  	v26 =	vld [tilespmem:s0+$0x0];
	_ =	sdelay $0x2  }
0x4ac: {  	s31 =	simm.s32 $0x10010  }
0x4ad: {  	v25 =	vld [tilespmem:s31+$0x0]  }
0x4ae: {  	v27 =	vperm.xlane v26, v2  }
0x4af: {  	v24 =	vimm.s32 $0x200  }
0x4b0: {  	v23 =	vimm.s32 $0xFFFFFFFF;
	s20 =	simm.s32 $0x0;
	vm5 =	vge.f32 v26, $5.000000000e-01;
	vm4 =	vge.f32 v27, $5.000000000e-01  }
0x4b1: {  	v28 =	vmov s20;
	v26 =	vmctz.xlane vm5;
	v27 =	vmctz.xlane vm4  }
0x4b2: {  	s21 =	simm.s32 $0x20;
	s22 =	simm.s32 $0x10020;
	s0 =	simm.s32 $0x10;
	v28 =	vor.u32 $0xF, v28;
	vm5 =	vmmov vm5;
	vm4 =	vge.f32 v25, $5.000000000e-01  }
.LBB2_42:
0x4b3: {  	v29 =	vld [tilespmem:s22+$0x0];
	v30 =	vmpcnt.ones.xlane vm5;
	v26 =	vadd.s32 s20, v26;
	v27 =	vsub.s32 v28, v27;
	s20 =	smov.u32 s0;
	s0 =	smov.u32 s21;
	p0 =	seq.s32 s21, $0x1F0  }
.Ltmp20:
0x4b4: {  	v25 =	vperm.xlane v25, v2;
	vm5 =	vlt.s32 v24, v26;
	vm6 =	vgt.s32 v23, v27;
	(pc) =	sbr.rel @!p0 .LBB2_42-.Ltmp20, $4  }
0x4b5: {  	s21 =	sadd.s32 $0x10, s21;
	vm7 =	vgt.s32 v30, $0x0;
	v26 =	vsel vm5, v24, v26;
	v27 =	vsel vm6, v23, v27  }
0x4b6: {  	vm5 =	vge.f32 v25, $5.000000000e-01;
	v24 =	vsel vm7, v26, v24;
	v23 =	vsel vm7, v27, v23  }
0x4b7: {  	v30 =	vmov s20;
	v26 =	vmctz.xlane vm4;
	v27 =	vmctz.xlane vm5  }
0x4b8: {  	s22 =	sadd.s32 $0x10, s22;
	v28 =	vor.u32 $0xF, v30;
	vm5 =	vmmov vm4;
	v25 =	vmovc v29;
	vm4 =	vge.f32 v29, $5.000000000e-01  }
0x4b9: {  	[tilespmem:$0x10000] =	vst v1  }
0x4ba: {  	[tilespmem:$0x10010] =	vst v1  }
0x4bb: {  	[tilespmem:$0x10020] =	vst v1  }
0x4bc: {  	[tilespmem:$0x10030] =	vst v1  }
0x4bd: {  	[tilespmem:$0x10040] =	vst v1  }
0x4be: {  	[tilespmem:$0x10050] =	vst v1  }
0x4bf: {  	[tilespmem:$0x10060] =	vst v1  }
0x4c0: {  	[tilespmem:$0x10070] =	vst v1  }
0x4c1: {  	[tilespmem:$0x10080] =	vst v1  }
0x4c2: {  	[tilespmem:$0x10090] =	vst v1  }
0x4c3: {  	[tilespmem:$0x100A0] =	vst v1  }
0x4c4: {  	v29 =	vmpcnt.ones.xlane vm5;
	v26 =	vadd.s32 s20, v26;
	v27 =	vsub.s32 v28, v27;
	[tilespmem:$0x100B0] =	vst v1  }
0x4c5: {  	v25 =	vperm.xlane v25, v2;
	v58 =	vmctz.xlane vm4;
	v60 =	vmov s0;
	[tilespmem:$0x100C0] =	vst v1  }
0x4c6: {  	vm4 =	vmmov vm4;
	[tilespmem:$0x100D0] =	vst v1;
	vm5 =	vlt.s32 v24, v26;
	vm6 =	vgt.s32 v23, v27  }
0x4c7: {  	[tilespmem:$0x100E0] =	vst v1;
	v61 =	vor.u32 $0xF, v60;
	v26 =	vsel vm5, v24, v26;
	vm5 =	vge.f32 v25, $5.000000000e-01  }
0x4c8: {  	[tilespmem:$0x100F0] =	vst v1;
	v62 =	vmpcnt.ones.xlane vm4;
	vm7 =	vgt.s32 v29, $0x0;
	v59 =	vmctz.xlane vm5  }
0x4c9: {  	[tilespmem:$0x10100] =	vst v1;
	v27 =	vsel vm6, v23, v27;
	v25 =	vadd.s32 s0, v58;
	v24 =	vsel vm7, v26, v24  }
0x4ca: {  	[tilespmem:$0x10110] =	vst v1;
	v23 =	vsel vm7, v27, v23;
	vm4 =	vlt.s32 v24, v25;
	v26 =	vsub.s32 v61, v59  }
0x4cb: {  	[tilespmem:$0x10120] =	vst v1;
	v25 =	vsel vm4, v24, v25;
	vm4 =	vmmov $0x1;
	vm5 =	vgt.s32 v23, v26  }
0x4cc: {  	[tilespmem:$0x10130] =	vst v1;
	v6 =	vsel vm4, v6, v8;
	v26 =	vsel vm5, v23, v26;
	vm5 =	vmmov $0x3  }
0x4cd: {  	[tilespmem:$0x10140] =	vst v1;
	v5 =	vsel vm5, v6, v5;
	vm5 =	vmmov $0x7  }
0x4ce: {  	[tilespmem:$0x10150] =	vst v1;
	v5 =	vsel vm5, v5, v7;
	vm5 =	vmmov $0xf  }
0x4cf: {  	[tilespmem:$0x10160] =	vst v1;
	v5 =	vsel vm5, v5, v10;
	vm5 =	vmmov $0x1f  }
0x4d0: {  	[tilespmem:$0x10170] =	vst v1;
	v5 =	vsel vm5, v5, v12;
	vm5 =	vmmov $0x3f  }
0x4d1: {  	[tilespmem:$0x10180] =	vst v1;
	v5 =	vsel vm5, v5, v9;
	vm5 =	vmmov $0x7f  }
0x4d2: {  	[tilespmem:$0x10190] =	vst v1;
	v5 =	vsel vm5, v5, v11;
	vm5 =	vmmov $0xff  }
0x4d3: {  	[tilespmem:$0x101A0] =	vst v1;
	v5 =	vsel vm5, v5, v14;
	vm5 =	vmmov $0x1ff  }
0x4d4: {  	[tilespmem:$0x101B0] =	vst v1;
	v5 =	vsel vm5, v5, v16;
	vm5 =	vmmov $0x3ff  }
0x4d5: {  	[tilespmem:$0x101C0] =	vst v1;
	v5 =	vsel vm5, v5, v13;
	vm5 =	vmmov $0x7ff  }
0x4d6: {  	[tilespmem:$0x101D0] =	vst v1;
	vm15 =	vgt.s32 v62, $0x0;
	v5 =	vsel vm5, v5, v15;
	vm5 =	vmmov $0xfff  }
0x4d7: {  	[tilespmem:$0x101E0] =	vst v1;
	v24 =	vsel vm15, v25, v24;
	v5 =	vsel vm5, v5, v18;
	vm5 =	vmmov $0x1fff  }
0x4d8: {  	[tilespmem:$0x101F0] =	vst v1;
	v63 =	vnsel vm4, $0x0, v22;
	v5 =	vsel vm5, v5, v20;
	vm5 =	vmmov $0x3fff  }
0x4d9: {  	[tilespmem:$0x10200] =	vst v4;
	vm4 =	vmmov $0x7fff;
	v6 =	vsel vm1, v63, v24;
	v5 =	vsel vm5, v5, v17  }
0x4da: {  	[tilespmem:$0x10210] =	vst v3;
	s19 =	sadd.s32 $0x1, s19;
	v23 =	vsel vm15, v26, v23;
	v4 =	vsel vm4, v5, v19;
	v5 =	vsel vm2, v6, v21  }
0x4db: {  	p0 =	seq.s32 s19, s13;
	v5 =	vsel vm3, v5, v23;
	[tilespmem:$0x10220] =	vst v4  }
.Ltmp21:
0x4dc: {  	s31 =	simm.s32 $0x10200;
	[tilespmem:$0x10230] =	vst v5;
	(pc) =	sbr.rel @!p0 .LBB2_1-.Ltmp21, $4  }
0x4dd: {  	[hbm4b:s12+s2] =	stream.linear.scatter [tilespmem:s31], [sflag:$0x3], $0x40, $0x38;
	[tilespmem:$0x10280] =	vst v63  }
0x4de: {  	_ =	swait.ge [sflag:s18], $0x40  }
0x4df: {  	[sflag:s18] =	ssyncset.done $0x0  }
0x4e0: {  	[sflag:s18] =	ssyncadd.s32 $0xFFFFFFC0  }
0x4e1: {  	_ =	sfence.sel $0x180000  }
0x4e2: {  	[bflag:$0x0] =	sbarrier.arrive $0xFFFF  }
0x4e3: {  	_ =	strace $0x90000047  }
0x4e4: {  	s0 =	stileid.u32;
	[bflag:$0x2] =	sbarrier.arrive $0xFFFF  }
0x4e5: {  	p0 =	sne.s32 s0, $0x0;
	s0 =	rddreg [dreg:$0x2]  }
0x4e6: {  	s0 =	sadd.s32 @!p0 $0x100000, s0  }
0x4e7: {  	[sflag:s0] =	ssyncadd.tile.s32 @!p0 $0x1;
	_ =	shalt  }
.Lfunc_end2:
_tile_overlayer_lowered:
.L_overlay_start_2:
0x4e8: {  	(tag) =	ssettag $0x2  }
0x4e9: {  	s0 =	rddreg [dreg:$0x0];
	s2 =	stileid.u32  }
0x4ea: {  	s1 =	rddreg [dreg:$0x1];
	p0 =	sne.s32 s2, $0x0  }
0x4eb: {  	s3 =	rddreg [dreg:$0x2];
	[bflag:$0x3] =	sbarrier.arrive $0xFFFF;
	s2 =	simm.s32 @!p0 $0x1C03  }
0x4ec: {  	[timem:s3], [sflag:s2] =	dma.local @!p0 [hbm:s0], s1  }
0x4ed: {  	s0 =	simm.s32 @!p0 $0x3  }
0x4ee: {  	_ =	swait.ge @!p0 [sflag:s0], s1  }
0x4ef: {  	s1 =	ssub.s32 @!p0 $0x0, s1;
	[sflag:s0] =	ssyncset.done @!p0 $0x0  }
0x4f0: {  	[sflag:s0] =	ssyncadd.s32 @!p0 s1  }
0x4f1: {  	[bflag:$0x3] =	sbarrier.arrive $0xFFFF  }
0x4f2: {  	_ =	shalt  }

</sc_bundles>
